<compile_context>
chip_gen: v7x
topology: tpu7x:2x2x1
jax: 0.10.2.dev20260603
libtpu: 0.0.44.dev20260713+nightly
codegen_flags: <defaults>
</compile_context>

<pallas_src>
import functools

import jax
import jax.numpy as jnp
from jax import lax
from jax.experimental import pallas as pl
from jax.experimental.pallas import tpu as pltpu
from jax.experimental.pallas import tpu_sc as plsc

NC = 2
NS = 16
LANES = 16


_SPMEM_WORDS = 2_000_000


def _msg_width(hc: int, cph: int) -> int:
    need = hc + (hc - LANES) // cph + LANES
    return ((need + 7) // 8) * 8


def _pick_chunk(ew: int, n: int, hc: int, cph: int) -> int:
    mw = _msg_width(hc, cph)
    for k in (128, 112, 96, 80, 64, 48, 40, 32, 16):
        if ew % k != 0 or k % LANES != 0:
            continue
        per_tile = 2 * ew + 2 * k * hc + 2 * k * (hc // 2) \
            + 2 * k * mw + 6 * k + 4096
        if n * mw + NS * per_tile <= _SPMEM_WORDS:
            return k
    raise ValueError("no feasible chunk size")




def _make_edge_pass(n, e, hc, cph, interpret=False):
    ew = e // (NC * NS)
    k = _pick_chunk(ew, n, hc, cph)
    chunks = ew // k
    assert chunks * k * NC * NS == e
    assert n % NS == 0
    assert k % LANES == 0
    nrows = n // NS
    mw = _msg_width(hc, cph)
    adw = max(hc, 2 * LANES)

    mesh = plsc.VectorSubcoreMesh(
        core_axis_name="c", subcore_axis_name="s", num_cores=NC,
        num_subcores=NS)

    per_buf = k * hc + k * (adw // 2) + k * mw
    nbuf = 2
    for cand in (4, 3):
        per_tile = 2 * ew + cand * per_buf + 6 * k + 4096
        if n * mw + NS * per_tile <= _SPMEM_WORDS:
            nbuf = cand
            break
    assert chunks >= 2 * nbuf

    scratch = [
        pltpu.VMEM((chunks, k), jnp.int32),
        pltpu.VMEM((chunks, k), jnp.int32),
    ]
    scratch += [pltpu.VMEM((k, 2 * hc), jnp.bfloat16)] * nbuf
    scratch += [pltpu.VMEM((k, adw), jnp.bfloat16)] * nbuf
    scratch += [pltpu.VMEM((k, mw), jnp.float32)] * nbuf
    scratch += [pltpu.VMEM_SHARED((n, mw), jnp.float32)]
    scratch += [pltpu.SemaphoreType.DMA] * (3 * nbuf)

    @functools.partial(
        pl.kernel,
        out_type=jax.ShapeDtypeStruct((NC, n, mw), jnp.float32),
        mesh=mesh,
        scratch_types=scratch,
        compiler_params=pltpu.CompilerParams(use_tc_tiling_on_sc=False,
                                             needs_layout_passes=False),
        interpret=interpret,
    )
    def edge_pass(tsrc, tdst, src2d, dst2d, zeros, out,
                  src_all, dst_all, *bufs):
        hs = bufs[:nbuf]
        ad = bufs[nbuf:2 * nbuf]
        msg = bufs[2 * nbuf:3 * nbuf]
        accum = bufs[3 * nbuf]
        ghs = bufs[3 * nbuf + 1:4 * nbuf + 1]
        gad = bufs[4 * nbuf + 1:5 * nbuf + 1]
        ss = bufs[5 * nbuf + 1:6 * nbuf + 1]

        cid = lax.axis_index("c")
        sid = lax.axis_index("s")
        wid = cid * NS + sid
        row0 = sid * nrows

        pltpu.sync_copy(zeros.at[pl.ds(row0, nrows)],
                        accum.at[pl.ds(row0, nrows)])
        pltpu.sync_copy(src2d.at[pl.ds(wid * chunks, chunks)], src_all)
        pltpu.sync_copy(dst2d.at[pl.ds(wid * chunks, chunks)], dst_all)

        zpad = jnp.zeros((LANES,), jnp.float32)

        def zpad_body(t, carry):
            for m in msg:
                m[t, pl.ds(mw - LANES, LANES)] = zpad
            return carry

        lax.fori_loop(0, k, zpad_body, None)
        plsc.subcore_barrier()

        def fire_gather(c, b):
            pltpu.async_copy(tsrc.at[src_all.at[c]], hs[b], ghs[b])
            pltpu.async_copy(tdst.at[dst_all.at[c]], ad[b], gad[b])

        def wait_gather(c, b):
            pltpu.make_async_copy(tsrc.at[src_all.at[c]], hs[b],
                                  ghs[b]).wait()
            pltpu.make_async_copy(tdst.at[dst_all.at[c]], ad[b],
                                  gad[b]).wait()

        def fire_scatter(c, b):
            pltpu.async_copy(msg[b], accum.at[dst_all.at[c]], ss[b],
                             add=True)

        def wait_scatter(c, b):
            pltpu.make_async_copy(msg[b], accum.at[dst_all.at[c]],
                                  ss[b]).wait()

        den_mask = (lax.iota(jnp.int32, LANES) % cph) == 0
        unpack = functools.partial(plsc.unpack,
                                   format=plsc.PackFormat.INTERLEAVED)

        def compute(c, b):
            def edge_body(t, carry):
                parts = []
                if hc % 32 == 0:
                    for j in range(hc // 32):
                        h0, h1 = unpack(hs[b][t, pl.ds(32 * j, 32)])
                        a0, a1 = unpack(hs[b][t, pl.ds(hc + 32 * j, 32)])
                        d0, d1 = unpack(ad[b][t, pl.ds(32 * j, 32)])
                        parts.append((32 * j, h0, a0, d0))
                        parts.append((32 * j + LANES, h1, a1, d1))
                else:
                    assert hc == LANES
                    h0, a0 = unpack(hs[b][t, pl.ds(0, 32)])
                    d0, _ = unpack(ad[b][t, pl.ds(0, 32)])
                    parts.append((0, h0, a0, d0))
                for base, h, a, d in parts:
                    x = a + d
                    ex = jnp.exp(jnp.maximum(x, 0.2 * x))
                    msg[b][t, pl.ds(base, LANES)] = h * ex
                    plsc.store_compressed(
                        msg[b].at[t].at[pl.ds(hc + base // cph, LANES)],
                        ex, mask=den_mask)
                return carry

            lax.fori_loop(0, k, edge_body, None, unroll=2)

        for c in range(nbuf - 1):
            fire_gather(c, c)

        def group_body(it, _):
            for u in range(nbuf):
                c = it * nbuf + u

                @pl.when(c + nbuf - 1 < chunks)
                def _fg():
                    fire_gather(c + nbuf - 1, (u - 1) % nbuf)

                wait_gather(c, u)

                @pl.when(it > 0)
                def _ws():
                    wait_scatter(c - nbuf, u)

                compute(c, u)
                fire_scatter(c, u)
            return _

        lax.fori_loop(0, chunks // nbuf, group_body, None)

        for c in range(chunks - chunks % nbuf, chunks):
            u = c % nbuf
            wait_gather(c, u)
            wait_scatter(c - nbuf, u)
            compute(c, u)
            fire_scatter(c, u)
        for c in range(chunks - nbuf, chunks):
            wait_scatter(c, c % nbuf)

        plsc.subcore_barrier()

        pltpu.sync_copy(accum.at[pl.ds(row0, nrows)],
                        out.at[cid, pl.ds(row0, nrows)])

    return edge_pass




def _tc_input_kernel(x_ref, topo_ref, wsrc_ref, wdst_ref, tsrc_ref, tdst_ref):
    xin = jnp.concatenate([x_ref[...], topo_ref[...]], axis=1)
    tsrc_ref[...] = jnp.dot(
        xin, wsrc_ref[...],
        preferred_element_type=jnp.float32).astype(jnp.bfloat16)
    tdst_ref[...] = jnp.dot(
        xin, wdst_ref[...],
        preferred_element_type=jnp.float32).astype(jnp.bfloat16)


def _tc_mid_kernel(p0_ref, p1_ref, b1_ref, wsrc_ref, wdst_ref,
                   tsrc_ref, tdst_ref, *, hc, cph):
    s = p0_ref[...] + p1_ref[...]
    bn = s.shape[0]
    heads = hc // cph
    num = s[:, :hc]
    den = s[:, hc:hc + heads]
    h1 = num.reshape(bn, heads, cph) / (den[:, :, None] + 1e-16)
    h1 = h1.reshape(bn, hc) + b1_ref[...]
    h1 = jnp.where(h1 > 0, h1, jnp.exp(jnp.minimum(h1, 0.0)) - 1.0)
    tsrc_ref[...] = jnp.dot(
        h1, wsrc_ref[...],
        preferred_element_type=jnp.float32).astype(jnp.bfloat16)
    tdst_ref[...] = jnp.dot(
        h1, wdst_ref[...],
        preferred_element_type=jnp.float32).astype(jnp.bfloat16)


def _tc_out_kernel(p0_ref, p1_ref, b2_ref, o_ref, *, hc):
    s = p0_ref[...] + p1_ref[...]
    num = s[:, :hc]
    den = s[:, hc:hc + 1]
    h2 = num / (den + 1e-16) + b2_ref[...]
    m = jnp.max(h2, axis=1, keepdims=True)
    z = h2 - m
    lse = jnp.log(jnp.sum(jnp.exp(z), axis=1, keepdims=True))
    o_ref[...] = z - lse


def _interleave_cols(w):
    m = w.shape[1]
    assert m % 32 == 0
    return (w.reshape(w.shape[0], m // 32, 2, LANES)
            .transpose(0, 1, 3, 2).reshape(w.shape[0], m))


def _expand_weights(w, a_src, a_dst, heads, out_ch):
    blk = jnp.kron(jnp.eye(heads, dtype=w.dtype),
                   jnp.ones((out_ch, out_ch), dtype=w.dtype))
    asrc_m = blk * a_src.reshape(-1)[:, None]
    adst_m = blk * a_dst.reshape(-1)[:, None]
    wsrc = _interleave_cols(jnp.concatenate([w, w @ asrc_m], axis=1))
    wd = w @ adst_m
    if wd.shape[1] < 32:
        wd = jnp.concatenate([wd, jnp.zeros_like(wd)], axis=1)
    wdst = _interleave_cols(wd)
    return wsrc, wdst


def kernel(x, topo, edge_index, W1, a_src1, a_dst1, b1, W2, a_src2, a_dst2,
           b2, *, interpret=False):
    n = x.shape[0]
    e = edge_index.shape[1]
    h1, c1 = a_src1.shape
    hc1 = h1 * c1
    hc2 = a_src2.shape[0] * a_src2.shape[1]

    ew = e // (NC * NS)
    mw1 = _msg_width(hc1, c1)
    mw2 = _msg_width(hc2, hc2)
    src_flat = edge_index[0].astype(jnp.int32)
    dst_flat = edge_index[1].astype(jnp.int32)
    src1 = src_flat.reshape(-1, _pick_chunk(ew, n, hc1, c1))
    dst1 = dst_flat.reshape(-1, _pick_chunk(ew, n, hc1, c1))
    src2 = src_flat.reshape(-1, _pick_chunk(ew, n, hc2, hc2))
    dst2 = dst_flat.reshape(-1, _pick_chunk(ew, n, hc2, hc2))

    w1src, w1dst = _expand_weights(W1, a_src1, a_dst1, h1, c1)
    w2src, w2dst = _expand_weights(W2, a_src2, a_dst2, 1, hc2)

    zeros1 = jnp.zeros((n, mw1), jnp.float32)
    zeros2 = jnp.zeros((n, mw2), jnp.float32)

    grid = 1
    for g in (5, 4, 2):
        if n % g == 0 and (n // g) % 8 == 0:
            grid = g
            break
    bn = n // grid

    tsrc1, tdst1 = pl.pallas_call(
        _tc_input_kernel,
        grid=(grid,),
        in_specs=[
            pl.BlockSpec((bn, x.shape[1]), lambda i: (i, 0)),
            pl.BlockSpec((bn, topo.shape[1]), lambda i: (i, 0)),
            pl.BlockSpec(w1src.shape, lambda i: (0, 0)),
            pl.BlockSpec(w1dst.shape, lambda i: (0, 0)),
        ],
        out_specs=[
            pl.BlockSpec((bn, 2 * hc1), lambda i: (i, 0)),
            pl.BlockSpec((bn, hc1), lambda i: (i, 0)),
        ],
        out_shape=[
            jax.ShapeDtypeStruct((n, 2 * hc1), jnp.bfloat16),
            jax.ShapeDtypeStruct((n, hc1), jnp.bfloat16),
        ],
        interpret=interpret,
    )(x, topo, w1src, w1dst)

    edge1 = _make_edge_pass(n, e, hc1, c1, interpret=interpret)
    p1 = edge1(tsrc1, tdst1, src1, dst1, zeros1)

    tsrc2, tdst2 = pl.pallas_call(
        functools.partial(_tc_mid_kernel, hc=hc1, cph=c1),
        grid=(grid,),
        in_specs=[
            pl.BlockSpec((bn, mw1), lambda i: (i, 0)),
            pl.BlockSpec((bn, mw1), lambda i: (i, 0)),
            pl.BlockSpec(b1.shape, lambda i: (0,)),
            pl.BlockSpec(w2src.shape, lambda i: (0, 0)),
            pl.BlockSpec(w2dst.shape, lambda i: (0, 0)),
        ],
        out_specs=[
            pl.BlockSpec((bn, 2 * hc2), lambda i: (i, 0)),
            pl.BlockSpec((bn, w2dst.shape[1]), lambda i: (i, 0)),
        ],
        out_shape=[
            jax.ShapeDtypeStruct((n, 2 * hc2), jnp.bfloat16),
            jax.ShapeDtypeStruct((n, w2dst.shape[1]), jnp.bfloat16),
        ],
        interpret=interpret,
    )(p1[0], p1[1], b1, w2src, w2dst)

    edge2 = _make_edge_pass(n, e, hc2, hc2, interpret=interpret)
    p2 = edge2(tsrc2, tdst2, src2, dst2, zeros2)

    out = pl.pallas_call(
        functools.partial(_tc_out_kernel, hc=hc2),
        grid=(grid,),
        in_specs=[
            pl.BlockSpec((bn, mw2), lambda i: (i, 0)),
            pl.BlockSpec((bn, mw2), lambda i: (i, 0)),
            pl.BlockSpec(b2.shape, lambda i: (0,)),
        ],
        out_specs=pl.BlockSpec((bn, hc2), lambda i: (i, 0)),
        out_shape=jax.ShapeDtypeStruct((n, hc2), jnp.float32),
        interpret=interpret,
    )(p2[0], p2[1], b2)

    return out

# --- scband reference (transcript-rebuilt; emitter-appended) ---
"""Pipeline reference for scband-topo-gat-27023934227032 (READ-ONLY COPY).

The authoritative reference and input builder live on the scoring server;
editing this copy changes nothing except your own understanding.
"""

import jax, jax.numpy as jnp
import numpy as np

N, D_FEAT, TOPO_DIM, E = 10000, 128, 8, 320000
IN_CH = D_FEAT + TOPO_DIM
H1, C1 = 8, 8
OUT_CLASSES = 16


def _gat_layer(x, edge_index, W, a_src, a_dst, b, heads, out_ch, concat):
    n = x.shape[0]
    h = (x @ W).reshape(n, heads, out_ch)
    alpha_src = (h * a_src[None, :, :]).sum(-1)  # [N, H]
    alpha_dst = (h * a_dst[None, :, :]).sum(-1)  # [N, H]
    src = edge_index[0]
    dst = edge_index[1]
    alpha = alpha_src[src] + alpha_dst[dst]      # [E, H]
    alpha = jax.nn.leaky_relu(alpha, negative_slope=0.2)
    amax = jax.ops.segment_max(alpha, dst, num_segments=n)
    amax = jnp.where(jnp.isfinite(amax), amax, 0.0)
    amax = jax.lax.stop_gradient(amax)
    ex = jnp.exp(alpha - amax[dst])
    denom = jax.ops.segment_sum(ex, dst, num_segments=n)
    coef = ex / (denom[dst] + 1e-16)             # edge softmax over incoming edges
    msg = h[src] * coef[:, :, None]              # [E, H, C]
    out = jax.ops.segment_sum(msg, dst, num_segments=n)  # [N, H, C]
    if concat:
        out = out.reshape(n, heads * out_ch)
    else:
        out = out.mean(axis=1)
    return out + b


def setup_inputs(seed: int = 0):
    key = jax.random.key(seed)
    ks = jax.random.split(key, 9)
    x = jax.random.normal(ks[0], (N, D_FEAT), dtype=jnp.float32)
    topo = jax.random.normal(ks[1], (N, TOPO_DIM), dtype=jnp.float32)
    edge_index = jax.random.randint(ks[2], (2, E), 0, N)
    W1 = jax.random.normal(ks[3], (IN_CH, H1 * C1), dtype=jnp.float32) * (1.0 / np.sqrt(IN_CH))
    a_src1 = jax.random.normal(ks[4], (H1, C1), dtype=jnp.float32) * 0.1
    a_dst1 = jax.random.normal(ks[5], (H1, C1), dtype=jnp.float32) * 0.1
    b1 = jnp.zeros((H1 * C1,), dtype=jnp.float32)
    W2 = jax.random.normal(ks[6], (H1 * C1, OUT_CLASSES), dtype=jnp.float32) * (1.0 / np.sqrt(H1 * C1))
    a_src2 = jax.random.normal(ks[7], (1, OUT_CLASSES), dtype=jnp.float32) * 0.1
    a_dst2 = jax.random.normal(ks[8], (1, OUT_CLASSES), dtype=jnp.float32) * 0.1
    b2 = jnp.zeros((OUT_CLASSES,), dtype=jnp.float32)
    return {"x": x, "topo": topo, "edge_index": edge_index,
            "W1": W1, "a_src1": a_src1, "a_dst1": a_dst1, "b1": b1,
            "W2": W2, "a_src2": a_src2, "a_dst2": a_dst2, "b2": b2}


def reference(x, topo, edge_index, W1, a_src1, a_dst1, b1, W2, a_src2, a_dst2, b2):
    # dropout p=0.6 is identity in eval mode
    xin = jnp.concatenate([x, topo], axis=1)
    h1 = jax.nn.elu(_gat_layer(xin, edge_index, W1, a_src1, a_dst1, b1, H1, C1, True))
    h2 = _gat_layer(h1, edge_index, W2, a_src2, a_dst2, b2, 1, OUT_CLASSES, False)
    return jax.nn.log_softmax(h2, axis=1)

if __name__ == "__main__":
    import jax
    _d = setup_inputs()
    print(jax.jit(kernel)(*tuple(_d.values())))

</pallas_src>

<mosaic_0001>
#map = affine_map<(d0, d1) -> (0, 0)>
#map1 = affine_map<(d0, d1) -> (0, 0, 0)>
module attributes {stable_mosaic.version = 14 : i64} {
  func.func @edge_pass(%arg0: i32, %arg1: i32, %arg2: memref<10000x128xbf16, #tpu.memory_space<hbm>>, %arg3: memref<10000x64xbf16, #tpu.memory_space<hbm>>, %arg4: memref<4000x80xi32, #tpu.memory_space<hbm>>, %arg5: memref<4000x80xi32, #tpu.memory_space<hbm>>, %arg6: memref<10000x88xf32, #tpu.memory_space<hbm>>, %arg7: memref<2x10000x88xf32, #tpu.memory_space<hbm>>, %arg8: memref<125x80xi32, #tpu.memory_space<vmem>>, %arg9: memref<125x80xi32, #tpu.memory_space<vmem>>, %arg10: memref<80x128xbf16, #tpu.memory_space<vmem>>, %arg11: memref<80x128xbf16, #tpu.memory_space<vmem>>, %arg12: memref<80x128xbf16, #tpu.memory_space<vmem>>, %arg13: memref<80x64xbf16, #tpu.memory_space<vmem>>, %arg14: memref<80x64xbf16, #tpu.memory_space<vmem>>, %arg15: memref<80x64xbf16, #tpu.memory_space<vmem>>, %arg16: memref<80x88xf32, #tpu.memory_space<vmem>>, %arg17: memref<80x88xf32, #tpu.memory_space<vmem>>, %arg18: memref<80x88xf32, #tpu.memory_space<vmem>>, %arg19: memref<10000x88xf32, #tpu.memory_space<vmem_shared>>, %arg20: memref<!tpu.dma_semaphore, #tpu.memory_space<semaphore_mem>>, %arg21: memref<!tpu.dma_semaphore, #tpu.memory_space<semaphore_mem>>, %arg22: memref<!tpu.dma_semaphore, #tpu.memory_space<semaphore_mem>>, %arg23: memref<!tpu.dma_semaphore, #tpu.memory_space<semaphore_mem>>, %arg24: memref<!tpu.dma_semaphore, #tpu.memory_space<semaphore_mem>>, %arg25: memref<!tpu.dma_semaphore, #tpu.memory_space<semaphore_mem>>, %arg26: memref<!tpu.dma_semaphore, #tpu.memory_space<semaphore_mem>>, %arg27: memref<!tpu.dma_semaphore, #tpu.memory_space<semaphore_mem>>, %arg28: memref<!tpu.dma_semaphore, #tpu.memory_space<semaphore_mem>>) attributes {dimension_semantics = [#tpu.dimension_semantics<core_parallel>, #tpu.dimension_semantics<subcore_parallel>], iteration_bounds = array<i64: 2, 16>, scalar_prefetch = 0 : i64, scratch_operands = 21 : i64, tpu.core_type = #tpu.core_type<sc_vector_subcore>, window_params = [{transform_indices = #map}, {transform_indices = #map}, {transform_indices = #map}, {transform_indices = #map}, {transform_indices = #map}, {transform_indices = #map1}]} {
    %mul3A = arith.constant 16 : i32
    %mul3A_0 = arith.muli %arg0, %mul3A : i32
    %add3A = arith.addi %mul3A_0, %arg1 : i32
    %mul3A_1 = arith.constant 625 : i32
    %mul3A_2 = arith.muli %arg1, %mul3A_1 : i32
    "tpu.region"() ({
      %run_scoped3A = tpu.sem_alloc : memref<!tpu.dma_semaphore, #tpu.memory_space<semaphore_mem>>
      %dma_start3A_149 = arith.constant 0 : i32
      %dma_start3A_150 = tpu.memref_slice %arg19[%mul3A_2, %dma_start3A_149] : memref<10000x88xf32, #tpu.memory_space<vmem_shared>> -> memref<625x88xf32, #tpu.memory_space<vmem_shared>>
      %dma_start3A_151 = arith.constant 0 : i32
      %dma_start3A_152 = tpu.memref_slice %arg6[%mul3A_2, %dma_start3A_151] : memref<10000x88xf32, #tpu.memory_space<hbm>> -> memref<625x88xf32, #tpu.memory_space<hbm>>
      tpu.enqueue_dma source(%dma_start3A_152 : memref<625x88xf32, #tpu.memory_space<hbm>>) target(%dma_start3A_150 : memref<625x88xf32, #tpu.memory_space<vmem_shared>>) target_semaphore(%run_scoped3A : memref<!tpu.dma_semaphore, #tpu.memory_space<semaphore_mem>>)
      %dma_wait3A_153 = arith.constant 0 : i32
      %dma_wait3A_154 = tpu.memref_slice %arg19[%mul3A_2, %dma_wait3A_153] : memref<10000x88xf32, #tpu.memory_space<vmem_shared>> -> memref<625x88xf32, #tpu.memory_space<vmem_shared>>
      %dma_wait3A_155 = arith.constant 0 : i32
      %dma_wait3A_156 = tpu.memref_slice %arg6[%mul3A_2, %dma_wait3A_155] : memref<10000x88xf32, #tpu.memory_space<hbm>> -> memref<625x88xf32, #tpu.memory_space<hbm>>
      tpu.wait_dma2 semaphore(%run_scoped3A : memref<!tpu.dma_semaphore, #tpu.memory_space<semaphore_mem>>) src(%dma_wait3A_156 : memref<625x88xf32, #tpu.memory_space<hbm>>) dst(%dma_wait3A_154 : memref<625x88xf32, #tpu.memory_space<vmem_shared>>)
      tpu.yield
    }) : () -> ()
    %mul3A_3 = arith.constant 125 : i32
    %mul3A_4 = arith.muli %add3A, %mul3A_3 : i32
    "tpu.region"() ({
      %run_scoped3A = tpu.sem_alloc : memref<!tpu.dma_semaphore, #tpu.memory_space<semaphore_mem>>
      %dma_start3A_149 = arith.constant 0 : i32
      %dma_start3A_150 = tpu.memref_slice %arg4[%mul3A_4, %dma_start3A_149] : memref<4000x80xi32, #tpu.memory_space<hbm>> -> memref<125x80xi32, #tpu.memory_space<hbm>>
      %dma_start3A_151 = arith.constant 0 : i32
      %dma_start3A_152 = tpu.memref_slice %arg4[%mul3A_4, %dma_start3A_151] : memref<4000x80xi32, #tpu.memory_space<hbm>> -> memref<125x80xi32, #tpu.memory_space<hbm>>
      tpu.enqueue_dma source(%dma_start3A_152 : memref<125x80xi32, #tpu.memory_space<hbm>>) target(%arg8 : memref<125x80xi32, #tpu.memory_space<vmem>>) target_semaphore(%run_scoped3A : memref<!tpu.dma_semaphore, #tpu.memory_space<semaphore_mem>>)
      %dma_wait3A_153 = arith.constant 0 : i32
      %dma_wait3A_154 = tpu.memref_slice %arg4[%mul3A_4, %dma_wait3A_153] : memref<4000x80xi32, #tpu.memory_space<hbm>> -> memref<125x80xi32, #tpu.memory_space<hbm>>
      %dma_wait3A_155 = arith.constant 0 : i32
      %dma_wait3A_156 = tpu.memref_slice %arg4[%mul3A_4, %dma_wait3A_155] : memref<4000x80xi32, #tpu.memory_space<hbm>> -> memref<125x80xi32, #tpu.memory_space<hbm>>
      tpu.wait_dma2 semaphore(%run_scoped3A : memref<!tpu.dma_semaphore, #tpu.memory_space<semaphore_mem>>) src(%dma_wait3A_156 : memref<125x80xi32, #tpu.memory_space<hbm>>) dst(%arg8 : memref<125x80xi32, #tpu.memory_space<vmem>>)
      tpu.yield
    }) : () -> ()
    %mul3A_5 = arith.constant 125 : i32
    %mul3A_6 = arith.muli %add3A, %mul3A_5 : i32
    "tpu.region"() ({
      %run_scoped3A = tpu.sem_alloc : memref<!tpu.dma_semaphore, #tpu.memory_space<semaphore_mem>>
      %dma_start3A_149 = arith.constant 0 : i32
      %dma_start3A_150 = tpu.memref_slice %arg5[%mul3A_6, %dma_start3A_149] : memref<4000x80xi32, #tpu.memory_space<hbm>> -> memref<125x80xi32, #tpu.memory_space<hbm>>
      %dma_start3A_151 = arith.constant 0 : i32
      %dma_start3A_152 = tpu.memref_slice %arg5[%mul3A_6, %dma_start3A_151] : memref<4000x80xi32, #tpu.memory_space<hbm>> -> memref<125x80xi32, #tpu.memory_space<hbm>>
      tpu.enqueue_dma source(%dma_start3A_152 : memref<125x80xi32, #tpu.memory_space<hbm>>) target(%arg9 : memref<125x80xi32, #tpu.memory_space<vmem>>) target_semaphore(%run_scoped3A : memref<!tpu.dma_semaphore, #tpu.memory_space<semaphore_mem>>)
      %dma_wait3A_153 = arith.constant 0 : i32
      %dma_wait3A_154 = tpu.memref_slice %arg5[%mul3A_6, %dma_wait3A_153] : memref<4000x80xi32, #tpu.memory_space<hbm>> -> memref<125x80xi32, #tpu.memory_space<hbm>>
      %dma_wait3A_155 = arith.constant 0 : i32
      %dma_wait3A_156 = tpu.memref_slice %arg5[%mul3A_6, %dma_wait3A_155] : memref<4000x80xi32, #tpu.memory_space<hbm>> -> memref<125x80xi32, #tpu.memory_space<hbm>>
      tpu.wait_dma2 semaphore(%run_scoped3A : memref<!tpu.dma_semaphore, #tpu.memory_space<semaphore_mem>>) src(%dma_wait3A_156 : memref<125x80xi32, #tpu.memory_space<hbm>>) dst(%arg9 : memref<125x80xi32, #tpu.memory_space<vmem>>)
      tpu.yield
    }) : () -> ()
    %broadcast_in_dim3A = arith.constant 0.000000e+00 : f32
    %broadcast_in_dim3A_7 = vector.broadcast %broadcast_in_dim3A : f32 to vector<16xf32>
    %scan3A = arith.constant 0 : i32
    %scan3A_8 = arith.constant 80 : i32
    %scan3A_9 = arith.addi %scan3A, %scan3A_8 : i32
    %scan3A_10 = arith.constant 1 : i32
    scf.for %scan3A_149 = %scan3A to %scan3A_9 step %scan3A_10  : i32 {
      %swap3A = arith.index_cast %scan3A_149 : i32 to index
      %swap3A_150 = arith.constant 72 : index
      %swap3A_151 = tpu.vector_load %arg16[%swap3A, %swap3A_150] {strides = array<i32>} : memref<80x88xf32, #tpu.memory_space<vmem>>, vector<16xf32>,
      tpu.vector_store %arg16[%swap3A, %swap3A_150], %broadcast_in_dim3A_7 {strides = array<i32>} : memref<80x88xf32, #tpu.memory_space<vmem>>, vector<16xf32>,
      %swap3A_152 = arith.index_cast %scan3A_149 : i32 to index
      %swap3A_153 = arith.constant 72 : index
      %swap3A_154 = tpu.vector_load %arg17[%swap3A_152, %swap3A_153] {strides = array<i32>} : memref<80x88xf32, #tpu.memory_space<vmem>>, vector<16xf32>,
      tpu.vector_store %arg17[%swap3A_152, %swap3A_153], %broadcast_in_dim3A_7 {strides = array<i32>} : memref<80x88xf32, #tpu.memory_space<vmem>>, vector<16xf32>,
      %swap3A_155 = arith.index_cast %scan3A_149 : i32 to index
      %swap3A_156 = arith.constant 72 : index
      %swap3A_157 = tpu.vector_load %arg18[%swap3A_155, %swap3A_156] {strides = array<i32>} : memref<80x88xf32, #tpu.memory_space<vmem>>, vector<16xf32>,
      tpu.vector_store %arg18[%swap3A_155, %swap3A_156], %broadcast_in_dim3A_7 {strides = array<i32>} : memref<80x88xf32, #tpu.memory_space<vmem>>, vector<16xf32>,
    }
    %scan3A_11 = arith.constant 80 : i32
    %barrier3A = arith.constant 0 : index
    tpu.barrier barrier_id(%barrier3A)
    %iota3A = tpu.iota {dimensions = array<i32: 0>} : vector<16xi32>
    %jit3A = arith.constant 8 : i32
    %eq3A = arith.constant 0 : i32
    %eq3A_12 = arith.cmpi eq, %jit3A, %eq3A : i32
    %jit3A_13 = arith.constant 1 : i32
    %select_n3A = arith.select %eq3A_12, %jit3A_13, %jit3A : i32
    %rem3A = vector.broadcast %select_n3A : i32 to vector<16xi32>
    %rem3A_14 = arith.remsi %iota3A, %rem3A : vector<16xi32>
    %ne3A = arith.constant 0 : i32
    %ne3A_15 = vector.broadcast %ne3A : i32 to vector<16xi32>
    %ne3A_16 = arith.cmpi ne, %rem3A_14, %ne3A_15 : vector<16xi32>
    %lt3A = arith.constant 0 : i32
    %lt3A_17 = vector.broadcast %lt3A : i32 to vector<16xi32>
    %lt3A_18 = arith.cmpi slt, %rem3A_14, %lt3A_17 : vector<16xi32>
    %lt3A_19 = arith.constant 0 : i32
    %lt3A_20 = arith.cmpi slt, %select_n3A, %lt3A_19 : i32
    %ne3A_21 = vector.broadcast %lt3A_20 : i1 to vector<16xi1>
    %ne3A_22 = vector.broadcast %ne3A_21 : vector<16xi1> to vector<16xi1>
    %ne3A_23 = arith.xori %lt3A_18, %ne3A_22 : vector<16xi1>
    %and3A = arith.andi %ne3A_23, %ne3A_16 : vector<16xi1>
    %add3A_24 = vector.broadcast %select_n3A : i32 to vector<16xi32>
    %add3A_25 = arith.addi %rem3A_14, %add3A_24 : vector<16xi32>
    %select_n3A_26 = arith.select %and3A, %add3A_25, %rem3A_14 : vector<16xi1>, vector<16xi32>
    %eq3A_27 = arith.constant 0 : i32
    %eq3A_28 = vector.broadcast %eq3A_27 : i32 to vector<16xi32>
    %eq3A_29 = arith.cmpi eq, %select_n3A_26, %eq3A_28 : vector<16xi32>
    %dma_start3A = arith.constant 0 : i32
    %dma_start3A_30 = arith.constant 0 : i32
    %dma_start3A_31 = tpu.memref_slice %arg8[%dma_start3A, %dma_start3A_30] : memref<125x80xi32, #tpu.memory_space<vmem>> -> memref<1x80xi32, #tpu.memory_space<vmem>>
    %dma_start3A_32 = tpu.memref_squeeze %dma_start3A_31 : memref<1x80xi32, #tpu.memory_space<vmem>> -> memref<80xi32, #tpu.memory_space<vmem>>
    %dma_start3A_33 = arith.constant 0 : i32
    %dma_start3A_34 = arith.constant 0 : i32
    %dma_start3A_35 = tpu.memref_slice %arg2[%dma_start3A_33, %dma_start3A_34] : memref<10000x128xbf16, #tpu.memory_space<hbm>> -> memref<10000x128xbf16, #tpu.memory_space<hbm>>
    tpu.enqueue_indirect_dma source(%dma_start3A_35 : memref<10000x128xbf16, #tpu.memory_space<hbm>>) target(%arg10 : memref<80x128xbf16, #tpu.memory_space<vmem>>) offsets(%dma_start3A_32 : memref<80xi32, #tpu.memory_space<vmem>>) semaphore(%arg20 : memref<!tpu.dma_semaphore, #tpu.memory_space<semaphore_mem>>)
    %dma_start3A_36 = arith.constant 0 : i32
    %dma_start3A_37 = arith.constant 0 : i32
    %dma_start3A_38 = tpu.memref_slice %arg9[%dma_start3A_36, %dma_start3A_37] : memref<125x80xi32, #tpu.memory_space<vmem>> -> memref<1x80xi32, #tpu.memory_space<vmem>>
    %dma_start3A_39 = tpu.memref_squeeze %dma_start3A_38 : memref<1x80xi32, #tpu.memory_space<vmem>> -> memref<80xi32, #tpu.memory_space<vmem>>
    %dma_start3A_40 = arith.constant 0 : i32
    %dma_start3A_41 = arith.constant 0 : i32
    %dma_start3A_42 = tpu.memref_slice %arg3[%dma_start3A_40, %dma_start3A_41] : memref<10000x64xbf16, #tpu.memory_space<hbm>> -> memref<10000x64xbf16, #tpu.memory_space<hbm>>
    tpu.enqueue_indirect_dma source(%dma_start3A_42 : memref<10000x64xbf16, #tpu.memory_space<hbm>>) target(%arg13 : memref<80x64xbf16, #tpu.memory_space<vmem>>) offsets(%dma_start3A_39 : memref<80xi32, #tpu.memory_space<vmem>>) semaphore(%arg23 : memref<!tpu.dma_semaphore, #tpu.memory_space<semaphore_mem>>)
    %dma_start3A_43 = arith.constant 1 : i32
    %dma_start3A_44 = arith.constant 0 : i32
    %dma_start3A_45 = tpu.memref_slice %arg8[%dma_start3A_43, %dma_start3A_44] : memref<125x80xi32, #tpu.memory_space<vmem>> -> memref<1x80xi32, #tpu.memory_space<vmem>>
    %dma_start3A_46 = tpu.memref_squeeze %dma_start3A_45 : memref<1x80xi32, #tpu.memory_space<vmem>> -> memref<80xi32, #tpu.memory_space<vmem>>
    %dma_start3A_47 = arith.constant 0 : i32
    %dma_start3A_48 = arith.constant 0 : i32
    %dma_start3A_49 = tpu.memref_slice %arg2[%dma_start3A_47, %dma_start3A_48] : memref<10000x128xbf16, #tpu.memory_space<hbm>> -> memref<10000x128xbf16, #tpu.memory_space<hbm>>
    tpu.enqueue_indirect_dma source(%dma_start3A_49 : memref<10000x128xbf16, #tpu.memory_space<hbm>>) target(%arg11 : memref<80x128xbf16, #tpu.memory_space<vmem>>) offsets(%dma_start3A_46 : memref<80xi32, #tpu.memory_space<vmem>>) semaphore(%arg21 : memref<!tpu.dma_semaphore, #tpu.memory_space<semaphore_mem>>)
    %dma_start3A_50 = arith.constant 1 : i32
    %dma_start3A_51 = arith.constant 0 : i32
    %dma_start3A_52 = tpu.memref_slice %arg9[%dma_start3A_50, %dma_start3A_51] : memref<125x80xi32, #tpu.memory_space<vmem>> -> memref<1x80xi32, #tpu.memory_space<vmem>>
    %dma_start3A_53 = tpu.memref_squeeze %dma_start3A_52 : memref<1x80xi32, #tpu.memory_space<vmem>> -> memref<80xi32, #tpu.memory_space<vmem>>
    %dma_start3A_54 = arith.constant 0 : i32
    %dma_start3A_55 = arith.constant 0 : i32
    %dma_start3A_56 = tpu.memref_slice %arg3[%dma_start3A_54, %dma_start3A_55] : memref<10000x64xbf16, #tpu.memory_space<hbm>> -> memref<10000x64xbf16, #tpu.memory_space<hbm>>
    tpu.enqueue_indirect_dma source(%dma_start3A_56 : memref<10000x64xbf16, #tpu.memory_space<hbm>>) target(%arg14 : memref<80x64xbf16, #tpu.memory_space<vmem>>) offsets(%dma_start3A_53 : memref<80xi32, #tpu.memory_space<vmem>>) semaphore(%arg24 : memref<!tpu.dma_semaphore, #tpu.memory_space<semaphore_mem>>)
    %scan3A_57 = arith.constant 0 : i32
    %scan3A_58 = arith.constant 41 : i32
    %scan3A_59 = arith.addi %scan3A_57, %scan3A_58 : i32
    %scan3A_60 = arith.constant 1 : i32
    scf.for %scan3A_149 = %scan3A_57 to %scan3A_59 step %scan3A_60  : i32 {
      %mul3A_150 = arith.constant 3 : i32
      %mul3A_151 = arith.muli %scan3A_149, %mul3A_150 : i32
      %add3A_152 = arith.constant 0 : i32
      %add3A_153 = arith.addi %mul3A_151, %add3A_152 : i32
      %add3A_154 = arith.constant 3 : i32
      %add3A_155 = arith.addi %add3A_153, %add3A_154 : i32
      %sub3A = arith.constant 1 : i32
      %sub3A_156 = arith.subi %add3A_155, %sub3A : i32
      %lt3A_157 = arith.constant 125 : i32
      %lt3A_158 = arith.cmpi slt, %sub3A_156, %lt3A_157 : i32
      %convert_element_type3A = arith.extui %lt3A_158 : i1 to i32
      %cond3A = arith.constant 0 : i32
      %cond3A_159 = arith.cmpi ne, %convert_element_type3A, %cond3A : i32
      scf.if %cond3A_159 {
        %add3A_269 = arith.constant 3 : i32
        %add3A_270 = arith.addi %add3A_153, %add3A_269 : i32
        %sub3A_271 = arith.constant 1 : i32
        %sub3A_272 = arith.subi %add3A_270, %sub3A_271 : i32
        %dma_start3A_273 = arith.constant 0 : i32
        %dma_start3A_274 = tpu.memref_slice %arg8[%sub3A_272, %dma_start3A_273] : memref<125x80xi32, #tpu.memory_space<vmem>> -> memref<1x80xi32, #tpu.memory_space<vmem>>
        %dma_start3A_275 = tpu.memref_squeeze %dma_start3A_274 : memref<1x80xi32, #tpu.memory_space<vmem>> -> memref<80xi32, #tpu.memory_space<vmem>>
        %dma_start3A_276 = arith.constant 0 : i32
        %dma_start3A_277 = arith.constant 0 : i32
        %dma_start3A_278 = tpu.memref_slice %arg2[%dma_start3A_276, %dma_start3A_277] : memref<10000x128xbf16, #tpu.memory_space<hbm>> -> memref<10000x128xbf16, #tpu.memory_space<hbm>>
        tpu.enqueue_indirect_dma source(%dma_start3A_278 : memref<10000x128xbf16, #tpu.memory_space<hbm>>) target(%arg12 : memref<80x128xbf16, #tpu.memory_space<vmem>>) offsets(%dma_start3A_275 : memref<80xi32, #tpu.memory_space<vmem>>) semaphore(%arg22 : memref<!tpu.dma_semaphore, #tpu.memory_space<semaphore_mem>>)
        %dma_start3A_279 = arith.constant 0 : i32
        %dma_start3A_280 = tpu.memref_slice %arg9[%sub3A_272, %dma_start3A_279] : memref<125x80xi32, #tpu.memory_space<vmem>> -> memref<1x80xi32, #tpu.memory_space<vmem>>
        %dma_start3A_281 = tpu.memref_squeeze %dma_start3A_280 : memref<1x80xi32, #tpu.memory_space<vmem>> -> memref<80xi32, #tpu.memory_space<vmem>>
        %dma_start3A_282 = arith.constant 0 : i32
        %dma_start3A_283 = arith.constant 0 : i32
        %dma_start3A_284 = tpu.memref_slice %arg3[%dma_start3A_282, %dma_start3A_283] : memref<10000x64xbf16, #tpu.memory_space<hbm>> -> memref<10000x64xbf16, #tpu.memory_space<hbm>>
        tpu.enqueue_indirect_dma source(%dma_start3A_284 : memref<10000x64xbf16, #tpu.memory_space<hbm>>) target(%arg15 : memref<80x64xbf16, #tpu.memory_space<vmem>>) offsets(%dma_start3A_281 : memref<80xi32, #tpu.memory_space<vmem>>) semaphore(%arg25 : memref<!tpu.dma_semaphore, #tpu.memory_space<semaphore_mem>>)
      } else {
      }
      %dma_wait3A_160 = arith.constant 0 : i32
      %dma_wait3A_161 = tpu.memref_slice %arg8[%add3A_153, %dma_wait3A_160] : memref<125x80xi32, #tpu.memory_space<vmem>> -> memref<1x80xi32, #tpu.memory_space<vmem>>
      %dma_wait3A_162 = tpu.memref_squeeze %dma_wait3A_161 : memref<1x80xi32, #tpu.memory_space<vmem>> -> memref<80xi32, #tpu.memory_space<vmem>>
      %dma_wait3A_163 = arith.constant 0 : i32
      %dma_wait3A_164 = arith.constant 0 : i32
      %dma_wait3A_165 = tpu.memref_slice %arg2[%dma_wait3A_163, %dma_wait3A_164] : memref<10000x128xbf16, #tpu.memory_space<hbm>> -> memref<10000x128xbf16, #tpu.memory_space<hbm>>
      tpu.wait_indirect_dma semaphore(%arg20 : memref<!tpu.dma_semaphore, #tpu.memory_space<semaphore_mem>>) src(%dma_wait3A_165 : memref<10000x128xbf16, #tpu.memory_space<hbm>>) dst(%arg10 : memref<80x128xbf16, #tpu.memory_space<vmem>>)
      %dma_wait3A_166 = arith.constant 0 : i32
      %dma_wait3A_167 = tpu.memref_slice %arg9[%add3A_153, %dma_wait3A_166] : memref<125x80xi32, #tpu.memory_space<vmem>> -> memref<1x80xi32, #tpu.memory_space<vmem>>
      %dma_wait3A_168 = tpu.memref_squeeze %dma_wait3A_167 : memref<1x80xi32, #tpu.memory_space<vmem>> -> memref<80xi32, #tpu.memory_space<vmem>>
      %dma_wait3A_169 = arith.constant 0 : i32
      %dma_wait3A_170 = arith.constant 0 : i32
      %dma_wait3A_171 = tpu.memref_slice %arg3[%dma_wait3A_169, %dma_wait3A_170] : memref<10000x64xbf16, #tpu.memory_space<hbm>> -> memref<10000x64xbf16, #tpu.memory_space<hbm>>
      tpu.wait_indirect_dma semaphore(%arg23 : memref<!tpu.dma_semaphore, #tpu.memory_space<semaphore_mem>>) src(%dma_wait3A_171 : memref<10000x64xbf16, #tpu.memory_space<hbm>>) dst(%arg13 : memref<80x64xbf16, #tpu.memory_space<vmem>>)
      %gt3A = arith.constant 0 : i32
      %gt3A_172 = arith.cmpi sgt, %scan3A_149, %gt3A : i32
      %convert_element_type3A_173 = arith.extui %gt3A_172 : i1 to i32
      %cond3A_174 = arith.constant 0 : i32
      %cond3A_175 = arith.cmpi ne, %convert_element_type3A_173, %cond3A_174 : i32
      scf.if %cond3A_175 {
        %sub3A_269 = arith.constant 3 : i32
        %sub3A_270 = arith.subi %add3A_153, %sub3A_269 : i32
        %dma_wait3A_271 = arith.constant 0 : i32
        %dma_wait3A_272 = tpu.memref_slice %arg9[%sub3A_270, %dma_wait3A_271] : memref<125x80xi32, #tpu.memory_space<vmem>> -> memref<1x80xi32, #tpu.memory_space<vmem>>
        %dma_wait3A_273 = tpu.memref_squeeze %dma_wait3A_272 : memref<1x80xi32, #tpu.memory_space<vmem>> -> memref<80xi32, #tpu.memory_space<vmem>>
        %dma_wait3A_274 = arith.constant 0 : i32
        %dma_wait3A_275 = arith.constant 0 : i32
        %dma_wait3A_276 = tpu.memref_slice %arg19[%dma_wait3A_274, %dma_wait3A_275] : memref<10000x88xf32, #tpu.memory_space<vmem_shared>> -> memref<10000x88xf32, #tpu.memory_space<vmem_shared>>
        tpu.wait_indirect_dma semaphore(%arg26 : memref<!tpu.dma_semaphore, #tpu.memory_space<semaphore_mem>>) src(%arg16 : memref<80x88xf32, #tpu.memory_space<vmem>>) dst(%dma_wait3A_276 : memref<10000x88xf32, #tpu.memory_space<vmem_shared>>)
      } else {
      }
      %scan3A_176 = arith.constant 0 : i32
      %scan3A_177 = arith.constant 80 : i32
      %scan3A_178 = arith.addi %scan3A_176, %scan3A_177 : i32
      %scan3A_179 = arith.constant 2 : i32
      scf.for %scan3A_269 = %scan3A_176 to %scan3A_178 step %scan3A_179  : i32 {
        %get3A = arith.index_cast %scan3A_269 : i32 to index
        %get3A_270 = arith.constant 0 : index
        %get3A_271 = tpu.vector_load %arg10[%get3A, %get3A_270] {strides = array<i32>} : memref<80x128xbf16, #tpu.memory_space<vmem>>, vector<32xbf16>,
        %unpack3A = tpu.unpack_subelements %get3A_271, 0 {pack_format = #tpu.pack_format<interleaved>} : vector<32xbf16> -> vector<16xf32>
        %unpack3A_272 = tpu.unpack_subelements %get3A_271, 1 {pack_format = #tpu.pack_format<interleaved>} : vector<32xbf16> -> vector<16xf32>
        %get3A_273 = arith.index_cast %scan3A_269 : i32 to index
        %get3A_274 = arith.constant 64 : index
        %get3A_275 = tpu.vector_load %arg10[%get3A_273, %get3A_274] {strides = array<i32>} : memref<80x128xbf16, #tpu.memory_space<vmem>>, vector<32xbf16>,
        %unpack3A_276 = tpu.unpack_subelements %get3A_275, 0 {pack_format = #tpu.pack_format<interleaved>} : vector<32xbf16> -> vector<16xf32>
        %unpack3A_277 = tpu.unpack_subelements %get3A_275, 1 {pack_format = #tpu.pack_format<interleaved>} : vector<32xbf16> -> vector<16xf32>
        %get3A_278 = arith.index_cast %scan3A_269 : i32 to index
        %get3A_279 = arith.constant 0 : index
        %get3A_280 = tpu.vector_load %arg13[%get3A_278, %get3A_279] {strides = array<i32>} : memref<80x64xbf16, #tpu.memory_space<vmem>>, vector<32xbf16>,
        %unpack3A_281 = tpu.unpack_subelements %get3A_280, 0 {pack_format = #tpu.pack_format<interleaved>} : vector<32xbf16> -> vector<16xf32>
        %unpack3A_282 = tpu.unpack_subelements %get3A_280, 1 {pack_format = #tpu.pack_format<interleaved>} : vector<32xbf16> -> vector<16xf32>
        %get3A_283 = arith.index_cast %scan3A_269 : i32 to index
        %get3A_284 = arith.constant 32 : index
        %get3A_285 = tpu.vector_load %arg10[%get3A_283, %get3A_284] {strides = array<i32>} : memref<80x128xbf16, #tpu.memory_space<vmem>>, vector<32xbf16>,
        %unpack3A_286 = tpu.unpack_subelements %get3A_285, 0 {pack_format = #tpu.pack_format<interleaved>} : vector<32xbf16> -> vector<16xf32>
        %unpack3A_287 = tpu.unpack_subelements %get3A_285, 1 {pack_format = #tpu.pack_format<interleaved>} : vector<32xbf16> -> vector<16xf32>
        %get3A_288 = arith.index_cast %scan3A_269 : i32 to index
        %get3A_289 = arith.constant 96 : index
        %get3A_290 = tpu.vector_load %arg10[%get3A_288, %get3A_289] {strides = array<i32>} : memref<80x128xbf16, #tpu.memory_space<vmem>>, vector<32xbf16>,
        %unpack3A_291 = tpu.unpack_subelements %get3A_290, 0 {pack_format = #tpu.pack_format<interleaved>} : vector<32xbf16> -> vector<16xf32>
        %unpack3A_292 = tpu.unpack_subelements %get3A_290, 1 {pack_format = #tpu.pack_format<interleaved>} : vector<32xbf16> -> vector<16xf32>
        %get3A_293 = arith.index_cast %scan3A_269 : i32 to index
        %get3A_294 = arith.constant 32 : index
        %get3A_295 = tpu.vector_load %arg13[%get3A_293, %get3A_294] {strides = array<i32>} : memref<80x64xbf16, #tpu.memory_space<vmem>>, vector<32xbf16>,
        %unpack3A_296 = tpu.unpack_subelements %get3A_295, 0 {pack_format = #tpu.pack_format<interleaved>} : vector<32xbf16> -> vector<16xf32>
        %unpack3A_297 = tpu.unpack_subelements %get3A_295, 1 {pack_format = #tpu.pack_format<interleaved>} : vector<32xbf16> -> vector<16xf32>
        %add3A_298 = arith.addf %unpack3A_276, %unpack3A_281 : vector<16xf32>
        %mul3A_299 = arith.constant 2.000000e-01 : f32
        %mul3A_300 = vector.broadcast %mul3A_299 : f32 to vector<16xf32>
        %mul3A_301 = arith.mulf %mul3A_300, %add3A_298 : vector<16xf32>
        %max3A = arith.maximumf %add3A_298, %mul3A_301 : vector<16xf32>
        %exp3A = math.exp %max3A : vector<16xf32>
        %mul3A_302 = arith.mulf %unpack3A, %exp3A : vector<16xf32>
        %swap3A = arith.index_cast %scan3A_269 : i32 to index
        %swap3A_303 = arith.constant 0 : index
        %swap3A_304 = tpu.vector_load %arg16[%swap3A, %swap3A_303] {strides = array<i32>} : memref<80x88xf32, #tpu.memory_space<vmem>>, vector<16xf32>,
        tpu.vector_store %arg16[%swap3A, %swap3A_303], %mul3A_302 {strides = array<i32>} : memref<80x88xf32, #tpu.memory_space<vmem>>, vector<16xf32>,
        %swap3A_305 = arith.constant 0 : i32
        %swap3A_306 = tpu.memref_slice %arg16[%scan3A_269, %swap3A_305] : memref<80x88xf32, #tpu.memory_space<vmem>> -> memref<1x88xf32, #tpu.memory_space<vmem>>
        %swap3A_307 = tpu.memref_squeeze %swap3A_306 : memref<1x88xf32, #tpu.memory_space<vmem>> -> memref<88xf32, #tpu.memory_space<vmem>>
        %swap3A_308 = arith.constant 64 : index
        %swap3A_309 = tpu.vector_load %swap3A_307[%swap3A_308] masked %eq3A_29 {strides = array<i32>} : memref<88xf32, #tpu.memory_space<vmem>>, vector<16xf32>, vector<16xi1>
        tpu.vector_store %swap3A_307[%swap3A_308], %exp3A masked %eq3A_29 {strides = array<i32>} : memref<88xf32, #tpu.memory_space<vmem>>, vector<16xf32>, vector<16xi1>
        %add3A_310 = arith.addf %unpack3A_277, %unpack3A_282 : vector<16xf32>
        %mul3A_311 = arith.constant 2.000000e-01 : f32
        %mul3A_312 = vector.broadcast %mul3A_311 : f32 to vector<16xf32>
        %mul3A_313 = arith.mulf %mul3A_312, %add3A_310 : vector<16xf32>
        %max3A_314 = arith.maximumf %add3A_310, %mul3A_313 : vector<16xf32>
        %exp3A_315 = math.exp %max3A_314 : vector<16xf32>
        %mul3A_316 = arith.mulf %unpack3A_272, %exp3A_315 : vector<16xf32>
        %swap3A_317 = arith.index_cast %scan3A_269 : i32 to index
        %swap3A_318 = arith.constant 16 : index
        %swap3A_319 = tpu.vector_load %arg16[%swap3A_317, %swap3A_318] {strides = array<i32>} : memref<80x88xf32, #tpu.memory_space<vmem>>, vector<16xf32>,
        tpu.vector_store %arg16[%swap3A_317, %swap3A_318], %mul3A_316 {strides = array<i32>} : memref<80x88xf32, #tpu.memory_space<vmem>>, vector<16xf32>,
        %swap3A_320 = arith.constant 0 : i32
        %swap3A_321 = tpu.memref_slice %arg16[%scan3A_269, %swap3A_320] : memref<80x88xf32, #tpu.memory_space<vmem>> -> memref<1x88xf32, #tpu.memory_space<vmem>>
        %swap3A_322 = tpu.memref_squeeze %swap3A_321 : memref<1x88xf32, #tpu.memory_space<vmem>> -> memref<88xf32, #tpu.memory_space<vmem>>
        %swap3A_323 = arith.constant 66 : index
        %swap3A_324 = tpu.vector_load %swap3A_322[%swap3A_323] masked %eq3A_29 {strides = array<i32>} : memref<88xf32, #tpu.memory_space<vmem>>, vector<16xf32>, vector<16xi1>
        tpu.vector_store %swap3A_322[%swap3A_323], %exp3A_315 masked %eq3A_29 {strides = array<i32>} : memref<88xf32, #tpu.memory_space<vmem>>, vector<16xf32>, vector<16xi1>
        %add3A_325 = arith.addf %unpack3A_291, %unpack3A_296 : vector<16xf32>
        %mul3A_326 = arith.constant 2.000000e-01 : f32
        %mul3A_327 = vector.broadcast %mul3A_326 : f32 to vector<16xf32>
        %mul3A_328 = arith.mulf %mul3A_327, %add3A_325 : vector<16xf32>
        %max3A_329 = arith.maximumf %add3A_325, %mul3A_328 : vector<16xf32>
        %exp3A_330 = math.exp %max3A_329 : vector<16xf32>
        %mul3A_331 = arith.mulf %unpack3A_286, %exp3A_330 : vector<16xf32>
        %swap3A_332 = arith.index_cast %scan3A_269 : i32 to index
        %swap3A_333 = arith.constant 32 : index
        %swap3A_334 = tpu.vector_load %arg16[%swap3A_332, %swap3A_333] {strides = array<i32>} : memref<80x88xf32, #tpu.memory_space<vmem>>, vector<16xf32>,
        tpu.vector_store %arg16[%swap3A_332, %swap3A_333], %mul3A_331 {strides = array<i32>} : memref<80x88xf32, #tpu.memory_space<vmem>>, vector<16xf32>,
        %swap3A_335 = arith.constant 0 : i32
        %swap3A_336 = tpu.memref_slice %arg16[%scan3A_269, %swap3A_335] : memref<80x88xf32, #tpu.memory_space<vmem>> -> memref<1x88xf32, #tpu.memory_space<vmem>>
        %swap3A_337 = tpu.memref_squeeze %swap3A_336 : memref<1x88xf32, #tpu.memory_space<vmem>> -> memref<88xf32, #tpu.memory_space<vmem>>
        %swap3A_338 = arith.constant 68 : index
        %swap3A_339 = tpu.vector_load %swap3A_337[%swap3A_338] masked %eq3A_29 {strides = array<i32>} : memref<88xf32, #tpu.memory_space<vmem>>, vector<16xf32>, vector<16xi1>
        tpu.vector_store %swap3A_337[%swap3A_338], %exp3A_330 masked %eq3A_29 {strides = array<i32>} : memref<88xf32, #tpu.memory_space<vmem>>, vector<16xf32>, vector<16xi1>
        %add3A_340 = arith.addf %unpack3A_292, %unpack3A_297 : vector<16xf32>
        %mul3A_341 = arith.constant 2.000000e-01 : f32
        %mul3A_342 = vector.broadcast %mul3A_341 : f32 to vector<16xf32>
        %mul3A_343 = arith.mulf %mul3A_342, %add3A_340 : vector<16xf32>
        %max3A_344 = arith.maximumf %add3A_340, %mul3A_343 : vector<16xf32>
        %exp3A_345 = math.exp %max3A_344 : vector<16xf32>
        %mul3A_346 = arith.mulf %unpack3A_287, %exp3A_345 : vector<16xf32>
        %swap3A_347 = arith.index_cast %scan3A_269 : i32 to index
        %swap3A_348 = arith.constant 48 : index
        %swap3A_349 = tpu.vector_load %arg16[%swap3A_347, %swap3A_348] {strides = array<i32>} : memref<80x88xf32, #tpu.memory_space<vmem>>, vector<16xf32>,
        tpu.vector_store %arg16[%swap3A_347, %swap3A_348], %mul3A_346 {strides = array<i32>} : memref<80x88xf32, #tpu.memory_space<vmem>>, vector<16xf32>,
        %swap3A_350 = arith.constant 0 : i32
        %swap3A_351 = tpu.memref_slice %arg16[%scan3A_269, %swap3A_350] : memref<80x88xf32, #tpu.memory_space<vmem>> -> memref<1x88xf32, #tpu.memory_space<vmem>>
        %swap3A_352 = tpu.memref_squeeze %swap3A_351 : memref<1x88xf32, #tpu.memory_space<vmem>> -> memref<88xf32, #tpu.memory_space<vmem>>
        %swap3A_353 = arith.constant 70 : index
        %swap3A_354 = tpu.vector_load %swap3A_352[%swap3A_353] masked %eq3A_29 {strides = array<i32>} : memref<88xf32, #tpu.memory_space<vmem>>, vector<16xf32>, vector<16xi1>
        tpu.vector_store %swap3A_352[%swap3A_353], %exp3A_345 masked %eq3A_29 {strides = array<i32>} : memref<88xf32, #tpu.memory_space<vmem>>, vector<16xf32>, vector<16xi1>
        %scan3A_355 = arith.constant 1 : i32
        %scan3A_356 = arith.addi %scan3A_269, %scan3A_355 : i32
        %get3A_357 = arith.index_cast %scan3A_356 : i32 to index
        %get3A_358 = arith.constant 0 : index
        %get3A_359 = tpu.vector_load %arg10[%get3A_357, %get3A_358] {strides = array<i32>} : memref<80x128xbf16, #tpu.memory_space<vmem>>, vector<32xbf16>,
        %unpack3A_360 = tpu.unpack_subelements %get3A_359, 0 {pack_format = #tpu.pack_format<interleaved>} : vector<32xbf16> -> vector<16xf32>
        %unpack3A_361 = tpu.unpack_subelements %get3A_359, 1 {pack_format = #tpu.pack_format<interleaved>} : vector<32xbf16> -> vector<16xf32>
        %get3A_362 = arith.index_cast %scan3A_356 : i32 to index
        %get3A_363 = arith.constant 64 : index
        %get3A_364 = tpu.vector_load %arg10[%get3A_362, %get3A_363] {strides = array<i32>} : memref<80x128xbf16, #tpu.memory_space<vmem>>, vector<32xbf16>,
        %unpack3A_365 = tpu.unpack_subelements %get3A_364, 0 {pack_format = #tpu.pack_format<interleaved>} : vector<32xbf16> -> vector<16xf32>
        %unpack3A_366 = tpu.unpack_subelements %get3A_364, 1 {pack_format = #tpu.pack_format<interleaved>} : vector<32xbf16> -> vector<16xf32>
        %get3A_367 = arith.index_cast %scan3A_356 : i32 to index
        %get3A_368 = arith.constant 0 : index
        %get3A_369 = tpu.vector_load %arg13[%get3A_367, %get3A_368] {strides = array<i32>} : memref<80x64xbf16, #tpu.memory_space<vmem>>, vector<32xbf16>,
        %unpack3A_370 = tpu.unpack_subelements %get3A_369, 0 {pack_format = #tpu.pack_format<interleaved>} : vector<32xbf16> -> vector<16xf32>
        %unpack3A_371 = tpu.unpack_subelements %get3A_369, 1 {pack_format = #tpu.pack_format<interleaved>} : vector<32xbf16> -> vector<16xf32>
        %get3A_372 = arith.index_cast %scan3A_356 : i32 to index
        %get3A_373 = arith.constant 32 : index
        %get3A_374 = tpu.vector_load %arg10[%get3A_372, %get3A_373] {strides = array<i32>} : memref<80x128xbf16, #tpu.memory_space<vmem>>, vector<32xbf16>,
        %unpack3A_375 = tpu.unpack_subelements %get3A_374, 0 {pack_format = #tpu.pack_format<interleaved>} : vector<32xbf16> -> vector<16xf32>
        %unpack3A_376 = tpu.unpack_subelements %get3A_374, 1 {pack_format = #tpu.pack_format<interleaved>} : vector<32xbf16> -> vector<16xf32>
        %get3A_377 = arith.index_cast %scan3A_356 : i32 to index
        %get3A_378 = arith.constant 96 : index
        %get3A_379 = tpu.vector_load %arg10[%get3A_377, %get3A_378] {strides = array<i32>} : memref<80x128xbf16, #tpu.memory_space<vmem>>, vector<32xbf16>,
        %unpack3A_380 = tpu.unpack_subelements %get3A_379, 0 {pack_format = #tpu.pack_format<interleaved>} : vector<32xbf16> -> vector<16xf32>
        %unpack3A_381 = tpu.unpack_subelements %get3A_379, 1 {pack_format = #tpu.pack_format<interleaved>} : vector<32xbf16> -> vector<16xf32>
        %get3A_382 = arith.index_cast %scan3A_356 : i32 to index
        %get3A_383 = arith.constant 32 : index
        %get3A_384 = tpu.vector_load %arg13[%get3A_382, %get3A_383] {strides = array<i32>} : memref<80x64xbf16, #tpu.memory_space<vmem>>, vector<32xbf16>,
        %unpack3A_385 = tpu.unpack_subelements %get3A_384, 0 {pack_format = #tpu.pack_format<interleaved>} : vector<32xbf16> -> vector<16xf32>
        %unpack3A_386 = tpu.unpack_subelements %get3A_384, 1 {pack_format = #tpu.pack_format<interleaved>} : vector<32xbf16> -> vector<16xf32>
        %add3A_387 = arith.addf %unpack3A_365, %unpack3A_370 : vector<16xf32>
        %mul3A_388 = arith.constant 2.000000e-01 : f32
        %mul3A_389 = vector.broadcast %mul3A_388 : f32 to vector<16xf32>
        %mul3A_390 = arith.mulf %mul3A_389, %add3A_387 : vector<16xf32>
        %max3A_391 = arith.maximumf %add3A_387, %mul3A_390 : vector<16xf32>
        %exp3A_392 = math.exp %max3A_391 : vector<16xf32>
        %mul3A_393 = arith.mulf %unpack3A_360, %exp3A_392 : vector<16xf32>
        %swap3A_394 = arith.index_cast %scan3A_356 : i32 to index
        %swap3A_395 = arith.constant 0 : index
        %swap3A_396 = tpu.vector_load %arg16[%swap3A_394, %swap3A_395] {strides = array<i32>} : memref<80x88xf32, #tpu.memory_space<vmem>>, vector<16xf32>,
        tpu.vector_store %arg16[%swap3A_394, %swap3A_395], %mul3A_393 {strides = array<i32>} : memref<80x88xf32, #tpu.memory_space<vmem>>, vector<16xf32>,
        %swap3A_397 = arith.constant 0 : i32
        %swap3A_398 = tpu.memref_slice %arg16[%scan3A_356, %swap3A_397] : memref<80x88xf32, #tpu.memory_space<vmem>> -> memref<1x88xf32, #tpu.memory_space<vmem>>
        %swap3A_399 = tpu.memref_squeeze %swap3A_398 : memref<1x88xf32, #tpu.memory_space<vmem>> -> memref<88xf32, #tpu.memory_space<vmem>>
        %swap3A_400 = arith.constant 64 : index
        %swap3A_401 = tpu.vector_load %swap3A_399[%swap3A_400] masked %eq3A_29 {strides = array<i32>} : memref<88xf32, #tpu.memory_space<vmem>>, vector<16xf32>, vector<16xi1>
        tpu.vector_store %swap3A_399[%swap3A_400], %exp3A_392 masked %eq3A_29 {strides = array<i32>} : memref<88xf32, #tpu.memory_space<vmem>>, vector<16xf32>, vector<16xi1>
        %add3A_402 = arith.addf %unpack3A_366, %unpack3A_371 : vector<16xf32>
        %mul3A_403 = arith.constant 2.000000e-01 : f32
        %mul3A_404 = vector.broadcast %mul3A_403 : f32 to vector<16xf32>
        %mul3A_405 = arith.mulf %mul3A_404, %add3A_402 : vector<16xf32>
        %max3A_406 = arith.maximumf %add3A_402, %mul3A_405 : vector<16xf32>
        %exp3A_407 = math.exp %max3A_406 : vector<16xf32>
        %mul3A_408 = arith.mulf %unpack3A_361, %exp3A_407 : vector<16xf32>
        %swap3A_409 = arith.index_cast %scan3A_356 : i32 to index
        %swap3A_410 = arith.constant 16 : index
        %swap3A_411 = tpu.vector_load %arg16[%swap3A_409, %swap3A_410] {strides = array<i32>} : memref<80x88xf32, #tpu.memory_space<vmem>>, vector<16xf32>,
        tpu.vector_store %arg16[%swap3A_409, %swap3A_410], %mul3A_408 {strides = array<i32>} : memref<80x88xf32, #tpu.memory_space<vmem>>, vector<16xf32>,
        %swap3A_412 = arith.constant 0 : i32
        %swap3A_413 = tpu.memref_slice %arg16[%scan3A_356, %swap3A_412] : memref<80x88xf32, #tpu.memory_space<vmem>> -> memref<1x88xf32, #tpu.memory_space<vmem>>
        %swap3A_414 = tpu.memref_squeeze %swap3A_413 : memref<1x88xf32, #tpu.memory_space<vmem>> -> memref<88xf32, #tpu.memory_space<vmem>>
        %swap3A_415 = arith.constant 66 : index
        %swap3A_416 = tpu.vector_load %swap3A_414[%swap3A_415] masked %eq3A_29 {strides = array<i32>} : memref<88xf32, #tpu.memory_space<vmem>>, vector<16xf32>, vector<16xi1>
        tpu.vector_store %swap3A_414[%swap3A_415], %exp3A_407 masked %eq3A_29 {strides = array<i32>} : memref<88xf32, #tpu.memory_space<vmem>>, vector<16xf32>, vector<16xi1>
        %add3A_417 = arith.addf %unpack3A_380, %unpack3A_385 : vector<16xf32>
        %mul3A_418 = arith.constant 2.000000e-01 : f32
        %mul3A_419 = vector.broadcast %mul3A_418 : f32 to vector<16xf32>
        %mul3A_420 = arith.mulf %mul3A_419, %add3A_417 : vector<16xf32>
        %max3A_421 = arith.maximumf %add3A_417, %mul3A_420 : vector<16xf32>
        %exp3A_422 = math.exp %max3A_421 : vector<16xf32>
        %mul3A_423 = arith.mulf %unpack3A_375, %exp3A_422 : vector<16xf32>
        %swap3A_424 = arith.index_cast %scan3A_356 : i32 to index
        %swap3A_425 = arith.constant 32 : index
        %swap3A_426 = tpu.vector_load %arg16[%swap3A_424, %swap3A_425] {strides = array<i32>} : memref<80x88xf32, #tpu.memory_space<vmem>>, vector<16xf32>,
        tpu.vector_store %arg16[%swap3A_424, %swap3A_425], %mul3A_423 {strides = array<i32>} : memref<80x88xf32, #tpu.memory_space<vmem>>, vector<16xf32>,
        %swap3A_427 = arith.constant 0 : i32
        %swap3A_428 = tpu.memref_slice %arg16[%scan3A_356, %swap3A_427] : memref<80x88xf32, #tpu.memory_space<vmem>> -> memref<1x88xf32, #tpu.memory_space<vmem>>
        %swap3A_429 = tpu.memref_squeeze %swap3A_428 : memref<1x88xf32, #tpu.memory_space<vmem>> -> memref<88xf32, #tpu.memory_space<vmem>>
        %swap3A_430 = arith.constant 68 : index
        %swap3A_431 = tpu.vector_load %swap3A_429[%swap3A_430] masked %eq3A_29 {strides = array<i32>} : memref<88xf32, #tpu.memory_space<vmem>>, vector<16xf32>, vector<16xi1>
        tpu.vector_store %swap3A_429[%swap3A_430], %exp3A_422 masked %eq3A_29 {strides = array<i32>} : memref<88xf32, #tpu.memory_space<vmem>>, vector<16xf32>, vector<16xi1>
        %add3A_432 = arith.addf %unpack3A_381, %unpack3A_386 : vector<16xf32>
        %mul3A_433 = arith.constant 2.000000e-01 : f32
        %mul3A_434 = vector.broadcast %mul3A_433 : f32 to vector<16xf32>
        %mul3A_435 = arith.mulf %mul3A_434, %add3A_432 : vector<16xf32>
        %max3A_436 = arith.maximumf %add3A_432, %mul3A_435 : vector<16xf32>
        %exp3A_437 = math.exp %max3A_436 : vector<16xf32>
        %mul3A_438 = arith.mulf %unpack3A_376, %exp3A_437 : vector<16xf32>
        %swap3A_439 = arith.index_cast %scan3A_356 : i32 to index
        %swap3A_440 = arith.constant 48 : index
        %swap3A_441 = tpu.vector_load %arg16[%swap3A_439, %swap3A_440] {strides = array<i32>} : memref<80x88xf32, #tpu.memory_space<vmem>>, vector<16xf32>,
        tpu.vector_store %arg16[%swap3A_439, %swap3A_440], %mul3A_438 {strides = array<i32>} : memref<80x88xf32, #tpu.memory_space<vmem>>, vector<16xf32>,
        %swap3A_442 = arith.constant 0 : i32
        %swap3A_443 = tpu.memref_slice %arg16[%scan3A_356, %swap3A_442] : memref<80x88xf32, #tpu.memory_space<vmem>> -> memref<1x88xf32, #tpu.memory_space<vmem>>
        %swap3A_444 = tpu.memref_squeeze %swap3A_443 : memref<1x88xf32, #tpu.memory_space<vmem>> -> memref<88xf32, #tpu.memory_space<vmem>>
        %swap3A_445 = arith.constant 70 : index
        %swap3A_446 = tpu.vector_load %swap3A_444[%swap3A_445] masked %eq3A_29 {strides = array<i32>} : memref<88xf32, #tpu.memory_space<vmem>>, vector<16xf32>, vector<16xi1>
        tpu.vector_store %swap3A_444[%swap3A_445], %exp3A_437 masked %eq3A_29 {strides = array<i32>} : memref<88xf32, #tpu.memory_space<vmem>>, vector<16xf32>, vector<16xi1>
      }
      %scan3A_180 = arith.constant 80 : i32
      %dma_start3A_181 = arith.constant 0 : i32
      %dma_start3A_182 = tpu.memref_slice %arg9[%add3A_153, %dma_start3A_181] : memref<125x80xi32, #tpu.memory_space<vmem>> -> memref<1x80xi32, #tpu.memory_space<vmem>>
      %dma_start3A_183 = tpu.memref_squeeze %dma_start3A_182 : memref<1x80xi32, #tpu.memory_space<vmem>> -> memref<80xi32, #tpu.memory_space<vmem>>
      %dma_start3A_184 = arith.constant 0 : i32
      %dma_start3A_185 = arith.constant 0 : i32
      %dma_start3A_186 = tpu.memref_slice %arg19[%dma_start3A_184, %dma_start3A_185] : memref<10000x88xf32, #tpu.memory_space<vmem_shared>> -> memref<10000x88xf32, #tpu.memory_space<vmem_shared>>
      tpu.enqueue_indirect_dma source(%arg16 : memref<80x88xf32, #tpu.memory_space<vmem>>) target(%dma_start3A_186 : memref<10000x88xf32, #tpu.memory_space<vmem_shared>>) offsets(%dma_start3A_183 : memref<80xi32, #tpu.memory_space<vmem>>) semaphore(%arg26 : memref<!tpu.dma_semaphore, #tpu.memory_space<semaphore_mem>>) {add = true}
      %mul3A_187 = arith.constant 3 : i32
      %mul3A_188 = arith.muli %scan3A_149, %mul3A_187 : i32
      %add3A_189 = arith.constant 1 : i32
      %add3A_190 = arith.addi %mul3A_188, %add3A_189 : i32
      %add3A_191 = arith.constant 3 : i32
      %add3A_192 = arith.addi %add3A_190, %add3A_191 : i32
      %sub3A_193 = arith.constant 1 : i32
      %sub3A_194 = arith.subi %add3A_192, %sub3A_193 : i32
      %lt3A_195 = arith.constant 125 : i32
      %lt3A_196 = arith.cmpi slt, %sub3A_194, %lt3A_195 : i32
      %convert_element_type3A_197 = arith.extui %lt3A_196 : i1 to i32
      %cond3A_198 = arith.constant 0 : i32
      %cond3A_199 = arith.cmpi ne, %convert_element_type3A_197, %cond3A_198 : i32
      scf.if %cond3A_199 {
        %add3A_269 = arith.constant 3 : i32
        %add3A_270 = arith.addi %add3A_190, %add3A_269 : i32
        %sub3A_271 = arith.constant 1 : i32
        %sub3A_272 = arith.subi %add3A_270, %sub3A_271 : i32
        %dma_start3A_273 = arith.constant 0 : i32
        %dma_start3A_274 = tpu.memref_slice %arg8[%sub3A_272, %dma_start3A_273] : memref<125x80xi32, #tpu.memory_space<vmem>> -> memref<1x80xi32, #tpu.memory_space<vmem>>
        %dma_start3A_275 = tpu.memref_squeeze %dma_start3A_274 : memref<1x80xi32, #tpu.memory_space<vmem>> -> memref<80xi32, #tpu.memory_space<vmem>>
        %dma_start3A_276 = arith.constant 0 : i32
        %dma_start3A_277 = arith.constant 0 : i32
        %dma_start3A_278 = tpu.memref_slice %arg2[%dma_start3A_276, %dma_start3A_277] : memref<10000x128xbf16, #tpu.memory_space<hbm>> -> memref<10000x128xbf16, #tpu.memory_space<hbm>>
        tpu.enqueue_indirect_dma source(%dma_start3A_278 : memref<10000x128xbf16, #tpu.memory_space<hbm>>) target(%arg10 : memref<80x128xbf16, #tpu.memory_space<vmem>>) offsets(%dma_start3A_275 : memref<80xi32, #tpu.memory_space<vmem>>) semaphore(%arg20 : memref<!tpu.dma_semaphore, #tpu.memory_space<semaphore_mem>>)
        %dma_start3A_279 = arith.constant 0 : i32
        %dma_start3A_280 = tpu.memref_slice %arg9[%sub3A_272, %dma_start3A_279] : memref<125x80xi32, #tpu.memory_space<vmem>> -> memref<1x80xi32, #tpu.memory_space<vmem>>
        %dma_start3A_281 = tpu.memref_squeeze %dma_start3A_280 : memref<1x80xi32, #tpu.memory_space<vmem>> -> memref<80xi32, #tpu.memory_space<vmem>>
        %dma_start3A_282 = arith.constant 0 : i32
        %dma_start3A_283 = arith.constant 0 : i32
        %dma_start3A_284 = tpu.memref_slice %arg3[%dma_start3A_282, %dma_start3A_283] : memref<10000x64xbf16, #tpu.memory_space<hbm>> -> memref<10000x64xbf16, #tpu.memory_space<hbm>>
        tpu.enqueue_indirect_dma source(%dma_start3A_284 : memref<10000x64xbf16, #tpu.memory_space<hbm>>) target(%arg13 : memref<80x64xbf16, #tpu.memory_space<vmem>>) offsets(%dma_start3A_281 : memref<80xi32, #tpu.memory_space<vmem>>) semaphore(%arg23 : memref<!tpu.dma_semaphore, #tpu.memory_space<semaphore_mem>>)
      } else {
      }
      %dma_wait3A_200 = arith.constant 0 : i32
      %dma_wait3A_201 = tpu.memref_slice %arg8[%add3A_190, %dma_wait3A_200] : memref<125x80xi32, #tpu.memory_space<vmem>> -> memref<1x80xi32, #tpu.memory_space<vmem>>
      %dma_wait3A_202 = tpu.memref_squeeze %dma_wait3A_201 : memref<1x80xi32, #tpu.memory_space<vmem>> -> memref<80xi32, #tpu.memory_space<vmem>>
      %dma_wait3A_203 = arith.constant 0 : i32
      %dma_wait3A_204 = arith.constant 0 : i32
      %dma_wait3A_205 = tpu.memref_slice %arg2[%dma_wait3A_203, %dma_wait3A_204] : memref<10000x128xbf16, #tpu.memory_space<hbm>> -> memref<10000x128xbf16, #tpu.memory_space<hbm>>
      tpu.wait_indirect_dma semaphore(%arg21 : memref<!tpu.dma_semaphore, #tpu.memory_space<semaphore_mem>>) src(%dma_wait3A_205 : memref<10000x128xbf16, #tpu.memory_space<hbm>>) dst(%arg11 : memref<80x128xbf16, #tpu.memory_space<vmem>>)
      %dma_wait3A_206 = arith.constant 0 : i32
      %dma_wait3A_207 = tpu.memref_slice %arg9[%add3A_190, %dma_wait3A_206] : memref<125x80xi32, #tpu.memory_space<vmem>> -> memref<1x80xi32, #tpu.memory_space<vmem>>
      %dma_wait3A_208 = tpu.memref_squeeze %dma_wait3A_207 : memref<1x80xi32, #tpu.memory_space<vmem>> -> memref<80xi32, #tpu.memory_space<vmem>>
      %dma_wait3A_209 = arith.constant 0 : i32
      %dma_wait3A_210 = arith.constant 0 : i32
      %dma_wait3A_211 = tpu.memref_slice %arg3[%dma_wait3A_209, %dma_wait3A_210] : memref<10000x64xbf16, #tpu.memory_space<hbm>> -> memref<10000x64xbf16, #tpu.memory_space<hbm>>
      tpu.wait_indirect_dma semaphore(%arg24 : memref<!tpu.dma_semaphore, #tpu.memory_space<semaphore_mem>>) src(%dma_wait3A_211 : memref<10000x64xbf16, #tpu.memory_space<hbm>>) dst(%arg14 : memref<80x64xbf16, #tpu.memory_space<vmem>>)
      %gt3A_212 = arith.constant 0 : i32
      %gt3A_213 = arith.cmpi sgt, %scan3A_149, %gt3A_212 : i32
      %convert_element_type3A_214 = arith.extui %gt3A_213 : i1 to i32
      %cond3A_215 = arith.constant 0 : i32
      %cond3A_216 = arith.cmpi ne, %convert_element_type3A_214, %cond3A_215 : i32
      scf.if %cond3A_216 {
        %sub3A_269 = arith.constant 3 : i32
        %sub3A_270 = arith.subi %add3A_190, %sub3A_269 : i32
        %dma_wait3A_271 = arith.constant 0 : i32
        %dma_wait3A_272 = tpu.memref_slice %arg9[%sub3A_270, %dma_wait3A_271] : memref<125x80xi32, #tpu.memory_space<vmem>> -> memref<1x80xi32, #tpu.memory_space<vmem>>
        %dma_wait3A_273 = tpu.memref_squeeze %dma_wait3A_272 : memref<1x80xi32, #tpu.memory_space<vmem>> -> memref<80xi32, #tpu.memory_space<vmem>>
        %dma_wait3A_274 = arith.constant 0 : i32
        %dma_wait3A_275 = arith.constant 0 : i32
        %dma_wait3A_276 = tpu.memref_slice %arg19[%dma_wait3A_274, %dma_wait3A_275] : memref<10000x88xf32, #tpu.memory_space<vmem_shared>> -> memref<10000x88xf32, #tpu.memory_space<vmem_shared>>
        tpu.wait_indirect_dma semaphore(%arg27 : memref<!tpu.dma_semaphore, #tpu.memory_space<semaphore_mem>>) src(%arg17 : memref<80x88xf32, #tpu.memory_space<vmem>>) dst(%dma_wait3A_276 : memref<10000x88xf32, #tpu.memory_space<vmem_shared>>)
      } else {
      }
      %scan3A_217 = arith.constant 0 : i32
      %scan3A_218 = arith.constant 80 : i32
      %scan3A_219 = arith.addi %scan3A_217, %scan3A_218 : i32
      %scan3A_220 = arith.constant 2 : i32
      scf.for %scan3A_269 = %scan3A_217 to %scan3A_219 step %scan3A_220  : i32 {
        %get3A = arith.index_cast %scan3A_269 : i32 to index
        %get3A_270 = arith.constant 0 : index
        %get3A_271 = tpu.vector_load %arg11[%get3A, %get3A_270] {strides = array<i32>} : memref<80x128xbf16, #tpu.memory_space<vmem>>, vector<32xbf16>,
        %unpack3A = tpu.unpack_subelements %get3A_271, 0 {pack_format = #tpu.pack_format<interleaved>} : vector<32xbf16> -> vector<16xf32>
        %unpack3A_272 = tpu.unpack_subelements %get3A_271, 1 {pack_format = #tpu.pack_format<interleaved>} : vector<32xbf16> -> vector<16xf32>
        %get3A_273 = arith.index_cast %scan3A_269 : i32 to index
        %get3A_274 = arith.constant 64 : index
        %get3A_275 = tpu.vector_load %arg11[%get3A_273, %get3A_274] {strides = array<i32>} : memref<80x128xbf16, #tpu.memory_space<vmem>>, vector<32xbf16>,
        %unpack3A_276 = tpu.unpack_subelements %get3A_275, 0 {pack_format = #tpu.pack_format<interleaved>} : vector<32xbf16> -> vector<16xf32>
        %unpack3A_277 = tpu.unpack_subelements %get3A_275, 1 {pack_format = #tpu.pack_format<interleaved>} : vector<32xbf16> -> vector<16xf32>
        %get3A_278 = arith.index_cast %scan3A_269 : i32 to index
        %get3A_279 = arith.constant 0 : index
        %get3A_280 = tpu.vector_load %arg14[%get3A_278, %get3A_279] {strides = array<i32>} : memref<80x64xbf16, #tpu.memory_space<vmem>>, vector<32xbf16>,
        %unpack3A_281 = tpu.unpack_subelements %get3A_280, 0 {pack_format = #tpu.pack_format<interleaved>} : vector<32xbf16> -> vector<16xf32>
        %unpack3A_282 = tpu.unpack_subelements %get3A_280, 1 {pack_format = #tpu.pack_format<interleaved>} : vector<32xbf16> -> vector<16xf32>
        %get3A_283 = arith.index_cast %scan3A_269 : i32 to index
        %get3A_284 = arith.constant 32 : index
        %get3A_285 = tpu.vector_load %arg11[%get3A_283, %get3A_284] {strides = array<i32>} : memref<80x128xbf16, #tpu.memory_space<vmem>>, vector<32xbf16>,
        %unpack3A_286 = tpu.unpack_subelements %get3A_285, 0 {pack_format = #tpu.pack_format<interleaved>} : vector<32xbf16> -> vector<16xf32>
        %unpack3A_287 = tpu.unpack_subelements %get3A_285, 1 {pack_format = #tpu.pack_format<interleaved>} : vector<32xbf16> -> vector<16xf32>
        %get3A_288 = arith.index_cast %scan3A_269 : i32 to index
        %get3A_289 = arith.constant 96 : index
        %get3A_290 = tpu.vector_load %arg11[%get3A_288, %get3A_289] {strides = array<i32>} : memref<80x128xbf16, #tpu.memory_space<vmem>>, vector<32xbf16>,
        %unpack3A_291 = tpu.unpack_subelements %get3A_290, 0 {pack_format = #tpu.pack_format<interleaved>} : vector<32xbf16> -> vector<16xf32>
        %unpack3A_292 = tpu.unpack_subelements %get3A_290, 1 {pack_format = #tpu.pack_format<interleaved>} : vector<32xbf16> -> vector<16xf32>
        %get3A_293 = arith.index_cast %scan3A_269 : i32 to index
        %get3A_294 = arith.constant 32 : index
        %get3A_295 = tpu.vector_load %arg14[%get3A_293, %get3A_294] {strides = array<i32>} : memref<80x64xbf16, #tpu.memory_space<vmem>>, vector<32xbf16>,
        %unpack3A_296 = tpu.unpack_subelements %get3A_295, 0 {pack_format = #tpu.pack_format<interleaved>} : vector<32xbf16> -> vector<16xf32>
        %unpack3A_297 = tpu.unpack_subelements %get3A_295, 1 {pack_format = #tpu.pack_format<interleaved>} : vector<32xbf16> -> vector<16xf32>
        %add3A_298 = arith.addf %unpack3A_276, %unpack3A_281 : vector<16xf32>
        %mul3A_299 = arith.constant 2.000000e-01 : f32
        %mul3A_300 = vector.broadcast %mul3A_299 : f32 to vector<16xf32>
        %mul3A_301 = arith.mulf %mul3A_300, %add3A_298 : vector<16xf32>
        %max3A = arith.maximumf %add3A_298, %mul3A_301 : vector<16xf32>
        %exp3A = math.exp %max3A : vector<16xf32>
        %mul3A_302 = arith.mulf %unpack3A, %exp3A : vector<16xf32>
        %swap3A = arith.index_cast %scan3A_269 : i32 to index
        %swap3A_303 = arith.constant 0 : index
        %swap3A_304 = tpu.vector_load %arg17[%swap3A, %swap3A_303] {strides = array<i32>} : memref<80x88xf32, #tpu.memory_space<vmem>>, vector<16xf32>,
        tpu.vector_store %arg17[%swap3A, %swap3A_303], %mul3A_302 {strides = array<i32>} : memref<80x88xf32, #tpu.memory_space<vmem>>, vector<16xf32>,
        %swap3A_305 = arith.constant 0 : i32
        %swap3A_306 = tpu.memref_slice %arg17[%scan3A_269, %swap3A_305] : memref<80x88xf32, #tpu.memory_space<vmem>> -> memref<1x88xf32, #tpu.memory_space<vmem>>
        %swap3A_307 = tpu.memref_squeeze %swap3A_306 : memref<1x88xf32, #tpu.memory_space<vmem>> -> memref<88xf32, #tpu.memory_space<vmem>>
        %swap3A_308 = arith.constant 64 : index
        %swap3A_309 = tpu.vector_load %swap3A_307[%swap3A_308] masked %eq3A_29 {strides = array<i32>} : memref<88xf32, #tpu.memory_space<vmem>>, vector<16xf32>, vector<16xi1>
        tpu.vector_store %swap3A_307[%swap3A_308], %exp3A masked %eq3A_29 {strides = array<i32>} : memref<88xf32, #tpu.memory_space<vmem>>, vector<16xf32>, vector<16xi1>
        %add3A_310 = arith.addf %unpack3A_277, %unpack3A_282 : vector<16xf32>
        %mul3A_311 = arith.constant 2.000000e-01 : f32
        %mul3A_312 = vector.broadcast %mul3A_311 : f32 to vector<16xf32>
        %mul3A_313 = arith.mulf %mul3A_312, %add3A_310 : vector<16xf32>
        %max3A_314 = arith.maximumf %add3A_310, %mul3A_313 : vector<16xf32>
        %exp3A_315 = math.exp %max3A_314 : vector<16xf32>
        %mul3A_316 = arith.mulf %unpack3A_272, %exp3A_315 : vector<16xf32>
        %swap3A_317 = arith.index_cast %scan3A_269 : i32 to index
        %swap3A_318 = arith.constant 16 : index
        %swap3A_319 = tpu.vector_load %arg17[%swap3A_317, %swap3A_318] {strides = array<i32>} : memref<80x88xf32, #tpu.memory_space<vmem>>, vector<16xf32>,
        tpu.vector_store %arg17[%swap3A_317, %swap3A_318], %mul3A_316 {strides = array<i32>} : memref<80x88xf32, #tpu.memory_space<vmem>>, vector<16xf32>,
        %swap3A_320 = arith.constant 0 : i32
        %swap3A_321 = tpu.memref_slice %arg17[%scan3A_269, %swap3A_320] : memref<80x88xf32, #tpu.memory_space<vmem>> -> memref<1x88xf32, #tpu.memory_space<vmem>>
        %swap3A_322 = tpu.memref_squeeze %swap3A_321 : memref<1x88xf32, #tpu.memory_space<vmem>> -> memref<88xf32, #tpu.memory_space<vmem>>
        %swap3A_323 = arith.constant 66 : index
        %swap3A_324 = tpu.vector_load %swap3A_322[%swap3A_323] masked %eq3A_29 {strides = array<i32>} : memref<88xf32, #tpu.memory_space<vmem>>, vector<16xf32>, vector<16xi1>
        tpu.vector_store %swap3A_322[%swap3A_323], %exp3A_315 masked %eq3A_29 {strides = array<i32>} : memref<88xf32, #tpu.memory_space<vmem>>, vector<16xf32>, vector<16xi1>
        %add3A_325 = arith.addf %unpack3A_291, %unpack3A_296 : vector<16xf32>
        %mul3A_326 = arith.constant 2.000000e-01 : f32
        %mul3A_327 = vector.broadcast %mul3A_326 : f32 to vector<16xf32>
        %mul3A_328 = arith.mulf %mul3A_327, %add3A_325 : vector<16xf32>
        %max3A_329 = arith.maximumf %add3A_325, %mul3A_328 : vector<16xf32>
        %exp3A_330 = math.exp %max3A_329 : vector<16xf32>
        %mul3A_331 = arith.mulf %unpack3A_286, %exp3A_330 : vector<16xf32>
        %swap3A_332 = arith.index_cast %scan3A_269 : i32 to index
        %swap3A_333 = arith.constant 32 : index
        %swap3A_334 = tpu.vector_load %arg17[%swap3A_332, %swap3A_333] {strides = array<i32>} : memref<80x88xf32, #tpu.memory_space<vmem>>, vector<16xf32>,
        tpu.vector_store %arg17[%swap3A_332, %swap3A_333], %mul3A_331 {strides = array<i32>} : memref<80x88xf32, #tpu.memory_space<vmem>>, vector<16xf32>,
        %swap3A_335 = arith.constant 0 : i32
        %swap3A_336 = tpu.memref_slice %arg17[%scan3A_269, %swap3A_335] : memref<80x88xf32, #tpu.memory_space<vmem>> -> memref<1x88xf32, #tpu.memory_space<vmem>>
        %swap3A_337 = tpu.memref_squeeze %swap3A_336 : memref<1x88xf32, #tpu.memory_space<vmem>> -> memref<88xf32, #tpu.memory_space<vmem>>
        %swap3A_338 = arith.constant 68 : index
        %swap3A_339 = tpu.vector_load %swap3A_337[%swap3A_338] masked %eq3A_29 {strides = array<i32>} : memref<88xf32, #tpu.memory_space<vmem>>, vector<16xf32>, vector<16xi1>
        tpu.vector_store %swap3A_337[%swap3A_338], %exp3A_330 masked %eq3A_29 {strides = array<i32>} : memref<88xf32, #tpu.memory_space<vmem>>, vector<16xf32>, vector<16xi1>
        %add3A_340 = arith.addf %unpack3A_292, %unpack3A_297 : vector<16xf32>
        %mul3A_341 = arith.constant 2.000000e-01 : f32
        %mul3A_342 = vector.broadcast %mul3A_341 : f32 to vector<16xf32>
        %mul3A_343 = arith.mulf %mul3A_342, %add3A_340 : vector<16xf32>
        %max3A_344 = arith.maximumf %add3A_340, %mul3A_343 : vector<16xf32>
        %exp3A_345 = math.exp %max3A_344 : vector<16xf32>
        %mul3A_346 = arith.mulf %unpack3A_287, %exp3A_345 : vector<16xf32>
        %swap3A_347 = arith.index_cast %scan3A_269 : i32 to index
        %swap3A_348 = arith.constant 48 : index
        %swap3A_349 = tpu.vector_load %arg17[%swap3A_347, %swap3A_348] {strides = array<i32>} : memref<80x88xf32, #tpu.memory_space<vmem>>, vector<16xf32>,
        tpu.vector_store %arg17[%swap3A_347, %swap3A_348], %mul3A_346 {strides = array<i32>} : memref<80x88xf32, #tpu.memory_space<vmem>>, vector<16xf32>,
        %swap3A_350 = arith.constant 0 : i32
        %swap3A_351 = tpu.memref_slice %arg17[%scan3A_269, %swap3A_350] : memref<80x88xf32, #tpu.memory_space<vmem>> -> memref<1x88xf32, #tpu.memory_space<vmem>>
        %swap3A_352 = tpu.memref_squeeze %swap3A_351 : memref<1x88xf32, #tpu.memory_space<vmem>> -> memref<88xf32, #tpu.memory_space<vmem>>
        %swap3A_353 = arith.constant 70 : index
        %swap3A_354 = tpu.vector_load %swap3A_352[%swap3A_353] masked %eq3A_29 {strides = array<i32>} : memref<88xf32, #tpu.memory_space<vmem>>, vector<16xf32>, vector<16xi1>
        tpu.vector_store %swap3A_352[%swap3A_353], %exp3A_345 masked %eq3A_29 {strides = array<i32>} : memref<88xf32, #tpu.memory_space<vmem>>, vector<16xf32>, vector<16xi1>
        %scan3A_355 = arith.constant 1 : i32
        %scan3A_356 = arith.addi %scan3A_269, %scan3A_355 : i32
        %get3A_357 = arith.index_cast %scan3A_356 : i32 to index
        %get3A_358 = arith.constant 0 : index
        %get3A_359 = tpu.vector_load %arg11[%get3A_357, %get3A_358] {strides = array<i32>} : memref<80x128xbf16, #tpu.memory_space<vmem>>, vector<32xbf16>,
        %unpack3A_360 = tpu.unpack_subelements %get3A_359, 0 {pack_format = #tpu.pack_format<interleaved>} : vector<32xbf16> -> vector<16xf32>
        %unpack3A_361 = tpu.unpack_subelements %get3A_359, 1 {pack_format = #tpu.pack_format<interleaved>} : vector<32xbf16> -> vector<16xf32>
        %get3A_362 = arith.index_cast %scan3A_356 : i32 to index
        %get3A_363 = arith.constant 64 : index
        %get3A_364 = tpu.vector_load %arg11[%get3A_362, %get3A_363] {strides = array<i32>} : memref<80x128xbf16, #tpu.memory_space<vmem>>, vector<32xbf16>,
        %unpack3A_365 = tpu.unpack_subelements %get3A_364, 0 {pack_format = #tpu.pack_format<interleaved>} : vector<32xbf16> -> vector<16xf32>
        %unpack3A_366 = tpu.unpack_subelements %get3A_364, 1 {pack_format = #tpu.pack_format<interleaved>} : vector<32xbf16> -> vector<16xf32>
        %get3A_367 = arith.index_cast %scan3A_356 : i32 to index
        %get3A_368 = arith.constant 0 : index
        %get3A_369 = tpu.vector_load %arg14[%get3A_367, %get3A_368] {strides = array<i32>} : memref<80x64xbf16, #tpu.memory_space<vmem>>, vector<32xbf16>,
        %unpack3A_370 = tpu.unpack_subelements %get3A_369, 0 {pack_format = #tpu.pack_format<interleaved>} : vector<32xbf16> -> vector<16xf32>
        %unpack3A_371 = tpu.unpack_subelements %get3A_369, 1 {pack_format = #tpu.pack_format<interleaved>} : vector<32xbf16> -> vector<16xf32>
        %get3A_372 = arith.index_cast %scan3A_356 : i32 to index
        %get3A_373 = arith.constant 32 : index
        %get3A_374 = tpu.vector_load %arg11[%get3A_372, %get3A_373] {strides = array<i32>} : memref<80x128xbf16, #tpu.memory_space<vmem>>, vector<32xbf16>,
        %unpack3A_375 = tpu.unpack_subelements %get3A_374, 0 {pack_format = #tpu.pack_format<interleaved>} : vector<32xbf16> -> vector<16xf32>
        %unpack3A_376 = tpu.unpack_subelements %get3A_374, 1 {pack_format = #tpu.pack_format<interleaved>} : vector<32xbf16> -> vector<16xf32>
        %get3A_377 = arith.index_cast %scan3A_356 : i32 to index
        %get3A_378 = arith.constant 96 : index
        %get3A_379 = tpu.vector_load %arg11[%get3A_377, %get3A_378] {strides = array<i32>} : memref<80x128xbf16, #tpu.memory_space<vmem>>, vector<32xbf16>,
        %unpack3A_380 = tpu.unpack_subelements %get3A_379, 0 {pack_format = #tpu.pack_format<interleaved>} : vector<32xbf16> -> vector<16xf32>
        %unpack3A_381 = tpu.unpack_subelements %get3A_379, 1 {pack_format = #tpu.pack_format<interleaved>} : vector<32xbf16> -> vector<16xf32>
        %get3A_382 = arith.index_cast %scan3A_356 : i32 to index
        %get3A_383 = arith.constant 32 : index
        %get3A_384 = tpu.vector_load %arg14[%get3A_382, %get3A_383] {strides = array<i32>} : memref<80x64xbf16, #tpu.memory_space<vmem>>, vector<32xbf16>,
        %unpack3A_385 = tpu.unpack_subelements %get3A_384, 0 {pack_format = #tpu.pack_format<interleaved>} : vector<32xbf16> -> vector<16xf32>
        %unpack3A_386 = tpu.unpack_subelements %get3A_384, 1 {pack_format = #tpu.pack_format<interleaved>} : vector<32xbf16> -> vector<16xf32>
        %add3A_387 = arith.addf %unpack3A_365, %unpack3A_370 : vector<16xf32>
        %mul3A_388 = arith.constant 2.000000e-01 : f32
        %mul3A_389 = vector.broadcast %mul3A_388 : f32 to vector<16xf32>
        %mul3A_390 = arith.mulf %mul3A_389, %add3A_387 : vector<16xf32>
        %max3A_391 = arith.maximumf %add3A_387, %mul3A_390 : vector<16xf32>
        %exp3A_392 = math.exp %max3A_391 : vector<16xf32>
        %mul3A_393 = arith.mulf %unpack3A_360, %exp3A_392 : vector<16xf32>
        %swap3A_394 = arith.index_cast %scan3A_356 : i32 to index
        %swap3A_395 = arith.constant 0 : index
        %swap3A_396 = tpu.vector_load %arg17[%swap3A_394, %swap3A_395] {strides = array<i32>} : memref<80x88xf32, #tpu.memory_space<vmem>>, vector<16xf32>,
        tpu.vector_store %arg17[%swap3A_394, %swap3A_395], %mul3A_393 {strides = array<i32>} : memref<80x88xf32, #tpu.memory_space<vmem>>, vector<16xf32>,
        %swap3A_397 = arith.constant 0 : i32
        %swap3A_398 = tpu.memref_slice %arg17[%scan3A_356, %swap3A_397] : memref<80x88xf32, #tpu.memory_space<vmem>> -> memref<1x88xf32, #tpu.memory_space<vmem>>
        %swap3A_399 = tpu.memref_squeeze %swap3A_398 : memref<1x88xf32, #tpu.memory_space<vmem>> -> memref<88xf32, #tpu.memory_space<vmem>>
        %swap3A_400 = arith.constant 64 : index
        %swap3A_401 = tpu.vector_load %swap3A_399[%swap3A_400] masked %eq3A_29 {strides = array<i32>} : memref<88xf32, #tpu.memory_space<vmem>>, vector<16xf32>, vector<16xi1>
        tpu.vector_store %swap3A_399[%swap3A_400], %exp3A_392 masked %eq3A_29 {strides = array<i32>} : memref<88xf32, #tpu.memory_space<vmem>>, vector<16xf32>, vector<16xi1>
        %add3A_402 = arith.addf %unpack3A_366, %unpack3A_371 : vector<16xf32>
        %mul3A_403 = arith.constant 2.000000e-01 : f32
        %mul3A_404 = vector.broadcast %mul3A_403 : f32 to vector<16xf32>
        %mul3A_405 = arith.mulf %mul3A_404, %add3A_402 : vector<16xf32>
        %max3A_406 = arith.maximumf %add3A_402, %mul3A_405 : vector<16xf32>
        %exp3A_407 = math.exp %max3A_406 : vector<16xf32>
        %mul3A_408 = arith.mulf %unpack3A_361, %exp3A_407 : vector<16xf32>
        %swap3A_409 = arith.index_cast %scan3A_356 : i32 to index
        %swap3A_410 = arith.constant 16 : index
        %swap3A_411 = tpu.vector_load %arg17[%swap3A_409, %swap3A_410] {strides = array<i32>} : memref<80x88xf32, #tpu.memory_space<vmem>>, vector<16xf32>,
        tpu.vector_store %arg17[%swap3A_409, %swap3A_410], %mul3A_408 {strides = array<i32>} : memref<80x88xf32, #tpu.memory_space<vmem>>, vector<16xf32>,
        %swap3A_412 = arith.constant 0 : i32
        %swap3A_413 = tpu.memref_slice %arg17[%scan3A_356, %swap3A_412] : memref<80x88xf32, #tpu.memory_space<vmem>> -> memref<1x88xf32, #tpu.memory_space<vmem>>
        %swap3A_414 = tpu.memref_squeeze %swap3A_413 : memref<1x88xf32, #tpu.memory_space<vmem>> -> memref<88xf32, #tpu.memory_space<vmem>>
        %swap3A_415 = arith.constant 66 : index
        %swap3A_416 = tpu.vector_load %swap3A_414[%swap3A_415] masked %eq3A_29 {strides = array<i32>} : memref<88xf32, #tpu.memory_space<vmem>>, vector<16xf32>, vector<16xi1>
        tpu.vector_store %swap3A_414[%swap3A_415], %exp3A_407 masked %eq3A_29 {strides = array<i32>} : memref<88xf32, #tpu.memory_space<vmem>>, vector<16xf32>, vector<16xi1>
        %add3A_417 = arith.addf %unpack3A_380, %unpack3A_385 : vector<16xf32>
        %mul3A_418 = arith.constant 2.000000e-01 : f32
        %mul3A_419 = vector.broadcast %mul3A_418 : f32 to vector<16xf32>
        %mul3A_420 = arith.mulf %mul3A_419, %add3A_417 : vector<16xf32>
        %max3A_421 = arith.maximumf %add3A_417, %mul3A_420 : vector<16xf32>
        %exp3A_422 = math.exp %max3A_421 : vector<16xf32>
        %mul3A_423 = arith.mulf %unpack3A_375, %exp3A_422 : vector<16xf32>
        %swap3A_424 = arith.index_cast %scan3A_356 : i32 to index
        %swap3A_425 = arith.constant 32 : index
        %swap3A_426 = tpu.vector_load %arg17[%swap3A_424, %swap3A_425] {strides = array<i32>} : memref<80x88xf32, #tpu.memory_space<vmem>>, vector<16xf32>,
        tpu.vector_store %arg17[%swap3A_424, %swap3A_425], %mul3A_423 {strides = array<i32>} : memref<80x88xf32, #tpu.memory_space<vmem>>, vector<16xf32>,
        %swap3A_427 = arith.constant 0 : i32
        %swap3A_428 = tpu.memref_slice %arg17[%scan3A_356, %swap3A_427] : memref<80x88xf32, #tpu.memory_space<vmem>> -> memref<1x88xf32, #tpu.memory_space<vmem>>
        %swap3A_429 = tpu.memref_squeeze %swap3A_428 : memref<1x88xf32, #tpu.memory_space<vmem>> -> memref<88xf32, #tpu.memory_space<vmem>>
        %swap3A_430 = arith.constant 68 : index
        %swap3A_431 = tpu.vector_load %swap3A_429[%swap3A_430] masked %eq3A_29 {strides = array<i32>} : memref<88xf32, #tpu.memory_space<vmem>>, vector<16xf32>, vector<16xi1>
        tpu.vector_store %swap3A_429[%swap3A_430], %exp3A_422 masked %eq3A_29 {strides = array<i32>} : memref<88xf32, #tpu.memory_space<vmem>>, vector<16xf32>, vector<16xi1>
        %add3A_432 = arith.addf %unpack3A_381, %unpack3A_386 : vector<16xf32>
        %mul3A_433 = arith.constant 2.000000e-01 : f32
        %mul3A_434 = vector.broadcast %mul3A_433 : f32 to vector<16xf32>
        %mul3A_435 = arith.mulf %mul3A_434, %add3A_432 : vector<16xf32>
        %max3A_436 = arith.maximumf %add3A_432, %mul3A_435 : vector<16xf32>
        %exp3A_437 = math.exp %max3A_436 : vector<16xf32>
        %mul3A_438 = arith.mulf %unpack3A_376, %exp3A_437 : vector<16xf32>
        %swap3A_439 = arith.index_cast %scan3A_356 : i32 to index
        %swap3A_440 = arith.constant 48 : index
        %swap3A_441 = tpu.vector_load %arg17[%swap3A_439, %swap3A_440] {strides = array<i32>} : memref<80x88xf32, #tpu.memory_space<vmem>>, vector<16xf32>,
        tpu.vector_store %arg17[%swap3A_439, %swap3A_440], %mul3A_438 {strides = array<i32>} : memref<80x88xf32, #tpu.memory_space<vmem>>, vector<16xf32>,
        %swap3A_442 = arith.constant 0 : i32
        %swap3A_443 = tpu.memref_slice %arg17[%scan3A_356, %swap3A_442] : memref<80x88xf32, #tpu.memory_space<vmem>> -> memref<1x88xf32, #tpu.memory_space<vmem>>
        %swap3A_444 = tpu.memref_squeeze %swap3A_443 : memref<1x88xf32, #tpu.memory_space<vmem>> -> memref<88xf32, #tpu.memory_space<vmem>>
        %swap3A_445 = arith.constant 70 : index
        %swap3A_446 = tpu.vector_load %swap3A_444[%swap3A_445] masked %eq3A_29 {strides = array<i32>} : memref<88xf32, #tpu.memory_space<vmem>>, vector<16xf32>, vector<16xi1>
        tpu.vector_store %swap3A_444[%swap3A_445], %exp3A_437 masked %eq3A_29 {strides = array<i32>} : memref<88xf32, #tpu.memory_space<vmem>>, vector<16xf32>, vector<16xi1>
      }
      %scan3A_221 = arith.constant 80 : i32
      %dma_start3A_222 = arith.constant 0 : i32
      %dma_start3A_223 = tpu.memref_slice %arg9[%add3A_190, %dma_start3A_222] : memref<125x80xi32, #tpu.memory_space<vmem>> -> memref<1x80xi32, #tpu.memory_space<vmem>>
      %dma_start3A_224 = tpu.memref_squeeze %dma_start3A_223 : memref<1x80xi32, #tpu.memory_space<vmem>> -> memref<80xi32, #tpu.memory_space<vmem>>
      %dma_start3A_225 = arith.constant 0 : i32
      %dma_start3A_226 = arith.constant 0 : i32
      %dma_start3A_227 = tpu.memref_slice %arg19[%dma_start3A_225, %dma_start3A_226] : memref<10000x88xf32, #tpu.memory_space<vmem_shared>> -> memref<10000x88xf32, #tpu.memory_space<vmem_shared>>
      tpu.enqueue_indirect_dma source(%arg17 : memref<80x88xf32, #tpu.memory_space<vmem>>) target(%dma_start3A_227 : memref<10000x88xf32, #tpu.memory_space<vmem_shared>>) offsets(%dma_start3A_224 : memref<80xi32, #tpu.memory_space<vmem>>) semaphore(%arg27 : memref<!tpu.dma_semaphore, #tpu.memory_space<semaphore_mem>>) {add = true}
      %mul3A_228 = arith.constant 3 : i32
      %mul3A_229 = arith.muli %scan3A_149, %mul3A_228 : i32
      %add3A_230 = arith.constant 2 : i32
      %add3A_231 = arith.addi %mul3A_229, %add3A_230 : i32
      %add3A_232 = arith.constant 3 : i32
      %add3A_233 = arith.addi %add3A_231, %add3A_232 : i32
      %sub3A_234 = arith.constant 1 : i32
      %sub3A_235 = arith.subi %add3A_233, %sub3A_234 : i32
      %lt3A_236 = arith.constant 125 : i32
      %lt3A_237 = arith.cmpi slt, %sub3A_235, %lt3A_236 : i32
      %convert_element_type3A_238 = arith.extui %lt3A_237 : i1 to i32
      %cond3A_239 = arith.constant 0 : i32
      %cond3A_240 = arith.cmpi ne, %convert_element_type3A_238, %cond3A_239 : i32
      scf.if %cond3A_240 {
        %add3A_269 = arith.constant 3 : i32
        %add3A_270 = arith.addi %add3A_231, %add3A_269 : i32
        %sub3A_271 = arith.constant 1 : i32
        %sub3A_272 = arith.subi %add3A_270, %sub3A_271 : i32
        %dma_start3A_273 = arith.constant 0 : i32
        %dma_start3A_274 = tpu.memref_slice %arg8[%sub3A_272, %dma_start3A_273] : memref<125x80xi32, #tpu.memory_space<vmem>> -> memref<1x80xi32, #tpu.memory_space<vmem>>
        %dma_start3A_275 = tpu.memref_squeeze %dma_start3A_274 : memref<1x80xi32, #tpu.memory_space<vmem>> -> memref<80xi32, #tpu.memory_space<vmem>>
        %dma_start3A_276 = arith.constant 0 : i32
        %dma_start3A_277 = arith.constant 0 : i32
        %dma_start3A_278 = tpu.memref_slice %arg2[%dma_start3A_276, %dma_start3A_277] : memref<10000x128xbf16, #tpu.memory_space<hbm>> -> memref<10000x128xbf16, #tpu.memory_space<hbm>>
        tpu.enqueue_indirect_dma source(%dma_start3A_278 : memref<10000x128xbf16, #tpu.memory_space<hbm>>) target(%arg11 : memref<80x128xbf16, #tpu.memory_space<vmem>>) offsets(%dma_start3A_275 : memref<80xi32, #tpu.memory_space<vmem>>) semaphore(%arg21 : memref<!tpu.dma_semaphore, #tpu.memory_space<semaphore_mem>>)
        %dma_start3A_279 = arith.constant 0 : i32
        %dma_start3A_280 = tpu.memref_slice %arg9[%sub3A_272, %dma_start3A_279] : memref<125x80xi32, #tpu.memory_space<vmem>> -> memref<1x80xi32, #tpu.memory_space<vmem>>
        %dma_start3A_281 = tpu.memref_squeeze %dma_start3A_280 : memref<1x80xi32, #tpu.memory_space<vmem>> -> memref<80xi32, #tpu.memory_space<vmem>>
        %dma_start3A_282 = arith.constant 0 : i32
        %dma_start3A_283 = arith.constant 0 : i32
        %dma_start3A_284 = tpu.memref_slice %arg3[%dma_start3A_282, %dma_start3A_283] : memref<10000x64xbf16, #tpu.memory_space<hbm>> -> memref<10000x64xbf16, #tpu.memory_space<hbm>>
        tpu.enqueue_indirect_dma source(%dma_start3A_284 : memref<10000x64xbf16, #tpu.memory_space<hbm>>) target(%arg14 : memref<80x64xbf16, #tpu.memory_space<vmem>>) offsets(%dma_start3A_281 : memref<80xi32, #tpu.memory_space<vmem>>) semaphore(%arg24 : memref<!tpu.dma_semaphore, #tpu.memory_space<semaphore_mem>>)
      } else {
      }
      %dma_wait3A_241 = arith.constant 0 : i32
      %dma_wait3A_242 = tpu.memref_slice %arg8[%add3A_231, %dma_wait3A_241] : memref<125x80xi32, #tpu.memory_space<vmem>> -> memref<1x80xi32, #tpu.memory_space<vmem>>
      %dma_wait3A_243 = tpu.memref_squeeze %dma_wait3A_242 : memref<1x80xi32, #tpu.memory_space<vmem>> -> memref<80xi32, #tpu.memory_space<vmem>>
      %dma_wait3A_244 = arith.constant 0 : i32
      %dma_wait3A_245 = arith.constant 0 : i32
      %dma_wait3A_246 = tpu.memref_slice %arg2[%dma_wait3A_244, %dma_wait3A_245] : memref<10000x128xbf16, #tpu.memory_space<hbm>> -> memref<10000x128xbf16, #tpu.memory_space<hbm>>
      tpu.wait_indirect_dma semaphore(%arg22 : memref<!tpu.dma_semaphore, #tpu.memory_space<semaphore_mem>>) src(%dma_wait3A_246 : memref<10000x128xbf16, #tpu.memory_space<hbm>>) dst(%arg12 : memref<80x128xbf16, #tpu.memory_space<vmem>>)
      %dma_wait3A_247 = arith.constant 0 : i32
      %dma_wait3A_248 = tpu.memref_slice %arg9[%add3A_231, %dma_wait3A_247] : memref<125x80xi32, #tpu.memory_space<vmem>> -> memref<1x80xi32, #tpu.memory_space<vmem>>
      %dma_wait3A_249 = tpu.memref_squeeze %dma_wait3A_248 : memref<1x80xi32, #tpu.memory_space<vmem>> -> memref<80xi32, #tpu.memory_space<vmem>>
      %dma_wait3A_250 = arith.constant 0 : i32
      %dma_wait3A_251 = arith.constant 0 : i32
      %dma_wait3A_252 = tpu.memref_slice %arg3[%dma_wait3A_250, %dma_wait3A_251] : memref<10000x64xbf16, #tpu.memory_space<hbm>> -> memref<10000x64xbf16, #tpu.memory_space<hbm>>
      tpu.wait_indirect_dma semaphore(%arg25 : memref<!tpu.dma_semaphore, #tpu.memory_space<semaphore_mem>>) src(%dma_wait3A_252 : memref<10000x64xbf16, #tpu.memory_space<hbm>>) dst(%arg15 : memref<80x64xbf16, #tpu.memory_space<vmem>>)
      %gt3A_253 = arith.constant 0 : i32
      %gt3A_254 = arith.cmpi sgt, %scan3A_149, %gt3A_253 : i32
      %convert_element_type3A_255 = arith.extui %gt3A_254 : i1 to i32
      %cond3A_256 = arith.constant 0 : i32
      %cond3A_257 = arith.cmpi ne, %convert_element_type3A_255, %cond3A_256 : i32
      scf.if %cond3A_257 {
        %sub3A_269 = arith.constant 3 : i32
        %sub3A_270 = arith.subi %add3A_231, %sub3A_269 : i32
        %dma_wait3A_271 = arith.constant 0 : i32
        %dma_wait3A_272 = tpu.memref_slice %arg9[%sub3A_270, %dma_wait3A_271] : memref<125x80xi32, #tpu.memory_space<vmem>> -> memref<1x80xi32, #tpu.memory_space<vmem>>
        %dma_wait3A_273 = tpu.memref_squeeze %dma_wait3A_272 : memref<1x80xi32, #tpu.memory_space<vmem>> -> memref<80xi32, #tpu.memory_space<vmem>>
        %dma_wait3A_274 = arith.constant 0 : i32
        %dma_wait3A_275 = arith.constant 0 : i32
        %dma_wait3A_276 = tpu.memref_slice %arg19[%dma_wait3A_274, %dma_wait3A_275] : memref<10000x88xf32, #tpu.memory_space<vmem_shared>> -> memref<10000x88xf32, #tpu.memory_space<vmem_shared>>
        tpu.wait_indirect_dma semaphore(%arg28 : memref<!tpu.dma_semaphore, #tpu.memory_space<semaphore_mem>>) src(%arg18 : memref<80x88xf32, #tpu.memory_space<vmem>>) dst(%dma_wait3A_276 : memref<10000x88xf32, #tpu.memory_space<vmem_shared>>)
      } else {
      }
      %scan3A_258 = arith.constant 0 : i32
      %scan3A_259 = arith.constant 80 : i32
      %scan3A_260 = arith.addi %scan3A_258, %scan3A_259 : i32
      %scan3A_261 = arith.constant 2 : i32
      scf.for %scan3A_269 = %scan3A_258 to %scan3A_260 step %scan3A_261  : i32 {
        %get3A = arith.index_cast %scan3A_269 : i32 to index
        %get3A_270 = arith.constant 0 : index
        %get3A_271 = tpu.vector_load %arg12[%get3A, %get3A_270] {strides = array<i32>} : memref<80x128xbf16, #tpu.memory_space<vmem>>, vector<32xbf16>,
        %unpack3A = tpu.unpack_subelements %get3A_271, 0 {pack_format = #tpu.pack_format<interleaved>} : vector<32xbf16> -> vector<16xf32>
        %unpack3A_272 = tpu.unpack_subelements %get3A_271, 1 {pack_format = #tpu.pack_format<interleaved>} : vector<32xbf16> -> vector<16xf32>
        %get3A_273 = arith.index_cast %scan3A_269 : i32 to index
        %get3A_274 = arith.constant 64 : index
        %get3A_275 = tpu.vector_load %arg12[%get3A_273, %get3A_274] {strides = array<i32>} : memref<80x128xbf16, #tpu.memory_space<vmem>>, vector<32xbf16>,
        %unpack3A_276 = tpu.unpack_subelements %get3A_275, 0 {pack_format = #tpu.pack_format<interleaved>} : vector<32xbf16> -> vector<16xf32>
        %unpack3A_277 = tpu.unpack_subelements %get3A_275, 1 {pack_format = #tpu.pack_format<interleaved>} : vector<32xbf16> -> vector<16xf32>
        %get3A_278 = arith.index_cast %scan3A_269 : i32 to index
        %get3A_279 = arith.constant 0 : index
        %get3A_280 = tpu.vector_load %arg15[%get3A_278, %get3A_279] {strides = array<i32>} : memref<80x64xbf16, #tpu.memory_space<vmem>>, vector<32xbf16>,
        %unpack3A_281 = tpu.unpack_subelements %get3A_280, 0 {pack_format = #tpu.pack_format<interleaved>} : vector<32xbf16> -> vector<16xf32>
        %unpack3A_282 = tpu.unpack_subelements %get3A_280, 1 {pack_format = #tpu.pack_format<interleaved>} : vector<32xbf16> -> vector<16xf32>
        %get3A_283 = arith.index_cast %scan3A_269 : i32 to index
        %get3A_284 = arith.constant 32 : index
        %get3A_285 = tpu.vector_load %arg12[%get3A_283, %get3A_284] {strides = array<i32>} : memref<80x128xbf16, #tpu.memory_space<vmem>>, vector<32xbf16>,
        %unpack3A_286 = tpu.unpack_subelements %get3A_285, 0 {pack_format = #tpu.pack_format<interleaved>} : vector<32xbf16> -> vector<16xf32>
        %unpack3A_287 = tpu.unpack_subelements %get3A_285, 1 {pack_format = #tpu.pack_format<interleaved>} : vector<32xbf16> -> vector<16xf32>
        %get3A_288 = arith.index_cast %scan3A_269 : i32 to index
        %get3A_289 = arith.constant 96 : index
        %get3A_290 = tpu.vector_load %arg12[%get3A_288, %get3A_289] {strides = array<i32>} : memref<80x128xbf16, #tpu.memory_space<vmem>>, vector<32xbf16>,
        %unpack3A_291 = tpu.unpack_subelements %get3A_290, 0 {pack_format = #tpu.pack_format<interleaved>} : vector<32xbf16> -> vector<16xf32>
        %unpack3A_292 = tpu.unpack_subelements %get3A_290, 1 {pack_format = #tpu.pack_format<interleaved>} : vector<32xbf16> -> vector<16xf32>
        %get3A_293 = arith.index_cast %scan3A_269 : i32 to index
        %get3A_294 = arith.constant 32 : index
        %get3A_295 = tpu.vector_load %arg15[%get3A_293, %get3A_294] {strides = array<i32>} : memref<80x64xbf16, #tpu.memory_space<vmem>>, vector<32xbf16>,
        %unpack3A_296 = tpu.unpack_subelements %get3A_295, 0 {pack_format = #tpu.pack_format<interleaved>} : vector<32xbf16> -> vector<16xf32>
        %unpack3A_297 = tpu.unpack_subelements %get3A_295, 1 {pack_format = #tpu.pack_format<interleaved>} : vector<32xbf16> -> vector<16xf32>
        %add3A_298 = arith.addf %unpack3A_276, %unpack3A_281 : vector<16xf32>
        %mul3A_299 = arith.constant 2.000000e-01 : f32
        %mul3A_300 = vector.broadcast %mul3A_299 : f32 to vector<16xf32>
        %mul3A_301 = arith.mulf %mul3A_300, %add3A_298 : vector<16xf32>
        %max3A = arith.maximumf %add3A_298, %mul3A_301 : vector<16xf32>
        %exp3A = math.exp %max3A : vector<16xf32>
        %mul3A_302 = arith.mulf %unpack3A, %exp3A : vector<16xf32>
        %swap3A = arith.index_cast %scan3A_269 : i32 to index
        %swap3A_303 = arith.constant 0 : index
        %swap3A_304 = tpu.vector_load %arg18[%swap3A, %swap3A_303] {strides = array<i32>} : memref<80x88xf32, #tpu.memory_space<vmem>>, vector<16xf32>,
        tpu.vector_store %arg18[%swap3A, %swap3A_303], %mul3A_302 {strides = array<i32>} : memref<80x88xf32, #tpu.memory_space<vmem>>, vector<16xf32>,
        %swap3A_305 = arith.constant 0 : i32
        %swap3A_306 = tpu.memref_slice %arg18[%scan3A_269, %swap3A_305] : memref<80x88xf32, #tpu.memory_space<vmem>> -> memref<1x88xf32, #tpu.memory_space<vmem>>
        %swap3A_307 = tpu.memref_squeeze %swap3A_306 : memref<1x88xf32, #tpu.memory_space<vmem>> -> memref<88xf32, #tpu.memory_space<vmem>>
        %swap3A_308 = arith.constant 64 : index
        %swap3A_309 = tpu.vector_load %swap3A_307[%swap3A_308] masked %eq3A_29 {strides = array<i32>} : memref<88xf32, #tpu.memory_space<vmem>>, vector<16xf32>, vector<16xi1>
        tpu.vector_store %swap3A_307[%swap3A_308], %exp3A masked %eq3A_29 {strides = array<i32>} : memref<88xf32, #tpu.memory_space<vmem>>, vector<16xf32>, vector<16xi1>
        %add3A_310 = arith.addf %unpack3A_277, %unpack3A_282 : vector<16xf32>
        %mul3A_311 = arith.constant 2.000000e-01 : f32
        %mul3A_312 = vector.broadcast %mul3A_311 : f32 to vector<16xf32>
        %mul3A_313 = arith.mulf %mul3A_312, %add3A_310 : vector<16xf32>
        %max3A_314 = arith.maximumf %add3A_310, %mul3A_313 : vector<16xf32>
        %exp3A_315 = math.exp %max3A_314 : vector<16xf32>
        %mul3A_316 = arith.mulf %unpack3A_272, %exp3A_315 : vector<16xf32>
        %swap3A_317 = arith.index_cast %scan3A_269 : i32 to index
        %swap3A_318 = arith.constant 16 : index
        %swap3A_319 = tpu.vector_load %arg18[%swap3A_317, %swap3A_318] {strides = array<i32>} : memref<80x88xf32, #tpu.memory_space<vmem>>, vector<16xf32>,
        tpu.vector_store %arg18[%swap3A_317, %swap3A_318], %mul3A_316 {strides = array<i32>} : memref<80x88xf32, #tpu.memory_space<vmem>>, vector<16xf32>,
        %swap3A_320 = arith.constant 0 : i32
        %swap3A_321 = tpu.memref_slice %arg18[%scan3A_269, %swap3A_320] : memref<80x88xf32, #tpu.memory_space<vmem>> -> memref<1x88xf32, #tpu.memory_space<vmem>>
        %swap3A_322 = tpu.memref_squeeze %swap3A_321 : memref<1x88xf32, #tpu.memory_space<vmem>> -> memref<88xf32, #tpu.memory_space<vmem>>
        %swap3A_323 = arith.constant 66 : index
        %swap3A_324 = tpu.vector_load %swap3A_322[%swap3A_323] masked %eq3A_29 {strides = array<i32>} : memref<88xf32, #tpu.memory_space<vmem>>, vector<16xf32>, vector<16xi1>
        tpu.vector_store %swap3A_322[%swap3A_323], %exp3A_315 masked %eq3A_29 {strides = array<i32>} : memref<88xf32, #tpu.memory_space<vmem>>, vector<16xf32>, vector<16xi1>
        %add3A_325 = arith.addf %unpack3A_291, %unpack3A_296 : vector<16xf32>
        %mul3A_326 = arith.constant 2.000000e-01 : f32
        %mul3A_327 = vector.broadcast %mul3A_326 : f32 to vector<16xf32>
        %mul3A_328 = arith.mulf %mul3A_327, %add3A_325 : vector<16xf32>
        %max3A_329 = arith.maximumf %add3A_325, %mul3A_328 : vector<16xf32>
        %exp3A_330 = math.exp %max3A_329 : vector<16xf32>
        %mul3A_331 = arith.mulf %unpack3A_286, %exp3A_330 : vector<16xf32>
        %swap3A_332 = arith.index_cast %scan3A_269 : i32 to index
        %swap3A_333 = arith.constant 32 : index
        %swap3A_334 = tpu.vector_load %arg18[%swap3A_332, %swap3A_333] {strides = array<i32>} : memref<80x88xf32, #tpu.memory_space<vmem>>, vector<16xf32>,
        tpu.vector_store %arg18[%swap3A_332, %swap3A_333], %mul3A_331 {strides = array<i32>} : memref<80x88xf32, #tpu.memory_space<vmem>>, vector<16xf32>,
        %swap3A_335 = arith.constant 0 : i32
        %swap3A_336 = tpu.memref_slice %arg18[%scan3A_269, %swap3A_335] : memref<80x88xf32, #tpu.memory_space<vmem>> -> memref<1x88xf32, #tpu.memory_space<vmem>>
        %swap3A_337 = tpu.memref_squeeze %swap3A_336 : memref<1x88xf32, #tpu.memory_space<vmem>> -> memref<88xf32, #tpu.memory_space<vmem>>
        %swap3A_338 = arith.constant 68 : index
        %swap3A_339 = tpu.vector_load %swap3A_337[%swap3A_338] masked %eq3A_29 {strides = array<i32>} : memref<88xf32, #tpu.memory_space<vmem>>, vector<16xf32>, vector<16xi1>
        tpu.vector_store %swap3A_337[%swap3A_338], %exp3A_330 masked %eq3A_29 {strides = array<i32>} : memref<88xf32, #tpu.memory_space<vmem>>, vector<16xf32>, vector<16xi1>
        %add3A_340 = arith.addf %unpack3A_292, %unpack3A_297 : vector<16xf32>
        %mul3A_341 = arith.constant 2.000000e-01 : f32
        %mul3A_342 = vector.broadcast %mul3A_341 : f32 to vector<16xf32>
        %mul3A_343 = arith.mulf %mul3A_342, %add3A_340 : vector<16xf32>
        %max3A_344 = arith.maximumf %add3A_340, %mul3A_343 : vector<16xf32>
        %exp3A_345 = math.exp %max3A_344 : vector<16xf32>
        %mul3A_346 = arith.mulf %unpack3A_287, %exp3A_345 : vector<16xf32>
        %swap3A_347 = arith.index_cast %scan3A_269 : i32 to index
        %swap3A_348 = arith.constant 48 : index
        %swap3A_349 = tpu.vector_load %arg18[%swap3A_347, %swap3A_348] {strides = array<i32>} : memref<80x88xf32, #tpu.memory_space<vmem>>, vector<16xf32>,
        tpu.vector_store %arg18[%swap3A_347, %swap3A_348], %mul3A_346 {strides = array<i32>} : memref<80x88xf32, #tpu.memory_space<vmem>>, vector<16xf32>,
        %swap3A_350 = arith.constant 0 : i32
        %swap3A_351 = tpu.memref_slice %arg18[%scan3A_269, %swap3A_350] : memref<80x88xf32, #tpu.memory_space<vmem>> -> memref<1x88xf32, #tpu.memory_space<vmem>>
        %swap3A_352 = tpu.memref_squeeze %swap3A_351 : memref<1x88xf32, #tpu.memory_space<vmem>> -> memref<88xf32, #tpu.memory_space<vmem>>
        %swap3A_353 = arith.constant 70 : index
        %swap3A_354 = tpu.vector_load %swap3A_352[%swap3A_353] masked %eq3A_29 {strides = array<i32>} : memref<88xf32, #tpu.memory_space<vmem>>, vector<16xf32>, vector<16xi1>
        tpu.vector_store %swap3A_352[%swap3A_353], %exp3A_345 masked %eq3A_29 {strides = array<i32>} : memref<88xf32, #tpu.memory_space<vmem>>, vector<16xf32>, vector<16xi1>
        %scan3A_355 = arith.constant 1 : i32
        %scan3A_356 = arith.addi %scan3A_269, %scan3A_355 : i32
        %get3A_357 = arith.index_cast %scan3A_356 : i32 to index
        %get3A_358 = arith.constant 0 : index
        %get3A_359 = tpu.vector_load %arg12[%get3A_357, %get3A_358] {strides = array<i32>} : memref<80x128xbf16, #tpu.memory_space<vmem>>, vector<32xbf16>,
        %unpack3A_360 = tpu.unpack_subelements %get3A_359, 0 {pack_format = #tpu.pack_format<interleaved>} : vector<32xbf16> -> vector<16xf32>
        %unpack3A_361 = tpu.unpack_subelements %get3A_359, 1 {pack_format = #tpu.pack_format<interleaved>} : vector<32xbf16> -> vector<16xf32>
        %get3A_362 = arith.index_cast %scan3A_356 : i32 to index
        %get3A_363 = arith.constant 64 : index
        %get3A_364 = tpu.vector_load %arg12[%get3A_362, %get3A_363] {strides = array<i32>} : memref<80x128xbf16, #tpu.memory_space<vmem>>, vector<32xbf16>,
        %unpack3A_365 = tpu.unpack_subelements %get3A_364, 0 {pack_format = #tpu.pack_format<interleaved>} : vector<32xbf16> -> vector<16xf32>
        %unpack3A_366 = tpu.unpack_subelements %get3A_364, 1 {pack_format = #tpu.pack_format<interleaved>} : vector<32xbf16> -> vector<16xf32>
        %get3A_367 = arith.index_cast %scan3A_356 : i32 to index
        %get3A_368 = arith.constant 0 : index
        %get3A_369 = tpu.vector_load %arg15[%get3A_367, %get3A_368] {strides = array<i32>} : memref<80x64xbf16, #tpu.memory_space<vmem>>, vector<32xbf16>,
        %unpack3A_370 = tpu.unpack_subelements %get3A_369, 0 {pack_format = #tpu.pack_format<interleaved>} : vector<32xbf16> -> vector<16xf32>
        %unpack3A_371 = tpu.unpack_subelements %get3A_369, 1 {pack_format = #tpu.pack_format<interleaved>} : vector<32xbf16> -> vector<16xf32>
        %get3A_372 = arith.index_cast %scan3A_356 : i32 to index
        %get3A_373 = arith.constant 32 : index
        %get3A_374 = tpu.vector_load %arg12[%get3A_372, %get3A_373] {strides = array<i32>} : memref<80x128xbf16, #tpu.memory_space<vmem>>, vector<32xbf16>,
        %unpack3A_375 = tpu.unpack_subelements %get3A_374, 0 {pack_format = #tpu.pack_format<interleaved>} : vector<32xbf16> -> vector<16xf32>
        %unpack3A_376 = tpu.unpack_subelements %get3A_374, 1 {pack_format = #tpu.pack_format<interleaved>} : vector<32xbf16> -> vector<16xf32>
        %get3A_377 = arith.index_cast %scan3A_356 : i32 to index
        %get3A_378 = arith.constant 96 : index
        %get3A_379 = tpu.vector_load %arg12[%get3A_377, %get3A_378] {strides = array<i32>} : memref<80x128xbf16, #tpu.memory_space<vmem>>, vector<32xbf16>,
        %unpack3A_380 = tpu.unpack_subelements %get3A_379, 0 {pack_format = #tpu.pack_format<interleaved>} : vector<32xbf16> -> vector<16xf32>
        %unpack3A_381 = tpu.unpack_subelements %get3A_379, 1 {pack_format = #tpu.pack_format<interleaved>} : vector<32xbf16> -> vector<16xf32>
        %get3A_382 = arith.index_cast %scan3A_356 : i32 to index
        %get3A_383 = arith.constant 32 : index
        %get3A_384 = tpu.vector_load %arg15[%get3A_382, %get3A_383] {strides = array<i32>} : memref<80x64xbf16, #tpu.memory_space<vmem>>, vector<32xbf16>,
        %unpack3A_385 = tpu.unpack_subelements %get3A_384, 0 {pack_format = #tpu.pack_format<interleaved>} : vector<32xbf16> -> vector<16xf32>
        %unpack3A_386 = tpu.unpack_subelements %get3A_384, 1 {pack_format = #tpu.pack_format<interleaved>} : vector<32xbf16> -> vector<16xf32>
        %add3A_387 = arith.addf %unpack3A_365, %unpack3A_370 : vector<16xf32>
        %mul3A_388 = arith.constant 2.000000e-01 : f32
        %mul3A_389 = vector.broadcast %mul3A_388 : f32 to vector<16xf32>
        %mul3A_390 = arith.mulf %mul3A_389, %add3A_387 : vector<16xf32>
        %max3A_391 = arith.maximumf %add3A_387, %mul3A_390 : vector<16xf32>
        %exp3A_392 = math.exp %max3A_391 : vector<16xf32>
        %mul3A_393 = arith.mulf %unpack3A_360, %exp3A_392 : vector<16xf32>
        %swap3A_394 = arith.index_cast %scan3A_356 : i32 to index
        %swap3A_395 = arith.constant 0 : index
        %swap3A_396 = tpu.vector_load %arg18[%swap3A_394, %swap3A_395] {strides = array<i32>} : memref<80x88xf32, #tpu.memory_space<vmem>>, vector<16xf32>,
        tpu.vector_store %arg18[%swap3A_394, %swap3A_395], %mul3A_393 {strides = array<i32>} : memref<80x88xf32, #tpu.memory_space<vmem>>, vector<16xf32>,
        %swap3A_397 = arith.constant 0 : i32
        %swap3A_398 = tpu.memref_slice %arg18[%scan3A_356, %swap3A_397] : memref<80x88xf32, #tpu.memory_space<vmem>> -> memref<1x88xf32, #tpu.memory_space<vmem>>
        %swap3A_399 = tpu.memref_squeeze %swap3A_398 : memref<1x88xf32, #tpu.memory_space<vmem>> -> memref<88xf32, #tpu.memory_space<vmem>>
        %swap3A_400 = arith.constant 64 : index
        %swap3A_401 = tpu.vector_load %swap3A_399[%swap3A_400] masked %eq3A_29 {strides = array<i32>} : memref<88xf32, #tpu.memory_space<vmem>>, vector<16xf32>, vector<16xi1>
        tpu.vector_store %swap3A_399[%swap3A_400], %exp3A_392 masked %eq3A_29 {strides = array<i32>} : memref<88xf32, #tpu.memory_space<vmem>>, vector<16xf32>, vector<16xi1>
        %add3A_402 = arith.addf %unpack3A_366, %unpack3A_371 : vector<16xf32>
        %mul3A_403 = arith.constant 2.000000e-01 : f32
        %mul3A_404 = vector.broadcast %mul3A_403 : f32 to vector<16xf32>
        %mul3A_405 = arith.mulf %mul3A_404, %add3A_402 : vector<16xf32>
        %max3A_406 = arith.maximumf %add3A_402, %mul3A_405 : vector<16xf32>
        %exp3A_407 = math.exp %max3A_406 : vector<16xf32>
        %mul3A_408 = arith.mulf %unpack3A_361, %exp3A_407 : vector<16xf32>
        %swap3A_409 = arith.index_cast %scan3A_356 : i32 to index
        %swap3A_410 = arith.constant 16 : index
        %swap3A_411 = tpu.vector_load %arg18[%swap3A_409, %swap3A_410] {strides = array<i32>} : memref<80x88xf32, #tpu.memory_space<vmem>>, vector<16xf32>,
        tpu.vector_store %arg18[%swap3A_409, %swap3A_410], %mul3A_408 {strides = array<i32>} : memref<80x88xf32, #tpu.memory_space<vmem>>, vector<16xf32>,
        %swap3A_412 = arith.constant 0 : i32
        %swap3A_413 = tpu.memref_slice %arg18[%scan3A_356, %swap3A_412] : memref<80x88xf32, #tpu.memory_space<vmem>> -> memref<1x88xf32, #tpu.memory_space<vmem>>
        %swap3A_414 = tpu.memref_squeeze %swap3A_413 : memref<1x88xf32, #tpu.memory_space<vmem>> -> memref<88xf32, #tpu.memory_space<vmem>>
        %swap3A_415 = arith.constant 66 : index
        %swap3A_416 = tpu.vector_load %swap3A_414[%swap3A_415] masked %eq3A_29 {strides = array<i32>} : memref<88xf32, #tpu.memory_space<vmem>>, vector<16xf32>, vector<16xi1>
        tpu.vector_store %swap3A_414[%swap3A_415], %exp3A_407 masked %eq3A_29 {strides = array<i32>} : memref<88xf32, #tpu.memory_space<vmem>>, vector<16xf32>, vector<16xi1>
        %add3A_417 = arith.addf %unpack3A_380, %unpack3A_385 : vector<16xf32>
        %mul3A_418 = arith.constant 2.000000e-01 : f32
        %mul3A_419 = vector.broadcast %mul3A_418 : f32 to vector<16xf32>
        %mul3A_420 = arith.mulf %mul3A_419, %add3A_417 : vector<16xf32>
        %max3A_421 = arith.maximumf %add3A_417, %mul3A_420 : vector<16xf32>
        %exp3A_422 = math.exp %max3A_421 : vector<16xf32>
        %mul3A_423 = arith.mulf %unpack3A_375, %exp3A_422 : vector<16xf32>
        %swap3A_424 = arith.index_cast %scan3A_356 : i32 to index
        %swap3A_425 = arith.constant 32 : index
        %swap3A_426 = tpu.vector_load %arg18[%swap3A_424, %swap3A_425] {strides = array<i32>} : memref<80x88xf32, #tpu.memory_space<vmem>>, vector<16xf32>,
        tpu.vector_store %arg18[%swap3A_424, %swap3A_425], %mul3A_423 {strides = array<i32>} : memref<80x88xf32, #tpu.memory_space<vmem>>, vector<16xf32>,
        %swap3A_427 = arith.constant 0 : i32
        %swap3A_428 = tpu.memref_slice %arg18[%scan3A_356, %swap3A_427] : memref<80x88xf32, #tpu.memory_space<vmem>> -> memref<1x88xf32, #tpu.memory_space<vmem>>
        %swap3A_429 = tpu.memref_squeeze %swap3A_428 : memref<1x88xf32, #tpu.memory_space<vmem>> -> memref<88xf32, #tpu.memory_space<vmem>>
        %swap3A_430 = arith.constant 68 : index
        %swap3A_431 = tpu.vector_load %swap3A_429[%swap3A_430] masked %eq3A_29 {strides = array<i32>} : memref<88xf32, #tpu.memory_space<vmem>>, vector<16xf32>, vector<16xi1>
        tpu.vector_store %swap3A_429[%swap3A_430], %exp3A_422 masked %eq3A_29 {strides = array<i32>} : memref<88xf32, #tpu.memory_space<vmem>>, vector<16xf32>, vector<16xi1>
        %add3A_432 = arith.addf %unpack3A_381, %unpack3A_386 : vector<16xf32>
        %mul3A_433 = arith.constant 2.000000e-01 : f32
        %mul3A_434 = vector.broadcast %mul3A_433 : f32 to vector<16xf32>
        %mul3A_435 = arith.mulf %mul3A_434, %add3A_432 : vector<16xf32>
        %max3A_436 = arith.maximumf %add3A_432, %mul3A_435 : vector<16xf32>
        %exp3A_437 = math.exp %max3A_436 : vector<16xf32>
        %mul3A_438 = arith.mulf %unpack3A_376, %exp3A_437 : vector<16xf32>
        %swap3A_439 = arith.index_cast %scan3A_356 : i32 to index
        %swap3A_440 = arith.constant 48 : index
        %swap3A_441 = tpu.vector_load %arg18[%swap3A_439, %swap3A_440] {strides = array<i32>} : memref<80x88xf32, #tpu.memory_space<vmem>>, vector<16xf32>,
        tpu.vector_store %arg18[%swap3A_439, %swap3A_440], %mul3A_438 {strides = array<i32>} : memref<80x88xf32, #tpu.memory_space<vmem>>, vector<16xf32>,
        %swap3A_442 = arith.constant 0 : i32
        %swap3A_443 = tpu.memref_slice %arg18[%scan3A_356, %swap3A_442] : memref<80x88xf32, #tpu.memory_space<vmem>> -> memref<1x88xf32, #tpu.memory_space<vmem>>
        %swap3A_444 = tpu.memref_squeeze %swap3A_443 : memref<1x88xf32, #tpu.memory_space<vmem>> -> memref<88xf32, #tpu.memory_space<vmem>>
        %swap3A_445 = arith.constant 70 : index
        %swap3A_446 = tpu.vector_load %swap3A_444[%swap3A_445] masked %eq3A_29 {strides = array<i32>} : memref<88xf32, #tpu.memory_space<vmem>>, vector<16xf32>, vector<16xi1>
        tpu.vector_store %swap3A_444[%swap3A_445], %exp3A_437 masked %eq3A_29 {strides = array<i32>} : memref<88xf32, #tpu.memory_space<vmem>>, vector<16xf32>, vector<16xi1>
      }
      %scan3A_262 = arith.constant 80 : i32
      %dma_start3A_263 = arith.constant 0 : i32
      %dma_start3A_264 = tpu.memref_slice %arg9[%add3A_231, %dma_start3A_263] : memref<125x80xi32, #tpu.memory_space<vmem>> -> memref<1x80xi32, #tpu.memory_space<vmem>>
      %dma_start3A_265 = tpu.memref_squeeze %dma_start3A_264 : memref<1x80xi32, #tpu.memory_space<vmem>> -> memref<80xi32, #tpu.memory_space<vmem>>
      %dma_start3A_266 = arith.constant 0 : i32
      %dma_start3A_267 = arith.constant 0 : i32
      %dma_start3A_268 = tpu.memref_slice %arg19[%dma_start3A_266, %dma_start3A_267] : memref<10000x88xf32, #tpu.memory_space<vmem_shared>> -> memref<10000x88xf32, #tpu.memory_space<vmem_shared>>
      tpu.enqueue_indirect_dma source(%arg18 : memref<80x88xf32, #tpu.memory_space<vmem>>) target(%dma_start3A_268 : memref<10000x88xf32, #tpu.memory_space<vmem_shared>>) offsets(%dma_start3A_265 : memref<80xi32, #tpu.memory_space<vmem>>) semaphore(%arg28 : memref<!tpu.dma_semaphore, #tpu.memory_space<semaphore_mem>>) {add = true}
    }
    %scan3A_61 = arith.constant 41 : i32
    %dma_wait3A = arith.constant 123 : i32
    %dma_wait3A_62 = arith.constant 0 : i32
    %dma_wait3A_63 = tpu.memref_slice %arg8[%dma_wait3A, %dma_wait3A_62] : memref<125x80xi32, #tpu.memory_space<vmem>> -> memref<1x80xi32, #tpu.memory_space<vmem>>
    %dma_wait3A_64 = tpu.memref_squeeze %dma_wait3A_63 : memref<1x80xi32, #tpu.memory_space<vmem>> -> memref<80xi32, #tpu.memory_space<vmem>>
    %dma_wait3A_65 = arith.constant 0 : i32
    %dma_wait3A_66 = arith.constant 0 : i32
    %dma_wait3A_67 = tpu.memref_slice %arg2[%dma_wait3A_65, %dma_wait3A_66] : memref<10000x128xbf16, #tpu.memory_space<hbm>> -> memref<10000x128xbf16, #tpu.memory_space<hbm>>
    tpu.wait_indirect_dma semaphore(%arg20 : memref<!tpu.dma_semaphore, #tpu.memory_space<semaphore_mem>>) src(%dma_wait3A_67 : memref<10000x128xbf16, #tpu.memory_space<hbm>>) dst(%arg10 : memref<80x128xbf16, #tpu.memory_space<vmem>>)
    %dma_wait3A_68 = arith.constant 123 : i32
    %dma_wait3A_69 = arith.constant 0 : i32
    %dma_wait3A_70 = tpu.memref_slice %arg9[%dma_wait3A_68, %dma_wait3A_69] : memref<125x80xi32, #tpu.memory_space<vmem>> -> memref<1x80xi32, #tpu.memory_space<vmem>>
    %dma_wait3A_71 = tpu.memref_squeeze %dma_wait3A_70 : memref<1x80xi32, #tpu.memory_space<vmem>> -> memref<80xi32, #tpu.memory_space<vmem>>
    %dma_wait3A_72 = arith.constant 0 : i32
    %dma_wait3A_73 = arith.constant 0 : i32
    %dma_wait3A_74 = tpu.memref_slice %arg3[%dma_wait3A_72, %dma_wait3A_73] : memref<10000x64xbf16, #tpu.memory_space<hbm>> -> memref<10000x64xbf16, #tpu.memory_space<hbm>>
    tpu.wait_indirect_dma semaphore(%arg23 : memref<!tpu.dma_semaphore, #tpu.memory_space<semaphore_mem>>) src(%dma_wait3A_74 : memref<10000x64xbf16, #tpu.memory_space<hbm>>) dst(%arg13 : memref<80x64xbf16, #tpu.memory_space<vmem>>)
    %dma_wait3A_75 = arith.constant 120 : i32
    %dma_wait3A_76 = arith.constant 0 : i32
    %dma_wait3A_77 = tpu.memref_slice %arg9[%dma_wait3A_75, %dma_wait3A_76] : memref<125x80xi32, #tpu.memory_space<vmem>> -> memref<1x80xi32, #tpu.memory_space<vmem>>
    %dma_wait3A_78 = tpu.memref_squeeze %dma_wait3A_77 : memref<1x80xi32, #tpu.memory_space<vmem>> -> memref<80xi32, #tpu.memory_space<vmem>>
    %dma_wait3A_79 = arith.constant 0 : i32
    %dma_wait3A_80 = arith.constant 0 : i32
    %dma_wait3A_81 = tpu.memref_slice %arg19[%dma_wait3A_79, %dma_wait3A_80] : memref<10000x88xf32, #tpu.memory_space<vmem_shared>> -> memref<10000x88xf32, #tpu.memory_space<vmem_shared>>
    tpu.wait_indirect_dma semaphore(%arg26 : memref<!tpu.dma_semaphore, #tpu.memory_space<semaphore_mem>>) src(%arg16 : memref<80x88xf32, #tpu.memory_space<vmem>>) dst(%dma_wait3A_81 : memref<10000x88xf32, #tpu.memory_space<vmem_shared>>)
    %scan3A_82 = arith.constant 0 : i32
    %scan3A_83 = arith.constant 80 : i32
    %scan3A_84 = arith.addi %scan3A_82, %scan3A_83 : i32
    %scan3A_85 = arith.constant 2 : i32
    scf.for %scan3A_149 = %scan3A_82 to %scan3A_84 step %scan3A_85  : i32 {
      %get3A = arith.index_cast %scan3A_149 : i32 to index
      %get3A_150 = arith.constant 0 : index
      %get3A_151 = tpu.vector_load %arg10[%get3A, %get3A_150] {strides = array<i32>} : memref<80x128xbf16, #tpu.memory_space<vmem>>, vector<32xbf16>,
      %unpack3A = tpu.unpack_subelements %get3A_151, 0 {pack_format = #tpu.pack_format<interleaved>} : vector<32xbf16> -> vector<16xf32>
      %unpack3A_152 = tpu.unpack_subelements %get3A_151, 1 {pack_format = #tpu.pack_format<interleaved>} : vector<32xbf16> -> vector<16xf32>
      %get3A_153 = arith.index_cast %scan3A_149 : i32 to index
      %get3A_154 = arith.constant 64 : index
      %get3A_155 = tpu.vector_load %arg10[%get3A_153, %get3A_154] {strides = array<i32>} : memref<80x128xbf16, #tpu.memory_space<vmem>>, vector<32xbf16>,
      %unpack3A_156 = tpu.unpack_subelements %get3A_155, 0 {pack_format = #tpu.pack_format<interleaved>} : vector<32xbf16> -> vector<16xf32>
      %unpack3A_157 = tpu.unpack_subelements %get3A_155, 1 {pack_format = #tpu.pack_format<interleaved>} : vector<32xbf16> -> vector<16xf32>
      %get3A_158 = arith.index_cast %scan3A_149 : i32 to index
      %get3A_159 = arith.constant 0 : index
      %get3A_160 = tpu.vector_load %arg13[%get3A_158, %get3A_159] {strides = array<i32>} : memref<80x64xbf16, #tpu.memory_space<vmem>>, vector<32xbf16>,
      %unpack3A_161 = tpu.unpack_subelements %get3A_160, 0 {pack_format = #tpu.pack_format<interleaved>} : vector<32xbf16> -> vector<16xf32>
      %unpack3A_162 = tpu.unpack_subelements %get3A_160, 1 {pack_format = #tpu.pack_format<interleaved>} : vector<32xbf16> -> vector<16xf32>
      %get3A_163 = arith.index_cast %scan3A_149 : i32 to index
      %get3A_164 = arith.constant 32 : index
      %get3A_165 = tpu.vector_load %arg10[%get3A_163, %get3A_164] {strides = array<i32>} : memref<80x128xbf16, #tpu.memory_space<vmem>>, vector<32xbf16>,
      %unpack3A_166 = tpu.unpack_subelements %get3A_165, 0 {pack_format = #tpu.pack_format<interleaved>} : vector<32xbf16> -> vector<16xf32>
      %unpack3A_167 = tpu.unpack_subelements %get3A_165, 1 {pack_format = #tpu.pack_format<interleaved>} : vector<32xbf16> -> vector<16xf32>
      %get3A_168 = arith.index_cast %scan3A_149 : i32 to index
      %get3A_169 = arith.constant 96 : index
      %get3A_170 = tpu.vector_load %arg10[%get3A_168, %get3A_169] {strides = array<i32>} : memref<80x128xbf16, #tpu.memory_space<vmem>>, vector<32xbf16>,
      %unpack3A_171 = tpu.unpack_subelements %get3A_170, 0 {pack_format = #tpu.pack_format<interleaved>} : vector<32xbf16> -> vector<16xf32>
      %unpack3A_172 = tpu.unpack_subelements %get3A_170, 1 {pack_format = #tpu.pack_format<interleaved>} : vector<32xbf16> -> vector<16xf32>
      %get3A_173 = arith.index_cast %scan3A_149 : i32 to index
      %get3A_174 = arith.constant 32 : index
      %get3A_175 = tpu.vector_load %arg13[%get3A_173, %get3A_174] {strides = array<i32>} : memref<80x64xbf16, #tpu.memory_space<vmem>>, vector<32xbf16>,
      %unpack3A_176 = tpu.unpack_subelements %get3A_175, 0 {pack_format = #tpu.pack_format<interleaved>} : vector<32xbf16> -> vector<16xf32>
      %unpack3A_177 = tpu.unpack_subelements %get3A_175, 1 {pack_format = #tpu.pack_format<interleaved>} : vector<32xbf16> -> vector<16xf32>
      %add3A_178 = arith.addf %unpack3A_156, %unpack3A_161 : vector<16xf32>
      %mul3A_179 = arith.constant 2.000000e-01 : f32
      %mul3A_180 = vector.broadcast %mul3A_179 : f32 to vector<16xf32>
      %mul3A_181 = arith.mulf %mul3A_180, %add3A_178 : vector<16xf32>
      %max3A = arith.maximumf %add3A_178, %mul3A_181 : vector<16xf32>
      %exp3A = math.exp %max3A : vector<16xf32>
      %mul3A_182 = arith.mulf %unpack3A, %exp3A : vector<16xf32>
      %swap3A = arith.index_cast %scan3A_149 : i32 to index
      %swap3A_183 = arith.constant 0 : index
      %swap3A_184 = tpu.vector_load %arg16[%swap3A, %swap3A_183] {strides = array<i32>} : memref<80x88xf32, #tpu.memory_space<vmem>>, vector<16xf32>,
      tpu.vector_store %arg16[%swap3A, %swap3A_183], %mul3A_182 {strides = array<i32>} : memref<80x88xf32, #tpu.memory_space<vmem>>, vector<16xf32>,
      %swap3A_185 = arith.constant 0 : i32
      %swap3A_186 = tpu.memref_slice %arg16[%scan3A_149, %swap3A_185] : memref<80x88xf32, #tpu.memory_space<vmem>> -> memref<1x88xf32, #tpu.memory_space<vmem>>
      %swap3A_187 = tpu.memref_squeeze %swap3A_186 : memref<1x88xf32, #tpu.memory_space<vmem>> -> memref<88xf32, #tpu.memory_space<vmem>>
      %swap3A_188 = arith.constant 64 : index
      %swap3A_189 = tpu.vector_load %swap3A_187[%swap3A_188] masked %eq3A_29 {strides = array<i32>} : memref<88xf32, #tpu.memory_space<vmem>>, vector<16xf32>, vector<16xi1>
      tpu.vector_store %swap3A_187[%swap3A_188], %exp3A masked %eq3A_29 {strides = array<i32>} : memref<88xf32, #tpu.memory_space<vmem>>, vector<16xf32>, vector<16xi1>
      %add3A_190 = arith.addf %unpack3A_157, %unpack3A_162 : vector<16xf32>
      %mul3A_191 = arith.constant 2.000000e-01 : f32
      %mul3A_192 = vector.broadcast %mul3A_191 : f32 to vector<16xf32>
      %mul3A_193 = arith.mulf %mul3A_192, %add3A_190 : vector<16xf32>
      %max3A_194 = arith.maximumf %add3A_190, %mul3A_193 : vector<16xf32>
      %exp3A_195 = math.exp %max3A_194 : vector<16xf32>
      %mul3A_196 = arith.mulf %unpack3A_152, %exp3A_195 : vector<16xf32>
      %swap3A_197 = arith.index_cast %scan3A_149 : i32 to index
      %swap3A_198 = arith.constant 16 : index
      %swap3A_199 = tpu.vector_load %arg16[%swap3A_197, %swap3A_198] {strides = array<i32>} : memref<80x88xf32, #tpu.memory_space<vmem>>, vector<16xf32>,
      tpu.vector_store %arg16[%swap3A_197, %swap3A_198], %mul3A_196 {strides = array<i32>} : memref<80x88xf32, #tpu.memory_space<vmem>>, vector<16xf32>,
      %swap3A_200 = arith.constant 0 : i32
      %swap3A_201 = tpu.memref_slice %arg16[%scan3A_149, %swap3A_200] : memref<80x88xf32, #tpu.memory_space<vmem>> -> memref<1x88xf32, #tpu.memory_space<vmem>>
      %swap3A_202 = tpu.memref_squeeze %swap3A_201 : memref<1x88xf32, #tpu.memory_space<vmem>> -> memref<88xf32, #tpu.memory_space<vmem>>
      %swap3A_203 = arith.constant 66 : index
      %swap3A_204 = tpu.vector_load %swap3A_202[%swap3A_203] masked %eq3A_29 {strides = array<i32>} : memref<88xf32, #tpu.memory_space<vmem>>, vector<16xf32>, vector<16xi1>
      tpu.vector_store %swap3A_202[%swap3A_203], %exp3A_195 masked %eq3A_29 {strides = array<i32>} : memref<88xf32, #tpu.memory_space<vmem>>, vector<16xf32>, vector<16xi1>
      %add3A_205 = arith.addf %unpack3A_171, %unpack3A_176 : vector<16xf32>
      %mul3A_206 = arith.constant 2.000000e-01 : f32
      %mul3A_207 = vector.broadcast %mul3A_206 : f32 to vector<16xf32>
      %mul3A_208 = arith.mulf %mul3A_207, %add3A_205 : vector<16xf32>
      %max3A_209 = arith.maximumf %add3A_205, %mul3A_208 : vector<16xf32>
      %exp3A_210 = math.exp %max3A_209 : vector<16xf32>
      %mul3A_211 = arith.mulf %unpack3A_166, %exp3A_210 : vector<16xf32>
      %swap3A_212 = arith.index_cast %scan3A_149 : i32 to index
      %swap3A_213 = arith.constant 32 : index
      %swap3A_214 = tpu.vector_load %arg16[%swap3A_212, %swap3A_213] {strides = array<i32>} : memref<80x88xf32, #tpu.memory_space<vmem>>, vector<16xf32>,
      tpu.vector_store %arg16[%swap3A_212, %swap3A_213], %mul3A_211 {strides = array<i32>} : memref<80x88xf32, #tpu.memory_space<vmem>>, vector<16xf32>,
      %swap3A_215 = arith.constant 0 : i32
      %swap3A_216 = tpu.memref_slice %arg16[%scan3A_149, %swap3A_215] : memref<80x88xf32, #tpu.memory_space<vmem>> -> memref<1x88xf32, #tpu.memory_space<vmem>>
      %swap3A_217 = tpu.memref_squeeze %swap3A_216 : memref<1x88xf32, #tpu.memory_space<vmem>> -> memref<88xf32, #tpu.memory_space<vmem>>
      %swap3A_218 = arith.constant 68 : index
      %swap3A_219 = tpu.vector_load %swap3A_217[%swap3A_218] masked %eq3A_29 {strides = array<i32>} : memref<88xf32, #tpu.memory_space<vmem>>, vector<16xf32>, vector<16xi1>
      tpu.vector_store %swap3A_217[%swap3A_218], %exp3A_210 masked %eq3A_29 {strides = array<i32>} : memref<88xf32, #tpu.memory_space<vmem>>, vector<16xf32>, vector<16xi1>
      %add3A_220 = arith.addf %unpack3A_172, %unpack3A_177 : vector<16xf32>
      %mul3A_221 = arith.constant 2.000000e-01 : f32
      %mul3A_222 = vector.broadcast %mul3A_221 : f32 to vector<16xf32>
      %mul3A_223 = arith.mulf %mul3A_222, %add3A_220 : vector<16xf32>
      %max3A_224 = arith.maximumf %add3A_220, %mul3A_223 : vector<16xf32>
      %exp3A_225 = math.exp %max3A_224 : vector<16xf32>
      %mul3A_226 = arith.mulf %unpack3A_167, %exp3A_225 : vector<16xf32>
      %swap3A_227 = arith.index_cast %scan3A_149 : i32 to index
      %swap3A_228 = arith.constant 48 : index
      %swap3A_229 = tpu.vector_load %arg16[%swap3A_227, %swap3A_228] {strides = array<i32>} : memref<80x88xf32, #tpu.memory_space<vmem>>, vector<16xf32>,
      tpu.vector_store %arg16[%swap3A_227, %swap3A_228], %mul3A_226 {strides = array<i32>} : memref<80x88xf32, #tpu.memory_space<vmem>>, vector<16xf32>,
      %swap3A_230 = arith.constant 0 : i32
      %swap3A_231 = tpu.memref_slice %arg16[%scan3A_149, %swap3A_230] : memref<80x88xf32, #tpu.memory_space<vmem>> -> memref<1x88xf32, #tpu.memory_space<vmem>>
      %swap3A_232 = tpu.memref_squeeze %swap3A_231 : memref<1x88xf32, #tpu.memory_space<vmem>> -> memref<88xf32, #tpu.memory_space<vmem>>
      %swap3A_233 = arith.constant 70 : index
      %swap3A_234 = tpu.vector_load %swap3A_232[%swap3A_233] masked %eq3A_29 {strides = array<i32>} : memref<88xf32, #tpu.memory_space<vmem>>, vector<16xf32>, vector<16xi1>
      tpu.vector_store %swap3A_232[%swap3A_233], %exp3A_225 masked %eq3A_29 {strides = array<i32>} : memref<88xf32, #tpu.memory_space<vmem>>, vector<16xf32>, vector<16xi1>
      %scan3A_235 = arith.constant 1 : i32
      %scan3A_236 = arith.addi %scan3A_149, %scan3A_235 : i32
      %get3A_237 = arith.index_cast %scan3A_236 : i32 to index
      %get3A_238 = arith.constant 0 : index
      %get3A_239 = tpu.vector_load %arg10[%get3A_237, %get3A_238] {strides = array<i32>} : memref<80x128xbf16, #tpu.memory_space<vmem>>, vector<32xbf16>,
      %unpack3A_240 = tpu.unpack_subelements %get3A_239, 0 {pack_format = #tpu.pack_format<interleaved>} : vector<32xbf16> -> vector<16xf32>
      %unpack3A_241 = tpu.unpack_subelements %get3A_239, 1 {pack_format = #tpu.pack_format<interleaved>} : vector<32xbf16> -> vector<16xf32>
      %get3A_242 = arith.index_cast %scan3A_236 : i32 to index
      %get3A_243 = arith.constant 64 : index
      %get3A_244 = tpu.vector_load %arg10[%get3A_242, %get3A_243] {strides = array<i32>} : memref<80x128xbf16, #tpu.memory_space<vmem>>, vector<32xbf16>,
      %unpack3A_245 = tpu.unpack_subelements %get3A_244, 0 {pack_format = #tpu.pack_format<interleaved>} : vector<32xbf16> -> vector<16xf32>
      %unpack3A_246 = tpu.unpack_subelements %get3A_244, 1 {pack_format = #tpu.pack_format<interleaved>} : vector<32xbf16> -> vector<16xf32>
      %get3A_247 = arith.index_cast %scan3A_236 : i32 to index
      %get3A_248 = arith.constant 0 : index
      %get3A_249 = tpu.vector_load %arg13[%get3A_247, %get3A_248] {strides = array<i32>} : memref<80x64xbf16, #tpu.memory_space<vmem>>, vector<32xbf16>,
      %unpack3A_250 = tpu.unpack_subelements %get3A_249, 0 {pack_format = #tpu.pack_format<interleaved>} : vector<32xbf16> -> vector<16xf32>
      %unpack3A_251 = tpu.unpack_subelements %get3A_249, 1 {pack_format = #tpu.pack_format<interleaved>} : vector<32xbf16> -> vector<16xf32>
      %get3A_252 = arith.index_cast %scan3A_236 : i32 to index
      %get3A_253 = arith.constant 32 : index
      %get3A_254 = tpu.vector_load %arg10[%get3A_252, %get3A_253] {strides = array<i32>} : memref<80x128xbf16, #tpu.memory_space<vmem>>, vector<32xbf16>,
      %unpack3A_255 = tpu.unpack_subelements %get3A_254, 0 {pack_format = #tpu.pack_format<interleaved>} : vector<32xbf16> -> vector<16xf32>
      %unpack3A_256 = tpu.unpack_subelements %get3A_254, 1 {pack_format = #tpu.pack_format<interleaved>} : vector<32xbf16> -> vector<16xf32>
      %get3A_257 = arith.index_cast %scan3A_236 : i32 to index
      %get3A_258 = arith.constant 96 : index
      %get3A_259 = tpu.vector_load %arg10[%get3A_257, %get3A_258] {strides = array<i32>} : memref<80x128xbf16, #tpu.memory_space<vmem>>, vector<32xbf16>,
      %unpack3A_260 = tpu.unpack_subelements %get3A_259, 0 {pack_format = #tpu.pack_format<interleaved>} : vector<32xbf16> -> vector<16xf32>
      %unpack3A_261 = tpu.unpack_subelements %get3A_259, 1 {pack_format = #tpu.pack_format<interleaved>} : vector<32xbf16> -> vector<16xf32>
      %get3A_262 = arith.index_cast %scan3A_236 : i32 to index
      %get3A_263 = arith.constant 32 : index
      %get3A_264 = tpu.vector_load %arg13[%get3A_262, %get3A_263] {strides = array<i32>} : memref<80x64xbf16, #tpu.memory_space<vmem>>, vector<32xbf16>,
      %unpack3A_265 = tpu.unpack_subelements %get3A_264, 0 {pack_format = #tpu.pack_format<interleaved>} : vector<32xbf16> -> vector<16xf32>
      %unpack3A_266 = tpu.unpack_subelements %get3A_264, 1 {pack_format = #tpu.pack_format<interleaved>} : vector<32xbf16> -> vector<16xf32>
      %add3A_267 = arith.addf %unpack3A_245, %unpack3A_250 : vector<16xf32>
      %mul3A_268 = arith.constant 2.000000e-01 : f32
      %mul3A_269 = vector.broadcast %mul3A_268 : f32 to vector<16xf32>
      %mul3A_270 = arith.mulf %mul3A_269, %add3A_267 : vector<16xf32>
      %max3A_271 = arith.maximumf %add3A_267, %mul3A_270 : vector<16xf32>
      %exp3A_272 = math.exp %max3A_271 : vector<16xf32>
      %mul3A_273 = arith.mulf %unpack3A_240, %exp3A_272 : vector<16xf32>
      %swap3A_274 = arith.index_cast %scan3A_236 : i32 to index
      %swap3A_275 = arith.constant 0 : index
      %swap3A_276 = tpu.vector_load %arg16[%swap3A_274, %swap3A_275] {strides = array<i32>} : memref<80x88xf32, #tpu.memory_space<vmem>>, vector<16xf32>,
      tpu.vector_store %arg16[%swap3A_274, %swap3A_275], %mul3A_273 {strides = array<i32>} : memref<80x88xf32, #tpu.memory_space<vmem>>, vector<16xf32>,
      %swap3A_277 = arith.constant 0 : i32
      %swap3A_278 = tpu.memref_slice %arg16[%scan3A_236, %swap3A_277] : memref<80x88xf32, #tpu.memory_space<vmem>> -> memref<1x88xf32, #tpu.memory_space<vmem>>
      %swap3A_279 = tpu.memref_squeeze %swap3A_278 : memref<1x88xf32, #tpu.memory_space<vmem>> -> memref<88xf32, #tpu.memory_space<vmem>>
      %swap3A_280 = arith.constant 64 : index
      %swap3A_281 = tpu.vector_load %swap3A_279[%swap3A_280] masked %eq3A_29 {strides = array<i32>} : memref<88xf32, #tpu.memory_space<vmem>>, vector<16xf32>, vector<16xi1>
      tpu.vector_store %swap3A_279[%swap3A_280], %exp3A_272 masked %eq3A_29 {strides = array<i32>} : memref<88xf32, #tpu.memory_space<vmem>>, vector<16xf32>, vector<16xi1>
      %add3A_282 = arith.addf %unpack3A_246, %unpack3A_251 : vector<16xf32>
      %mul3A_283 = arith.constant 2.000000e-01 : f32
      %mul3A_284 = vector.broadcast %mul3A_283 : f32 to vector<16xf32>
      %mul3A_285 = arith.mulf %mul3A_284, %add3A_282 : vector<16xf32>
      %max3A_286 = arith.maximumf %add3A_282, %mul3A_285 : vector<16xf32>
      %exp3A_287 = math.exp %max3A_286 : vector<16xf32>
      %mul3A_288 = arith.mulf %unpack3A_241, %exp3A_287 : vector<16xf32>
      %swap3A_289 = arith.index_cast %scan3A_236 : i32 to index
      %swap3A_290 = arith.constant 16 : index
      %swap3A_291 = tpu.vector_load %arg16[%swap3A_289, %swap3A_290] {strides = array<i32>} : memref<80x88xf32, #tpu.memory_space<vmem>>, vector<16xf32>,
      tpu.vector_store %arg16[%swap3A_289, %swap3A_290], %mul3A_288 {strides = array<i32>} : memref<80x88xf32, #tpu.memory_space<vmem>>, vector<16xf32>,
      %swap3A_292 = arith.constant 0 : i32
      %swap3A_293 = tpu.memref_slice %arg16[%scan3A_236, %swap3A_292] : memref<80x88xf32, #tpu.memory_space<vmem>> -> memref<1x88xf32, #tpu.memory_space<vmem>>
      %swap3A_294 = tpu.memref_squeeze %swap3A_293 : memref<1x88xf32, #tpu.memory_space<vmem>> -> memref<88xf32, #tpu.memory_space<vmem>>
      %swap3A_295 = arith.constant 66 : index
      %swap3A_296 = tpu.vector_load %swap3A_294[%swap3A_295] masked %eq3A_29 {strides = array<i32>} : memref<88xf32, #tpu.memory_space<vmem>>, vector<16xf32>, vector<16xi1>
      tpu.vector_store %swap3A_294[%swap3A_295], %exp3A_287 masked %eq3A_29 {strides = array<i32>} : memref<88xf32, #tpu.memory_space<vmem>>, vector<16xf32>, vector<16xi1>
      %add3A_297 = arith.addf %unpack3A_260, %unpack3A_265 : vector<16xf32>
      %mul3A_298 = arith.constant 2.000000e-01 : f32
      %mul3A_299 = vector.broadcast %mul3A_298 : f32 to vector<16xf32>
      %mul3A_300 = arith.mulf %mul3A_299, %add3A_297 : vector<16xf32>
      %max3A_301 = arith.maximumf %add3A_297, %mul3A_300 : vector<16xf32>
      %exp3A_302 = math.exp %max3A_301 : vector<16xf32>
      %mul3A_303 = arith.mulf %unpack3A_255, %exp3A_302 : vector<16xf32>
      %swap3A_304 = arith.index_cast %scan3A_236 : i32 to index
      %swap3A_305 = arith.constant 32 : index
      %swap3A_306 = tpu.vector_load %arg16[%swap3A_304, %swap3A_305] {strides = array<i32>} : memref<80x88xf32, #tpu.memory_space<vmem>>, vector<16xf32>,
      tpu.vector_store %arg16[%swap3A_304, %swap3A_305], %mul3A_303 {strides = array<i32>} : memref<80x88xf32, #tpu.memory_space<vmem>>, vector<16xf32>,
      %swap3A_307 = arith.constant 0 : i32
      %swap3A_308 = tpu.memref_slice %arg16[%scan3A_236, %swap3A_307] : memref<80x88xf32, #tpu.memory_space<vmem>> -> memref<1x88xf32, #tpu.memory_space<vmem>>
      %swap3A_309 = tpu.memref_squeeze %swap3A_308 : memref<1x88xf32, #tpu.memory_space<vmem>> -> memref<88xf32, #tpu.memory_space<vmem>>
      %swap3A_310 = arith.constant 68 : index
      %swap3A_311 = tpu.vector_load %swap3A_309[%swap3A_310] masked %eq3A_29 {strides = array<i32>} : memref<88xf32, #tpu.memory_space<vmem>>, vector<16xf32>, vector<16xi1>
      tpu.vector_store %swap3A_309[%swap3A_310], %exp3A_302 masked %eq3A_29 {strides = array<i32>} : memref<88xf32, #tpu.memory_space<vmem>>, vector<16xf32>, vector<16xi1>
      %add3A_312 = arith.addf %unpack3A_261, %unpack3A_266 : vector<16xf32>
      %mul3A_313 = arith.constant 2.000000e-01 : f32
      %mul3A_314 = vector.broadcast %mul3A_313 : f32 to vector<16xf32>
      %mul3A_315 = arith.mulf %mul3A_314, %add3A_312 : vector<16xf32>
      %max3A_316 = arith.maximumf %add3A_312, %mul3A_315 : vector<16xf32>
      %exp3A_317 = math.exp %max3A_316 : vector<16xf32>
      %mul3A_318 = arith.mulf %unpack3A_256, %exp3A_317 : vector<16xf32>
      %swap3A_319 = arith.index_cast %scan3A_236 : i32 to index
      %swap3A_320 = arith.constant 48 : index
      %swap3A_321 = tpu.vector_load %arg16[%swap3A_319, %swap3A_320] {strides = array<i32>} : memref<80x88xf32, #tpu.memory_space<vmem>>, vector<16xf32>,
      tpu.vector_store %arg16[%swap3A_319, %swap3A_320], %mul3A_318 {strides = array<i32>} : memref<80x88xf32, #tpu.memory_space<vmem>>, vector<16xf32>,
      %swap3A_322 = arith.constant 0 : i32
      %swap3A_323 = tpu.memref_slice %arg16[%scan3A_236, %swap3A_322] : memref<80x88xf32, #tpu.memory_space<vmem>> -> memref<1x88xf32, #tpu.memory_space<vmem>>
      %swap3A_324 = tpu.memref_squeeze %swap3A_323 : memref<1x88xf32, #tpu.memory_space<vmem>> -> memref<88xf32, #tpu.memory_space<vmem>>
      %swap3A_325 = arith.constant 70 : index
      %swap3A_326 = tpu.vector_load %swap3A_324[%swap3A_325] masked %eq3A_29 {strides = array<i32>} : memref<88xf32, #tpu.memory_space<vmem>>, vector<16xf32>, vector<16xi1>
      tpu.vector_store %swap3A_324[%swap3A_325], %exp3A_317 masked %eq3A_29 {strides = array<i32>} : memref<88xf32, #tpu.memory_space<vmem>>, vector<16xf32>, vector<16xi1>
    }
    %scan3A_86 = arith.constant 80 : i32
    %dma_start3A_87 = arith.constant 123 : i32
    %dma_start3A_88 = arith.constant 0 : i32
    %dma_start3A_89 = tpu.memref_slice %arg9[%dma_start3A_87, %dma_start3A_88] : memref<125x80xi32, #tpu.memory_space<vmem>> -> memref<1x80xi32, #tpu.memory_space<vmem>>
    %dma_start3A_90 = tpu.memref_squeeze %dma_start3A_89 : memref<1x80xi32, #tpu.memory_space<vmem>> -> memref<80xi32, #tpu.memory_space<vmem>>
    %dma_start3A_91 = arith.constant 0 : i32
    %dma_start3A_92 = arith.constant 0 : i32
    %dma_start3A_93 = tpu.memref_slice %arg19[%dma_start3A_91, %dma_start3A_92] : memref<10000x88xf32, #tpu.memory_space<vmem_shared>> -> memref<10000x88xf32, #tpu.memory_space<vmem_shared>>
    tpu.enqueue_indirect_dma source(%arg16 : memref<80x88xf32, #tpu.memory_space<vmem>>) target(%dma_start3A_93 : memref<10000x88xf32, #tpu.memory_space<vmem_shared>>) offsets(%dma_start3A_90 : memref<80xi32, #tpu.memory_space<vmem>>) semaphore(%arg26 : memref<!tpu.dma_semaphore, #tpu.memory_space<semaphore_mem>>) {add = true}
    %dma_wait3A_94 = arith.constant 124 : i32
    %dma_wait3A_95 = arith.constant 0 : i32
    %dma_wait3A_96 = tpu.memref_slice %arg8[%dma_wait3A_94, %dma_wait3A_95] : memref<125x80xi32, #tpu.memory_space<vmem>> -> memref<1x80xi32, #tpu.memory_space<vmem>>
    %dma_wait3A_97 = tpu.memref_squeeze %dma_wait3A_96 : memref<1x80xi32, #tpu.memory_space<vmem>> -> memref<80xi32, #tpu.memory_space<vmem>>
    %dma_wait3A_98 = arith.constant 0 : i32
    %dma_wait3A_99 = arith.constant 0 : i32
    %dma_wait3A_100 = tpu.memref_slice %arg2[%dma_wait3A_98, %dma_wait3A_99] : memref<10000x128xbf16, #tpu.memory_space<hbm>> -> memref<10000x128xbf16, #tpu.memory_space<hbm>>
    tpu.wait_indirect_dma semaphore(%arg21 : memref<!tpu.dma_semaphore, #tpu.memory_space<semaphore_mem>>) src(%dma_wait3A_100 : memref<10000x128xbf16, #tpu.memory_space<hbm>>) dst(%arg11 : memref<80x128xbf16, #tpu.memory_space<vmem>>)
    %dma_wait3A_101 = arith.constant 124 : i32
    %dma_wait3A_102 = arith.constant 0 : i32
    %dma_wait3A_103 = tpu.memref_slice %arg9[%dma_wait3A_101, %dma_wait3A_102] : memref<125x80xi32, #tpu.memory_space<vmem>> -> memref<1x80xi32, #tpu.memory_space<vmem>>
    %dma_wait3A_104 = tpu.memref_squeeze %dma_wait3A_103 : memref<1x80xi32, #tpu.memory_space<vmem>> -> memref<80xi32, #tpu.memory_space<vmem>>
    %dma_wait3A_105 = arith.constant 0 : i32
    %dma_wait3A_106 = arith.constant 0 : i32
    %dma_wait3A_107 = tpu.memref_slice %arg3[%dma_wait3A_105, %dma_wait3A_106] : memref<10000x64xbf16, #tpu.memory_space<hbm>> -> memref<10000x64xbf16, #tpu.memory_space<hbm>>
    tpu.wait_indirect_dma semaphore(%arg24 : memref<!tpu.dma_semaphore, #tpu.memory_space<semaphore_mem>>) src(%dma_wait3A_107 : memref<10000x64xbf16, #tpu.memory_space<hbm>>) dst(%arg14 : memref<80x64xbf16, #tpu.memory_space<vmem>>)
    %dma_wait3A_108 = arith.constant 121 : i32
    %dma_wait3A_109 = arith.constant 0 : i32
    %dma_wait3A_110 = tpu.memref_slice %arg9[%dma_wait3A_108, %dma_wait3A_109] : memref<125x80xi32, #tpu.memory_space<vmem>> -> memref<1x80xi32, #tpu.memory_space<vmem>>
    %dma_wait3A_111 = tpu.memref_squeeze %dma_wait3A_110 : memref<1x80xi32, #tpu.memory_space<vmem>> -> memref<80xi32, #tpu.memory_space<vmem>>
    %dma_wait3A_112 = arith.constant 0 : i32
    %dma_wait3A_113 = arith.constant 0 : i32
    %dma_wait3A_114 = tpu.memref_slice %arg19[%dma_wait3A_112, %dma_wait3A_113] : memref<10000x88xf32, #tpu.memory_space<vmem_shared>> -> memref<10000x88xf32, #tpu.memory_space<vmem_shared>>
    tpu.wait_indirect_dma semaphore(%arg27 : memref<!tpu.dma_semaphore, #tpu.memory_space<semaphore_mem>>) src(%arg17 : memref<80x88xf32, #tpu.memory_space<vmem>>) dst(%dma_wait3A_114 : memref<10000x88xf32, #tpu.memory_space<vmem_shared>>)
    %scan3A_115 = arith.constant 0 : i32
    %scan3A_116 = arith.constant 80 : i32
    %scan3A_117 = arith.addi %scan3A_115, %scan3A_116 : i32
    %scan3A_118 = arith.constant 2 : i32
    scf.for %scan3A_149 = %scan3A_115 to %scan3A_117 step %scan3A_118  : i32 {
      %get3A = arith.index_cast %scan3A_149 : i32 to index
      %get3A_150 = arith.constant 0 : index
      %get3A_151 = tpu.vector_load %arg11[%get3A, %get3A_150] {strides = array<i32>} : memref<80x128xbf16, #tpu.memory_space<vmem>>, vector<32xbf16>,
      %unpack3A = tpu.unpack_subelements %get3A_151, 0 {pack_format = #tpu.pack_format<interleaved>} : vector<32xbf16> -> vector<16xf32>
      %unpack3A_152 = tpu.unpack_subelements %get3A_151, 1 {pack_format = #tpu.pack_format<interleaved>} : vector<32xbf16> -> vector<16xf32>
      %get3A_153 = arith.index_cast %scan3A_149 : i32 to index
      %get3A_154 = arith.constant 64 : index
      %get3A_155 = tpu.vector_load %arg11[%get3A_153, %get3A_154] {strides = array<i32>} : memref<80x128xbf16, #tpu.memory_space<vmem>>, vector<32xbf16>,
      %unpack3A_156 = tpu.unpack_subelements %get3A_155, 0 {pack_format = #tpu.pack_format<interleaved>} : vector<32xbf16> -> vector<16xf32>
      %unpack3A_157 = tpu.unpack_subelements %get3A_155, 1 {pack_format = #tpu.pack_format<interleaved>} : vector<32xbf16> -> vector<16xf32>
      %get3A_158 = arith.index_cast %scan3A_149 : i32 to index
      %get3A_159 = arith.constant 0 : index
      %get3A_160 = tpu.vector_load %arg14[%get3A_158, %get3A_159] {strides = array<i32>} : memref<80x64xbf16, #tpu.memory_space<vmem>>, vector<32xbf16>,
      %unpack3A_161 = tpu.unpack_subelements %get3A_160, 0 {pack_format = #tpu.pack_format<interleaved>} : vector<32xbf16> -> vector<16xf32>
      %unpack3A_162 = tpu.unpack_subelements %get3A_160, 1 {pack_format = #tpu.pack_format<interleaved>} : vector<32xbf16> -> vector<16xf32>
      %get3A_163 = arith.index_cast %scan3A_149 : i32 to index
      %get3A_164 = arith.constant 32 : index
      %get3A_165 = tpu.vector_load %arg11[%get3A_163, %get3A_164] {strides = array<i32>} : memref<80x128xbf16, #tpu.memory_space<vmem>>, vector<32xbf16>,
      %unpack3A_166 = tpu.unpack_subelements %get3A_165, 0 {pack_format = #tpu.pack_format<interleaved>} : vector<32xbf16> -> vector<16xf32>
      %unpack3A_167 = tpu.unpack_subelements %get3A_165, 1 {pack_format = #tpu.pack_format<interleaved>} : vector<32xbf16> -> vector<16xf32>
      %get3A_168 = arith.index_cast %scan3A_149 : i32 to index
      %get3A_169 = arith.constant 96 : index
      %get3A_170 = tpu.vector_load %arg11[%get3A_168, %get3A_169] {strides = array<i32>} : memref<80x128xbf16, #tpu.memory_space<vmem>>, vector<32xbf16>,
      %unpack3A_171 = tpu.unpack_subelements %get3A_170, 0 {pack_format = #tpu.pack_format<interleaved>} : vector<32xbf16> -> vector<16xf32>
      %unpack3A_172 = tpu.unpack_subelements %get3A_170, 1 {pack_format = #tpu.pack_format<interleaved>} : vector<32xbf16> -> vector<16xf32>
      %get3A_173 = arith.index_cast %scan3A_149 : i32 to index
      %get3A_174 = arith.constant 32 : index
      %get3A_175 = tpu.vector_load %arg14[%get3A_173, %get3A_174] {strides = array<i32>} : memref<80x64xbf16, #tpu.memory_space<vmem>>, vector<32xbf16>,
      %unpack3A_176 = tpu.unpack_subelements %get3A_175, 0 {pack_format = #tpu.pack_format<interleaved>} : vector<32xbf16> -> vector<16xf32>
      %unpack3A_177 = tpu.unpack_subelements %get3A_175, 1 {pack_format = #tpu.pack_format<interleaved>} : vector<32xbf16> -> vector<16xf32>
      %add3A_178 = arith.addf %unpack3A_156, %unpack3A_161 : vector<16xf32>
      %mul3A_179 = arith.constant 2.000000e-01 : f32
      %mul3A_180 = vector.broadcast %mul3A_179 : f32 to vector<16xf32>
      %mul3A_181 = arith.mulf %mul3A_180, %add3A_178 : vector<16xf32>
      %max3A = arith.maximumf %add3A_178, %mul3A_181 : vector<16xf32>
      %exp3A = math.exp %max3A : vector<16xf32>
      %mul3A_182 = arith.mulf %unpack3A, %exp3A : vector<16xf32>
      %swap3A = arith.index_cast %scan3A_149 : i32 to index
      %swap3A_183 = arith.constant 0 : index
      %swap3A_184 = tpu.vector_load %arg17[%swap3A, %swap3A_183] {strides = array<i32>} : memref<80x88xf32, #tpu.memory_space<vmem>>, vector<16xf32>,
      tpu.vector_store %arg17[%swap3A, %swap3A_183], %mul3A_182 {strides = array<i32>} : memref<80x88xf32, #tpu.memory_space<vmem>>, vector<16xf32>,
      %swap3A_185 = arith.constant 0 : i32
      %swap3A_186 = tpu.memref_slice %arg17[%scan3A_149, %swap3A_185] : memref<80x88xf32, #tpu.memory_space<vmem>> -> memref<1x88xf32, #tpu.memory_space<vmem>>
      %swap3A_187 = tpu.memref_squeeze %swap3A_186 : memref<1x88xf32, #tpu.memory_space<vmem>> -> memref<88xf32, #tpu.memory_space<vmem>>
      %swap3A_188 = arith.constant 64 : index
      %swap3A_189 = tpu.vector_load %swap3A_187[%swap3A_188] masked %eq3A_29 {strides = array<i32>} : memref<88xf32, #tpu.memory_space<vmem>>, vector<16xf32>, vector<16xi1>
      tpu.vector_store %swap3A_187[%swap3A_188], %exp3A masked %eq3A_29 {strides = array<i32>} : memref<88xf32, #tpu.memory_space<vmem>>, vector<16xf32>, vector<16xi1>
      %add3A_190 = arith.addf %unpack3A_157, %unpack3A_162 : vector<16xf32>
      %mul3A_191 = arith.constant 2.000000e-01 : f32
      %mul3A_192 = vector.broadcast %mul3A_191 : f32 to vector<16xf32>
      %mul3A_193 = arith.mulf %mul3A_192, %add3A_190 : vector<16xf32>
      %max3A_194 = arith.maximumf %add3A_190, %mul3A_193 : vector<16xf32>
      %exp3A_195 = math.exp %max3A_194 : vector<16xf32>
      %mul3A_196 = arith.mulf %unpack3A_152, %exp3A_195 : vector<16xf32>
      %swap3A_197 = arith.index_cast %scan3A_149 : i32 to index
      %swap3A_198 = arith.constant 16 : index
      %swap3A_199 = tpu.vector_load %arg17[%swap3A_197, %swap3A_198] {strides = array<i32>} : memref<80x88xf32, #tpu.memory_space<vmem>>, vector<16xf32>,
      tpu.vector_store %arg17[%swap3A_197, %swap3A_198], %mul3A_196 {strides = array<i32>} : memref<80x88xf32, #tpu.memory_space<vmem>>, vector<16xf32>,
      %swap3A_200 = arith.constant 0 : i32
      %swap3A_201 = tpu.memref_slice %arg17[%scan3A_149, %swap3A_200] : memref<80x88xf32, #tpu.memory_space<vmem>> -> memref<1x88xf32, #tpu.memory_space<vmem>>
      %swap3A_202 = tpu.memref_squeeze %swap3A_201 : memref<1x88xf32, #tpu.memory_space<vmem>> -> memref<88xf32, #tpu.memory_space<vmem>>
      %swap3A_203 = arith.constant 66 : index
      %swap3A_204 = tpu.vector_load %swap3A_202[%swap3A_203] masked %eq3A_29 {strides = array<i32>} : memref<88xf32, #tpu.memory_space<vmem>>, vector<16xf32>, vector<16xi1>
      tpu.vector_store %swap3A_202[%swap3A_203], %exp3A_195 masked %eq3A_29 {strides = array<i32>} : memref<88xf32, #tpu.memory_space<vmem>>, vector<16xf32>, vector<16xi1>
      %add3A_205 = arith.addf %unpack3A_171, %unpack3A_176 : vector<16xf32>
      %mul3A_206 = arith.constant 2.000000e-01 : f32
      %mul3A_207 = vector.broadcast %mul3A_206 : f32 to vector<16xf32>
      %mul3A_208 = arith.mulf %mul3A_207, %add3A_205 : vector<16xf32>
      %max3A_209 = arith.maximumf %add3A_205, %mul3A_208 : vector<16xf32>
      %exp3A_210 = math.exp %max3A_209 : vector<16xf32>
      %mul3A_211 = arith.mulf %unpack3A_166, %exp3A_210 : vector<16xf32>
      %swap3A_212 = arith.index_cast %scan3A_149 : i32 to index
      %swap3A_213 = arith.constant 32 : index
      %swap3A_214 = tpu.vector_load %arg17[%swap3A_212, %swap3A_213] {strides = array<i32>} : memref<80x88xf32, #tpu.memory_space<vmem>>, vector<16xf32>,
      tpu.vector_store %arg17[%swap3A_212, %swap3A_213], %mul3A_211 {strides = array<i32>} : memref<80x88xf32, #tpu.memory_space<vmem>>, vector<16xf32>,
      %swap3A_215 = arith.constant 0 : i32
      %swap3A_216 = tpu.memref_slice %arg17[%scan3A_149, %swap3A_215] : memref<80x88xf32, #tpu.memory_space<vmem>> -> memref<1x88xf32, #tpu.memory_space<vmem>>
      %swap3A_217 = tpu.memref_squeeze %swap3A_216 : memref<1x88xf32, #tpu.memory_space<vmem>> -> memref<88xf32, #tpu.memory_space<vmem>>
      %swap3A_218 = arith.constant 68 : index
      %swap3A_219 = tpu.vector_load %swap3A_217[%swap3A_218] masked %eq3A_29 {strides = array<i32>} : memref<88xf32, #tpu.memory_space<vmem>>, vector<16xf32>, vector<16xi1>
      tpu.vector_store %swap3A_217[%swap3A_218], %exp3A_210 masked %eq3A_29 {strides = array<i32>} : memref<88xf32, #tpu.memory_space<vmem>>, vector<16xf32>, vector<16xi1>
      %add3A_220 = arith.addf %unpack3A_172, %unpack3A_177 : vector<16xf32>
      %mul3A_221 = arith.constant 2.000000e-01 : f32
      %mul3A_222 = vector.broadcast %mul3A_221 : f32 to vector<16xf32>
      %mul3A_223 = arith.mulf %mul3A_222, %add3A_220 : vector<16xf32>
      %max3A_224 = arith.maximumf %add3A_220, %mul3A_223 : vector<16xf32>
      %exp3A_225 = math.exp %max3A_224 : vector<16xf32>
      %mul3A_226 = arith.mulf %unpack3A_167, %exp3A_225 : vector<16xf32>
      %swap3A_227 = arith.index_cast %scan3A_149 : i32 to index
      %swap3A_228 = arith.constant 48 : index
      %swap3A_229 = tpu.vector_load %arg17[%swap3A_227, %swap3A_228] {strides = array<i32>} : memref<80x88xf32, #tpu.memory_space<vmem>>, vector<16xf32>,
      tpu.vector_store %arg17[%swap3A_227, %swap3A_228], %mul3A_226 {strides = array<i32>} : memref<80x88xf32, #tpu.memory_space<vmem>>, vector<16xf32>,
      %swap3A_230 = arith.constant 0 : i32
      %swap3A_231 = tpu.memref_slice %arg17[%scan3A_149, %swap3A_230] : memref<80x88xf32, #tpu.memory_space<vmem>> -> memref<1x88xf32, #tpu.memory_space<vmem>>
      %swap3A_232 = tpu.memref_squeeze %swap3A_231 : memref<1x88xf32, #tpu.memory_space<vmem>> -> memref<88xf32, #tpu.memory_space<vmem>>
      %swap3A_233 = arith.constant 70 : index
      %swap3A_234 = tpu.vector_load %swap3A_232[%swap3A_233] masked %eq3A_29 {strides = array<i32>} : memref<88xf32, #tpu.memory_space<vmem>>, vector<16xf32>, vector<16xi1>
      tpu.vector_store %swap3A_232[%swap3A_233], %exp3A_225 masked %eq3A_29 {strides = array<i32>} : memref<88xf32, #tpu.memory_space<vmem>>, vector<16xf32>, vector<16xi1>
      %scan3A_235 = arith.constant 1 : i32
      %scan3A_236 = arith.addi %scan3A_149, %scan3A_235 : i32
      %get3A_237 = arith.index_cast %scan3A_236 : i32 to index
      %get3A_238 = arith.constant 0 : index
      %get3A_239 = tpu.vector_load %arg11[%get3A_237, %get3A_238] {strides = array<i32>} : memref<80x128xbf16, #tpu.memory_space<vmem>>, vector<32xbf16>,
      %unpack3A_240 = tpu.unpack_subelements %get3A_239, 0 {pack_format = #tpu.pack_format<interleaved>} : vector<32xbf16> -> vector<16xf32>
      %unpack3A_241 = tpu.unpack_subelements %get3A_239, 1 {pack_format = #tpu.pack_format<interleaved>} : vector<32xbf16> -> vector<16xf32>
      %get3A_242 = arith.index_cast %scan3A_236 : i32 to index
      %get3A_243 = arith.constant 64 : index
      %get3A_244 = tpu.vector_load %arg11[%get3A_242, %get3A_243] {strides = array<i32>} : memref<80x128xbf16, #tpu.memory_space<vmem>>, vector<32xbf16>,
      %unpack3A_245 = tpu.unpack_subelements %get3A_244, 0 {pack_format = #tpu.pack_format<interleaved>} : vector<32xbf16> -> vector<16xf32>
      %unpack3A_246 = tpu.unpack_subelements %get3A_244, 1 {pack_format = #tpu.pack_format<interleaved>} : vector<32xbf16> -> vector<16xf32>
      %get3A_247 = arith.index_cast %scan3A_236 : i32 to index
      %get3A_248 = arith.constant 0 : index
      %get3A_249 = tpu.vector_load %arg14[%get3A_247, %get3A_248] {strides = array<i32>} : memref<80x64xbf16, #tpu.memory_space<vmem>>, vector<32xbf16>,
      %unpack3A_250 = tpu.unpack_subelements %get3A_249, 0 {pack_format = #tpu.pack_format<interleaved>} : vector<32xbf16> -> vector<16xf32>
      %unpack3A_251 = tpu.unpack_subelements %get3A_249, 1 {pack_format = #tpu.pack_format<interleaved>} : vector<32xbf16> -> vector<16xf32>
      %get3A_252 = arith.index_cast %scan3A_236 : i32 to index
      %get3A_253 = arith.constant 32 : index
      %get3A_254 = tpu.vector_load %arg11[%get3A_252, %get3A_253] {strides = array<i32>} : memref<80x128xbf16, #tpu.memory_space<vmem>>, vector<32xbf16>,
      %unpack3A_255 = tpu.unpack_subelements %get3A_254, 0 {pack_format = #tpu.pack_format<interleaved>} : vector<32xbf16> -> vector<16xf32>
      %unpack3A_256 = tpu.unpack_subelements %get3A_254, 1 {pack_format = #tpu.pack_format<interleaved>} : vector<32xbf16> -> vector<16xf32>
      %get3A_257 = arith.index_cast %scan3A_236 : i32 to index
      %get3A_258 = arith.constant 96 : index
      %get3A_259 = tpu.vector_load %arg11[%get3A_257, %get3A_258] {strides = array<i32>} : memref<80x128xbf16, #tpu.memory_space<vmem>>, vector<32xbf16>,
      %unpack3A_260 = tpu.unpack_subelements %get3A_259, 0 {pack_format = #tpu.pack_format<interleaved>} : vector<32xbf16> -> vector<16xf32>
      %unpack3A_261 = tpu.unpack_subelements %get3A_259, 1 {pack_format = #tpu.pack_format<interleaved>} : vector<32xbf16> -> vector<16xf32>
      %get3A_262 = arith.index_cast %scan3A_236 : i32 to index
      %get3A_263 = arith.constant 32 : index
      %get3A_264 = tpu.vector_load %arg14[%get3A_262, %get3A_263] {strides = array<i32>} : memref<80x64xbf16, #tpu.memory_space<vmem>>, vector<32xbf16>,
      %unpack3A_265 = tpu.unpack_subelements %get3A_264, 0 {pack_format = #tpu.pack_format<interleaved>} : vector<32xbf16> -> vector<16xf32>
      %unpack3A_266 = tpu.unpack_subelements %get3A_264, 1 {pack_format = #tpu.pack_format<interleaved>} : vector<32xbf16> -> vector<16xf32>
      %add3A_267 = arith.addf %unpack3A_245, %unpack3A_250 : vector<16xf32>
      %mul3A_268 = arith.constant 2.000000e-01 : f32
      %mul3A_269 = vector.broadcast %mul3A_268 : f32 to vector<16xf32>
      %mul3A_270 = arith.mulf %mul3A_269, %add3A_267 : vector<16xf32>
      %max3A_271 = arith.maximumf %add3A_267, %mul3A_270 : vector<16xf32>
      %exp3A_272 = math.exp %max3A_271 : vector<16xf32>
      %mul3A_273 = arith.mulf %unpack3A_240, %exp3A_272 : vector<16xf32>
      %swap3A_274 = arith.index_cast %scan3A_236 : i32 to index
      %swap3A_275 = arith.constant 0 : index
      %swap3A_276 = tpu.vector_load %arg17[%swap3A_274, %swap3A_275] {strides = array<i32>} : memref<80x88xf32, #tpu.memory_space<vmem>>, vector<16xf32>,
      tpu.vector_store %arg17[%swap3A_274, %swap3A_275], %mul3A_273 {strides = array<i32>} : memref<80x88xf32, #tpu.memory_space<vmem>>, vector<16xf32>,
      %swap3A_277 = arith.constant 0 : i32
      %swap3A_278 = tpu.memref_slice %arg17[%scan3A_236, %swap3A_277] : memref<80x88xf32, #tpu.memory_space<vmem>> -> memref<1x88xf32, #tpu.memory_space<vmem>>
      %swap3A_279 = tpu.memref_squeeze %swap3A_278 : memref<1x88xf32, #tpu.memory_space<vmem>> -> memref<88xf32, #tpu.memory_space<vmem>>
      %swap3A_280 = arith.constant 64 : index
      %swap3A_281 = tpu.vector_load %swap3A_279[%swap3A_280] masked %eq3A_29 {strides = array<i32>} : memref<88xf32, #tpu.memory_space<vmem>>, vector<16xf32>, vector<16xi1>
      tpu.vector_store %swap3A_279[%swap3A_280], %exp3A_272 masked %eq3A_29 {strides = array<i32>} : memref<88xf32, #tpu.memory_space<vmem>>, vector<16xf32>, vector<16xi1>
      %add3A_282 = arith.addf %unpack3A_246, %unpack3A_251 : vector<16xf32>
      %mul3A_283 = arith.constant 2.000000e-01 : f32
      %mul3A_284 = vector.broadcast %mul3A_283 : f32 to vector<16xf32>
      %mul3A_285 = arith.mulf %mul3A_284, %add3A_282 : vector<16xf32>
      %max3A_286 = arith.maximumf %add3A_282, %mul3A_285 : vector<16xf32>
      %exp3A_287 = math.exp %max3A_286 : vector<16xf32>
      %mul3A_288 = arith.mulf %unpack3A_241, %exp3A_287 : vector<16xf32>
      %swap3A_289 = arith.index_cast %scan3A_236 : i32 to index
      %swap3A_290 = arith.constant 16 : index
      %swap3A_291 = tpu.vector_load %arg17[%swap3A_289, %swap3A_290] {strides = array<i32>} : memref<80x88xf32, #tpu.memory_space<vmem>>, vector<16xf32>,
      tpu.vector_store %arg17[%swap3A_289, %swap3A_290], %mul3A_288 {strides = array<i32>} : memref<80x88xf32, #tpu.memory_space<vmem>>, vector<16xf32>,
      %swap3A_292 = arith.constant 0 : i32
      %swap3A_293 = tpu.memref_slice %arg17[%scan3A_236, %swap3A_292] : memref<80x88xf32, #tpu.memory_space<vmem>> -> memref<1x88xf32, #tpu.memory_space<vmem>>
      %swap3A_294 = tpu.memref_squeeze %swap3A_293 : memref<1x88xf32, #tpu.memory_space<vmem>> -> memref<88xf32, #tpu.memory_space<vmem>>
      %swap3A_295 = arith.constant 66 : index
      %swap3A_296 = tpu.vector_load %swap3A_294[%swap3A_295] masked %eq3A_29 {strides = array<i32>} : memref<88xf32, #tpu.memory_space<vmem>>, vector<16xf32>, vector<16xi1>
      tpu.vector_store %swap3A_294[%swap3A_295], %exp3A_287 masked %eq3A_29 {strides = array<i32>} : memref<88xf32, #tpu.memory_space<vmem>>, vector<16xf32>, vector<16xi1>
      %add3A_297 = arith.addf %unpack3A_260, %unpack3A_265 : vector<16xf32>
      %mul3A_298 = arith.constant 2.000000e-01 : f32
      %mul3A_299 = vector.broadcast %mul3A_298 : f32 to vector<16xf32>
      %mul3A_300 = arith.mulf %mul3A_299, %add3A_297 : vector<16xf32>
      %max3A_301 = arith.maximumf %add3A_297, %mul3A_300 : vector<16xf32>
      %exp3A_302 = math.exp %max3A_301 : vector<16xf32>
      %mul3A_303 = arith.mulf %unpack3A_255, %exp3A_302 : vector<16xf32>
      %swap3A_304 = arith.index_cast %scan3A_236 : i32 to index
      %swap3A_305 = arith.constant 32 : index
      %swap3A_306 = tpu.vector_load %arg17[%swap3A_304, %swap3A_305] {strides = array<i32>} : memref<80x88xf32, #tpu.memory_space<vmem>>, vector<16xf32>,
      tpu.vector_store %arg17[%swap3A_304, %swap3A_305], %mul3A_303 {strides = array<i32>} : memref<80x88xf32, #tpu.memory_space<vmem>>, vector<16xf32>,
      %swap3A_307 = arith.constant 0 : i32
      %swap3A_308 = tpu.memref_slice %arg17[%scan3A_236, %swap3A_307] : memref<80x88xf32, #tpu.memory_space<vmem>> -> memref<1x88xf32, #tpu.memory_space<vmem>>
      %swap3A_309 = tpu.memref_squeeze %swap3A_308 : memref<1x88xf32, #tpu.memory_space<vmem>> -> memref<88xf32, #tpu.memory_space<vmem>>
      %swap3A_310 = arith.constant 68 : index
      %swap3A_311 = tpu.vector_load %swap3A_309[%swap3A_310] masked %eq3A_29 {strides = array<i32>} : memref<88xf32, #tpu.memory_space<vmem>>, vector<16xf32>, vector<16xi1>
      tpu.vector_store %swap3A_309[%swap3A_310], %exp3A_302 masked %eq3A_29 {strides = array<i32>} : memref<88xf32, #tpu.memory_space<vmem>>, vector<16xf32>, vector<16xi1>
      %add3A_312 = arith.addf %unpack3A_261, %unpack3A_266 : vector<16xf32>
      %mul3A_313 = arith.constant 2.000000e-01 : f32
      %mul3A_314 = vector.broadcast %mul3A_313 : f32 to vector<16xf32>
      %mul3A_315 = arith.mulf %mul3A_314, %add3A_312 : vector<16xf32>
      %max3A_316 = arith.maximumf %add3A_312, %mul3A_315 : vector<16xf32>
      %exp3A_317 = math.exp %max3A_316 : vector<16xf32>
      %mul3A_318 = arith.mulf %unpack3A_256, %exp3A_317 : vector<16xf32>
      %swap3A_319 = arith.index_cast %scan3A_236 : i32 to index
      %swap3A_320 = arith.constant 48 : index
      %swap3A_321 = tpu.vector_load %arg17[%swap3A_319, %swap3A_320] {strides = array<i32>} : memref<80x88xf32, #tpu.memory_space<vmem>>, vector<16xf32>,
      tpu.vector_store %arg17[%swap3A_319, %swap3A_320], %mul3A_318 {strides = array<i32>} : memref<80x88xf32, #tpu.memory_space<vmem>>, vector<16xf32>,
      %swap3A_322 = arith.constant 0 : i32
      %swap3A_323 = tpu.memref_slice %arg17[%scan3A_236, %swap3A_322] : memref<80x88xf32, #tpu.memory_space<vmem>> -> memref<1x88xf32, #tpu.memory_space<vmem>>
      %swap3A_324 = tpu.memref_squeeze %swap3A_323 : memref<1x88xf32, #tpu.memory_space<vmem>> -> memref<88xf32, #tpu.memory_space<vmem>>
      %swap3A_325 = arith.constant 70 : index
      %swap3A_326 = tpu.vector_load %swap3A_324[%swap3A_325] masked %eq3A_29 {strides = array<i32>} : memref<88xf32, #tpu.memory_space<vmem>>, vector<16xf32>, vector<16xi1>
      tpu.vector_store %swap3A_324[%swap3A_325], %exp3A_317 masked %eq3A_29 {strides = array<i32>} : memref<88xf32, #tpu.memory_space<vmem>>, vector<16xf32>, vector<16xi1>
    }
    %scan3A_119 = arith.constant 80 : i32
    %dma_start3A_120 = arith.constant 124 : i32
    %dma_start3A_121 = arith.constant 0 : i32
    %dma_start3A_122 = tpu.memref_slice %arg9[%dma_start3A_120, %dma_start3A_121] : memref<125x80xi32, #tpu.memory_space<vmem>> -> memref<1x80xi32, #tpu.memory_space<vmem>>
    %dma_start3A_123 = tpu.memref_squeeze %dma_start3A_122 : memref<1x80xi32, #tpu.memory_space<vmem>> -> memref<80xi32, #tpu.memory_space<vmem>>
    %dma_start3A_124 = arith.constant 0 : i32
    %dma_start3A_125 = arith.constant 0 : i32
    %dma_start3A_126 = tpu.memref_slice %arg19[%dma_start3A_124, %dma_start3A_125] : memref<10000x88xf32, #tpu.memory_space<vmem_shared>> -> memref<10000x88xf32, #tpu.memory_space<vmem_shared>>
    tpu.enqueue_indirect_dma source(%arg17 : memref<80x88xf32, #tpu.memory_space<vmem>>) target(%dma_start3A_126 : memref<10000x88xf32, #tpu.memory_space<vmem_shared>>) offsets(%dma_start3A_123 : memref<80xi32, #tpu.memory_space<vmem>>) semaphore(%arg27 : memref<!tpu.dma_semaphore, #tpu.memory_space<semaphore_mem>>) {add = true}
    %dma_wait3A_127 = arith.constant 122 : i32
    %dma_wait3A_128 = arith.constant 0 : i32
    %dma_wait3A_129 = tpu.memref_slice %arg9[%dma_wait3A_127, %dma_wait3A_128] : memref<125x80xi32, #tpu.memory_space<vmem>> -> memref<1x80xi32, #tpu.memory_space<vmem>>
    %dma_wait3A_130 = tpu.memref_squeeze %dma_wait3A_129 : memref<1x80xi32, #tpu.memory_space<vmem>> -> memref<80xi32, #tpu.memory_space<vmem>>
    %dma_wait3A_131 = arith.constant 0 : i32
    %dma_wait3A_132 = arith.constant 0 : i32
    %dma_wait3A_133 = tpu.memref_slice %arg19[%dma_wait3A_131, %dma_wait3A_132] : memref<10000x88xf32, #tpu.memory_space<vmem_shared>> -> memref<10000x88xf32, #tpu.memory_space<vmem_shared>>
    tpu.wait_indirect_dma semaphore(%arg28 : memref<!tpu.dma_semaphore, #tpu.memory_space<semaphore_mem>>) src(%arg18 : memref<80x88xf32, #tpu.memory_space<vmem>>) dst(%dma_wait3A_133 : memref<10000x88xf32, #tpu.memory_space<vmem_shared>>)
    %dma_wait3A_134 = arith.constant 123 : i32
    %dma_wait3A_135 = arith.constant 0 : i32
    %dma_wait3A_136 = tpu.memref_slice %arg9[%dma_wait3A_134, %dma_wait3A_135] : memref<125x80xi32, #tpu.memory_space<vmem>> -> memref<1x80xi32, #tpu.memory_space<vmem>>
    %dma_wait3A_137 = tpu.memref_squeeze %dma_wait3A_136 : memref<1x80xi32, #tpu.memory_space<vmem>> -> memref<80xi32, #tpu.memory_space<vmem>>
    %dma_wait3A_138 = arith.constant 0 : i32
    %dma_wait3A_139 = arith.constant 0 : i32
    %dma_wait3A_140 = tpu.memref_slice %arg19[%dma_wait3A_138, %dma_wait3A_139] : memref<10000x88xf32, #tpu.memory_space<vmem_shared>> -> memref<10000x88xf32, #tpu.memory_space<vmem_shared>>
    tpu.wait_indirect_dma semaphore(%arg26 : memref<!tpu.dma_semaphore, #tpu.memory_space<semaphore_mem>>) src(%arg16 : memref<80x88xf32, #tpu.memory_space<vmem>>) dst(%dma_wait3A_140 : memref<10000x88xf32, #tpu.memory_space<vmem_shared>>)
    %dma_wait3A_141 = arith.constant 124 : i32
    %dma_wait3A_142 = arith.constant 0 : i32
    %dma_wait3A_143 = tpu.memref_slice %arg9[%dma_wait3A_141, %dma_wait3A_142] : memref<125x80xi32, #tpu.memory_space<vmem>> -> memref<1x80xi32, #tpu.memory_space<vmem>>
    %dma_wait3A_144 = tpu.memref_squeeze %dma_wait3A_143 : memref<1x80xi32, #tpu.memory_space<vmem>> -> memref<80xi32, #tpu.memory_space<vmem>>
    %dma_wait3A_145 = arith.constant 0 : i32
    %dma_wait3A_146 = arith.constant 0 : i32
    %dma_wait3A_147 = tpu.memref_slice %arg19[%dma_wait3A_145, %dma_wait3A_146] : memref<10000x88xf32, #tpu.memory_space<vmem_shared>> -> memref<10000x88xf32, #tpu.memory_space<vmem_shared>>
    tpu.wait_indirect_dma semaphore(%arg27 : memref<!tpu.dma_semaphore, #tpu.memory_space<semaphore_mem>>) src(%arg17 : memref<80x88xf32, #tpu.memory_space<vmem>>) dst(%dma_wait3A_147 : memref<10000x88xf32, #tpu.memory_space<vmem_shared>>)
    %barrier3A_148 = arith.constant 0 : index
    tpu.barrier barrier_id(%barrier3A_148)
    "tpu.region"() ({
      %run_scoped3A = tpu.sem_alloc : memref<!tpu.dma_semaphore, #tpu.memory_space<semaphore_mem>>
      %dma_start3A_149 = arith.constant 0 : i32
      %dma_start3A_150 = tpu.memref_slice %arg7[%arg0, %mul3A_2, %dma_start3A_149] : memref<2x10000x88xf32, #tpu.memory_space<hbm>> -> memref<1x625x88xf32, #tpu.memory_space<hbm>>
      %dma_start3A_151 = tpu.memref_squeeze %dma_start3A_150 : memref<1x625x88xf32, #tpu.memory_space<hbm>> -> memref<625x88xf32, #tpu.memory_space<hbm>>
      %dma_start3A_152 = arith.constant 0 : i32
      %dma_start3A_153 = tpu.memref_slice %arg19[%mul3A_2, %dma_start3A_152] : memref<10000x88xf32, #tpu.memory_space<vmem_shared>> -> memref<625x88xf32, #tpu.memory_space<vmem_shared>>
      tpu.enqueue_dma source(%dma_start3A_153 : memref<625x88xf32, #tpu.memory_space<vmem_shared>>) target(%dma_start3A_151 : memref<625x88xf32, #tpu.memory_space<hbm>>) target_semaphore(%run_scoped3A : memref<!tpu.dma_semaphore, #tpu.memory_space<semaphore_mem>>)
      %dma_wait3A_154 = arith.constant 0 : i32
      %dma_wait3A_155 = tpu.memref_slice %arg7[%arg0, %mul3A_2, %dma_wait3A_154] : memref<2x10000x88xf32, #tpu.memory_space<hbm>> -> memref<1x625x88xf32, #tpu.memory_space<hbm>>
      %dma_wait3A_156 = tpu.memref_squeeze %dma_wait3A_155 : memref<1x625x88xf32, #tpu.memory_space<hbm>> -> memref<625x88xf32, #tpu.memory_space<hbm>>
      %dma_wait3A_157 = arith.constant 0 : i32
      %dma_wait3A_158 = tpu.memref_slice %arg19[%mul3A_2, %dma_wait3A_157] : memref<10000x88xf32, #tpu.memory_space<vmem_shared>> -> memref<625x88xf32, #tpu.memory_space<vmem_shared>>
      tpu.wait_dma2 semaphore(%run_scoped3A : memref<!tpu.dma_semaphore, #tpu.memory_space<semaphore_mem>>) src(%dma_wait3A_158 : memref<625x88xf32, #tpu.memory_space<vmem_shared>>) dst(%dma_wait3A_156 : memref<625x88xf32, #tpu.memory_space<hbm>>)
      tpu.yield
    }) : () -> ()
    return
  }
}

#map = affine_map<(d0, d1) -> (0, 0)>
#map1 = affine_map<(d0, d1) -> (0, 0, 0)>
module attributes {stable_mosaic.version = 14 : i64} {
  func.func @edge_pass(%arg0: i32, %arg1: i32, %arg2: memref<10000x32xbf16, #tpu.memory_space<hbm>>, %arg3: memref<10000x32xbf16, #tpu.memory_space<hbm>>, %arg4: memref<4000x80xi32, #tpu.memory_space<hbm>>, %arg5: memref<4000x80xi32, #tpu.memory_space<hbm>>, %arg6: memref<10000x32xf32, #tpu.memory_space<hbm>>, %arg7: memref<2x10000x32xf32, #tpu.memory_space<hbm>>, %arg8: memref<125x80xi32, #tpu.memory_space<vmem>>, %arg9: memref<125x80xi32, #tpu.memory_space<vmem>>, %arg10: memref<80x32xbf16, #tpu.memory_space<vmem>>, %arg11: memref<80x32xbf16, #tpu.memory_space<vmem>>, %arg12: memref<80x32xbf16, #tpu.memory_space<vmem>>, %arg13: memref<80x32xbf16, #tpu.memory_space<vmem>>, %arg14: memref<80x32xbf16, #tpu.memory_space<vmem>>, %arg15: memref<80x32xbf16, #tpu.memory_space<vmem>>, %arg16: memref<80x32xbf16, #tpu.memory_space<vmem>>, %arg17: memref<80x32xbf16, #tpu.memory_space<vmem>>, %arg18: memref<80x32xf32, #tpu.memory_space<vmem>>, %arg19: memref<80x32xf32, #tpu.memory_space<vmem>>, %arg20: memref<80x32xf32, #tpu.memory_space<vmem>>, %arg21: memref<80x32xf32, #tpu.memory_space<vmem>>, %arg22: memref<10000x32xf32, #tpu.memory_space<vmem_shared>>, %arg23: memref<!tpu.dma_semaphore, #tpu.memory_space<semaphore_mem>>, %arg24: memref<!tpu.dma_semaphore, #tpu.memory_space<semaphore_mem>>, %arg25: memref<!tpu.dma_semaphore, #tpu.memory_space<semaphore_mem>>, %arg26: memref<!tpu.dma_semaphore, #tpu.memory_space<semaphore_mem>>, %arg27: memref<!tpu.dma_semaphore, #tpu.memory_space<semaphore_mem>>, %arg28: memref<!tpu.dma_semaphore, #tpu.memory_space<semaphore_mem>>, %arg29: memref<!tpu.dma_semaphore, #tpu.memory_space<semaphore_mem>>, %arg30: memref<!tpu.dma_semaphore, #tpu.memory_space<semaphore_mem>>, %arg31: memref<!tpu.dma_semaphore, #tpu.memory_space<semaphore_mem>>, %arg32: memref<!tpu.dma_semaphore, #tpu.memory_space<semaphore_mem>>, %arg33: memref<!tpu.dma_semaphore, #tpu.memory_space<semaphore_mem>>, %arg34: memref<!tpu.dma_semaphore, #tpu.memory_space<semaphore_mem>>) attributes {dimension_semantics = [#tpu.dimension_semantics<core_parallel>, #tpu.dimension_semantics<subcore_parallel>], iteration_bounds = array<i64: 2, 16>, scalar_prefetch = 0 : i64, scratch_operands = 27 : i64, tpu.core_type = #tpu.core_type<sc_vector_subcore>, window_params = [{transform_indices = #map}, {transform_indices = #map}, {transform_indices = #map}, {transform_indices = #map}, {transform_indices = #map}, {transform_indices = #map1}]} {
    %mul3A = arith.constant 16 : i32
    %mul3A_0 = arith.muli %arg0, %mul3A : i32
    %add3A = arith.addi %mul3A_0, %arg1 : i32
    %mul3A_1 = arith.constant 625 : i32
    %mul3A_2 = arith.muli %arg1, %mul3A_1 : i32
    "tpu.region"() ({
      %run_scoped3A = tpu.sem_alloc : memref<!tpu.dma_semaphore, #tpu.memory_space<semaphore_mem>>
      %dma_start3A_137 = arith.constant 0 : i32
      %dma_start3A_138 = tpu.memref_slice %arg22[%mul3A_2, %dma_start3A_137] : memref<10000x32xf32, #tpu.memory_space<vmem_shared>> -> memref<625x32xf32, #tpu.memory_space<vmem_shared>>
      %dma_start3A_139 = arith.constant 0 : i32
      %dma_start3A_140 = tpu.memref_slice %arg6[%mul3A_2, %dma_start3A_139] : memref<10000x32xf32, #tpu.memory_space<hbm>> -> memref<625x32xf32, #tpu.memory_space<hbm>>
      tpu.enqueue_dma source(%dma_start3A_140 : memref<625x32xf32, #tpu.memory_space<hbm>>) target(%dma_start3A_138 : memref<625x32xf32, #tpu.memory_space<vmem_shared>>) target_semaphore(%run_scoped3A : memref<!tpu.dma_semaphore, #tpu.memory_space<semaphore_mem>>)
      %dma_wait3A_141 = arith.constant 0 : i32
      %dma_wait3A_142 = tpu.memref_slice %arg22[%mul3A_2, %dma_wait3A_141] : memref<10000x32xf32, #tpu.memory_space<vmem_shared>> -> memref<625x32xf32, #tpu.memory_space<vmem_shared>>
      %dma_wait3A_143 = arith.constant 0 : i32
      %dma_wait3A_144 = tpu.memref_slice %arg6[%mul3A_2, %dma_wait3A_143] : memref<10000x32xf32, #tpu.memory_space<hbm>> -> memref<625x32xf32, #tpu.memory_space<hbm>>
      tpu.wait_dma2 semaphore(%run_scoped3A : memref<!tpu.dma_semaphore, #tpu.memory_space<semaphore_mem>>) src(%dma_wait3A_144 : memref<625x32xf32, #tpu.memory_space<hbm>>) dst(%dma_wait3A_142 : memref<625x32xf32, #tpu.memory_space<vmem_shared>>)
      tpu.yield
    }) : () -> ()
    %mul3A_3 = arith.constant 125 : i32
    %mul3A_4 = arith.muli %add3A, %mul3A_3 : i32
    "tpu.region"() ({
      %run_scoped3A = tpu.sem_alloc : memref<!tpu.dma_semaphore, #tpu.memory_space<semaphore_mem>>
      %dma_start3A_137 = arith.constant 0 : i32
      %dma_start3A_138 = tpu.memref_slice %arg4[%mul3A_4, %dma_start3A_137] : memref<4000x80xi32, #tpu.memory_space<hbm>> -> memref<125x80xi32, #tpu.memory_space<hbm>>
      %dma_start3A_139 = arith.constant 0 : i32
      %dma_start3A_140 = tpu.memref_slice %arg4[%mul3A_4, %dma_start3A_139] : memref<4000x80xi32, #tpu.memory_space<hbm>> -> memref<125x80xi32, #tpu.memory_space<hbm>>
      tpu.enqueue_dma source(%dma_start3A_140 : memref<125x80xi32, #tpu.memory_space<hbm>>) target(%arg8 : memref<125x80xi32, #tpu.memory_space<vmem>>) target_semaphore(%run_scoped3A : memref<!tpu.dma_semaphore, #tpu.memory_space<semaphore_mem>>)
      %dma_wait3A_141 = arith.constant 0 : i32
      %dma_wait3A_142 = tpu.memref_slice %arg4[%mul3A_4, %dma_wait3A_141] : memref<4000x80xi32, #tpu.memory_space<hbm>> -> memref<125x80xi32, #tpu.memory_space<hbm>>
      %dma_wait3A_143 = arith.constant 0 : i32
      %dma_wait3A_144 = tpu.memref_slice %arg4[%mul3A_4, %dma_wait3A_143] : memref<4000x80xi32, #tpu.memory_space<hbm>> -> memref<125x80xi32, #tpu.memory_space<hbm>>
      tpu.wait_dma2 semaphore(%run_scoped3A : memref<!tpu.dma_semaphore, #tpu.memory_space<semaphore_mem>>) src(%dma_wait3A_144 : memref<125x80xi32, #tpu.memory_space<hbm>>) dst(%arg8 : memref<125x80xi32, #tpu.memory_space<vmem>>)
      tpu.yield
    }) : () -> ()
    %mul3A_5 = arith.constant 125 : i32
    %mul3A_6 = arith.muli %add3A, %mul3A_5 : i32
    "tpu.region"() ({
      %run_scoped3A = tpu.sem_alloc : memref<!tpu.dma_semaphore, #tpu.memory_space<semaphore_mem>>
      %dma_start3A_137 = arith.constant 0 : i32
      %dma_start3A_138 = tpu.memref_slice %arg5[%mul3A_6, %dma_start3A_137] : memref<4000x80xi32, #tpu.memory_space<hbm>> -> memref<125x80xi32, #tpu.memory_space<hbm>>
      %dma_start3A_139 = arith.constant 0 : i32
      %dma_start3A_140 = tpu.memref_slice %arg5[%mul3A_6, %dma_start3A_139] : memref<4000x80xi32, #tpu.memory_space<hbm>> -> memref<125x80xi32, #tpu.memory_space<hbm>>
      tpu.enqueue_dma source(%dma_start3A_140 : memref<125x80xi32, #tpu.memory_space<hbm>>) target(%arg9 : memref<125x80xi32, #tpu.memory_space<vmem>>) target_semaphore(%run_scoped3A : memref<!tpu.dma_semaphore, #tpu.memory_space<semaphore_mem>>)
      %dma_wait3A_141 = arith.constant 0 : i32
      %dma_wait3A_142 = tpu.memref_slice %arg5[%mul3A_6, %dma_wait3A_141] : memref<4000x80xi32, #tpu.memory_space<hbm>> -> memref<125x80xi32, #tpu.memory_space<hbm>>
      %dma_wait3A_143 = arith.constant 0 : i32
      %dma_wait3A_144 = tpu.memref_slice %arg5[%mul3A_6, %dma_wait3A_143] : memref<4000x80xi32, #tpu.memory_space<hbm>> -> memref<125x80xi32, #tpu.memory_space<hbm>>
      tpu.wait_dma2 semaphore(%run_scoped3A : memref<!tpu.dma_semaphore, #tpu.memory_space<semaphore_mem>>) src(%dma_wait3A_144 : memref<125x80xi32, #tpu.memory_space<hbm>>) dst(%arg9 : memref<125x80xi32, #tpu.memory_space<vmem>>)
      tpu.yield
    }) : () -> ()
    %broadcast_in_dim3A = arith.constant 0.000000e+00 : f32
    %broadcast_in_dim3A_7 = vector.broadcast %broadcast_in_dim3A : f32 to vector<16xf32>
    %scan3A = arith.constant 0 : i32
    %scan3A_8 = arith.constant 80 : i32
    %scan3A_9 = arith.addi %scan3A, %scan3A_8 : i32
    %scan3A_10 = arith.constant 1 : i32
    scf.for %scan3A_137 = %scan3A to %scan3A_9 step %scan3A_10  : i32 {
      %swap3A = arith.index_cast %scan3A_137 : i32 to index
      %swap3A_138 = arith.constant 16 : index
      %swap3A_139 = tpu.vector_load %arg18[%swap3A, %swap3A_138] {strides = array<i32>} : memref<80x32xf32, #tpu.memory_space<vmem>>, vector<16xf32>,
      tpu.vector_store %arg18[%swap3A, %swap3A_138], %broadcast_in_dim3A_7 {strides = array<i32>} : memref<80x32xf32, #tpu.memory_space<vmem>>, vector<16xf32>,
      %swap3A_140 = arith.index_cast %scan3A_137 : i32 to index
      %swap3A_141 = arith.constant 16 : index
      %swap3A_142 = tpu.vector_load %arg19[%swap3A_140, %swap3A_141] {strides = array<i32>} : memref<80x32xf32, #tpu.memory_space<vmem>>, vector<16xf32>,
      tpu.vector_store %arg19[%swap3A_140, %swap3A_141], %broadcast_in_dim3A_7 {strides = array<i32>} : memref<80x32xf32, #tpu.memory_space<vmem>>, vector<16xf32>,
      %swap3A_143 = arith.index_cast %scan3A_137 : i32 to index
      %swap3A_144 = arith.constant 16 : index
      %swap3A_145 = tpu.vector_load %arg20[%swap3A_143, %swap3A_144] {strides = array<i32>} : memref<80x32xf32, #tpu.memory_space<vmem>>, vector<16xf32>,
      tpu.vector_store %arg20[%swap3A_143, %swap3A_144], %broadcast_in_dim3A_7 {strides = array<i32>} : memref<80x32xf32, #tpu.memory_space<vmem>>, vector<16xf32>,
      %swap3A_146 = arith.index_cast %scan3A_137 : i32 to index
      %swap3A_147 = arith.constant 16 : index
      %swap3A_148 = tpu.vector_load %arg21[%swap3A_146, %swap3A_147] {strides = array<i32>} : memref<80x32xf32, #tpu.memory_space<vmem>>, vector<16xf32>,
      tpu.vector_store %arg21[%swap3A_146, %swap3A_147], %broadcast_in_dim3A_7 {strides = array<i32>} : memref<80x32xf32, #tpu.memory_space<vmem>>, vector<16xf32>,
    }
    %scan3A_11 = arith.constant 80 : i32
    %barrier3A = arith.constant 0 : index
    tpu.barrier barrier_id(%barrier3A)
    %iota3A = tpu.iota {dimensions = array<i32: 0>} : vector<16xi32>
    %jit3A = arith.constant 16 : i32
    %eq3A = arith.constant 0 : i32
    %eq3A_12 = arith.cmpi eq, %jit3A, %eq3A : i32
    %jit3A_13 = arith.constant 1 : i32
    %select_n3A = arith.select %eq3A_12, %jit3A_13, %jit3A : i32
    %rem3A = vector.broadcast %select_n3A : i32 to vector<16xi32>
    %rem3A_14 = arith.remsi %iota3A, %rem3A : vector<16xi32>
    %ne3A = arith.constant 0 : i32
    %ne3A_15 = vector.broadcast %ne3A : i32 to vector<16xi32>
    %ne3A_16 = arith.cmpi ne, %rem3A_14, %ne3A_15 : vector<16xi32>
    %lt3A = arith.constant 0 : i32
    %lt3A_17 = vector.broadcast %lt3A : i32 to vector<16xi32>
    %lt3A_18 = arith.cmpi slt, %rem3A_14, %lt3A_17 : vector<16xi32>
    %lt3A_19 = arith.constant 0 : i32
    %lt3A_20 = arith.cmpi slt, %select_n3A, %lt3A_19 : i32
    %ne3A_21 = vector.broadcast %lt3A_20 : i1 to vector<16xi1>
    %ne3A_22 = vector.broadcast %ne3A_21 : vector<16xi1> to vector<16xi1>
    %ne3A_23 = arith.xori %lt3A_18, %ne3A_22 : vector<16xi1>
    %and3A = arith.andi %ne3A_23, %ne3A_16 : vector<16xi1>
    %add3A_24 = vector.broadcast %select_n3A : i32 to vector<16xi32>
    %add3A_25 = arith.addi %rem3A_14, %add3A_24 : vector<16xi32>
    %select_n3A_26 = arith.select %and3A, %add3A_25, %rem3A_14 : vector<16xi1>, vector<16xi32>
    %eq3A_27 = arith.constant 0 : i32
    %eq3A_28 = vector.broadcast %eq3A_27 : i32 to vector<16xi32>
    %eq3A_29 = arith.cmpi eq, %select_n3A_26, %eq3A_28 : vector<16xi32>
    %dma_start3A = arith.constant 0 : i32
    %dma_start3A_30 = arith.constant 0 : i32
    %dma_start3A_31 = tpu.memref_slice %arg8[%dma_start3A, %dma_start3A_30] : memref<125x80xi32, #tpu.memory_space<vmem>> -> memref<1x80xi32, #tpu.memory_space<vmem>>
    %dma_start3A_32 = tpu.memref_squeeze %dma_start3A_31 : memref<1x80xi32, #tpu.memory_space<vmem>> -> memref<80xi32, #tpu.memory_space<vmem>>
    %dma_start3A_33 = arith.constant 0 : i32
    %dma_start3A_34 = arith.constant 0 : i32
    %dma_start3A_35 = tpu.memref_slice %arg2[%dma_start3A_33, %dma_start3A_34] : memref<10000x32xbf16, #tpu.memory_space<hbm>> -> memref<10000x32xbf16, #tpu.memory_space<hbm>>
    tpu.enqueue_indirect_dma source(%dma_start3A_35 : memref<10000x32xbf16, #tpu.memory_space<hbm>>) target(%arg10 : memref<80x32xbf16, #tpu.memory_space<vmem>>) offsets(%dma_start3A_32 : memref<80xi32, #tpu.memory_space<vmem>>) semaphore(%arg23 : memref<!tpu.dma_semaphore, #tpu.memory_space<semaphore_mem>>)
    %dma_start3A_36 = arith.constant 0 : i32
    %dma_start3A_37 = arith.constant 0 : i32
    %dma_start3A_38 = tpu.memref_slice %arg9[%dma_start3A_36, %dma_start3A_37] : memref<125x80xi32, #tpu.memory_space<vmem>> -> memref<1x80xi32, #tpu.memory_space<vmem>>
    %dma_start3A_39 = tpu.memref_squeeze %dma_start3A_38 : memref<1x80xi32, #tpu.memory_space<vmem>> -> memref<80xi32, #tpu.memory_space<vmem>>
    %dma_start3A_40 = arith.constant 0 : i32
    %dma_start3A_41 = arith.constant 0 : i32
    %dma_start3A_42 = tpu.memref_slice %arg3[%dma_start3A_40, %dma_start3A_41] : memref<10000x32xbf16, #tpu.memory_space<hbm>> -> memref<10000x32xbf16, #tpu.memory_space<hbm>>
    tpu.enqueue_indirect_dma source(%dma_start3A_42 : memref<10000x32xbf16, #tpu.memory_space<hbm>>) target(%arg14 : memref<80x32xbf16, #tpu.memory_space<vmem>>) offsets(%dma_start3A_39 : memref<80xi32, #tpu.memory_space<vmem>>) semaphore(%arg27 : memref<!tpu.dma_semaphore, #tpu.memory_space<semaphore_mem>>)
    %dma_start3A_43 = arith.constant 1 : i32
    %dma_start3A_44 = arith.constant 0 : i32
    %dma_start3A_45 = tpu.memref_slice %arg8[%dma_start3A_43, %dma_start3A_44] : memref<125x80xi32, #tpu.memory_space<vmem>> -> memref<1x80xi32, #tpu.memory_space<vmem>>
    %dma_start3A_46 = tpu.memref_squeeze %dma_start3A_45 : memref<1x80xi32, #tpu.memory_space<vmem>> -> memref<80xi32, #tpu.memory_space<vmem>>
    %dma_start3A_47 = arith.constant 0 : i32
    %dma_start3A_48 = arith.constant 0 : i32
    %dma_start3A_49 = tpu.memref_slice %arg2[%dma_start3A_47, %dma_start3A_48] : memref<10000x32xbf16, #tpu.memory_space<hbm>> -> memref<10000x32xbf16, #tpu.memory_space<hbm>>
    tpu.enqueue_indirect_dma source(%dma_start3A_49 : memref<10000x32xbf16, #tpu.memory_space<hbm>>) target(%arg11 : memref<80x32xbf16, #tpu.memory_space<vmem>>) offsets(%dma_start3A_46 : memref<80xi32, #tpu.memory_space<vmem>>) semaphore(%arg24 : memref<!tpu.dma_semaphore, #tpu.memory_space<semaphore_mem>>)
    %dma_start3A_50 = arith.constant 1 : i32
    %dma_start3A_51 = arith.constant 0 : i32
    %dma_start3A_52 = tpu.memref_slice %arg9[%dma_start3A_50, %dma_start3A_51] : memref<125x80xi32, #tpu.memory_space<vmem>> -> memref<1x80xi32, #tpu.memory_space<vmem>>
    %dma_start3A_53 = tpu.memref_squeeze %dma_start3A_52 : memref<1x80xi32, #tpu.memory_space<vmem>> -> memref<80xi32, #tpu.memory_space<vmem>>
    %dma_start3A_54 = arith.constant 0 : i32
    %dma_start3A_55 = arith.constant 0 : i32
    %dma_start3A_56 = tpu.memref_slice %arg3[%dma_start3A_54, %dma_start3A_55] : memref<10000x32xbf16, #tpu.memory_space<hbm>> -> memref<10000x32xbf16, #tpu.memory_space<hbm>>
    tpu.enqueue_indirect_dma source(%dma_start3A_56 : memref<10000x32xbf16, #tpu.memory_space<hbm>>) target(%arg15 : memref<80x32xbf16, #tpu.memory_space<vmem>>) offsets(%dma_start3A_53 : memref<80xi32, #tpu.memory_space<vmem>>) semaphore(%arg28 : memref<!tpu.dma_semaphore, #tpu.memory_space<semaphore_mem>>)
    %dma_start3A_57 = arith.constant 2 : i32
    %dma_start3A_58 = arith.constant 0 : i32
    %dma_start3A_59 = tpu.memref_slice %arg8[%dma_start3A_57, %dma_start3A_58] : memref<125x80xi32, #tpu.memory_space<vmem>> -> memref<1x80xi32, #tpu.memory_space<vmem>>
    %dma_start3A_60 = tpu.memref_squeeze %dma_start3A_59 : memref<1x80xi32, #tpu.memory_space<vmem>> -> memref<80xi32, #tpu.memory_space<vmem>>
    %dma_start3A_61 = arith.constant 0 : i32
    %dma_start3A_62 = arith.constant 0 : i32
    %dma_start3A_63 = tpu.memref_slice %arg2[%dma_start3A_61, %dma_start3A_62] : memref<10000x32xbf16, #tpu.memory_space<hbm>> -> memref<10000x32xbf16, #tpu.memory_space<hbm>>
    tpu.enqueue_indirect_dma source(%dma_start3A_63 : memref<10000x32xbf16, #tpu.memory_space<hbm>>) target(%arg12 : memref<80x32xbf16, #tpu.memory_space<vmem>>) offsets(%dma_start3A_60 : memref<80xi32, #tpu.memory_space<vmem>>) semaphore(%arg25 : memref<!tpu.dma_semaphore, #tpu.memory_space<semaphore_mem>>)
    %dma_start3A_64 = arith.constant 2 : i32
    %dma_start3A_65 = arith.constant 0 : i32
    %dma_start3A_66 = tpu.memref_slice %arg9[%dma_start3A_64, %dma_start3A_65] : memref<125x80xi32, #tpu.memory_space<vmem>> -> memref<1x80xi32, #tpu.memory_space<vmem>>
    %dma_start3A_67 = tpu.memref_squeeze %dma_start3A_66 : memref<1x80xi32, #tpu.memory_space<vmem>> -> memref<80xi32, #tpu.memory_space<vmem>>
    %dma_start3A_68 = arith.constant 0 : i32
    %dma_start3A_69 = arith.constant 0 : i32
    %dma_start3A_70 = tpu.memref_slice %arg3[%dma_start3A_68, %dma_start3A_69] : memref<10000x32xbf16, #tpu.memory_space<hbm>> -> memref<10000x32xbf16, #tpu.memory_space<hbm>>
    tpu.enqueue_indirect_dma source(%dma_start3A_70 : memref<10000x32xbf16, #tpu.memory_space<hbm>>) target(%arg16 : memref<80x32xbf16, #tpu.memory_space<vmem>>) offsets(%dma_start3A_67 : memref<80xi32, #tpu.memory_space<vmem>>) semaphore(%arg29 : memref<!tpu.dma_semaphore, #tpu.memory_space<semaphore_mem>>)
    %scan3A_71 = arith.constant 0 : i32
    %scan3A_72 = arith.constant 31 : i32
    %scan3A_73 = arith.addi %scan3A_71, %scan3A_72 : i32
    %scan3A_74 = arith.constant 1 : i32
    scf.for %scan3A_137 = %scan3A_71 to %scan3A_73 step %scan3A_74  : i32 {
      %mul3A_138 = arith.constant 4 : i32
      %mul3A_139 = arith.muli %scan3A_137, %mul3A_138 : i32
      %add3A_140 = arith.constant 0 : i32
      %add3A_141 = arith.addi %mul3A_139, %add3A_140 : i32
      %add3A_142 = arith.constant 4 : i32
      %add3A_143 = arith.addi %add3A_141, %add3A_142 : i32
      %sub3A = arith.constant 1 : i32
      %sub3A_144 = arith.subi %add3A_143, %sub3A : i32
      %lt3A_145 = arith.constant 125 : i32
      %lt3A_146 = arith.cmpi slt, %sub3A_144, %lt3A_145 : i32
      %convert_element_type3A = arith.extui %lt3A_146 : i1 to i32
      %cond3A = arith.constant 0 : i32
      %cond3A_147 = arith.cmpi ne, %convert_element_type3A, %cond3A : i32
      scf.if %cond3A_147 {
        %add3A_298 = arith.constant 4 : i32
        %add3A_299 = arith.addi %add3A_141, %add3A_298 : i32
        %sub3A_300 = arith.constant 1 : i32
        %sub3A_301 = arith.subi %add3A_299, %sub3A_300 : i32
        %dma_start3A_302 = arith.constant 0 : i32
        %dma_start3A_303 = tpu.memref_slice %arg8[%sub3A_301, %dma_start3A_302] : memref<125x80xi32, #tpu.memory_space<vmem>> -> memref<1x80xi32, #tpu.memory_space<vmem>>
        %dma_start3A_304 = tpu.memref_squeeze %dma_start3A_303 : memref<1x80xi32, #tpu.memory_space<vmem>> -> memref<80xi32, #tpu.memory_space<vmem>>
        %dma_start3A_305 = arith.constant 0 : i32
        %dma_start3A_306 = arith.constant 0 : i32
        %dma_start3A_307 = tpu.memref_slice %arg2[%dma_start3A_305, %dma_start3A_306] : memref<10000x32xbf16, #tpu.memory_space<hbm>> -> memref<10000x32xbf16, #tpu.memory_space<hbm>>
        tpu.enqueue_indirect_dma source(%dma_start3A_307 : memref<10000x32xbf16, #tpu.memory_space<hbm>>) target(%arg13 : memref<80x32xbf16, #tpu.memory_space<vmem>>) offsets(%dma_start3A_304 : memref<80xi32, #tpu.memory_space<vmem>>) semaphore(%arg26 : memref<!tpu.dma_semaphore, #tpu.memory_space<semaphore_mem>>)
        %dma_start3A_308 = arith.constant 0 : i32
        %dma_start3A_309 = tpu.memref_slice %arg9[%sub3A_301, %dma_start3A_308] : memref<125x80xi32, #tpu.memory_space<vmem>> -> memref<1x80xi32, #tpu.memory_space<vmem>>
        %dma_start3A_310 = tpu.memref_squeeze %dma_start3A_309 : memref<1x80xi32, #tpu.memory_space<vmem>> -> memref<80xi32, #tpu.memory_space<vmem>>
        %dma_start3A_311 = arith.constant 0 : i32
        %dma_start3A_312 = arith.constant 0 : i32
        %dma_start3A_313 = tpu.memref_slice %arg3[%dma_start3A_311, %dma_start3A_312] : memref<10000x32xbf16, #tpu.memory_space<hbm>> -> memref<10000x32xbf16, #tpu.memory_space<hbm>>
        tpu.enqueue_indirect_dma source(%dma_start3A_313 : memref<10000x32xbf16, #tpu.memory_space<hbm>>) target(%arg17 : memref<80x32xbf16, #tpu.memory_space<vmem>>) offsets(%dma_start3A_310 : memref<80xi32, #tpu.memory_space<vmem>>) semaphore(%arg30 : memref<!tpu.dma_semaphore, #tpu.memory_space<semaphore_mem>>)
      } else {
      }
      %dma_wait3A_148 = arith.constant 0 : i32
      %dma_wait3A_149 = tpu.memref_slice %arg8[%add3A_141, %dma_wait3A_148] : memref<125x80xi32, #tpu.memory_space<vmem>> -> memref<1x80xi32, #tpu.memory_space<vmem>>
      %dma_wait3A_150 = tpu.memref_squeeze %dma_wait3A_149 : memref<1x80xi32, #tpu.memory_space<vmem>> -> memref<80xi32, #tpu.memory_space<vmem>>
      %dma_wait3A_151 = arith.constant 0 : i32
      %dma_wait3A_152 = arith.constant 0 : i32
      %dma_wait3A_153 = tpu.memref_slice %arg2[%dma_wait3A_151, %dma_wait3A_152] : memref<10000x32xbf16, #tpu.memory_space<hbm>> -> memref<10000x32xbf16, #tpu.memory_space<hbm>>
      tpu.wait_indirect_dma semaphore(%arg23 : memref<!tpu.dma_semaphore, #tpu.memory_space<semaphore_mem>>) src(%dma_wait3A_153 : memref<10000x32xbf16, #tpu.memory_space<hbm>>) dst(%arg10 : memref<80x32xbf16, #tpu.memory_space<vmem>>)
      %dma_wait3A_154 = arith.constant 0 : i32
      %dma_wait3A_155 = tpu.memref_slice %arg9[%add3A_141, %dma_wait3A_154] : memref<125x80xi32, #tpu.memory_space<vmem>> -> memref<1x80xi32, #tpu.memory_space<vmem>>
      %dma_wait3A_156 = tpu.memref_squeeze %dma_wait3A_155 : memref<1x80xi32, #tpu.memory_space<vmem>> -> memref<80xi32, #tpu.memory_space<vmem>>
      %dma_wait3A_157 = arith.constant 0 : i32
      %dma_wait3A_158 = arith.constant 0 : i32
      %dma_wait3A_159 = tpu.memref_slice %arg3[%dma_wait3A_157, %dma_wait3A_158] : memref<10000x32xbf16, #tpu.memory_space<hbm>> -> memref<10000x32xbf16, #tpu.memory_space<hbm>>
      tpu.wait_indirect_dma semaphore(%arg27 : memref<!tpu.dma_semaphore, #tpu.memory_space<semaphore_mem>>) src(%dma_wait3A_159 : memref<10000x32xbf16, #tpu.memory_space<hbm>>) dst(%arg14 : memref<80x32xbf16, #tpu.memory_space<vmem>>)
      %gt3A = arith.constant 0 : i32
      %gt3A_160 = arith.cmpi sgt, %scan3A_137, %gt3A : i32
      %convert_element_type3A_161 = arith.extui %gt3A_160 : i1 to i32
      %cond3A_162 = arith.constant 0 : i32
      %cond3A_163 = arith.cmpi ne, %convert_element_type3A_161, %cond3A_162 : i32
      scf.if %cond3A_163 {
        %sub3A_298 = arith.constant 4 : i32
        %sub3A_299 = arith.subi %add3A_141, %sub3A_298 : i32
        %dma_wait3A_300 = arith.constant 0 : i32
        %dma_wait3A_301 = tpu.memref_slice %arg9[%sub3A_299, %dma_wait3A_300] : memref<125x80xi32, #tpu.memory_space<vmem>> -> memref<1x80xi32, #tpu.memory_space<vmem>>
        %dma_wait3A_302 = tpu.memref_squeeze %dma_wait3A_301 : memref<1x80xi32, #tpu.memory_space<vmem>> -> memref<80xi32, #tpu.memory_space<vmem>>
        %dma_wait3A_303 = arith.constant 0 : i32
        %dma_wait3A_304 = arith.constant 0 : i32
        %dma_wait3A_305 = tpu.memref_slice %arg22[%dma_wait3A_303, %dma_wait3A_304] : memref<10000x32xf32, #tpu.memory_space<vmem_shared>> -> memref<10000x32xf32, #tpu.memory_space<vmem_shared>>
        tpu.wait_indirect_dma semaphore(%arg31 : memref<!tpu.dma_semaphore, #tpu.memory_space<semaphore_mem>>) src(%arg18 : memref<80x32xf32, #tpu.memory_space<vmem>>) dst(%dma_wait3A_305 : memref<10000x32xf32, #tpu.memory_space<vmem_shared>>)
      } else {
      }
      %scan3A_164 = arith.constant 0 : i32
      %scan3A_165 = arith.constant 80 : i32
      %scan3A_166 = arith.addi %scan3A_164, %scan3A_165 : i32
      %scan3A_167 = arith.constant 2 : i32
      scf.for %scan3A_298 = %scan3A_164 to %scan3A_166 step %scan3A_167  : i32 {
        %get3A = arith.index_cast %scan3A_298 : i32 to index
        %get3A_299 = arith.constant 0 : index
        %get3A_300 = tpu.vector_load %arg10[%get3A, %get3A_299] {strides = array<i32>} : memref<80x32xbf16, #tpu.memory_space<vmem>>, vector<32xbf16>,
        %unpack3A = tpu.unpack_subelements %get3A_300, 0 {pack_format = #tpu.pack_format<interleaved>} : vector<32xbf16> -> vector<16xf32>
        %unpack3A_301 = tpu.unpack_subelements %get3A_300, 1 {pack_format = #tpu.pack_format<interleaved>} : vector<32xbf16> -> vector<16xf32>
        %get3A_302 = arith.index_cast %scan3A_298 : i32 to index
        %get3A_303 = arith.constant 0 : index
        %get3A_304 = tpu.vector_load %arg14[%get3A_302, %get3A_303] {strides = array<i32>} : memref<80x32xbf16, #tpu.memory_space<vmem>>, vector<32xbf16>,
        %unpack3A_305 = tpu.unpack_subelements %get3A_304, 0 {pack_format = #tpu.pack_format<interleaved>} : vector<32xbf16> -> vector<16xf32>
        %unpack3A_306 = tpu.unpack_subelements %get3A_304, 1 {pack_format = #tpu.pack_format<interleaved>} : vector<32xbf16> -> vector<16xf32>
        %add3A_307 = arith.addf %unpack3A_301, %unpack3A_305 : vector<16xf32>
        %mul3A_308 = arith.constant 2.000000e-01 : f32
        %mul3A_309 = vector.broadcast %mul3A_308 : f32 to vector<16xf32>
        %mul3A_310 = arith.mulf %mul3A_309, %add3A_307 : vector<16xf32>
        %max3A = arith.maximumf %add3A_307, %mul3A_310 : vector<16xf32>
        %exp3A = math.exp %max3A : vector<16xf32>
        %mul3A_311 = arith.mulf %unpack3A, %exp3A : vector<16xf32>
        %swap3A = arith.index_cast %scan3A_298 : i32 to index
        %swap3A_312 = arith.constant 0 : index
        %swap3A_313 = tpu.vector_load %arg18[%swap3A, %swap3A_312] {strides = array<i32>} : memref<80x32xf32, #tpu.memory_space<vmem>>, vector<16xf32>,
        tpu.vector_store %arg18[%swap3A, %swap3A_312], %mul3A_311 {strides = array<i32>} : memref<80x32xf32, #tpu.memory_space<vmem>>, vector<16xf32>,
        %swap3A_314 = arith.constant 0 : i32
        %swap3A_315 = tpu.memref_slice %arg18[%scan3A_298, %swap3A_314] : memref<80x32xf32, #tpu.memory_space<vmem>> -> memref<1x32xf32, #tpu.memory_space<vmem>>
        %swap3A_316 = tpu.memref_squeeze %swap3A_315 : memref<1x32xf32, #tpu.memory_space<vmem>> -> memref<32xf32, #tpu.memory_space<vmem>>
        %swap3A_317 = arith.constant 16 : index
        %swap3A_318 = tpu.vector_load %swap3A_316[%swap3A_317] masked %eq3A_29 {strides = array<i32>} : memref<32xf32, #tpu.memory_space<vmem>>, vector<16xf32>, vector<16xi1>
        tpu.vector_store %swap3A_316[%swap3A_317], %exp3A masked %eq3A_29 {strides = array<i32>} : memref<32xf32, #tpu.memory_space<vmem>>, vector<16xf32>, vector<16xi1>
        %scan3A_319 = arith.constant 1 : i32
        %scan3A_320 = arith.addi %scan3A_298, %scan3A_319 : i32
        %get3A_321 = arith.index_cast %scan3A_320 : i32 to index
        %get3A_322 = arith.constant 0 : index
        %get3A_323 = tpu.vector_load %arg10[%get3A_321, %get3A_322] {strides = array<i32>} : memref<80x32xbf16, #tpu.memory_space<vmem>>, vector<32xbf16>,
        %unpack3A_324 = tpu.unpack_subelements %get3A_323, 0 {pack_format = #tpu.pack_format<interleaved>} : vector<32xbf16> -> vector<16xf32>
        %unpack3A_325 = tpu.unpack_subelements %get3A_323, 1 {pack_format = #tpu.pack_format<interleaved>} : vector<32xbf16> -> vector<16xf32>
        %get3A_326 = arith.index_cast %scan3A_320 : i32 to index
        %get3A_327 = arith.constant 0 : index
        %get3A_328 = tpu.vector_load %arg14[%get3A_326, %get3A_327] {strides = array<i32>} : memref<80x32xbf16, #tpu.memory_space<vmem>>, vector<32xbf16>,
        %unpack3A_329 = tpu.unpack_subelements %get3A_328, 0 {pack_format = #tpu.pack_format<interleaved>} : vector<32xbf16> -> vector<16xf32>
        %unpack3A_330 = tpu.unpack_subelements %get3A_328, 1 {pack_format = #tpu.pack_format<interleaved>} : vector<32xbf16> -> vector<16xf32>
        %add3A_331 = arith.addf %unpack3A_325, %unpack3A_329 : vector<16xf32>
        %mul3A_332 = arith.constant 2.000000e-01 : f32
        %mul3A_333 = vector.broadcast %mul3A_332 : f32 to vector<16xf32>
        %mul3A_334 = arith.mulf %mul3A_333, %add3A_331 : vector<16xf32>
        %max3A_335 = arith.maximumf %add3A_331, %mul3A_334 : vector<16xf32>
        %exp3A_336 = math.exp %max3A_335 : vector<16xf32>
        %mul3A_337 = arith.mulf %unpack3A_324, %exp3A_336 : vector<16xf32>
        %swap3A_338 = arith.index_cast %scan3A_320 : i32 to index
        %swap3A_339 = arith.constant 0 : index
        %swap3A_340 = tpu.vector_load %arg18[%swap3A_338, %swap3A_339] {strides = array<i32>} : memref<80x32xf32, #tpu.memory_space<vmem>>, vector<16xf32>,
        tpu.vector_store %arg18[%swap3A_338, %swap3A_339], %mul3A_337 {strides = array<i32>} : memref<80x32xf32, #tpu.memory_space<vmem>>, vector<16xf32>,
        %swap3A_341 = arith.constant 0 : i32
        %swap3A_342 = tpu.memref_slice %arg18[%scan3A_320, %swap3A_341] : memref<80x32xf32, #tpu.memory_space<vmem>> -> memref<1x32xf32, #tpu.memory_space<vmem>>
        %swap3A_343 = tpu.memref_squeeze %swap3A_342 : memref<1x32xf32, #tpu.memory_space<vmem>> -> memref<32xf32, #tpu.memory_space<vmem>>
        %swap3A_344 = arith.constant 16 : index
        %swap3A_345 = tpu.vector_load %swap3A_343[%swap3A_344] masked %eq3A_29 {strides = array<i32>} : memref<32xf32, #tpu.memory_space<vmem>>, vector<16xf32>, vector<16xi1>
        tpu.vector_store %swap3A_343[%swap3A_344], %exp3A_336 masked %eq3A_29 {strides = array<i32>} : memref<32xf32, #tpu.memory_space<vmem>>, vector<16xf32>, vector<16xi1>
      }
      %scan3A_168 = arith.constant 80 : i32
      %dma_start3A_169 = arith.constant 0 : i32
      %dma_start3A_170 = tpu.memref_slice %arg9[%add3A_141, %dma_start3A_169] : memref<125x80xi32, #tpu.memory_space<vmem>> -> memref<1x80xi32, #tpu.memory_space<vmem>>
      %dma_start3A_171 = tpu.memref_squeeze %dma_start3A_170 : memref<1x80xi32, #tpu.memory_space<vmem>> -> memref<80xi32, #tpu.memory_space<vmem>>
      %dma_start3A_172 = arith.constant 0 : i32
      %dma_start3A_173 = arith.constant 0 : i32
      %dma_start3A_174 = tpu.memref_slice %arg22[%dma_start3A_172, %dma_start3A_173] : memref<10000x32xf32, #tpu.memory_space<vmem_shared>> -> memref<10000x32xf32, #tpu.memory_space<vmem_shared>>
      tpu.enqueue_indirect_dma source(%arg18 : memref<80x32xf32, #tpu.memory_space<vmem>>) target(%dma_start3A_174 : memref<10000x32xf32, #tpu.memory_space<vmem_shared>>) offsets(%dma_start3A_171 : memref<80xi32, #tpu.memory_space<vmem>>) semaphore(%arg31 : memref<!tpu.dma_semaphore, #tpu.memory_space<semaphore_mem>>) {add = true}
      %mul3A_175 = arith.constant 4 : i32
      %mul3A_176 = arith.muli %scan3A_137, %mul3A_175 : i32
      %add3A_177 = arith.constant 1 : i32
      %add3A_178 = arith.addi %mul3A_176, %add3A_177 : i32
      %add3A_179 = arith.constant 4 : i32
      %add3A_180 = arith.addi %add3A_178, %add3A_179 : i32
      %sub3A_181 = arith.constant 1 : i32
      %sub3A_182 = arith.subi %add3A_180, %sub3A_181 : i32
      %lt3A_183 = arith.constant 125 : i32
      %lt3A_184 = arith.cmpi slt, %sub3A_182, %lt3A_183 : i32
      %convert_element_type3A_185 = arith.extui %lt3A_184 : i1 to i32
      %cond3A_186 = arith.constant 0 : i32
      %cond3A_187 = arith.cmpi ne, %convert_element_type3A_185, %cond3A_186 : i32
      scf.if %cond3A_187 {
        %add3A_298 = arith.constant 4 : i32
        %add3A_299 = arith.addi %add3A_178, %add3A_298 : i32
        %sub3A_300 = arith.constant 1 : i32
        %sub3A_301 = arith.subi %add3A_299, %sub3A_300 : i32
        %dma_start3A_302 = arith.constant 0 : i32
        %dma_start3A_303 = tpu.memref_slice %arg8[%sub3A_301, %dma_start3A_302] : memref<125x80xi32, #tpu.memory_space<vmem>> -> memref<1x80xi32, #tpu.memory_space<vmem>>
        %dma_start3A_304 = tpu.memref_squeeze %dma_start3A_303 : memref<1x80xi32, #tpu.memory_space<vmem>> -> memref<80xi32, #tpu.memory_space<vmem>>
        %dma_start3A_305 = arith.constant 0 : i32
        %dma_start3A_306 = arith.constant 0 : i32
        %dma_start3A_307 = tpu.memref_slice %arg2[%dma_start3A_305, %dma_start3A_306] : memref<10000x32xbf16, #tpu.memory_space<hbm>> -> memref<10000x32xbf16, #tpu.memory_space<hbm>>
        tpu.enqueue_indirect_dma source(%dma_start3A_307 : memref<10000x32xbf16, #tpu.memory_space<hbm>>) target(%arg10 : memref<80x32xbf16, #tpu.memory_space<vmem>>) offsets(%dma_start3A_304 : memref<80xi32, #tpu.memory_space<vmem>>) semaphore(%arg23 : memref<!tpu.dma_semaphore, #tpu.memory_space<semaphore_mem>>)
        %dma_start3A_308 = arith.constant 0 : i32
        %dma_start3A_309 = tpu.memref_slice %arg9[%sub3A_301, %dma_start3A_308] : memref<125x80xi32, #tpu.memory_space<vmem>> -> memref<1x80xi32, #tpu.memory_space<vmem>>
        %dma_start3A_310 = tpu.memref_squeeze %dma_start3A_309 : memref<1x80xi32, #tpu.memory_space<vmem>> -> memref<80xi32, #tpu.memory_space<vmem>>
        %dma_start3A_311 = arith.constant 0 : i32
        %dma_start3A_312 = arith.constant 0 : i32
        %dma_start3A_313 = tpu.memref_slice %arg3[%dma_start3A_311, %dma_start3A_312] : memref<10000x32xbf16, #tpu.memory_space<hbm>> -> memref<10000x32xbf16, #tpu.memory_space<hbm>>
        tpu.enqueue_indirect_dma source(%dma_start3A_313 : memref<10000x32xbf16, #tpu.memory_space<hbm>>) target(%arg14 : memref<80x32xbf16, #tpu.memory_space<vmem>>) offsets(%dma_start3A_310 : memref<80xi32, #tpu.memory_space<vmem>>) semaphore(%arg27 : memref<!tpu.dma_semaphore, #tpu.memory_space<semaphore_mem>>)
      } else {
      }
      %dma_wait3A_188 = arith.constant 0 : i32
      %dma_wait3A_189 = tpu.memref_slice %arg8[%add3A_178, %dma_wait3A_188] : memref<125x80xi32, #tpu.memory_space<vmem>> -> memref<1x80xi32, #tpu.memory_space<vmem>>
      %dma_wait3A_190 = tpu.memref_squeeze %dma_wait3A_189 : memref<1x80xi32, #tpu.memory_space<vmem>> -> memref<80xi32, #tpu.memory_space<vmem>>
      %dma_wait3A_191 = arith.constant 0 : i32
      %dma_wait3A_192 = arith.constant 0 : i32
      %dma_wait3A_193 = tpu.memref_slice %arg2[%dma_wait3A_191, %dma_wait3A_192] : memref<10000x32xbf16, #tpu.memory_space<hbm>> -> memref<10000x32xbf16, #tpu.memory_space<hbm>>
      tpu.wait_indirect_dma semaphore(%arg24 : memref<!tpu.dma_semaphore, #tpu.memory_space<semaphore_mem>>) src(%dma_wait3A_193 : memref<10000x32xbf16, #tpu.memory_space<hbm>>) dst(%arg11 : memref<80x32xbf16, #tpu.memory_space<vmem>>)
      %dma_wait3A_194 = arith.constant 0 : i32
      %dma_wait3A_195 = tpu.memref_slice %arg9[%add3A_178, %dma_wait3A_194] : memref<125x80xi32, #tpu.memory_space<vmem>> -> memref<1x80xi32, #tpu.memory_space<vmem>>
      %dma_wait3A_196 = tpu.memref_squeeze %dma_wait3A_195 : memref<1x80xi32, #tpu.memory_space<vmem>> -> memref<80xi32, #tpu.memory_space<vmem>>
      %dma_wait3A_197 = arith.constant 0 : i32
      %dma_wait3A_198 = arith.constant 0 : i32
      %dma_wait3A_199 = tpu.memref_slice %arg3[%dma_wait3A_197, %dma_wait3A_198] : memref<10000x32xbf16, #tpu.memory_space<hbm>> -> memref<10000x32xbf16, #tpu.memory_space<hbm>>
      tpu.wait_indirect_dma semaphore(%arg28 : memref<!tpu.dma_semaphore, #tpu.memory_space<semaphore_mem>>) src(%dma_wait3A_199 : memref<10000x32xbf16, #tpu.memory_space<hbm>>) dst(%arg15 : memref<80x32xbf16, #tpu.memory_space<vmem>>)
      %gt3A_200 = arith.constant 0 : i32
      %gt3A_201 = arith.cmpi sgt, %scan3A_137, %gt3A_200 : i32
      %convert_element_type3A_202 = arith.extui %gt3A_201 : i1 to i32
      %cond3A_203 = arith.constant 0 : i32
      %cond3A_204 = arith.cmpi ne, %convert_element_type3A_202, %cond3A_203 : i32
      scf.if %cond3A_204 {
        %sub3A_298 = arith.constant 4 : i32
        %sub3A_299 = arith.subi %add3A_178, %sub3A_298 : i32
        %dma_wait3A_300 = arith.constant 0 : i32
        %dma_wait3A_301 = tpu.memref_slice %arg9[%sub3A_299, %dma_wait3A_300] : memref<125x80xi32, #tpu.memory_space<vmem>> -> memref<1x80xi32, #tpu.memory_space<vmem>>
        %dma_wait3A_302 = tpu.memref_squeeze %dma_wait3A_301 : memref<1x80xi32, #tpu.memory_space<vmem>> -> memref<80xi32, #tpu.memory_space<vmem>>
        %dma_wait3A_303 = arith.constant 0 : i32
        %dma_wait3A_304 = arith.constant 0 : i32
        %dma_wait3A_305 = tpu.memref_slice %arg22[%dma_wait3A_303, %dma_wait3A_304] : memref<10000x32xf32, #tpu.memory_space<vmem_shared>> -> memref<10000x32xf32, #tpu.memory_space<vmem_shared>>
        tpu.wait_indirect_dma semaphore(%arg32 : memref<!tpu.dma_semaphore, #tpu.memory_space<semaphore_mem>>) src(%arg19 : memref<80x32xf32, #tpu.memory_space<vmem>>) dst(%dma_wait3A_305 : memref<10000x32xf32, #tpu.memory_space<vmem_shared>>)
      } else {
      }
      %scan3A_205 = arith.constant 0 : i32
      %scan3A_206 = arith.constant 80 : i32
      %scan3A_207 = arith.addi %scan3A_205, %scan3A_206 : i32
      %scan3A_208 = arith.constant 2 : i32
      scf.for %scan3A_298 = %scan3A_205 to %scan3A_207 step %scan3A_208  : i32 {
        %get3A = arith.index_cast %scan3A_298 : i32 to index
        %get3A_299 = arith.constant 0 : index
        %get3A_300 = tpu.vector_load %arg11[%get3A, %get3A_299] {strides = array<i32>} : memref<80x32xbf16, #tpu.memory_space<vmem>>, vector<32xbf16>,
        %unpack3A = tpu.unpack_subelements %get3A_300, 0 {pack_format = #tpu.pack_format<interleaved>} : vector<32xbf16> -> vector<16xf32>
        %unpack3A_301 = tpu.unpack_subelements %get3A_300, 1 {pack_format = #tpu.pack_format<interleaved>} : vector<32xbf16> -> vector<16xf32>
        %get3A_302 = arith.index_cast %scan3A_298 : i32 to index
        %get3A_303 = arith.constant 0 : index
        %get3A_304 = tpu.vector_load %arg15[%get3A_302, %get3A_303] {strides = array<i32>} : memref<80x32xbf16, #tpu.memory_space<vmem>>, vector<32xbf16>,
        %unpack3A_305 = tpu.unpack_subelements %get3A_304, 0 {pack_format = #tpu.pack_format<interleaved>} : vector<32xbf16> -> vector<16xf32>
        %unpack3A_306 = tpu.unpack_subelements %get3A_304, 1 {pack_format = #tpu.pack_format<interleaved>} : vector<32xbf16> -> vector<16xf32>
        %add3A_307 = arith.addf %unpack3A_301, %unpack3A_305 : vector<16xf32>
        %mul3A_308 = arith.constant 2.000000e-01 : f32
        %mul3A_309 = vector.broadcast %mul3A_308 : f32 to vector<16xf32>
        %mul3A_310 = arith.mulf %mul3A_309, %add3A_307 : vector<16xf32>
        %max3A = arith.maximumf %add3A_307, %mul3A_310 : vector<16xf32>
        %exp3A = math.exp %max3A : vector<16xf32>
        %mul3A_311 = arith.mulf %unpack3A, %exp3A : vector<16xf32>
        %swap3A = arith.index_cast %scan3A_298 : i32 to index
        %swap3A_312 = arith.constant 0 : index
        %swap3A_313 = tpu.vector_load %arg19[%swap3A, %swap3A_312] {strides = array<i32>} : memref<80x32xf32, #tpu.memory_space<vmem>>, vector<16xf32>,
        tpu.vector_store %arg19[%swap3A, %swap3A_312], %mul3A_311 {strides = array<i32>} : memref<80x32xf32, #tpu.memory_space<vmem>>, vector<16xf32>,
        %swap3A_314 = arith.constant 0 : i32
        %swap3A_315 = tpu.memref_slice %arg19[%scan3A_298, %swap3A_314] : memref<80x32xf32, #tpu.memory_space<vmem>> -> memref<1x32xf32, #tpu.memory_space<vmem>>
        %swap3A_316 = tpu.memref_squeeze %swap3A_315 : memref<1x32xf32, #tpu.memory_space<vmem>> -> memref<32xf32, #tpu.memory_space<vmem>>
        %swap3A_317 = arith.constant 16 : index
        %swap3A_318 = tpu.vector_load %swap3A_316[%swap3A_317] masked %eq3A_29 {strides = array<i32>} : memref<32xf32, #tpu.memory_space<vmem>>, vector<16xf32>, vector<16xi1>
        tpu.vector_store %swap3A_316[%swap3A_317], %exp3A masked %eq3A_29 {strides = array<i32>} : memref<32xf32, #tpu.memory_space<vmem>>, vector<16xf32>, vector<16xi1>
        %scan3A_319 = arith.constant 1 : i32
        %scan3A_320 = arith.addi %scan3A_298, %scan3A_319 : i32
        %get3A_321 = arith.index_cast %scan3A_320 : i32 to index
        %get3A_322 = arith.constant 0 : index
        %get3A_323 = tpu.vector_load %arg11[%get3A_321, %get3A_322] {strides = array<i32>} : memref<80x32xbf16, #tpu.memory_space<vmem>>, vector<32xbf16>,
        %unpack3A_324 = tpu.unpack_subelements %get3A_323, 0 {pack_format = #tpu.pack_format<interleaved>} : vector<32xbf16> -> vector<16xf32>
        %unpack3A_325 = tpu.unpack_subelements %get3A_323, 1 {pack_format = #tpu.pack_format<interleaved>} : vector<32xbf16> -> vector<16xf32>
        %get3A_326 = arith.index_cast %scan3A_320 : i32 to index
        %get3A_327 = arith.constant 0 : index
        %get3A_328 = tpu.vector_load %arg15[%get3A_326, %get3A_327] {strides = array<i32>} : memref<80x32xbf16, #tpu.memory_space<vmem>>, vector<32xbf16>,
        %unpack3A_329 = tpu.unpack_subelements %get3A_328, 0 {pack_format = #tpu.pack_format<interleaved>} : vector<32xbf16> -> vector<16xf32>
        %unpack3A_330 = tpu.unpack_subelements %get3A_328, 1 {pack_format = #tpu.pack_format<interleaved>} : vector<32xbf16> -> vector<16xf32>
        %add3A_331 = arith.addf %unpack3A_325, %unpack3A_329 : vector<16xf32>
        %mul3A_332 = arith.constant 2.000000e-01 : f32
        %mul3A_333 = vector.broadcast %mul3A_332 : f32 to vector<16xf32>
        %mul3A_334 = arith.mulf %mul3A_333, %add3A_331 : vector<16xf32>
        %max3A_335 = arith.maximumf %add3A_331, %mul3A_334 : vector<16xf32>
        %exp3A_336 = math.exp %max3A_335 : vector<16xf32>
        %mul3A_337 = arith.mulf %unpack3A_324, %exp3A_336 : vector<16xf32>
        %swap3A_338 = arith.index_cast %scan3A_320 : i32 to index
        %swap3A_339 = arith.constant 0 : index
        %swap3A_340 = tpu.vector_load %arg19[%swap3A_338, %swap3A_339] {strides = array<i32>} : memref<80x32xf32, #tpu.memory_space<vmem>>, vector<16xf32>,
        tpu.vector_store %arg19[%swap3A_338, %swap3A_339], %mul3A_337 {strides = array<i32>} : memref<80x32xf32, #tpu.memory_space<vmem>>, vector<16xf32>,
        %swap3A_341 = arith.constant 0 : i32
        %swap3A_342 = tpu.memref_slice %arg19[%scan3A_320, %swap3A_341] : memref<80x32xf32, #tpu.memory_space<vmem>> -> memref<1x32xf32, #tpu.memory_space<vmem>>
        %swap3A_343 = tpu.memref_squeeze %swap3A_342 : memref<1x32xf32, #tpu.memory_space<vmem>> -> memref<32xf32, #tpu.memory_space<vmem>>
        %swap3A_344 = arith.constant 16 : index
        %swap3A_345 = tpu.vector_load %swap3A_343[%swap3A_344] masked %eq3A_29 {strides = array<i32>} : memref<32xf32, #tpu.memory_space<vmem>>, vector<16xf32>, vector<16xi1>
        tpu.vector_store %swap3A_343[%swap3A_344], %exp3A_336 masked %eq3A_29 {strides = array<i32>} : memref<32xf32, #tpu.memory_space<vmem>>, vector<16xf32>, vector<16xi1>
      }
      %scan3A_209 = arith.constant 80 : i32
      %dma_start3A_210 = arith.constant 0 : i32
      %dma_start3A_211 = tpu.memref_slice %arg9[%add3A_178, %dma_start3A_210] : memref<125x80xi32, #tpu.memory_space<vmem>> -> memref<1x80xi32, #tpu.memory_space<vmem>>
      %dma_start3A_212 = tpu.memref_squeeze %dma_start3A_211 : memref<1x80xi32, #tpu.memory_space<vmem>> -> memref<80xi32, #tpu.memory_space<vmem>>
      %dma_start3A_213 = arith.constant 0 : i32
      %dma_start3A_214 = arith.constant 0 : i32
      %dma_start3A_215 = tpu.memref_slice %arg22[%dma_start3A_213, %dma_start3A_214] : memref<10000x32xf32, #tpu.memory_space<vmem_shared>> -> memref<10000x32xf32, #tpu.memory_space<vmem_shared>>
      tpu.enqueue_indirect_dma source(%arg19 : memref<80x32xf32, #tpu.memory_space<vmem>>) target(%dma_start3A_215 : memref<10000x32xf32, #tpu.memory_space<vmem_shared>>) offsets(%dma_start3A_212 : memref<80xi32, #tpu.memory_space<vmem>>) semaphore(%arg32 : memref<!tpu.dma_semaphore, #tpu.memory_space<semaphore_mem>>) {add = true}
      %mul3A_216 = arith.constant 4 : i32
      %mul3A_217 = arith.muli %scan3A_137, %mul3A_216 : i32
      %add3A_218 = arith.constant 2 : i32
      %add3A_219 = arith.addi %mul3A_217, %add3A_218 : i32
      %add3A_220 = arith.constant 4 : i32
      %add3A_221 = arith.addi %add3A_219, %add3A_220 : i32
      %sub3A_222 = arith.constant 1 : i32
      %sub3A_223 = arith.subi %add3A_221, %sub3A_222 : i32
      %lt3A_224 = arith.constant 125 : i32
      %lt3A_225 = arith.cmpi slt, %sub3A_223, %lt3A_224 : i32
      %convert_element_type3A_226 = arith.extui %lt3A_225 : i1 to i32
      %cond3A_227 = arith.constant 0 : i32
      %cond3A_228 = arith.cmpi ne, %convert_element_type3A_226, %cond3A_227 : i32
      scf.if %cond3A_228 {
        %add3A_298 = arith.constant 4 : i32
        %add3A_299 = arith.addi %add3A_219, %add3A_298 : i32
        %sub3A_300 = arith.constant 1 : i32
        %sub3A_301 = arith.subi %add3A_299, %sub3A_300 : i32
        %dma_start3A_302 = arith.constant 0 : i32
        %dma_start3A_303 = tpu.memref_slice %arg8[%sub3A_301, %dma_start3A_302] : memref<125x80xi32, #tpu.memory_space<vmem>> -> memref<1x80xi32, #tpu.memory_space<vmem>>
        %dma_start3A_304 = tpu.memref_squeeze %dma_start3A_303 : memref<1x80xi32, #tpu.memory_space<vmem>> -> memref<80xi32, #tpu.memory_space<vmem>>
        %dma_start3A_305 = arith.constant 0 : i32
        %dma_start3A_306 = arith.constant 0 : i32
        %dma_start3A_307 = tpu.memref_slice %arg2[%dma_start3A_305, %dma_start3A_306] : memref<10000x32xbf16, #tpu.memory_space<hbm>> -> memref<10000x32xbf16, #tpu.memory_space<hbm>>
        tpu.enqueue_indirect_dma source(%dma_start3A_307 : memref<10000x32xbf16, #tpu.memory_space<hbm>>) target(%arg11 : memref<80x32xbf16, #tpu.memory_space<vmem>>) offsets(%dma_start3A_304 : memref<80xi32, #tpu.memory_space<vmem>>) semaphore(%arg24 : memref<!tpu.dma_semaphore, #tpu.memory_space<semaphore_mem>>)
        %dma_start3A_308 = arith.constant 0 : i32
        %dma_start3A_309 = tpu.memref_slice %arg9[%sub3A_301, %dma_start3A_308] : memref<125x80xi32, #tpu.memory_space<vmem>> -> memref<1x80xi32, #tpu.memory_space<vmem>>
        %dma_start3A_310 = tpu.memref_squeeze %dma_start3A_309 : memref<1x80xi32, #tpu.memory_space<vmem>> -> memref<80xi32, #tpu.memory_space<vmem>>
        %dma_start3A_311 = arith.constant 0 : i32
        %dma_start3A_312 = arith.constant 0 : i32
        %dma_start3A_313 = tpu.memref_slice %arg3[%dma_start3A_311, %dma_start3A_312] : memref<10000x32xbf16, #tpu.memory_space<hbm>> -> memref<10000x32xbf16, #tpu.memory_space<hbm>>
        tpu.enqueue_indirect_dma source(%dma_start3A_313 : memref<10000x32xbf16, #tpu.memory_space<hbm>>) target(%arg15 : memref<80x32xbf16, #tpu.memory_space<vmem>>) offsets(%dma_start3A_310 : memref<80xi32, #tpu.memory_space<vmem>>) semaphore(%arg28 : memref<!tpu.dma_semaphore, #tpu.memory_space<semaphore_mem>>)
      } else {
      }
      %dma_wait3A_229 = arith.constant 0 : i32
      %dma_wait3A_230 = tpu.memref_slice %arg8[%add3A_219, %dma_wait3A_229] : memref<125x80xi32, #tpu.memory_space<vmem>> -> memref<1x80xi32, #tpu.memory_space<vmem>>
      %dma_wait3A_231 = tpu.memref_squeeze %dma_wait3A_230 : memref<1x80xi32, #tpu.memory_space<vmem>> -> memref<80xi32, #tpu.memory_space<vmem>>
      %dma_wait3A_232 = arith.constant 0 : i32
      %dma_wait3A_233 = arith.constant 0 : i32
      %dma_wait3A_234 = tpu.memref_slice %arg2[%dma_wait3A_232, %dma_wait3A_233] : memref<10000x32xbf16, #tpu.memory_space<hbm>> -> memref<10000x32xbf16, #tpu.memory_space<hbm>>
      tpu.wait_indirect_dma semaphore(%arg25 : memref<!tpu.dma_semaphore, #tpu.memory_space<semaphore_mem>>) src(%dma_wait3A_234 : memref<10000x32xbf16, #tpu.memory_space<hbm>>) dst(%arg12 : memref<80x32xbf16, #tpu.memory_space<vmem>>)
      %dma_wait3A_235 = arith.constant 0 : i32
      %dma_wait3A_236 = tpu.memref_slice %arg9[%add3A_219, %dma_wait3A_235] : memref<125x80xi32, #tpu.memory_space<vmem>> -> memref<1x80xi32, #tpu.memory_space<vmem>>
      %dma_wait3A_237 = tpu.memref_squeeze %dma_wait3A_236 : memref<1x80xi32, #tpu.memory_space<vmem>> -> memref<80xi32, #tpu.memory_space<vmem>>
      %dma_wait3A_238 = arith.constant 0 : i32
      %dma_wait3A_239 = arith.constant 0 : i32
      %dma_wait3A_240 = tpu.memref_slice %arg3[%dma_wait3A_238, %dma_wait3A_239] : memref<10000x32xbf16, #tpu.memory_space<hbm>> -> memref<10000x32xbf16, #tpu.memory_space<hbm>>
      tpu.wait_indirect_dma semaphore(%arg29 : memref<!tpu.dma_semaphore, #tpu.memory_space<semaphore_mem>>) src(%dma_wait3A_240 : memref<10000x32xbf16, #tpu.memory_space<hbm>>) dst(%arg16 : memref<80x32xbf16, #tpu.memory_space<vmem>>)
      %gt3A_241 = arith.constant 0 : i32
      %gt3A_242 = arith.cmpi sgt, %scan3A_137, %gt3A_241 : i32
      %convert_element_type3A_243 = arith.extui %gt3A_242 : i1 to i32
      %cond3A_244 = arith.constant 0 : i32
      %cond3A_245 = arith.cmpi ne, %convert_element_type3A_243, %cond3A_244 : i32
      scf.if %cond3A_245 {
        %sub3A_298 = arith.constant 4 : i32
        %sub3A_299 = arith.subi %add3A_219, %sub3A_298 : i32
        %dma_wait3A_300 = arith.constant 0 : i32
        %dma_wait3A_301 = tpu.memref_slice %arg9[%sub3A_299, %dma_wait3A_300] : memref<125x80xi32, #tpu.memory_space<vmem>> -> memref<1x80xi32, #tpu.memory_space<vmem>>
        %dma_wait3A_302 = tpu.memref_squeeze %dma_wait3A_301 : memref<1x80xi32, #tpu.memory_space<vmem>> -> memref<80xi32, #tpu.memory_space<vmem>>
        %dma_wait3A_303 = arith.constant 0 : i32
        %dma_wait3A_304 = arith.constant 0 : i32
        %dma_wait3A_305 = tpu.memref_slice %arg22[%dma_wait3A_303, %dma_wait3A_304] : memref<10000x32xf32, #tpu.memory_space<vmem_shared>> -> memref<10000x32xf32, #tpu.memory_space<vmem_shared>>
        tpu.wait_indirect_dma semaphore(%arg33 : memref<!tpu.dma_semaphore, #tpu.memory_space<semaphore_mem>>) src(%arg20 : memref<80x32xf32, #tpu.memory_space<vmem>>) dst(%dma_wait3A_305 : memref<10000x32xf32, #tpu.memory_space<vmem_shared>>)
      } else {
      }
      %scan3A_246 = arith.constant 0 : i32
      %scan3A_247 = arith.constant 80 : i32
      %scan3A_248 = arith.addi %scan3A_246, %scan3A_247 : i32
      %scan3A_249 = arith.constant 2 : i32
      scf.for %scan3A_298 = %scan3A_246 to %scan3A_248 step %scan3A_249  : i32 {
        %get3A = arith.index_cast %scan3A_298 : i32 to index
        %get3A_299 = arith.constant 0 : index
        %get3A_300 = tpu.vector_load %arg12[%get3A, %get3A_299] {strides = array<i32>} : memref<80x32xbf16, #tpu.memory_space<vmem>>, vector<32xbf16>,
        %unpack3A = tpu.unpack_subelements %get3A_300, 0 {pack_format = #tpu.pack_format<interleaved>} : vector<32xbf16> -> vector<16xf32>
        %unpack3A_301 = tpu.unpack_subelements %get3A_300, 1 {pack_format = #tpu.pack_format<interleaved>} : vector<32xbf16> -> vector<16xf32>
        %get3A_302 = arith.index_cast %scan3A_298 : i32 to index
        %get3A_303 = arith.constant 0 : index
        %get3A_304 = tpu.vector_load %arg16[%get3A_302, %get3A_303] {strides = array<i32>} : memref<80x32xbf16, #tpu.memory_space<vmem>>, vector<32xbf16>,
        %unpack3A_305 = tpu.unpack_subelements %get3A_304, 0 {pack_format = #tpu.pack_format<interleaved>} : vector<32xbf16> -> vector<16xf32>
        %unpack3A_306 = tpu.unpack_subelements %get3A_304, 1 {pack_format = #tpu.pack_format<interleaved>} : vector<32xbf16> -> vector<16xf32>
        %add3A_307 = arith.addf %unpack3A_301, %unpack3A_305 : vector<16xf32>
        %mul3A_308 = arith.constant 2.000000e-01 : f32
        %mul3A_309 = vector.broadcast %mul3A_308 : f32 to vector<16xf32>
        %mul3A_310 = arith.mulf %mul3A_309, %add3A_307 : vector<16xf32>
        %max3A = arith.maximumf %add3A_307, %mul3A_310 : vector<16xf32>
        %exp3A = math.exp %max3A : vector<16xf32>
        %mul3A_311 = arith.mulf %unpack3A, %exp3A : vector<16xf32>
        %swap3A = arith.index_cast %scan3A_298 : i32 to index
        %swap3A_312 = arith.constant 0 : index
        %swap3A_313 = tpu.vector_load %arg20[%swap3A, %swap3A_312] {strides = array<i32>} : memref<80x32xf32, #tpu.memory_space<vmem>>, vector<16xf32>,
        tpu.vector_store %arg20[%swap3A, %swap3A_312], %mul3A_311 {strides = array<i32>} : memref<80x32xf32, #tpu.memory_space<vmem>>, vector<16xf32>,
        %swap3A_314 = arith.constant 0 : i32
        %swap3A_315 = tpu.memref_slice %arg20[%scan3A_298, %swap3A_314] : memref<80x32xf32, #tpu.memory_space<vmem>> -> memref<1x32xf32, #tpu.memory_space<vmem>>
        %swap3A_316 = tpu.memref_squeeze %swap3A_315 : memref<1x32xf32, #tpu.memory_space<vmem>> -> memref<32xf32, #tpu.memory_space<vmem>>
        %swap3A_317 = arith.constant 16 : index
        %swap3A_318 = tpu.vector_load %swap3A_316[%swap3A_317] masked %eq3A_29 {strides = array<i32>} : memref<32xf32, #tpu.memory_space<vmem>>, vector<16xf32>, vector<16xi1>
        tpu.vector_store %swap3A_316[%swap3A_317], %exp3A masked %eq3A_29 {strides = array<i32>} : memref<32xf32, #tpu.memory_space<vmem>>, vector<16xf32>, vector<16xi1>
        %scan3A_319 = arith.constant 1 : i32
        %scan3A_320 = arith.addi %scan3A_298, %scan3A_319 : i32
        %get3A_321 = arith.index_cast %scan3A_320 : i32 to index
        %get3A_322 = arith.constant 0 : index
        %get3A_323 = tpu.vector_load %arg12[%get3A_321, %get3A_322] {strides = array<i32>} : memref<80x32xbf16, #tpu.memory_space<vmem>>, vector<32xbf16>,
        %unpack3A_324 = tpu.unpack_subelements %get3A_323, 0 {pack_format = #tpu.pack_format<interleaved>} : vector<32xbf16> -> vector<16xf32>
        %unpack3A_325 = tpu.unpack_subelements %get3A_323, 1 {pack_format = #tpu.pack_format<interleaved>} : vector<32xbf16> -> vector<16xf32>
        %get3A_326 = arith.index_cast %scan3A_320 : i32 to index
        %get3A_327 = arith.constant 0 : index
        %get3A_328 = tpu.vector_load %arg16[%get3A_326, %get3A_327] {strides = array<i32>} : memref<80x32xbf16, #tpu.memory_space<vmem>>, vector<32xbf16>,
        %unpack3A_329 = tpu.unpack_subelements %get3A_328, 0 {pack_format = #tpu.pack_format<interleaved>} : vector<32xbf16> -> vector<16xf32>
        %unpack3A_330 = tpu.unpack_subelements %get3A_328, 1 {pack_format = #tpu.pack_format<interleaved>} : vector<32xbf16> -> vector<16xf32>
        %add3A_331 = arith.addf %unpack3A_325, %unpack3A_329 : vector<16xf32>
        %mul3A_332 = arith.constant 2.000000e-01 : f32
        %mul3A_333 = vector.broadcast %mul3A_332 : f32 to vector<16xf32>
        %mul3A_334 = arith.mulf %mul3A_333, %add3A_331 : vector<16xf32>
        %max3A_335 = arith.maximumf %add3A_331, %mul3A_334 : vector<16xf32>
        %exp3A_336 = math.exp %max3A_335 : vector<16xf32>
        %mul3A_337 = arith.mulf %unpack3A_324, %exp3A_336 : vector<16xf32>
        %swap3A_338 = arith.index_cast %scan3A_320 : i32 to index
        %swap3A_339 = arith.constant 0 : index
        %swap3A_340 = tpu.vector_load %arg20[%swap3A_338, %swap3A_339] {strides = array<i32>} : memref<80x32xf32, #tpu.memory_space<vmem>>, vector<16xf32>,
        tpu.vector_store %arg20[%swap3A_338, %swap3A_339], %mul3A_337 {strides = array<i32>} : memref<80x32xf32, #tpu.memory_space<vmem>>, vector<16xf32>,
        %swap3A_341 = arith.constant 0 : i32
        %swap3A_342 = tpu.memref_slice %arg20[%scan3A_320, %swap3A_341] : memref<80x32xf32, #tpu.memory_space<vmem>> -> memref<1x32xf32, #tpu.memory_space<vmem>>
        %swap3A_343 = tpu.memref_squeeze %swap3A_342 : memref<1x32xf32, #tpu.memory_space<vmem>> -> memref<32xf32, #tpu.memory_space<vmem>>
        %swap3A_344 = arith.constant 16 : index
        %swap3A_345 = tpu.vector_load %swap3A_343[%swap3A_344] masked %eq3A_29 {strides = array<i32>} : memref<32xf32, #tpu.memory_space<vmem>>, vector<16xf32>, vector<16xi1>
        tpu.vector_store %swap3A_343[%swap3A_344], %exp3A_336 masked %eq3A_29 {strides = array<i32>} : memref<32xf32, #tpu.memory_space<vmem>>, vector<16xf32>, vector<16xi1>
      }
      %scan3A_250 = arith.constant 80 : i32
      %dma_start3A_251 = arith.constant 0 : i32
      %dma_start3A_252 = tpu.memref_slice %arg9[%add3A_219, %dma_start3A_251] : memref<125x80xi32, #tpu.memory_space<vmem>> -> memref<1x80xi32, #tpu.memory_space<vmem>>
      %dma_start3A_253 = tpu.memref_squeeze %dma_start3A_252 : memref<1x80xi32, #tpu.memory_space<vmem>> -> memref<80xi32, #tpu.memory_space<vmem>>
      %dma_start3A_254 = arith.constant 0 : i32
      %dma_start3A_255 = arith.constant 0 : i32
      %dma_start3A_256 = tpu.memref_slice %arg22[%dma_start3A_254, %dma_start3A_255] : memref<10000x32xf32, #tpu.memory_space<vmem_shared>> -> memref<10000x32xf32, #tpu.memory_space<vmem_shared>>
      tpu.enqueue_indirect_dma source(%arg20 : memref<80x32xf32, #tpu.memory_space<vmem>>) target(%dma_start3A_256 : memref<10000x32xf32, #tpu.memory_space<vmem_shared>>) offsets(%dma_start3A_253 : memref<80xi32, #tpu.memory_space<vmem>>) semaphore(%arg33 : memref<!tpu.dma_semaphore, #tpu.memory_space<semaphore_mem>>) {add = true}
      %mul3A_257 = arith.constant 4 : i32
      %mul3A_258 = arith.muli %scan3A_137, %mul3A_257 : i32
      %add3A_259 = arith.constant 3 : i32
      %add3A_260 = arith.addi %mul3A_258, %add3A_259 : i32
      %add3A_261 = arith.constant 4 : i32
      %add3A_262 = arith.addi %add3A_260, %add3A_261 : i32
      %sub3A_263 = arith.constant 1 : i32
      %sub3A_264 = arith.subi %add3A_262, %sub3A_263 : i32
      %lt3A_265 = arith.constant 125 : i32
      %lt3A_266 = arith.cmpi slt, %sub3A_264, %lt3A_265 : i32
      %convert_element_type3A_267 = arith.extui %lt3A_266 : i1 to i32
      %cond3A_268 = arith.constant 0 : i32
      %cond3A_269 = arith.cmpi ne, %convert_element_type3A_267, %cond3A_268 : i32
      scf.if %cond3A_269 {
        %add3A_298 = arith.constant 4 : i32
        %add3A_299 = arith.addi %add3A_260, %add3A_298 : i32
        %sub3A_300 = arith.constant 1 : i32
        %sub3A_301 = arith.subi %add3A_299, %sub3A_300 : i32
        %dma_start3A_302 = arith.constant 0 : i32
        %dma_start3A_303 = tpu.memref_slice %arg8[%sub3A_301, %dma_start3A_302] : memref<125x80xi32, #tpu.memory_space<vmem>> -> memref<1x80xi32, #tpu.memory_space<vmem>>
        %dma_start3A_304 = tpu.memref_squeeze %dma_start3A_303 : memref<1x80xi32, #tpu.memory_space<vmem>> -> memref<80xi32, #tpu.memory_space<vmem>>
        %dma_start3A_305 = arith.constant 0 : i32
        %dma_start3A_306 = arith.constant 0 : i32
        %dma_start3A_307 = tpu.memref_slice %arg2[%dma_start3A_305, %dma_start3A_306] : memref<10000x32xbf16, #tpu.memory_space<hbm>> -> memref<10000x32xbf16, #tpu.memory_space<hbm>>
        tpu.enqueue_indirect_dma source(%dma_start3A_307 : memref<10000x32xbf16, #tpu.memory_space<hbm>>) target(%arg12 : memref<80x32xbf16, #tpu.memory_space<vmem>>) offsets(%dma_start3A_304 : memref<80xi32, #tpu.memory_space<vmem>>) semaphore(%arg25 : memref<!tpu.dma_semaphore, #tpu.memory_space<semaphore_mem>>)
        %dma_start3A_308 = arith.constant 0 : i32
        %dma_start3A_309 = tpu.memref_slice %arg9[%sub3A_301, %dma_start3A_308] : memref<125x80xi32, #tpu.memory_space<vmem>> -> memref<1x80xi32, #tpu.memory_space<vmem>>
        %dma_start3A_310 = tpu.memref_squeeze %dma_start3A_309 : memref<1x80xi32, #tpu.memory_space<vmem>> -> memref<80xi32, #tpu.memory_space<vmem>>
        %dma_start3A_311 = arith.constant 0 : i32
        %dma_start3A_312 = arith.constant 0 : i32
        %dma_start3A_313 = tpu.memref_slice %arg3[%dma_start3A_311, %dma_start3A_312] : memref<10000x32xbf16, #tpu.memory_space<hbm>> -> memref<10000x32xbf16, #tpu.memory_space<hbm>>
        tpu.enqueue_indirect_dma source(%dma_start3A_313 : memref<10000x32xbf16, #tpu.memory_space<hbm>>) target(%arg16 : memref<80x32xbf16, #tpu.memory_space<vmem>>) offsets(%dma_start3A_310 : memref<80xi32, #tpu.memory_space<vmem>>) semaphore(%arg29 : memref<!tpu.dma_semaphore, #tpu.memory_space<semaphore_mem>>)
      } else {
      }
      %dma_wait3A_270 = arith.constant 0 : i32
      %dma_wait3A_271 = tpu.memref_slice %arg8[%add3A_260, %dma_wait3A_270] : memref<125x80xi32, #tpu.memory_space<vmem>> -> memref<1x80xi32, #tpu.memory_space<vmem>>
      %dma_wait3A_272 = tpu.memref_squeeze %dma_wait3A_271 : memref<1x80xi32, #tpu.memory_space<vmem>> -> memref<80xi32, #tpu.memory_space<vmem>>
      %dma_wait3A_273 = arith.constant 0 : i32
      %dma_wait3A_274 = arith.constant 0 : i32
      %dma_wait3A_275 = tpu.memref_slice %arg2[%dma_wait3A_273, %dma_wait3A_274] : memref<10000x32xbf16, #tpu.memory_space<hbm>> -> memref<10000x32xbf16, #tpu.memory_space<hbm>>
      tpu.wait_indirect_dma semaphore(%arg26 : memref<!tpu.dma_semaphore, #tpu.memory_space<semaphore_mem>>) src(%dma_wait3A_275 : memref<10000x32xbf16, #tpu.memory_space<hbm>>) dst(%arg13 : memref<80x32xbf16, #tpu.memory_space<vmem>>)
      %dma_wait3A_276 = arith.constant 0 : i32
      %dma_wait3A_277 = tpu.memref_slice %arg9[%add3A_260, %dma_wait3A_276] : memref<125x80xi32, #tpu.memory_space<vmem>> -> memref<1x80xi32, #tpu.memory_space<vmem>>
      %dma_wait3A_278 = tpu.memref_squeeze %dma_wait3A_277 : memref<1x80xi32, #tpu.memory_space<vmem>> -> memref<80xi32, #tpu.memory_space<vmem>>
      %dma_wait3A_279 = arith.constant 0 : i32
      %dma_wait3A_280 = arith.constant 0 : i32
      %dma_wait3A_281 = tpu.memref_slice %arg3[%dma_wait3A_279, %dma_wait3A_280] : memref<10000x32xbf16, #tpu.memory_space<hbm>> -> memref<10000x32xbf16, #tpu.memory_space<hbm>>
      tpu.wait_indirect_dma semaphore(%arg30 : memref<!tpu.dma_semaphore, #tpu.memory_space<semaphore_mem>>) src(%dma_wait3A_281 : memref<10000x32xbf16, #tpu.memory_space<hbm>>) dst(%arg17 : memref<80x32xbf16, #tpu.memory_space<vmem>>)
      %gt3A_282 = arith.constant 0 : i32
      %gt3A_283 = arith.cmpi sgt, %scan3A_137, %gt3A_282 : i32
      %convert_element_type3A_284 = arith.extui %gt3A_283 : i1 to i32
      %cond3A_285 = arith.constant 0 : i32
      %cond3A_286 = arith.cmpi ne, %convert_element_type3A_284, %cond3A_285 : i32
      scf.if %cond3A_286 {
        %sub3A_298 = arith.constant 4 : i32
        %sub3A_299 = arith.subi %add3A_260, %sub3A_298 : i32
        %dma_wait3A_300 = arith.constant 0 : i32
        %dma_wait3A_301 = tpu.memref_slice %arg9[%sub3A_299, %dma_wait3A_300] : memref<125x80xi32, #tpu.memory_space<vmem>> -> memref<1x80xi32, #tpu.memory_space<vmem>>
        %dma_wait3A_302 = tpu.memref_squeeze %dma_wait3A_301 : memref<1x80xi32, #tpu.memory_space<vmem>> -> memref<80xi32, #tpu.memory_space<vmem>>
        %dma_wait3A_303 = arith.constant 0 : i32
        %dma_wait3A_304 = arith.constant 0 : i32
        %dma_wait3A_305 = tpu.memref_slice %arg22[%dma_wait3A_303, %dma_wait3A_304] : memref<10000x32xf32, #tpu.memory_space<vmem_shared>> -> memref<10000x32xf32, #tpu.memory_space<vmem_shared>>
        tpu.wait_indirect_dma semaphore(%arg34 : memref<!tpu.dma_semaphore, #tpu.memory_space<semaphore_mem>>) src(%arg21 : memref<80x32xf32, #tpu.memory_space<vmem>>) dst(%dma_wait3A_305 : memref<10000x32xf32, #tpu.memory_space<vmem_shared>>)
      } else {
      }
      %scan3A_287 = arith.constant 0 : i32
      %scan3A_288 = arith.constant 80 : i32
      %scan3A_289 = arith.addi %scan3A_287, %scan3A_288 : i32
      %scan3A_290 = arith.constant 2 : i32
      scf.for %scan3A_298 = %scan3A_287 to %scan3A_289 step %scan3A_290  : i32 {
        %get3A = arith.index_cast %scan3A_298 : i32 to index
        %get3A_299 = arith.constant 0 : index
        %get3A_300 = tpu.vector_load %arg13[%get3A, %get3A_299] {strides = array<i32>} : memref<80x32xbf16, #tpu.memory_space<vmem>>, vector<32xbf16>,
        %unpack3A = tpu.unpack_subelements %get3A_300, 0 {pack_format = #tpu.pack_format<interleaved>} : vector<32xbf16> -> vector<16xf32>
        %unpack3A_301 = tpu.unpack_subelements %get3A_300, 1 {pack_format = #tpu.pack_format<interleaved>} : vector<32xbf16> -> vector<16xf32>
        %get3A_302 = arith.index_cast %scan3A_298 : i32 to index
        %get3A_303 = arith.constant 0 : index
        %get3A_304 = tpu.vector_load %arg17[%get3A_302, %get3A_303] {strides = array<i32>} : memref<80x32xbf16, #tpu.memory_space<vmem>>, vector<32xbf16>,
        %unpack3A_305 = tpu.unpack_subelements %get3A_304, 0 {pack_format = #tpu.pack_format<interleaved>} : vector<32xbf16> -> vector<16xf32>
        %unpack3A_306 = tpu.unpack_subelements %get3A_304, 1 {pack_format = #tpu.pack_format<interleaved>} : vector<32xbf16> -> vector<16xf32>
        %add3A_307 = arith.addf %unpack3A_301, %unpack3A_305 : vector<16xf32>
        %mul3A_308 = arith.constant 2.000000e-01 : f32
        %mul3A_309 = vector.broadcast %mul3A_308 : f32 to vector<16xf32>
        %mul3A_310 = arith.mulf %mul3A_309, %add3A_307 : vector<16xf32>
        %max3A = arith.maximumf %add3A_307, %mul3A_310 : vector<16xf32>
        %exp3A = math.exp %max3A : vector<16xf32>
        %mul3A_311 = arith.mulf %unpack3A, %exp3A : vector<16xf32>
        %swap3A = arith.index_cast %scan3A_298 : i32 to index
        %swap3A_312 = arith.constant 0 : index
        %swap3A_313 = tpu.vector_load %arg21[%swap3A, %swap3A_312] {strides = array<i32>} : memref<80x32xf32, #tpu.memory_space<vmem>>, vector<16xf32>,
        tpu.vector_store %arg21[%swap3A, %swap3A_312], %mul3A_311 {strides = array<i32>} : memref<80x32xf32, #tpu.memory_space<vmem>>, vector<16xf32>,
        %swap3A_314 = arith.constant 0 : i32
        %swap3A_315 = tpu.memref_slice %arg21[%scan3A_298, %swap3A_314] : memref<80x32xf32, #tpu.memory_space<vmem>> -> memref<1x32xf32, #tpu.memory_space<vmem>>
        %swap3A_316 = tpu.memref_squeeze %swap3A_315 : memref<1x32xf32, #tpu.memory_space<vmem>> -> memref<32xf32, #tpu.memory_space<vmem>>
        %swap3A_317 = arith.constant 16 : index
        %swap3A_318 = tpu.vector_load %swap3A_316[%swap3A_317] masked %eq3A_29 {strides = array<i32>} : memref<32xf32, #tpu.memory_space<vmem>>, vector<16xf32>, vector<16xi1>
        tpu.vector_store %swap3A_316[%swap3A_317], %exp3A masked %eq3A_29 {strides = array<i32>} : memref<32xf32, #tpu.memory_space<vmem>>, vector<16xf32>, vector<16xi1>
        %scan3A_319 = arith.constant 1 : i32
        %scan3A_320 = arith.addi %scan3A_298, %scan3A_319 : i32
        %get3A_321 = arith.index_cast %scan3A_320 : i32 to index
        %get3A_322 = arith.constant 0 : index
        %get3A_323 = tpu.vector_load %arg13[%get3A_321, %get3A_322] {strides = array<i32>} : memref<80x32xbf16, #tpu.memory_space<vmem>>, vector<32xbf16>,
        %unpack3A_324 = tpu.unpack_subelements %get3A_323, 0 {pack_format = #tpu.pack_format<interleaved>} : vector<32xbf16> -> vector<16xf32>
        %unpack3A_325 = tpu.unpack_subelements %get3A_323, 1 {pack_format = #tpu.pack_format<interleaved>} : vector<32xbf16> -> vector<16xf32>
        %get3A_326 = arith.index_cast %scan3A_320 : i32 to index
        %get3A_327 = arith.constant 0 : index
        %get3A_328 = tpu.vector_load %arg17[%get3A_326, %get3A_327] {strides = array<i32>} : memref<80x32xbf16, #tpu.memory_space<vmem>>, vector<32xbf16>,
        %unpack3A_329 = tpu.unpack_subelements %get3A_328, 0 {pack_format = #tpu.pack_format<interleaved>} : vector<32xbf16> -> vector<16xf32>
        %unpack3A_330 = tpu.unpack_subelements %get3A_328, 1 {pack_format = #tpu.pack_format<interleaved>} : vector<32xbf16> -> vector<16xf32>
        %add3A_331 = arith.addf %unpack3A_325, %unpack3A_329 : vector<16xf32>
        %mul3A_332 = arith.constant 2.000000e-01 : f32
        %mul3A_333 = vector.broadcast %mul3A_332 : f32 to vector<16xf32>
        %mul3A_334 = arith.mulf %mul3A_333, %add3A_331 : vector<16xf32>
        %max3A_335 = arith.maximumf %add3A_331, %mul3A_334 : vector<16xf32>
        %exp3A_336 = math.exp %max3A_335 : vector<16xf32>
        %mul3A_337 = arith.mulf %unpack3A_324, %exp3A_336 : vector<16xf32>
        %swap3A_338 = arith.index_cast %scan3A_320 : i32 to index
        %swap3A_339 = arith.constant 0 : index
        %swap3A_340 = tpu.vector_load %arg21[%swap3A_338, %swap3A_339] {strides = array<i32>} : memref<80x32xf32, #tpu.memory_space<vmem>>, vector<16xf32>,
        tpu.vector_store %arg21[%swap3A_338, %swap3A_339], %mul3A_337 {strides = array<i32>} : memref<80x32xf32, #tpu.memory_space<vmem>>, vector<16xf32>,
        %swap3A_341 = arith.constant 0 : i32
        %swap3A_342 = tpu.memref_slice %arg21[%scan3A_320, %swap3A_341] : memref<80x32xf32, #tpu.memory_space<vmem>> -> memref<1x32xf32, #tpu.memory_space<vmem>>
        %swap3A_343 = tpu.memref_squeeze %swap3A_342 : memref<1x32xf32, #tpu.memory_space<vmem>> -> memref<32xf32, #tpu.memory_space<vmem>>
        %swap3A_344 = arith.constant 16 : index
        %swap3A_345 = tpu.vector_load %swap3A_343[%swap3A_344] masked %eq3A_29 {strides = array<i32>} : memref<32xf32, #tpu.memory_space<vmem>>, vector<16xf32>, vector<16xi1>
        tpu.vector_store %swap3A_343[%swap3A_344], %exp3A_336 masked %eq3A_29 {strides = array<i32>} : memref<32xf32, #tpu.memory_space<vmem>>, vector<16xf32>, vector<16xi1>
      }
      %scan3A_291 = arith.constant 80 : i32
      %dma_start3A_292 = arith.constant 0 : i32
      %dma_start3A_293 = tpu.memref_slice %arg9[%add3A_260, %dma_start3A_292] : memref<125x80xi32, #tpu.memory_space<vmem>> -> memref<1x80xi32, #tpu.memory_space<vmem>>
      %dma_start3A_294 = tpu.memref_squeeze %dma_start3A_293 : memref<1x80xi32, #tpu.memory_space<vmem>> -> memref<80xi32, #tpu.memory_space<vmem>>
      %dma_start3A_295 = arith.constant 0 : i32
      %dma_start3A_296 = arith.constant 0 : i32
      %dma_start3A_297 = tpu.memref_slice %arg22[%dma_start3A_295, %dma_start3A_296] : memref<10000x32xf32, #tpu.memory_space<vmem_shared>> -> memref<10000x32xf32, #tpu.memory_space<vmem_shared>>
      tpu.enqueue_indirect_dma source(%arg21 : memref<80x32xf32, #tpu.memory_space<vmem>>) target(%dma_start3A_297 : memref<10000x32xf32, #tpu.memory_space<vmem_shared>>) offsets(%dma_start3A_294 : memref<80xi32, #tpu.memory_space<vmem>>) semaphore(%arg34 : memref<!tpu.dma_semaphore, #tpu.memory_space<semaphore_mem>>) {add = true}
    }
    %scan3A_75 = arith.constant 31 : i32
    %dma_wait3A = arith.constant 124 : i32
    %dma_wait3A_76 = arith.constant 0 : i32
    %dma_wait3A_77 = tpu.memref_slice %arg8[%dma_wait3A, %dma_wait3A_76] : memref<125x80xi32, #tpu.memory_space<vmem>> -> memref<1x80xi32, #tpu.memory_space<vmem>>
    %dma_wait3A_78 = tpu.memref_squeeze %dma_wait3A_77 : memref<1x80xi32, #tpu.memory_space<vmem>> -> memref<80xi32, #tpu.memory_space<vmem>>
    %dma_wait3A_79 = arith.constant 0 : i32
    %dma_wait3A_80 = arith.constant 0 : i32
    %dma_wait3A_81 = tpu.memref_slice %arg2[%dma_wait3A_79, %dma_wait3A_80] : memref<10000x32xbf16, #tpu.memory_space<hbm>> -> memref<10000x32xbf16, #tpu.memory_space<hbm>>
    tpu.wait_indirect_dma semaphore(%arg23 : memref<!tpu.dma_semaphore, #tpu.memory_space<semaphore_mem>>) src(%dma_wait3A_81 : memref<10000x32xbf16, #tpu.memory_space<hbm>>) dst(%arg10 : memref<80x32xbf16, #tpu.memory_space<vmem>>)
    %dma_wait3A_82 = arith.constant 124 : i32
    %dma_wait3A_83 = arith.constant 0 : i32
    %dma_wait3A_84 = tpu.memref_slice %arg9[%dma_wait3A_82, %dma_wait3A_83] : memref<125x80xi32, #tpu.memory_space<vmem>> -> memref<1x80xi32, #tpu.memory_space<vmem>>
    %dma_wait3A_85 = tpu.memref_squeeze %dma_wait3A_84 : memref<1x80xi32, #tpu.memory_space<vmem>> -> memref<80xi32, #tpu.memory_space<vmem>>
    %dma_wait3A_86 = arith.constant 0 : i32
    %dma_wait3A_87 = arith.constant 0 : i32
    %dma_wait3A_88 = tpu.memref_slice %arg3[%dma_wait3A_86, %dma_wait3A_87] : memref<10000x32xbf16, #tpu.memory_space<hbm>> -> memref<10000x32xbf16, #tpu.memory_space<hbm>>
    tpu.wait_indirect_dma semaphore(%arg27 : memref<!tpu.dma_semaphore, #tpu.memory_space<semaphore_mem>>) src(%dma_wait3A_88 : memref<10000x32xbf16, #tpu.memory_space<hbm>>) dst(%arg14 : memref<80x32xbf16, #tpu.memory_space<vmem>>)
    %dma_wait3A_89 = arith.constant 120 : i32
    %dma_wait3A_90 = arith.constant 0 : i32
    %dma_wait3A_91 = tpu.memref_slice %arg9[%dma_wait3A_89, %dma_wait3A_90] : memref<125x80xi32, #tpu.memory_space<vmem>> -> memref<1x80xi32, #tpu.memory_space<vmem>>
    %dma_wait3A_92 = tpu.memref_squeeze %dma_wait3A_91 : memref<1x80xi32, #tpu.memory_space<vmem>> -> memref<80xi32, #tpu.memory_space<vmem>>
    %dma_wait3A_93 = arith.constant 0 : i32
    %dma_wait3A_94 = arith.constant 0 : i32
    %dma_wait3A_95 = tpu.memref_slice %arg22[%dma_wait3A_93, %dma_wait3A_94] : memref<10000x32xf32, #tpu.memory_space<vmem_shared>> -> memref<10000x32xf32, #tpu.memory_space<vmem_shared>>
    tpu.wait_indirect_dma semaphore(%arg31 : memref<!tpu.dma_semaphore, #tpu.memory_space<semaphore_mem>>) src(%arg18 : memref<80x32xf32, #tpu.memory_space<vmem>>) dst(%dma_wait3A_95 : memref<10000x32xf32, #tpu.memory_space<vmem_shared>>)
    %scan3A_96 = arith.constant 0 : i32
    %scan3A_97 = arith.constant 80 : i32
    %scan3A_98 = arith.addi %scan3A_96, %scan3A_97 : i32
    %scan3A_99 = arith.constant 2 : i32
    scf.for %scan3A_137 = %scan3A_96 to %scan3A_98 step %scan3A_99  : i32 {
      %get3A = arith.index_cast %scan3A_137 : i32 to index
      %get3A_138 = arith.constant 0 : index
      %get3A_139 = tpu.vector_load %arg10[%get3A, %get3A_138] {strides = array<i32>} : memref<80x32xbf16, #tpu.memory_space<vmem>>, vector<32xbf16>,
      %unpack3A = tpu.unpack_subelements %get3A_139, 0 {pack_format = #tpu.pack_format<interleaved>} : vector<32xbf16> -> vector<16xf32>
      %unpack3A_140 = tpu.unpack_subelements %get3A_139, 1 {pack_format = #tpu.pack_format<interleaved>} : vector<32xbf16> -> vector<16xf32>
      %get3A_141 = arith.index_cast %scan3A_137 : i32 to index
      %get3A_142 = arith.constant 0 : index
      %get3A_143 = tpu.vector_load %arg14[%get3A_141, %get3A_142] {strides = array<i32>} : memref<80x32xbf16, #tpu.memory_space<vmem>>, vector<32xbf16>,
      %unpack3A_144 = tpu.unpack_subelements %get3A_143, 0 {pack_format = #tpu.pack_format<interleaved>} : vector<32xbf16> -> vector<16xf32>
      %unpack3A_145 = tpu.unpack_subelements %get3A_143, 1 {pack_format = #tpu.pack_format<interleaved>} : vector<32xbf16> -> vector<16xf32>
      %add3A_146 = arith.addf %unpack3A_140, %unpack3A_144 : vector<16xf32>
      %mul3A_147 = arith.constant 2.000000e-01 : f32
      %mul3A_148 = vector.broadcast %mul3A_147 : f32 to vector<16xf32>
      %mul3A_149 = arith.mulf %mul3A_148, %add3A_146 : vector<16xf32>
      %max3A = arith.maximumf %add3A_146, %mul3A_149 : vector<16xf32>
      %exp3A = math.exp %max3A : vector<16xf32>
      %mul3A_150 = arith.mulf %unpack3A, %exp3A : vector<16xf32>
      %swap3A = arith.index_cast %scan3A_137 : i32 to index
      %swap3A_151 = arith.constant 0 : index
      %swap3A_152 = tpu.vector_load %arg18[%swap3A, %swap3A_151] {strides = array<i32>} : memref<80x32xf32, #tpu.memory_space<vmem>>, vector<16xf32>,
      tpu.vector_store %arg18[%swap3A, %swap3A_151], %mul3A_150 {strides = array<i32>} : memref<80x32xf32, #tpu.memory_space<vmem>>, vector<16xf32>,
      %swap3A_153 = arith.constant 0 : i32
      %swap3A_154 = tpu.memref_slice %arg18[%scan3A_137, %swap3A_153] : memref<80x32xf32, #tpu.memory_space<vmem>> -> memref<1x32xf32, #tpu.memory_space<vmem>>
      %swap3A_155 = tpu.memref_squeeze %swap3A_154 : memref<1x32xf32, #tpu.memory_space<vmem>> -> memref<32xf32, #tpu.memory_space<vmem>>
      %swap3A_156 = arith.constant 16 : index
      %swap3A_157 = tpu.vector_load %swap3A_155[%swap3A_156] masked %eq3A_29 {strides = array<i32>} : memref<32xf32, #tpu.memory_space<vmem>>, vector<16xf32>, vector<16xi1>
      tpu.vector_store %swap3A_155[%swap3A_156], %exp3A masked %eq3A_29 {strides = array<i32>} : memref<32xf32, #tpu.memory_space<vmem>>, vector<16xf32>, vector<16xi1>
      %scan3A_158 = arith.constant 1 : i32
      %scan3A_159 = arith.addi %scan3A_137, %scan3A_158 : i32
      %get3A_160 = arith.index_cast %scan3A_159 : i32 to index
      %get3A_161 = arith.constant 0 : index
      %get3A_162 = tpu.vector_load %arg10[%get3A_160, %get3A_161] {strides = array<i32>} : memref<80x32xbf16, #tpu.memory_space<vmem>>, vector<32xbf16>,
      %unpack3A_163 = tpu.unpack_subelements %get3A_162, 0 {pack_format = #tpu.pack_format<interleaved>} : vector<32xbf16> -> vector<16xf32>
      %unpack3A_164 = tpu.unpack_subelements %get3A_162, 1 {pack_format = #tpu.pack_format<interleaved>} : vector<32xbf16> -> vector<16xf32>
      %get3A_165 = arith.index_cast %scan3A_159 : i32 to index
      %get3A_166 = arith.constant 0 : index
      %get3A_167 = tpu.vector_load %arg14[%get3A_165, %get3A_166] {strides = array<i32>} : memref<80x32xbf16, #tpu.memory_space<vmem>>, vector<32xbf16>,
      %unpack3A_168 = tpu.unpack_subelements %get3A_167, 0 {pack_format = #tpu.pack_format<interleaved>} : vector<32xbf16> -> vector<16xf32>
      %unpack3A_169 = tpu.unpack_subelements %get3A_167, 1 {pack_format = #tpu.pack_format<interleaved>} : vector<32xbf16> -> vector<16xf32>
      %add3A_170 = arith.addf %unpack3A_164, %unpack3A_168 : vector<16xf32>
      %mul3A_171 = arith.constant 2.000000e-01 : f32
      %mul3A_172 = vector.broadcast %mul3A_171 : f32 to vector<16xf32>
      %mul3A_173 = arith.mulf %mul3A_172, %add3A_170 : vector<16xf32>
      %max3A_174 = arith.maximumf %add3A_170, %mul3A_173 : vector<16xf32>
      %exp3A_175 = math.exp %max3A_174 : vector<16xf32>
      %mul3A_176 = arith.mulf %unpack3A_163, %exp3A_175 : vector<16xf32>
      %swap3A_177 = arith.index_cast %scan3A_159 : i32 to index
      %swap3A_178 = arith.constant 0 : index
      %swap3A_179 = tpu.vector_load %arg18[%swap3A_177, %swap3A_178] {strides = array<i32>} : memref<80x32xf32, #tpu.memory_space<vmem>>, vector<16xf32>,
      tpu.vector_store %arg18[%swap3A_177, %swap3A_178], %mul3A_176 {strides = array<i32>} : memref<80x32xf32, #tpu.memory_space<vmem>>, vector<16xf32>,
      %swap3A_180 = arith.constant 0 : i32
      %swap3A_181 = tpu.memref_slice %arg18[%scan3A_159, %swap3A_180] : memref<80x32xf32, #tpu.memory_space<vmem>> -> memref<1x32xf32, #tpu.memory_space<vmem>>
      %swap3A_182 = tpu.memref_squeeze %swap3A_181 : memref<1x32xf32, #tpu.memory_space<vmem>> -> memref<32xf32, #tpu.memory_space<vmem>>
      %swap3A_183 = arith.constant 16 : index
      %swap3A_184 = tpu.vector_load %swap3A_182[%swap3A_183] masked %eq3A_29 {strides = array<i32>} : memref<32xf32, #tpu.memory_space<vmem>>, vector<16xf32>, vector<16xi1>
      tpu.vector_store %swap3A_182[%swap3A_183], %exp3A_175 masked %eq3A_29 {strides = array<i32>} : memref<32xf32, #tpu.memory_space<vmem>>, vector<16xf32>, vector<16xi1>
    }
    %scan3A_100 = arith.constant 80 : i32
    %dma_start3A_101 = arith.constant 124 : i32
    %dma_start3A_102 = arith.constant 0 : i32
    %dma_start3A_103 = tpu.memref_slice %arg9[%dma_start3A_101, %dma_start3A_102] : memref<125x80xi32, #tpu.memory_space<vmem>> -> memref<1x80xi32, #tpu.memory_space<vmem>>
    %dma_start3A_104 = tpu.memref_squeeze %dma_start3A_103 : memref<1x80xi32, #tpu.memory_space<vmem>> -> memref<80xi32, #tpu.memory_space<vmem>>
    %dma_start3A_105 = arith.constant 0 : i32
    %dma_start3A_106 = arith.constant 0 : i32
    %dma_start3A_107 = tpu.memref_slice %arg22[%dma_start3A_105, %dma_start3A_106] : memref<10000x32xf32, #tpu.memory_space<vmem_shared>> -> memref<10000x32xf32, #tpu.memory_space<vmem_shared>>
    tpu.enqueue_indirect_dma source(%arg18 : memref<80x32xf32, #tpu.memory_space<vmem>>) target(%dma_start3A_107 : memref<10000x32xf32, #tpu.memory_space<vmem_shared>>) offsets(%dma_start3A_104 : memref<80xi32, #tpu.memory_space<vmem>>) semaphore(%arg31 : memref<!tpu.dma_semaphore, #tpu.memory_space<semaphore_mem>>) {add = true}
    %dma_wait3A_108 = arith.constant 121 : i32
    %dma_wait3A_109 = arith.constant 0 : i32
    %dma_wait3A_110 = tpu.memref_slice %arg9[%dma_wait3A_108, %dma_wait3A_109] : memref<125x80xi32, #tpu.memory_space<vmem>> -> memref<1x80xi32, #tpu.memory_space<vmem>>
    %dma_wait3A_111 = tpu.memref_squeeze %dma_wait3A_110 : memref<1x80xi32, #tpu.memory_space<vmem>> -> memref<80xi32, #tpu.memory_space<vmem>>
    %dma_wait3A_112 = arith.constant 0 : i32
    %dma_wait3A_113 = arith.constant 0 : i32
    %dma_wait3A_114 = tpu.memref_slice %arg22[%dma_wait3A_112, %dma_wait3A_113] : memref<10000x32xf32, #tpu.memory_space<vmem_shared>> -> memref<10000x32xf32, #tpu.memory_space<vmem_shared>>
    tpu.wait_indirect_dma semaphore(%arg32 : memref<!tpu.dma_semaphore, #tpu.memory_space<semaphore_mem>>) src(%arg19 : memref<80x32xf32, #tpu.memory_space<vmem>>) dst(%dma_wait3A_114 : memref<10000x32xf32, #tpu.memory_space<vmem_shared>>)
    %dma_wait3A_115 = arith.constant 122 : i32
    %dma_wait3A_116 = arith.constant 0 : i32
    %dma_wait3A_117 = tpu.memref_slice %arg9[%dma_wait3A_115, %dma_wait3A_116] : memref<125x80xi32, #tpu.memory_space<vmem>> -> memref<1x80xi32, #tpu.memory_space<vmem>>
    %dma_wait3A_118 = tpu.memref_squeeze %dma_wait3A_117 : memref<1x80xi32, #tpu.memory_space<vmem>> -> memref<80xi32, #tpu.memory_space<vmem>>
    %dma_wait3A_119 = arith.constant 0 : i32
    %dma_wait3A_120 = arith.constant 0 : i32
    %dma_wait3A_121 = tpu.memref_slice %arg22[%dma_wait3A_119, %dma_wait3A_120] : memref<10000x32xf32, #tpu.memory_space<vmem_shared>> -> memref<10000x32xf32, #tpu.memory_space<vmem_shared>>
    tpu.wait_indirect_dma semaphore(%arg33 : memref<!tpu.dma_semaphore, #tpu.memory_space<semaphore_mem>>) src(%arg20 : memref<80x32xf32, #tpu.memory_space<vmem>>) dst(%dma_wait3A_121 : memref<10000x32xf32, #tpu.memory_space<vmem_shared>>)
    %dma_wait3A_122 = arith.constant 123 : i32
    %dma_wait3A_123 = arith.constant 0 : i32
    %dma_wait3A_124 = tpu.memref_slice %arg9[%dma_wait3A_122, %dma_wait3A_123] : memref<125x80xi32, #tpu.memory_space<vmem>> -> memref<1x80xi32, #tpu.memory_space<vmem>>
    %dma_wait3A_125 = tpu.memref_squeeze %dma_wait3A_124 : memref<1x80xi32, #tpu.memory_space<vmem>> -> memref<80xi32, #tpu.memory_space<vmem>>
    %dma_wait3A_126 = arith.constant 0 : i32
    %dma_wait3A_127 = arith.constant 0 : i32
    %dma_wait3A_128 = tpu.memref_slice %arg22[%dma_wait3A_126, %dma_wait3A_127] : memref<10000x32xf32, #tpu.memory_space<vmem_shared>> -> memref<10000x32xf32, #tpu.memory_space<vmem_shared>>
    tpu.wait_indirect_dma semaphore(%arg34 : memref<!tpu.dma_semaphore, #tpu.memory_space<semaphore_mem>>) src(%arg21 : memref<80x32xf32, #tpu.memory_space<vmem>>) dst(%dma_wait3A_128 : memref<10000x32xf32, #tpu.memory_space<vmem_shared>>)
    %dma_wait3A_129 = arith.constant 124 : i32
    %dma_wait3A_130 = arith.constant 0 : i32
    %dma_wait3A_131 = tpu.memref_slice %arg9[%dma_wait3A_129, %dma_wait3A_130] : memref<125x80xi32, #tpu.memory_space<vmem>> -> memref<1x80xi32, #tpu.memory_space<vmem>>
    %dma_wait3A_132 = tpu.memref_squeeze %dma_wait3A_131 : memref<1x80xi32, #tpu.memory_space<vmem>> -> memref<80xi32, #tpu.memory_space<vmem>>
    %dma_wait3A_133 = arith.constant 0 : i32
    %dma_wait3A_134 = arith.constant 0 : i32
    %dma_wait3A_135 = tpu.memref_slice %arg22[%dma_wait3A_133, %dma_wait3A_134] : memref<10000x32xf32, #tpu.memory_space<vmem_shared>> -> memref<10000x32xf32, #tpu.memory_space<vmem_shared>>
    tpu.wait_indirect_dma semaphore(%arg31 : memref<!tpu.dma_semaphore, #tpu.memory_space<semaphore_mem>>) src(%arg18 : memref<80x32xf32, #tpu.memory_space<vmem>>) dst(%dma_wait3A_135 : memref<10000x32xf32, #tpu.memory_space<vmem_shared>>)
    %barrier3A_136 = arith.constant 0 : index
    tpu.barrier barrier_id(%barrier3A_136)
    "tpu.region"() ({
      %run_scoped3A = tpu.sem_alloc : memref<!tpu.dma_semaphore, #tpu.memory_space<semaphore_mem>>
      %dma_start3A_137 = arith.constant 0 : i32
      %dma_start3A_138 = tpu.memref_slice %arg7[%arg0, %mul3A_2, %dma_start3A_137] : memref<2x10000x32xf32, #tpu.memory_space<hbm>> -> memref<1x625x32xf32, #tpu.memory_space<hbm>>
      %dma_start3A_139 = tpu.memref_squeeze %dma_start3A_138 : memref<1x625x32xf32, #tpu.memory_space<hbm>> -> memref<625x32xf32, #tpu.memory_space<hbm>>
      %dma_start3A_140 = arith.constant 0 : i32
      %dma_start3A_141 = tpu.memref_slice %arg22[%mul3A_2, %dma_start3A_140] : memref<10000x32xf32, #tpu.memory_space<vmem_shared>> -> memref<625x32xf32, #tpu.memory_space<vmem_shared>>
      tpu.enqueue_dma source(%dma_start3A_141 : memref<625x32xf32, #tpu.memory_space<vmem_shared>>) target(%dma_start3A_139 : memref<625x32xf32, #tpu.memory_space<hbm>>) target_semaphore(%run_scoped3A : memref<!tpu.dma_semaphore, #tpu.memory_space<semaphore_mem>>)
      %dma_wait3A_142 = arith.constant 0 : i32
      %dma_wait3A_143 = tpu.memref_slice %arg7[%arg0, %mul3A_2, %dma_wait3A_142] : memref<2x10000x32xf32, #tpu.memory_space<hbm>> -> memref<1x625x32xf32, #tpu.memory_space<hbm>>
      %dma_wait3A_144 = tpu.memref_squeeze %dma_wait3A_143 : memref<1x625x32xf32, #tpu.memory_space<hbm>> -> memref<625x32xf32, #tpu.memory_space<hbm>>
      %dma_wait3A_145 = arith.constant 0 : i32
      %dma_wait3A_146 = tpu.memref_slice %arg22[%mul3A_2, %dma_wait3A_145] : memref<10000x32xf32, #tpu.memory_space<vmem_shared>> -> memref<625x32xf32, #tpu.memory_space<vmem_shared>>
      tpu.wait_dma2 semaphore(%run_scoped3A : memref<!tpu.dma_semaphore, #tpu.memory_space<semaphore_mem>>) src(%dma_wait3A_146 : memref<625x32xf32, #tpu.memory_space<vmem_shared>>) dst(%dma_wait3A_144 : memref<625x32xf32, #tpu.memory_space<hbm>>)
      tpu.yield
    }) : () -> ()
    return
  }
}

module attributes {stable_mosaic.version = 14 : i64} {
  func.func @_tc_input_kernel(%arg0: i32, %arg1: memref<2000x128xf32, #tpu.memory_space<vmem>>, %arg2: memref<2000x8xf32, #tpu.memory_space<vmem>>, %arg3: memref<136x128xf32, #tpu.memory_space<vmem>>, %arg4: memref<136x64xf32, #tpu.memory_space<vmem>>, %arg5: memref<2000x128xbf16, #tpu.memory_space<vmem>>, %arg6: memref<2000x64xbf16, #tpu.memory_space<vmem>>) attributes {dimension_semantics = [#tpu.dimension_semantics<arbitrary>], iteration_bounds = array<i64: 5>, scalar_prefetch = 0 : i64, scratch_operands = 0 : i64, tpu.core_type = #tpu.core_type<tc>, window_params = [{transform_indices = @transform_0, window_bounds = array<i64: 2000, 128>}, {transform_indices = @transform_1, window_bounds = array<i64: 2000, 8>}, {pipeline_mode = #tpu.pipeline_mode<synchronous>, transform_indices = @transform_2, window_bounds = array<i64: 136, 128>}, {pipeline_mode = #tpu.pipeline_mode<synchronous>, transform_indices = @transform_3, window_bounds = array<i64: 136, 64>}, {transform_indices = @transform_4, window_bounds = array<i64: 2000, 128>}, {transform_indices = @transform_5, window_bounds = array<i64: 2000, 64>}]} {
    %get3A = arith.constant 0 : index
    %get3A_0 = arith.constant 0 : index
    %get3A_1 = vector.load %arg1[%get3A, %get3A_0] : memref<2000x128xf32, #tpu.memory_space<vmem>>, vector<2000x128xf32>
    %get3A_2 = arith.constant 0 : index
    %get3A_3 = arith.constant 0 : index
    %get3A_4 = vector.load %arg2[%get3A_2, %get3A_3] : memref<2000x8xf32, #tpu.memory_space<vmem>>, vector<2000x8xf32>
    %concatenate3A = tpu.concatenate %get3A_1, %get3A_4 in 1 : vector<2000x128xf32>, vector<2000x8xf32> -> vector<2000x136xf32>
    %get3A_5 = arith.constant 0 : index
    %get3A_6 = arith.constant 0 : index
    %get3A_7 = vector.load %arg3[%get3A_5, %get3A_6] : memref<136x128xf32, #tpu.memory_space<vmem>>, vector<136x128xf32>
    %dot_general3A = arith.constant dense<0.000000e+00> : vector<2000x128xf32>
    %dot_general3A_8 = tpu.matmul %concatenate3A, %get3A_7, %dot_general3A {dimension_numbers = #tpu.dot_dimension_numbers<[1], [0], [0], [1], [0, 0, 1, 1], [], []>, transpose_lhs_hint = false} : vector<2000x136xf32>, vector<136x128xf32>, vector<2000x128xf32> -> vector<2000x128xf32>
    %convert_element_type3A = arith.truncf %dot_general3A_8 : vector<2000x128xf32> to vector<2000x128xbf16>
    %swap3A = arith.constant 0 : index
    %swap3A_9 = arith.constant 0 : index
    %swap3A_10 = vector.load %arg5[%swap3A, %swap3A_9] : memref<2000x128xbf16, #tpu.memory_space<vmem>>, vector<2000x128xbf16>
    tpu.vector_store %arg5[%swap3A, %swap3A_9], %convert_element_type3A {strides = array<i32>} : memref<2000x128xbf16, #tpu.memory_space<vmem>>, vector<2000x128xbf16>,
    %get3A_11 = arith.constant 0 : index
    %get3A_12 = arith.constant 0 : index
    %get3A_13 = vector.load %arg4[%get3A_11, %get3A_12] : memref<136x64xf32, #tpu.memory_space<vmem>>, vector<136x64xf32>
    %dot_general3A_14 = arith.constant dense<0.000000e+00> : vector<2000x64xf32>
    %dot_general3A_15 = tpu.matmul %concatenate3A, %get3A_13, %dot_general3A_14 {dimension_numbers = #tpu.dot_dimension_numbers<[1], [0], [0], [1], [0, 0, 1, 1], [], []>, transpose_lhs_hint = false} : vector<2000x136xf32>, vector<136x64xf32>, vector<2000x64xf32> -> vector<2000x64xf32>
    %convert_element_type3A_16 = arith.truncf %dot_general3A_15 : vector<2000x64xf32> to vector<2000x64xbf16>
    %swap3A_17 = arith.constant 0 : index
    %swap3A_18 = arith.constant 0 : index
    %swap3A_19 = vector.load %arg6[%swap3A_17, %swap3A_18] : memref<2000x64xbf16, #tpu.memory_space<vmem>>, vector<2000x64xbf16>
    tpu.vector_store %arg6[%swap3A_17, %swap3A_18], %convert_element_type3A_16 {strides = array<i32>} : memref<2000x64xbf16, #tpu.memory_space<vmem>>, vector<2000x64xbf16>,
    return
  }
  func.func @transform_0(%arg0: i32) -> (i32, i32) {
    %c0_i32 = arith.constant 0 : i32
    %c0_i32_0 = arith.constant 0 : i32
    return %arg0, %c0_i32 : i32, i32
  }
  func.func @transform_1(%arg0: i32) -> (i32, i32) {
    %c0_i32 = arith.constant 0 : i32
    %c0_i32_0 = arith.constant 0 : i32
    return %arg0, %c0_i32 : i32, i32
  }
  func.func @transform_2(%arg0: i32) -> (i32, i32) {
    %c0_i32 = arith.constant 0 : i32
    %c0_i32_0 = arith.constant 0 : i32
    %c0_i32_1 = arith.constant 0 : i32
    return %c0_i32, %c0_i32_0 : i32, i32
  }
  func.func @transform_3(%arg0: i32) -> (i32, i32) {
    %c0_i32 = arith.constant 0 : i32
    %c0_i32_0 = arith.constant 0 : i32
    %c0_i32_1 = arith.constant 0 : i32
    return %c0_i32, %c0_i32_0 : i32, i32
  }
  func.func @transform_4(%arg0: i32) -> (i32, i32) {
    %c0_i32 = arith.constant 0 : i32
    %c0_i32_0 = arith.constant 0 : i32
    return %arg0, %c0_i32 : i32, i32
  }
  func.func @transform_5(%arg0: i32) -> (i32, i32) {
    %c0_i32 = arith.constant 0 : i32
    %c0_i32_0 = arith.constant 0 : i32
    return %arg0, %c0_i32 : i32, i32
  }
}

module attributes {stable_mosaic.version = 14 : i64} {
  func.func @_tc_mid_kernel(%arg0: i32, %arg1: memref<2000x88xf32, #tpu.memory_space<vmem>>, %arg2: memref<2000x88xf32, #tpu.memory_space<vmem>>, %arg3: memref<64xf32, #tpu.memory_space<vmem>>, %arg4: memref<64x32xf32, #tpu.memory_space<vmem>>, %arg5: memref<64x32xf32, #tpu.memory_space<vmem>>, %arg6: memref<2000x32xbf16, #tpu.memory_space<vmem>>, %arg7: memref<2000x32xbf16, #tpu.memory_space<vmem>>) attributes {dimension_semantics = [#tpu.dimension_semantics<arbitrary>], iteration_bounds = array<i64: 5>, scalar_prefetch = 0 : i64, scratch_operands = 0 : i64, tpu.core_type = #tpu.core_type<tc>, window_params = [{transform_indices = @transform_0, window_bounds = array<i64: 2000, 88>}, {transform_indices = @transform_1, window_bounds = array<i64: 2000, 88>}, {pipeline_mode = #tpu.pipeline_mode<synchronous>, transform_indices = @transform_2, window_bounds = array<i64: 64>}, {pipeline_mode = #tpu.pipeline_mode<synchronous>, transform_indices = @transform_3, window_bounds = array<i64: 64, 32>}, {pipeline_mode = #tpu.pipeline_mode<synchronous>, transform_indices = @transform_4, window_bounds = array<i64: 64, 32>}, {transform_indices = @transform_5, window_bounds = array<i64: 2000, 32>}, {transform_indices = @transform_6, window_bounds = array<i64: 2000, 32>}]} {
    %get3A = arith.constant 0 : index
    %get3A_0 = arith.constant 0 : index
    %get3A_1 = vector.load %arg1[%get3A, %get3A_0] : memref<2000x88xf32, #tpu.memory_space<vmem>>, vector<2000x88xf32>
    %get3A_2 = arith.constant 0 : index
    %get3A_3 = arith.constant 0 : index
    %get3A_4 = vector.load %arg2[%get3A_2, %get3A_3] : memref<2000x88xf32, #tpu.memory_space<vmem>>, vector<2000x88xf32>
    %add3A = arith.addf %get3A_1, %get3A_4 : vector<2000x88xf32>
    %slice3A = vector.extract_strided_slice %add3A {offsets = [0, 0], sizes = [2000, 64], strides = [1, 1]} : vector<2000x88xf32> to vector<2000x64xf32>
    %slice3A_5 = vector.extract_strided_slice %add3A {offsets = [0, 64], sizes = [2000, 8], strides = [1, 1]} : vector<2000x88xf32> to vector<2000x8xf32>
    %reshape3A = vector.shape_cast %slice3A : vector<2000x64xf32> to vector<2000x8x8xf32>
    %broadcast_in_dim3A = vector.shape_cast %slice3A_5 : vector<2000x8xf32> to vector<2000x8x1xf32>
    %add3A_6 = arith.constant 1.000000e-16 : f32
    %add3A_7 = vector.broadcast %add3A_6 : f32 to vector<2000x8x1xf32>
    %add3A_8 = arith.addf %broadcast_in_dim3A, %add3A_7 : vector<2000x8x1xf32>
    %div3A = vector.broadcast %add3A_8 : vector<2000x8x1xf32> to vector<2000x8x8xf32>
    %div3A_9 = arith.divf %reshape3A, %div3A : vector<2000x8x8xf32>
    %reshape3A_10 = vector.shape_cast %div3A_9 : vector<2000x8x8xf32> to vector<2000x64xf32>
    %get3A_11 = arith.constant 0 : index
    %get3A_12 = vector.load %arg3[%get3A_11] : memref<64xf32, #tpu.memory_space<vmem>>, vector<64xf32>
    %broadcast_in_dim3A_13 = vector.shape_cast %get3A_12 : vector<64xf32> to vector<1x64xf32>
    %add3A_14 = vector.broadcast %broadcast_in_dim3A_13 : vector<1x64xf32> to vector<2000x64xf32>
    %add3A_15 = arith.addf %reshape3A_10, %add3A_14 : vector<2000x64xf32>
    %gt3A = arith.constant 0.000000e+00 : f32
    %gt3A_16 = vector.broadcast %gt3A : f32 to vector<2000x64xf32>
    %gt3A_17 = arith.cmpf ogt, %add3A_15, %gt3A_16 : vector<2000x64xf32>
    %min3A = arith.constant 0.000000e+00 : f32
    %min3A_18 = vector.broadcast %min3A : f32 to vector<2000x64xf32>
    %min3A_19 = arith.minimumf %add3A_15, %min3A_18 : vector<2000x64xf32>
    %exp3A = math.exp %min3A_19 : vector<2000x64xf32>
    %sub3A = arith.constant 1.000000e+00 : f32
    %sub3A_20 = vector.broadcast %sub3A : f32 to vector<2000x64xf32>
    %sub3A_21 = arith.subf %exp3A, %sub3A_20 : vector<2000x64xf32>
    %select_n3A = arith.select %gt3A_17, %add3A_15, %sub3A_21 : vector<2000x64xi1>, vector<2000x64xf32>
    %get3A_22 = arith.constant 0 : index
    %get3A_23 = arith.constant 0 : index
    %get3A_24 = vector.load %arg4[%get3A_22, %get3A_23] : memref<64x32xf32, #tpu.memory_space<vmem>>, vector<64x32xf32>
    %dot_general3A = arith.constant dense<0.000000e+00> : vector<2000x32xf32>
    %dot_general3A_25 = tpu.matmul %select_n3A, %get3A_24, %dot_general3A {dimension_numbers = #tpu.dot_dimension_numbers<[1], [0], [0], [1], [0, 0, 1, 1], [], []>, transpose_lhs_hint = false} : vector<2000x64xf32>, vector<64x32xf32>, vector<2000x32xf32> -> vector<2000x32xf32>
    %convert_element_type3A = arith.truncf %dot_general3A_25 : vector<2000x32xf32> to vector<2000x32xbf16>
    %swap3A = arith.constant 0 : index
    %swap3A_26 = arith.constant 0 : index
    %swap3A_27 = vector.load %arg6[%swap3A, %swap3A_26] : memref<2000x32xbf16, #tpu.memory_space<vmem>>, vector<2000x32xbf16>
    tpu.vector_store %arg6[%swap3A, %swap3A_26], %convert_element_type3A {strides = array<i32>} : memref<2000x32xbf16, #tpu.memory_space<vmem>>, vector<2000x32xbf16>,
    %get3A_28 = arith.constant 0 : index
    %get3A_29 = arith.constant 0 : index
    %get3A_30 = vector.load %arg5[%get3A_28, %get3A_29] : memref<64x32xf32, #tpu.memory_space<vmem>>, vector<64x32xf32>
    %dot_general3A_31 = arith.constant dense<0.000000e+00> : vector<2000x32xf32>
    %dot_general3A_32 = tpu.matmul %select_n3A, %get3A_30, %dot_general3A_31 {dimension_numbers = #tpu.dot_dimension_numbers<[1], [0], [0], [1], [0, 0, 1, 1], [], []>, transpose_lhs_hint = false} : vector<2000x64xf32>, vector<64x32xf32>, vector<2000x32xf32> -> vector<2000x32xf32>
    %convert_element_type3A_33 = arith.truncf %dot_general3A_32 : vector<2000x32xf32> to vector<2000x32xbf16>
    %swap3A_34 = arith.constant 0 : index
    %swap3A_35 = arith.constant 0 : index
    %swap3A_36 = vector.load %arg7[%swap3A_34, %swap3A_35] : memref<2000x32xbf16, #tpu.memory_space<vmem>>, vector<2000x32xbf16>
    tpu.vector_store %arg7[%swap3A_34, %swap3A_35], %convert_element_type3A_33 {strides = array<i32>} : memref<2000x32xbf16, #tpu.memory_space<vmem>>, vector<2000x32xbf16>,
    return
  }
  func.func @transform_0(%arg0: i32) -> (i32, i32) {
    %c0_i32 = arith.constant 0 : i32
    %c0_i32_0 = arith.constant 0 : i32
    return %arg0, %c0_i32 : i32, i32
  }
  func.func @transform_1(%arg0: i32) -> (i32, i32) {
    %c0_i32 = arith.constant 0 : i32
    %c0_i32_0 = arith.constant 0 : i32
    return %arg0, %c0_i32 : i32, i32
  }
  func.func @transform_2(%arg0: i32) -> i32 {
    %c0_i32 = arith.constant 0 : i32
    %c0_i32_0 = arith.constant 0 : i32
    return %c0_i32 : i32
  }
  func.func @transform_3(%arg0: i32) -> (i32, i32) {
    %c0_i32 = arith.constant 0 : i32
    %c0_i32_0 = arith.constant 0 : i32
    %c0_i32_1 = arith.constant 0 : i32
    return %c0_i32, %c0_i32_0 : i32, i32
  }
  func.func @transform_4(%arg0: i32) -> (i32, i32) {
    %c0_i32 = arith.constant 0 : i32
    %c0_i32_0 = arith.constant 0 : i32
    %c0_i32_1 = arith.constant 0 : i32
    return %c0_i32, %c0_i32_0 : i32, i32
  }
  func.func @transform_5(%arg0: i32) -> (i32, i32) {
    %c0_i32 = arith.constant 0 : i32
    %c0_i32_0 = arith.constant 0 : i32
    return %arg0, %c0_i32 : i32, i32
  }
  func.func @transform_6(%arg0: i32) -> (i32, i32) {
    %c0_i32 = arith.constant 0 : i32
    %c0_i32_0 = arith.constant 0 : i32
    return %arg0, %c0_i32 : i32, i32
  }
}

module attributes {stable_mosaic.version = 14 : i64} {
  func.func @_tc_out_kernel(%arg0: i32, %arg1: memref<2000x32xf32, #tpu.memory_space<vmem>>, %arg2: memref<2000x32xf32, #tpu.memory_space<vmem>>, %arg3: memref<16xf32, #tpu.memory_space<vmem>>, %arg4: memref<2000x16xf32, #tpu.memory_space<vmem>>) attributes {dimension_semantics = [#tpu.dimension_semantics<arbitrary>], iteration_bounds = array<i64: 5>, scalar_prefetch = 0 : i64, scratch_operands = 0 : i64, tpu.core_type = #tpu.core_type<tc>, window_params = [{transform_indices = @transform_0, window_bounds = array<i64: 2000, 32>}, {transform_indices = @transform_1, window_bounds = array<i64: 2000, 32>}, {pipeline_mode = #tpu.pipeline_mode<synchronous>, transform_indices = @transform_2, window_bounds = array<i64: 16>}, {transform_indices = @transform_3, window_bounds = array<i64: 2000, 16>}]} {
    %get3A = arith.constant 0 : index
    %get3A_0 = arith.constant 0 : index
    %get3A_1 = vector.load %arg1[%get3A, %get3A_0] : memref<2000x32xf32, #tpu.memory_space<vmem>>, vector<2000x32xf32>
    %get3A_2 = arith.constant 0 : index
    %get3A_3 = arith.constant 0 : index
    %get3A_4 = vector.load %arg2[%get3A_2, %get3A_3] : memref<2000x32xf32, #tpu.memory_space<vmem>>, vector<2000x32xf32>
    %add3A = arith.addf %get3A_1, %get3A_4 : vector<2000x32xf32>
    %slice3A = vector.extract_strided_slice %add3A {offsets = [0, 0], sizes = [2000, 16], strides = [1, 1]} : vector<2000x32xf32> to vector<2000x16xf32>
    %slice3A_5 = vector.extract_strided_slice %add3A {offsets = [0, 16], sizes = [2000, 1], strides = [1, 1]} : vector<2000x32xf32> to vector<2000x1xf32>
    %add3A_6 = arith.constant 1.000000e-16 : f32
    %add3A_7 = vector.broadcast %add3A_6 : f32 to vector<2000x1xf32>
    %add3A_8 = arith.addf %slice3A_5, %add3A_7 : vector<2000x1xf32>
    %div3A = vector.broadcast %add3A_8 : vector<2000x1xf32> to vector<2000x16xf32>
    %div3A_9 = arith.divf %slice3A, %div3A : vector<2000x16xf32>
    %get3A_10 = arith.constant 0 : index
    %get3A_11 = vector.load %arg3[%get3A_10] : memref<16xf32, #tpu.memory_space<vmem>>, vector<16xf32>
    %broadcast_in_dim3A = vector.shape_cast %get3A_11 : vector<16xf32> to vector<1x16xf32>
    %add3A_12 = vector.broadcast %broadcast_in_dim3A : vector<1x16xf32> to vector<2000x16xf32>
    %add3A_13 = arith.addf %div3A_9, %add3A_12 : vector<2000x16xf32>
    %reduce_max3A = arith.constant dense<0xFF800000> : vector<2000xf32>
    %reduce_max3A_14 = vector.multi_reduction <maximumf>, %add3A_13, %reduce_max3A [1] : vector<2000x16xf32> to vector<2000xf32>
    %broadcast_in_dim3A_15 = vector.shape_cast %reduce_max3A_14 : vector<2000xf32> to vector<2000x1xf32>
    %sub3A = vector.broadcast %broadcast_in_dim3A_15 : vector<2000x1xf32> to vector<2000x16xf32>
    %sub3A_16 = arith.subf %add3A_13, %sub3A : vector<2000x16xf32>
    %exp3A = math.exp %sub3A_16 : vector<2000x16xf32>
    %reduce_sum3A = arith.constant dense<0.000000e+00> : vector<2000xf32>
    %reduce_sum3A_17 = vector.multi_reduction <add>, %exp3A, %reduce_sum3A [1] : vector<2000x16xf32> to vector<2000xf32>
    %broadcast_in_dim3A_18 = vector.shape_cast %reduce_sum3A_17 : vector<2000xf32> to vector<2000x1xf32>
    %log3A = math.log %broadcast_in_dim3A_18 : vector<2000x1xf32>
    %sub3A_19 = vector.broadcast %log3A : vector<2000x1xf32> to vector<2000x16xf32>
    %sub3A_20 = arith.subf %sub3A_16, %sub3A_19 : vector<2000x16xf32>
    %swap3A = arith.constant 0 : index
    %swap3A_21 = arith.constant 0 : index
    %swap3A_22 = vector.load %arg4[%swap3A, %swap3A_21] : memref<2000x16xf32, #tpu.memory_space<vmem>>, vector<2000x16xf32>
    tpu.vector_store %arg4[%swap3A, %swap3A_21], %sub3A_20 {strides = array<i32>} : memref<2000x16xf32, #tpu.memory_space<vmem>>, vector<2000x16xf32>,
    return
  }
  func.func @transform_0(%arg0: i32) -> (i32, i32) {
    %c0_i32 = arith.constant 0 : i32
    %c0_i32_0 = arith.constant 0 : i32
    return %arg0, %c0_i32 : i32, i32
  }
  func.func @transform_1(%arg0: i32) -> (i32, i32) {
    %c0_i32 = arith.constant 0 : i32
    %c0_i32_0 = arith.constant 0 : i32
    return %arg0, %c0_i32 : i32, i32
  }
  func.func @transform_2(%arg0: i32) -> i32 {
    %c0_i32 = arith.constant 0 : i32
    %c0_i32_0 = arith.constant 0 : i32
    return %c0_i32 : i32
  }
  func.func @transform_3(%arg0: i32) -> (i32, i32) {
    %c0_i32 = arith.constant 0 : i32
    %c0_i32_0 = arith.constant 0 : i32
    return %arg0, %c0_i32 : i32, i32
  }
}

</mosaic_0001>

<sc_bundles>
// kernel: kernel.10.cloned.1.call-start
scs
__scs_entry_jumppad:
0x0: {  	(pc) =	sbr.rel $0x88, $3  }
0x1: {  	(tag) =	ssettag $0x0;
	lr =	simm.s32 $0x1  }
0x2: {  	[smem:$0x3F96] =	sst lr;
	_ =	strace $0xD0000000  }
0x3: {  	_ = 	snop  }
0x4: {  	_ = 	snop  }
0x5: {  	_ = 	snop  }
0x6: {  	_ = 	snop  }
0x7: {  	_ = 	snop  }
__scs_overlays_trampoline_lowered:
0x8: {  	[smem:$0x3FA5] =	sst s0  }
0x9: {  	[smem:$0x3FA6] =	sst s1  }
0xa: {  	[smem:$0x3FA7] =	sst s2  }
0xb: {  	[smem:$0x3FA8] =	sst s3  }
0xc: {  	[smem:$0x3FA9] =	sst s4  }
0xd: {  	[smem:$0x3FAA] =	sst s5  }
0xe: {  	[smem:$0x3FAB] =	sst s6  }
0xf: {  	[smem:$0x3FAC] =	sst s7  }
0x10: {  	[smem:$0x3FAD] =	sst s8  }
0x11: {  	[smem:$0x3FAE] =	sst s9;
	s0 =	simm.s32 @!p0 $0x0  }
0x12: {  	s1 =	sld [smem:$0x3F94];
	s0 =	simm.s32 @p0 $0x1  }
0x13: {  	[smem:$0x3FAF] =	sst s0;
	s0 =	simm.s32 @!p1 $0x0  }
0x14: {  	s2 =	sld [smem:$0x3F93];
	s0 =	simm.s32 @p1 $0x1  }
0x15: {  	[smem:$0x3FB0] =	sst s0;
	s0 =	simm.s32 @!p2 $0x0  }
0x16: {  	s3 =	sld [smem:$0x3FDB];
	s0 =	simm.s32 @p2 $0x1  }
0x17: {  	s4 =	simm.s32 $0x1BF5;
	[smem:$0x3FB2] =	sst s0  }
0x18: {  	s0 =	sld [smem:$0x3F95];
	_ =	swait.ge [sflag:s4], $0x0  }
0x19: {  	s7 =	sld [smem:$0x3F96]  }
0x1a: {  	s8 =	sadd.s32 $0xFFFFE003, lr  }
0x1b: {  	s9 =	sadd.s32 $0xFFFFFEF7, lr;
	s5 =	simm.s32 $0xFFFFFFFF;
	p2 =	slt.u32 s8, $0xFFFFF086  }
0x1c: {  	p1 =	slt.u32 s9, $0xF7A;
	s5 =	simm.s32 @!p2 $0x0  }
0x1d: {  	s5 =	simm.s32 @p1 $0x1;
	p0 =	seq.s32 s7, s2  }
0x1e: {  	s7 =	smul.u32 @!p0 $0xF7A, s2;
	p2 =	seq.s32 @!p0 s5, $0x0  }
0x1f: {  	s9 =	smul.u32 $0xF7A, s1;
	s8 =	simm.s32 @!p0 $0x1BF5;
	p2 =	por !p2, p0  }
0x20: {  	[sflag:s8] =	ssyncset.s32 @!p0 $0xFFFFF086;
	s6 =	sadd.s32 @!p0 s3, s7;
	s7 =	simm.s32 @!p0 $0x108  }
0x21: {  	s3 =	sadd.s32 s3, s9;
	s6 =	sadd.s32 @!p0 $0x88, s6;
	s7 =	simm.s32 @p2 $0x1082  }
0x22: {  	[simem:s7], [sflag:s8] =	dma.local @!p0 [hbm:s6], $0xF7A  }
0x23: {  	s9 =	sor.u32 $0xD0000000, s2;
	s6 =	simm.s32 $0x108;
	_ =	swait.ge @!p0 [sflag:s8], $0x0  }
0x24: {  	s3 =	sadd.s32 $0x88, s3;
	s6 =	simm.s32 @!p1 $0x1082;
	[sflag:s4] =	ssyncset.s32 $0xFFFFF086  }
0x25: {  	[simem:s6], [sflag:s4] =	dma.local [hbm:s3], $0xF7A  }
0x26: {  	[smem:$0x3F96] =	sst s1;
	(tag) =	ssettag s2;
	_ =	strace s9  }
0x27: {  	s1 =	sld [smem:$0x3FA6]  }
0x28: {  	s2 =	sld [smem:$0x3FA7]  }
0x29: {  	s4 =	sld [smem:$0x3FA9]  }
0x2a: {  	p0 =	seq.s32 s5, $0x0;
	s5 =	sld [smem:$0x3FAA]  }
0x2b: {  	s6 =	sld [smem:$0x3FAB]  }
0x2c: {  	s7 =	sld [smem:$0x3FAC]  }
0x2d: {  	s3 =	simm.s32 $0x108;
	s8 =	sld [smem:$0x3FAD]  }
0x2e: {  	s3 =	simm.s32 @!p0 $0x1082;
	s9 =	sld [smem:$0x3FAE]  }
0x2f: {  	lr =	sadd.s32 s0, s3;
	s0 =	sld [smem:$0x3FA5]  }
0x30: {  	s3 =	sld [smem:$0x3FA8]  }
0x31: {  	[smem:$0x3FB1] =	sst s10  }
0x32: {  	s10 =	sld [smem:$0x3FAF];
	_ =	sdelay $0x3  }
0x33: {  	p0 =	seq.s32 s10, $0x1;
	s10 =	sld [smem:$0x3FB1];
	_ =	sdelay $0x3  }
0x34: {  	[smem:$0x3FB1] =	sst s10  }
0x35: {  	s10 =	sld [smem:$0x3FB0];
	_ =	sdelay $0x3  }
0x36: {  	p1 =	seq.s32 s10, $0x1;
	s10 =	sld [smem:$0x3FB1];
	_ =	sdelay $0x3  }
0x37: {  	[smem:$0x3FB1] =	sst s10  }
0x38: {  	s10 =	sld [smem:$0x3FB2]  }
0x39: {  	_ = 	snop;
	(pc) =	sbr.ind lr, $3  }
0x3a: {  	_ = 	snop  }
0x3b: {  	_ = 	snop  }
0x3c: {  	p2 =	seq.s32 s10, $0x1;
	s10 =	sld [smem:$0x3FB1]  }
0x3d: {  	_ =	shalt  }
0x3e: {  	_ =	shalt  }
0x3f: {  	_ =	shalt  }
0x40: {  	_ =	shalt  }
0x41: {  	_ =	shalt  }
0x42: {  	_ =	shalt  }
0x43: {  	_ =	shalt  }
0x44: {  	_ =	shalt  }
0x45: {  	_ =	shalt  }
0x46: {  	_ =	shalt  }
0x47: {  	_ =	shalt  }
0x48: {  	_ =	shalt  }
0x49: {  	_ =	shalt  }
0x4a: {  	_ =	shalt  }
0x4b: {  	_ =	shalt  }
0x4c: {  	_ =	shalt  }
0x4d: {  	_ =	shalt  }
0x4e: {  	_ =	shalt  }
0x4f: {  	_ =	shalt  }
0x50: {  	_ =	shalt  }
0x51: {  	_ =	shalt  }
0x52: {  	_ =	shalt  }
0x53: {  	_ =	shalt  }
0x54: {  	_ =	shalt  }
0x55: {  	_ =	shalt  }
0x56: {  	_ =	shalt  }
0x57: {  	_ =	shalt  }
0x58: {  	_ =	shalt  }
0x59: {  	_ =	shalt  }
0x5a: {  	_ =	shalt  }
0x5b: {  	_ =	shalt  }
0x5c: {  	_ =	shalt  }
0x5d: {  	_ =	shalt  }
0x5e: {  	_ =	shalt  }
0x5f: {  	_ =	shalt  }
0x60: {  	_ =	shalt  }
0x61: {  	_ =	shalt  }
0x62: {  	_ =	shalt  }
0x63: {  	_ =	shalt  }
0x64: {  	_ =	shalt  }
0x65: {  	_ =	shalt  }
0x66: {  	_ =	shalt  }
0x67: {  	_ =	shalt  }
0x68: {  	_ =	shalt  }
0x69: {  	_ =	shalt  }
0x6a: {  	_ =	shalt  }
0x6b: {  	_ =	shalt  }
0x6c: {  	_ =	shalt  }
0x6d: {  	_ =	shalt  }
0x6e: {  	_ =	shalt  }
0x6f: {  	_ =	shalt  }
0x70: {  	_ =	shalt  }
0x71: {  	_ =	shalt  }
0x72: {  	_ =	shalt  }
0x73: {  	_ =	shalt  }
0x74: {  	_ =	shalt  }
0x75: {  	_ =	shalt  }
0x76: {  	_ =	shalt  }
0x77: {  	_ =	shalt  }
0x78: {  	_ =	shalt  }
0x79: {  	_ =	shalt  }
0x7a: {  	_ =	shalt  }
0x7b: {  	_ =	shalt  }
0x7c: {  	_ =	shalt  }
0x7d: {  	_ =	shalt  }
0x7e: {  	_ =	shalt  }
0x7f: {  	_ =	shalt  }
0x80: {  	_ =	shalt  }
0x81: {  	_ =	shalt  }
0x82: {  	_ =	shalt  }
0x83: {  	_ =	shalt  }
0x84: {  	_ =	shalt  }
0x85: {  	_ =	shalt  }
0x86: {  	_ =	shalt  }
0x87: {  	_ =	shalt  }
.Lfunc_end0:
.L_simem_size_0:
called_computation.1_lowered:
.L_overlay_start_0:
0x88: {  	s2 =	sld [smem:$0x3FD9]  }
0x89: {  	s3 =	sld [smem:$0x3FFE];
	_ =	sdelay $0x1  }
0x8a: {  	s1 =	srdreg.scid  }
0x8b: {  	s0 =	sand.u32 $0x1, s1  }
0x8c: {  	s17 =	sshll.u32 s0, $0xA;
	s2 =	sadd.s32 s3, s2  }
0x8d: {  	s2 =	sadd.s32 s2, s17  }
0x8e: {  	[smem:$0x3FBD] =	sst s2  }
0x8f: {  	_ = 	snop  }
0x90: {  	s2 =	sld [smem:$0x3FD0];
	(tm) =	ssettm $0x1  }
0x91: {  	s18 =	sld [smem:$0x3FFB];
	_ =	sdelay $0x3  }
0x92: {  	_ =	strace s18  }
0x93: {  	s3 =	sld [smem:$0x3FFC];
	_ =	sdelay $0x3  }
0x94: {  	_ =	strace s3  }
0x95: {  	s3 =	sld [smem:$0x3FFD];
	_ =	sdelay $0x3  }
0x96: {  	_ =	strace s3  }
0x97: {  	_ =	strace $0x8FFFFFFF  }
0x98: {  	s19 =	sld [smem:$0x3FDB];
	_ =	sdelay $0x1  }
0x99: {  	s4 =	simm.s32 $_scs_section_size  }
0x9a: {  	s5 =	simm.s32 $_size__tile_overlayer_lowered;
	s6 =	simm.s32 $_tile_overlayer_lowered  }
0x9b: {  	s22 =	simm.s32 $0x1BFF;
	s21 =	sshll.u32 s6, $0x1;
	s3 =	sadd.s32 s4, s19  }
0x9c: {  	s7 =	simm.s32 $0x0;
	s20 =	sshll.u32 s5, $0x1;
	s5 =	sadd.s32 s21, s3  }
0x9d: {  	[timem:s7], [sflag:s22] =	dma.local [hbm:s5], s20  }
0x9e: {  	_ =	swait.ge [sflag:s22], s20  }
0x9f: {  	s4 =	ssub.s32 $0x0, s20;
	[sflag:s22] =	ssyncset.done $0x0  }
0xa0: {  	[sflag:s22] =	ssyncadd.s32 s4;
	_ =	sdelay $0x1  }
0xa1: {  	s23 =	simm.s32 $0x1B8B  }
0xa2: {  	_ =	swait.ge [sflag:s23], $0x1  }
0xa3: {  	[sflag:s23] =	ssyncset.done $0x0  }
0xa4: {  	s25 =	simm.s32 $0x1B8E;
	s24 =	sld [smem:$0x3FFE];
	[sflag:s23] =	ssyncadd.s32 $0xFFFFFFFF  }
0xa5: {  	s26 =	simm.s32 $execute0_lowered;
	[smem:$0x3FD2] =	sst s25  }
0xa6: {  	s5 =	sshll.u32 s26, $0x1;
	_ =	strace $0x80000049;
	[dreg:$0x1] =	wrdreg $0xFFFFFFFF  }
0xa7: {  	s28 =	simm.s32 $_size_execute0_lowered;
	s3 =	sadd.s32 s3, s5;
	[dreg:$0x0] =	wrdreg $0x0  }
0xa8: {  	s5 =	sshll.u32 s28, $0x1;
	[dreg:$0x2] =	wrdreg s3  }
0xa9: {  	[dreg:$0x3] =	wrdreg s5  }
0xaa: {  	[dreg:$0x4] =	wrdreg $0xC0  }
0xab: {  	_ =	task [dreg:s7], $0x5FFFF  }
0xac: {  	[dreg:$0x1] =	wrdreg $0xFFFFFFFF  }
0xad: {  	[dreg:$0x0] =	wrdreg $0x60  }
0xae: {  	[dreg:$0x2] =	wrdreg s2  }
0xaf: {  	[dreg:$0x3] =	wrdreg s24  }
0xb0: {  	[dreg:$0x4] =	wrdreg $0x9E200  }
0xb1: {  	[dreg:$0x5] =	wrdreg $0x9  }
0xb2: {  	_ =	task.clear_ibuf [dreg:s7], $0x6FFFF;
	_ =	strace $0x90000049  }
0xb3: {  	s29 =	simm.s32 $0x9;
	_ =	strace $0x8000004B  }
0xb4: {  	_ =	swait.ge [sflag:s29], $0x1  }
0xb5: {  	[sflag:s29] =	ssyncadd.s32 $0xFFFFFFFF  }
0xb6: {  	_ =	strace $0x9000004B  }
0xb7: {  	_ =	sfence  }
0xb8: {  	s30 =	sld [smem:$0x0];
	_ =	sdelay $0x2  }
0xb9: {  	s31 =	sshll.u32 s1, $0xD;
	s1 =	sshrl.u32 s1, $0x2  }
0xba: {  	s3 =	sand.u32 $0x4000, s31;
	s1 =	sadd.s32 s1, s30  }
0xbb: {  	s0 =	sor.u32 s3, s0;
	s1 =	sshll.u32 s1, $0x11  }
0xbc: {  	s0 =	sor.u32 s1, s0  }
0xbd: {  	s0 =	sadd.s32 $0x8F2B, s0  }
0xbe: {  	[sflag:s0] =	ssyncadd.remote.s32 $0x1  }
0xbf: {  	_ =	sfence.sel $0xFFFF  }
0xc0: {  	[dreg:$0x0] =	wrdreg $0xFFFFFFFF;
	(pc) =	sbr.abs _section_cstart, $3  }
0xc1: {  	[dreg:$0x1] =	wrdreg $0xFFFFFFFF  }
0xc2: {  	_ =	task.clear_ibuf [dreg:s7], $0x2FFFF;
	_ =	strace $0x9FFFFFFF  }
0xc3: {  	(tm) =	ssettm $0x7FFFFFFF  }
tec
execute0_lowered:
.L_overlay_start_1:
0x0: {  	(tag) =	ssettag $0x1  }
0x1: {  	s1 =	rddreg [dreg:$0x0]  }
0x2: {  	s0 =	srdreg.scid;
	s4 =	rddreg [dreg:$0x1]  }
0x3: {  	s9 =	stileid.u32;
	s3 =	rddreg [dreg:$0x2];
	s5 =	simm.s32 $0x0  }
0x4: {  	s13 =	simm.s32 $0xD;
	s10 =	simm.s32 $0x2710;
	s15 =	simm.s32 $0x50  }
0x5: {  	s16 =	simm.s32 $0x4E20;
	s17 =	simm.s32 $0x6220;
	s28 =	simm.s32 $0x1  }
0x6: {  	s29 =	simm.s32 $0x5;
	s30 =	simm.s32 $0x7620;
	s31 =	simm.s32 $0x2  }
0x7: {  	s18 =	simm.s32 $0x3;
	s19 =	simm.s32 $0x7;
	s20 =	simm.s32 $0x8A20  }
0x8: {  	s0 =	sand.u32 $0x1, s0;
	s6 =	smul.u32 $0x4E20, s9;
	[smem:$0x7FF] =	sst s5  }
0x9: {  	s5 =	sadd.s32 $0x1800, s4;
	s24 =	sshll.u32 s9, $0x6;
	s2 =	sshll.u32 s0, $0x4  }
0xa: {  	s7 =	smul.u32 $0x4E200, s0;
	_ =	strace $0x8000004A;
	s0 =	ssub.s32 $0x2, s0  }
0xb: {  	s2 =	sor.u32 s9, s2;
	s8 =	sshrl.u32 s6, $0x3;
	s23 =	sshrl.u32 s0, $0x1  }
0xc: {  	s2 =	smul.u32 $0x4E2, s2;
	s7 =	sadd.s32 s6, s7;
	s8 =	sadd.s32 s8, s4  }
0xd: {  	s0 =	ssub.s32 s0, s23;
	s6 =	sadd.s32 s6, s3;
	s8 =	sadd.s32 $0x6800, s8  }
0xe: {  	s7 =	sshrl.u32 s7, $0x3;
	s0 =	smax.u32 s0, $0x1;
	[dreg:$0x4] =	wrdreg s8  }
0xf: {  	s6 =	sshrl.u32 s6, $0x3;
	s2 =	sadd.s32 s2, s4;
	[dreg:$0x9] =	wrdreg s0  }
0x10: {  	s4 =	sadd.s32 s7, s4;
	s7 =	sor.u32 $0x1C0D, s24;
	[dreg:$0xa] =	wrdreg s6  }
0x11: {  	s21 =	simm.s32 $0x4;
	s25 =	sadd.s32 $0x28E00, s2;
	[dreg:$0x5] =	wrdreg s7  }
0x12: {  	s22 =	simm.s32 $0x8;
	s2 =	sadd.s32 $0x1F000, s2;
	[dreg:$0x6] =	wrdreg s25  }
0x13: {  	s23 =	simm.s32 $0x9420;
	s26 =	sadd.s32 $0x32C00, s4;
	[dreg:$0x7] =	wrdreg s2  }
0x14: {  	s0 =	simm.s32 $0x8020;
	s8 =	simm.s32 $0x0;
	[dreg:$0x8] =	wrdreg s26  }
0x15: {  	v0 =	vimm.f32 $0.0e+00;
	s25 =	simm.s32 $0x5D20;
	s26 =	simm.s32 $0x7120;
	s2 =	simm.s32 $0x6  }
.LBB2_1:
0x16: {  	s4 =	rddreg [dreg:$0x4]  }
0x17: {  	[spmem:s6], [sflag:s7] =	dma.local [hbm:s4], $0x9C4  }
0x18: {  	_ =	swait.ge [sflag:s13], $0x9C4  }
0x19: {  	[sflag:s13] =	ssyncset.done $0x0  }
0x1a: {  	s12 =	simm.s32 $0x0;
	s14 =	rddreg [dreg:$0x6];
	[sflag:s13] =	ssyncadd.s32 $0xFFFFF63C  }
0x1b: {  	[tilespmem:s12], [sflag:$0xD] =	stream.linear.gather [hbm4b:s14+s12], $0x2710, $0x38;
	[tilespmem:$0xEC40] =	vst v63  }
0x1c: {  	_ =	swait.ge [sflag:s13], $0x2710  }
0x1d: {  	[sflag:s13] =	ssyncset.done $0x0  }
0x1e: {  	s24 =	rddreg [dreg:$0x7];
	[sflag:s13] =	ssyncadd.s32 $0xFFFFD8F0  }
0x1f: {  	[tilespmem:s10], [sflag:$0xD] =	stream.linear.gather [hbm4b:s24+s12], $0x2710, $0x38;
	[tilespmem:$0xEC40] =	vst v63  }
0x20: {  	_ =	swait.ge [sflag:s13], $0x2710  }
0x21: {  	[sflag:s13] =	ssyncset.done $0x0  }
0x22: {  	s6 =	simm.s32 $0xC0;
	s4 =	simm.s32 $0x10;
	[sflag:s13] =	ssyncadd.s32 $0xFFFFD8F0  }
.LBB2_2:
0x23: {  	p0 =	sne.s32 s6, $0x27C0;
	[tilespmem:s4+$0x9420] =	vst v0;
	s7 =	smov.u32 s6;
	s6 =	sadd.s32 $0x80, s6  }
.Ltmp0:
0x24: {  	[tilespmem:s4+$0x8A20] =	vst v0;
	(pc) =	sbr.rel @p0 .LBB2_2-.Ltmp0, $3  }
0x25: {  	[tilespmem:s4+$0x7620] =	vst v0  }
0x26: {  	[tilespmem:s4+$0x8020] =	vst v0;
	_ =	sdelay $0x1  }
0x27: {  	s4 =	sshra.s32 s7, $0x2  }
0x28: {  	[tilespmem:s4+$0x9420] =	vst v0  }
0x29: {  	[tilespmem:s4+$0x8A20] =	vst v0  }
0x2a: {  	[tilespmem:s4+$0x7620] =	vst v0  }
0x2b: {  	[tilespmem:s4+$0x8020] =	vst v0  }
0x2c: {  	s9 =	simm.s32 $0x0;
	[bflag:$0x0] =	sbarrier.arrive $0xFFFF  }
0x2d: {  	[tilespmem:s16], [sflag:$0x1] =	stream.indirect.gather [hbm4b:s1+s15], $0x10, s9, s15, $0xb8;
	[tilespmem:$0xEC40] =	vst v63  }
0x2e: {  	_ = 	snop  }
0x2f: {  	[tilespmem:s17], [sflag:$0x5] =	stream.indirect.gather [hbm4b:s5+s15], $0x10, s10, s15, $0xb8;
	[tilespmem:$0xEC40] =	vst v63  }
0x30: {  	s7 =	simm.s32 $0x5320  }
0x31: {  	[tilespmem:s7], [sflag:$0x2] =	stream.indirect.gather [hbm4b:s1+s15], $0x10, s15, s15, $0xb8;
	[tilespmem:$0xEC40] =	vst v63  }
0x32: {  	s6 =	simm.s32 $0x6720;
	s10 =	simm.s32 $0x2760  }
0x33: {  	[tilespmem:s6], [sflag:$0x6] =	stream.indirect.gather [hbm4b:s5+s15], $0x10, s10, s15, $0xb8;
	[tilespmem:$0xEC40] =	vst v63  }
0x34: {  	s11 =	simm.s32 $0xA0;
	s12 =	simm.s32 $0x5820  }
0x35: {  	[tilespmem:s12], [sflag:$0x3] =	stream.indirect.gather [hbm4b:s1+s15], $0x10, s11, s15, $0xb8;
	[tilespmem:$0xEC40] =	vst v63  }
0x36: {  	s14 =	simm.s32 $0x27B0;
	s24 =	simm.s32 $0x6C20  }
0x37: {  	[tilespmem:s24], [sflag:$0x7] =	stream.indirect.gather [hbm4b:s5+s15], $0x10, s14, s15, $0xb8;
	[tilespmem:$0xEC40] =	vst v63  }
.LBB2_4:
0x38: {  	s10 =	sshllo.u32 s9, $0x2  }
0x39: {  	s4 =	smul.u32 $0x50, s10;
	_ =	sdelay $0x1  }
0x3a: {  	[tilespmem:s25], [sflag:$0x4] =	stream.indirect.gather [hbm4b:s1+s15], $0x10, s4, s15, $0xb8;
	[tilespmem:$0xEC40] =	vst v63  }
0x3b: {  	s4 =	sadd.s32 $0x2710, s4  }
0x3c: {  	[tilespmem:s26], [sflag:$0x8] =	stream.indirect.gather [hbm4b:s5+s15], $0x10, s4, s15, $0xb8;
	[tilespmem:$0xEC40] =	vst v63  }
0x3d: {  	_ =	swait.ge [sflag:s28], $0x500  }
0x3e: {  	[sflag:s28] =	ssyncset.done $0x0  }
0x3f: {  	[sflag:s28] =	ssyncadd.s32 $0xFFFFFB00  }
0x40: {  	_ =	swait.ge [sflag:s29], $0x500  }
0x41: {  	p0 =	seq.s32 s9, $0x0;
	[sflag:s29] =	ssyncset.done $0x0  }
0x42: {  	s4 =	simm.s32 @!p0 $0x9;
	[sflag:s29] =	ssyncadd.s32 $0xFFFFFB00  }
0x43: {  	_ =	swait.ge @!p0 [sflag:s4], $0xA00  }
0x44: {  	[sflag:s4] =	ssyncset.done @!p0 $0x0  }
0x45: {  	[sflag:s4] =	ssyncadd.s32 @!p0 $0xFFFFF600;
	s4 =	simm.s32 $0x4E30  }
0x46: {  	s6 =	simm.s32 $0x6230;
	v1 =	vld [tilespmem:s4+$0xFFFFFFF0]  }
0x47: {  	v2 =	vld [tilespmem:s6+$0xFFFFFFF0];
	_ =	sdelay $0x4  }
0x48: {  	v3 =	vunpack.i.u.bf16.f32 v1;
	v2 =	vunpack.i.l.bf16.f32 v2  }
0x49: {  	v2 =	vadd.f32 v2, v3;
	_ =	sdelay $0x1  }
0x4a: {  	v3 =	vmul.f32 $2.000000030e-01, v2;
	_ =	sdelay $0x1  }
0x4b: {  	v2 =	vmax.f32 v2, v3  }
0x4c: {  	v2 =	vmul.f32 $1.442695020e+00, v2;
	_ =	sdelay $0x1  }
0x4d: {  	(erf) = vpow2.f32 v2;
	_ =	sdelay $0x8  }
0x4e: {  	v1 =	vunpack.i.l.bf16.f32 v1;
	v2 =	vpop (erf)  }
0x4f: {  	s11 =	simm.s32 $0x7640;
	v1 =	vmul.f32 v2, v1  }
0x50: {  	[tilespmem:s11+$0xFFFFFFF0] =	vst.msk $0x1, v2  }
0x51: {  	[tilespmem:s11+$0xFFFFFFE0] =	vst v1  }
0x52: {  	v1 =	vld [tilespmem:s4+$0x0]  }
0x53: {  	v2 =	vld [tilespmem:s6+$0x0];
	_ =	sdelay $0x4  }
0x54: {  	v3 =	vunpack.i.u.bf16.f32 v1;
	v2 =	vunpack.i.l.bf16.f32 v2  }
0x55: {  	v2 =	vadd.f32 v2, v3;
	_ =	sdelay $0x1  }
0x56: {  	v3 =	vmul.f32 $2.000000030e-01, v2;
	_ =	sdelay $0x1  }
0x57: {  	v2 =	vmax.f32 v2, v3  }
0x58: {  	v2 =	vmul.f32 $1.442695020e+00, v2;
	_ =	sdelay $0x1  }
0x59: {  	(erf) = vpow2.f32 v2;
	_ =	sdelay $0x8  }
0x5a: {  	v1 =	vunpack.i.l.bf16.f32 v1;
	v2 =	vpop (erf)  }
0x5b: {  	s14 =	simm.s32 $0x6250;
	s7 =	simm.s32 $0x7640;
	s6 =	simm.s32 $0x0;
	v1 =	vmul.f32 v2, v1;
	[tilespmem:s11+$0x10] =	vst.msk $0x1, v2  }
.LBB2_5:
0x5c: {  	s6 =	sadd.s32 $0x2, s6;
	s4 =	sadd.s32 $0x20, s4;
	s11 =	sadd.s32 $0x40, s11  }
0x5d: {  	p1 =	slt.u32 s6, $0x4E;
	[tilespmem:s7+$0x0] =	vst v1;
	s7 =	smov.u32 s11  }
0x5e: {  	v1 =	vld [tilespmem:s4+$0xFFFFFFF0]  }
0x5f: {  	v2 =	vld [tilespmem:s14+$0xFFFFFFF0];
	_ =	sdelay $0x4  }
0x60: {  	v3 =	vunpack.i.u.bf16.f32 v1;
	v2 =	vunpack.i.l.bf16.f32 v2  }
0x61: {  	v2 =	vadd.f32 v2, v3;
	_ =	sdelay $0x1  }
0x62: {  	v3 =	vmul.f32 $2.000000030e-01, v2;
	_ =	sdelay $0x1  }
0x63: {  	v2 =	vmax.f32 v2, v3  }
0x64: {  	v2 =	vmul.f32 $1.442695020e+00, v2;
	_ =	sdelay $0x1  }
0x65: {  	(erf) = vpow2.f32 v2;
	_ =	sdelay $0x8  }
0x66: {  	v1 =	vunpack.i.l.bf16.f32 v1;
	v2 =	vpop (erf)  }
0x67: {  	v1 =	vmul.f32 v2, v1;
	[tilespmem:s11+$0xFFFFFFF0] =	vst.msk $0x1, v2;
	_ =	sdelay $0x1  }
0x68: {  	[tilespmem:s11+$0xFFFFFFE0] =	vst v1  }
0x69: {  	v1 =	vld [tilespmem:s4+$0x0]  }
0x6a: {  	v2 =	vld [tilespmem:s14+$0x0];
	_ =	sdelay $0x3  }
0x6b: {  	v3 =	vunpack.i.u.bf16.f32 v1  }
0x6c: {  	v2 =	vunpack.i.l.bf16.f32 v2  }
0x6d: {  	v2 =	vadd.f32 v2, v3;
	_ =	sdelay $0x1  }
0x6e: {  	v3 =	vmul.f32 $2.000000030e-01, v2;
	_ =	sdelay $0x1  }
0x6f: {  	v2 =	vmax.f32 v2, v3  }
0x70: {  	v2 =	vmul.f32 $1.442695020e+00, v2;
	_ =	sdelay $0x1  }
0x71: {  	(erf) = vpow2.f32 v2;
	_ =	sdelay $0x5  }
.Ltmp1:
0x72: {  	(pc) =	sbr.rel @p1 .LBB2_5-.Ltmp1, $4  }
0x73: {  	_ = 	snop  }
0x74: {  	v1 =	vunpack.i.l.bf16.f32 v1  }
0x75: {  	v2 =	vpop (erf)  }
0x76: {  	s14 =	sadd.s32 $0x20, s14;
	v1 =	vmul.f32 v2, v1;
	[tilespmem:s11+$0x10] =	vst.msk $0x1, v2  }
0x77: {  	s4 =	smul.u32 $0x500, s9;
	_ =	sdelay $0x1  }
0x78: {  	s4 =	sshra.s32 s4, $0x2  }
0x79: {  	s11 =	smul.u32 $0x140, s9;
	[tilespmem:s7+$0x0] =	vst v1;
	s6 =	sadd.s32 $0x2710, s4  }
0x7a: {  	[spmem:s3] =	stream.indirect.scatter.add.f32 [tilespmem:s30], [sflag:$0x9], $0x20, s6, s15, $0xb8;
	[tilespmem:$0xEC40] =	vst v63  }
0x7b: {  	s12 =	sadd.s32 $0x140, s11  }
0x7c: {  	[tilespmem:s16], [sflag:$0x1] =	stream.indirect.gather [hbm4b:s1+s15], $0x10, s12, s15, $0xb8;
	[tilespmem:$0xEC40] =	vst v63  }
0x7d: {  	s14 =	sadd.s32 $0x2850, s11  }
0x7e: {  	[tilespmem:s17], [sflag:$0x5] =	stream.indirect.gather [hbm4b:s5+s15], $0x10, s14, s15, $0xb8;
	[tilespmem:$0xEC40] =	vst v63  }
0x7f: {  	_ =	swait.ge [sflag:s31], $0x500  }
0x80: {  	[sflag:s31] =	ssyncset.done $0x0  }
0x81: {  	[sflag:s31] =	ssyncadd.s32 $0xFFFFFB00  }
0x82: {  	_ =	swait.ge [sflag:s2], $0x500  }
0x83: {  	[sflag:s2] =	ssyncset.done $0x0  }
0x84: {  	s6 =	simm.s32 @!p0 $0xA;
	[sflag:s2] =	ssyncadd.s32 $0xFFFFFB00  }
0x85: {  	_ =	swait.ge @!p0 [sflag:s6], $0xA00  }
0x86: {  	[sflag:s6] =	ssyncset.done @!p0 $0x0  }
0x87: {  	s14 =	simm.s32 $0x5330;
	[sflag:s6] =	ssyncadd.s32 @!p0 $0xFFFFF600  }
0x88: {  	s24 =	simm.s32 $0x6730;
	v1 =	vld [tilespmem:s14+$0xFFFFFFF0]  }
0x89: {  	v2 =	vld [tilespmem:s24+$0xFFFFFFF0];
	_ =	sdelay $0x4  }
0x8a: {  	v3 =	vunpack.i.u.bf16.f32 v1;
	v2 =	vunpack.i.l.bf16.f32 v2  }
0x8b: {  	v2 =	vadd.f32 v2, v3;
	_ =	sdelay $0x1  }
0x8c: {  	v3 =	vmul.f32 $2.000000030e-01, v2;
	_ =	sdelay $0x1  }
0x8d: {  	v2 =	vmax.f32 v2, v3  }
0x8e: {  	v2 =	vmul.f32 $1.442695020e+00, v2;
	_ =	sdelay $0x1  }
0x8f: {  	(erf) = vpow2.f32 v2;
	_ =	sdelay $0x8  }
0x90: {  	v1 =	vunpack.i.l.bf16.f32 v1;
	v2 =	vpop (erf)  }
0x91: {  	s6 =	simm.s32 $0x8040;
	v1 =	vmul.f32 v2, v1  }
0x92: {  	[tilespmem:s6+$0xFFFFFFF0] =	vst.msk $0x1, v2  }
0x93: {  	[tilespmem:s6+$0xFFFFFFE0] =	vst v1  }
0x94: {  	v1 =	vld [tilespmem:s14+$0x0]  }
0x95: {  	v2 =	vld [tilespmem:s24+$0x0];
	_ =	sdelay $0x4  }
0x96: {  	v3 =	vunpack.i.u.bf16.f32 v1;
	v2 =	vunpack.i.l.bf16.f32 v2  }
0x97: {  	v2 =	vadd.f32 v2, v3;
	_ =	sdelay $0x1  }
0x98: {  	v3 =	vmul.f32 $2.000000030e-01, v2;
	_ =	sdelay $0x1  }
0x99: {  	v2 =	vmax.f32 v2, v3  }
0x9a: {  	v2 =	vmul.f32 $1.442695020e+00, v2;
	_ =	sdelay $0x1  }
0x9b: {  	(erf) = vpow2.f32 v2;
	_ =	sdelay $0x8  }
0x9c: {  	v1 =	vunpack.i.l.bf16.f32 v1;
	v2 =	vpop (erf)  }
0x9d: {  	s7 =	simm.s32 $0x0;
	s12 =	simm.s32 $0x6750;
	s24 =	simm.s32 $0x8040;
	v1 =	vmul.f32 v2, v1;
	[tilespmem:s6+$0x10] =	vst.msk $0x1, v2  }
.LBB2_7:
0x9e: {  	s7 =	sadd.s32 $0x2, s7;
	s14 =	sadd.s32 $0x20, s14;
	s6 =	sadd.s32 $0x40, s6  }
0x9f: {  	p1 =	slt.u32 s7, $0x4E;
	[tilespmem:s24+$0x0] =	vst v1;
	s24 =	smov.u32 s6  }
0xa0: {  	v1 =	vld [tilespmem:s14+$0xFFFFFFF0]  }
0xa1: {  	v2 =	vld [tilespmem:s12+$0xFFFFFFF0];
	_ =	sdelay $0x4  }
0xa2: {  	v3 =	vunpack.i.u.bf16.f32 v1;
	v2 =	vunpack.i.l.bf16.f32 v2  }
0xa3: {  	v2 =	vadd.f32 v2, v3;
	_ =	sdelay $0x1  }
0xa4: {  	v3 =	vmul.f32 $2.000000030e-01, v2;
	_ =	sdelay $0x1  }
0xa5: {  	v2 =	vmax.f32 v2, v3  }
0xa6: {  	v2 =	vmul.f32 $1.442695020e+00, v2;
	_ =	sdelay $0x1  }
0xa7: {  	(erf) = vpow2.f32 v2;
	_ =	sdelay $0x8  }
0xa8: {  	v1 =	vunpack.i.l.bf16.f32 v1;
	v2 =	vpop (erf)  }
0xa9: {  	v1 =	vmul.f32 v2, v1;
	[tilespmem:s6+$0xFFFFFFF0] =	vst.msk $0x1, v2;
	_ =	sdelay $0x1  }
0xaa: {  	[tilespmem:s6+$0xFFFFFFE0] =	vst v1  }
0xab: {  	v1 =	vld [tilespmem:s14+$0x0]  }
0xac: {  	v2 =	vld [tilespmem:s12+$0x0];
	_ =	sdelay $0x3  }
0xad: {  	v3 =	vunpack.i.u.bf16.f32 v1  }
0xae: {  	v2 =	vunpack.i.l.bf16.f32 v2  }
0xaf: {  	v2 =	vadd.f32 v2, v3;
	_ =	sdelay $0x1  }
0xb0: {  	v3 =	vmul.f32 $2.000000030e-01, v2;
	_ =	sdelay $0x1  }
0xb1: {  	v2 =	vmax.f32 v2, v3  }
0xb2: {  	v2 =	vmul.f32 $1.442695020e+00, v2;
	_ =	sdelay $0x1  }
0xb3: {  	(erf) = vpow2.f32 v2;
	_ =	sdelay $0x5  }
.Ltmp2:
0xb4: {  	(pc) =	sbr.rel @p1 .LBB2_7-.Ltmp2, $4  }
0xb5: {  	_ = 	snop  }
0xb6: {  	v1 =	vunpack.i.l.bf16.f32 v1  }
0xb7: {  	v2 =	vpop (erf)  }
0xb8: {  	s12 =	sadd.s32 $0x20, s12;
	v1 =	vmul.f32 v2, v1;
	[tilespmem:s6+$0x10] =	vst.msk $0x1, v2  }
0xb9: {  	_ = 	snop  }
0xba: {  	s6 =	sadd.s32 $0x2760, s4;
	p1 =	seq.s32 s9, $0x1E;
	[tilespmem:s24+$0x0] =	vst v1  }
0xbb: {  	[spmem:s3] =	stream.indirect.scatter.add.f32 [tilespmem:s0], [sflag:$0xA], $0x20, s6, s15, $0xb8;
	[tilespmem:$0xEC40] =	vst v63  }
0xbc: {  	s7 =	simm.s32 @!p1 $0x50;
	s12 =	simm.s32 @!p1 $0x5320;
	s6 =	sadd.s32 @!p1 $0x190, s11  }
0xbd: {  	[tilespmem:s12], [sflag:$0x2] =	stream.indirect.gather @!p1 [hbm4b:s1+s7], $0x10, s6, s7, $0xb8;
	[tilespmem:$0xEC40] =	vst v63  }
0xbe: {  	s6 =	sadd.s32 @!p1 $0x28A0, s11;
	s12 =	simm.s32 @!p1 $0x6720  }
0xbf: {  	[tilespmem:s12], [sflag:$0x6] =	stream.indirect.gather @!p1 [hbm4b:s5+s7], $0x10, s6, s7, $0xb8;
	[tilespmem:$0xEC40] =	vst v63  }
0xc0: {  	_ =	swait.ge [sflag:s18], $0x500  }
0xc1: {  	[sflag:s18] =	ssyncset.done $0x0  }
0xc2: {  	[sflag:s18] =	ssyncadd.s32 $0xFFFFFB00  }
0xc3: {  	_ =	swait.ge [sflag:s19], $0x500  }
0xc4: {  	[sflag:s19] =	ssyncset.done $0x0  }
0xc5: {  	s6 =	simm.s32 @!p0 $0xB;
	[sflag:s19] =	ssyncadd.s32 $0xFFFFFB00  }
0xc6: {  	_ =	swait.ge @!p0 [sflag:s6], $0xA00  }
0xc7: {  	[sflag:s6] =	ssyncset.done @!p0 $0x0  }
0xc8: {  	s14 =	simm.s32 $0x5830;
	[sflag:s6] =	ssyncadd.s32 @!p0 $0xFFFFF600  }
0xc9: {  	s24 =	simm.s32 $0x6C30;
	v1 =	vld [tilespmem:s14+$0xFFFFFFF0]  }
0xca: {  	v2 =	vld [tilespmem:s24+$0xFFFFFFF0];
	_ =	sdelay $0x4  }
0xcb: {  	v3 =	vunpack.i.u.bf16.f32 v1;
	v2 =	vunpack.i.l.bf16.f32 v2  }
0xcc: {  	v2 =	vadd.f32 v2, v3;
	_ =	sdelay $0x1  }
0xcd: {  	v3 =	vmul.f32 $2.000000030e-01, v2;
	_ =	sdelay $0x1  }
0xce: {  	v2 =	vmax.f32 v2, v3  }
0xcf: {  	v2 =	vmul.f32 $1.442695020e+00, v2;
	_ =	sdelay $0x1  }
0xd0: {  	(erf) = vpow2.f32 v2;
	_ =	sdelay $0x8  }
0xd1: {  	v1 =	vunpack.i.l.bf16.f32 v1;
	v2 =	vpop (erf)  }
0xd2: {  	s6 =	simm.s32 $0x8A40;
	v1 =	vmul.f32 v2, v1  }
0xd3: {  	[tilespmem:s6+$0xFFFFFFF0] =	vst.msk $0x1, v2  }
0xd4: {  	[tilespmem:s6+$0xFFFFFFE0] =	vst v1  }
0xd5: {  	v1 =	vld [tilespmem:s14+$0x0]  }
0xd6: {  	v2 =	vld [tilespmem:s24+$0x0];
	_ =	sdelay $0x4  }
0xd7: {  	v3 =	vunpack.i.u.bf16.f32 v1;
	v2 =	vunpack.i.l.bf16.f32 v2  }
0xd8: {  	v2 =	vadd.f32 v2, v3;
	_ =	sdelay $0x1  }
0xd9: {  	v3 =	vmul.f32 $2.000000030e-01, v2;
	_ =	sdelay $0x1  }
0xda: {  	v2 =	vmax.f32 v2, v3  }
0xdb: {  	v2 =	vmul.f32 $1.442695020e+00, v2;
	_ =	sdelay $0x1  }
0xdc: {  	(erf) = vpow2.f32 v2;
	_ =	sdelay $0x8  }
0xdd: {  	v1 =	vunpack.i.l.bf16.f32 v1;
	v2 =	vpop (erf)  }
0xde: {  	s7 =	simm.s32 $0x0;
	s12 =	simm.s32 $0x6C50;
	s24 =	simm.s32 $0x8A40;
	v1 =	vmul.f32 v2, v1;
	[tilespmem:s6+$0x10] =	vst.msk $0x1, v2  }
.LBB2_9:
0xdf: {  	s7 =	sadd.s32 $0x2, s7;
	s14 =	sadd.s32 $0x20, s14;
	s6 =	sadd.s32 $0x40, s6  }
0xe0: {  	p2 =	slt.u32 s7, $0x4E;
	[tilespmem:s24+$0x0] =	vst v1;
	s24 =	smov.u32 s6  }
0xe1: {  	v1 =	vld [tilespmem:s14+$0xFFFFFFF0]  }
0xe2: {  	v2 =	vld [tilespmem:s12+$0xFFFFFFF0];
	_ =	sdelay $0x4  }
0xe3: {  	v3 =	vunpack.i.u.bf16.f32 v1;
	v2 =	vunpack.i.l.bf16.f32 v2  }
0xe4: {  	v2 =	vadd.f32 v2, v3;
	_ =	sdelay $0x1  }
0xe5: {  	v3 =	vmul.f32 $2.000000030e-01, v2;
	_ =	sdelay $0x1  }
0xe6: {  	v2 =	vmax.f32 v2, v3  }
0xe7: {  	v2 =	vmul.f32 $1.442695020e+00, v2;
	_ =	sdelay $0x1  }
0xe8: {  	(erf) = vpow2.f32 v2;
	_ =	sdelay $0x8  }
0xe9: {  	v1 =	vunpack.i.l.bf16.f32 v1;
	v2 =	vpop (erf)  }
0xea: {  	v1 =	vmul.f32 v2, v1;
	[tilespmem:s6+$0xFFFFFFF0] =	vst.msk $0x1, v2;
	_ =	sdelay $0x1  }
0xeb: {  	[tilespmem:s6+$0xFFFFFFE0] =	vst v1  }
0xec: {  	v1 =	vld [tilespmem:s14+$0x0]  }
0xed: {  	v2 =	vld [tilespmem:s12+$0x0];
	_ =	sdelay $0x3  }
0xee: {  	v3 =	vunpack.i.u.bf16.f32 v1  }
0xef: {  	v2 =	vunpack.i.l.bf16.f32 v2  }
0xf0: {  	v2 =	vadd.f32 v2, v3;
	_ =	sdelay $0x1  }
0xf1: {  	v3 =	vmul.f32 $2.000000030e-01, v2;
	_ =	sdelay $0x1  }
0xf2: {  	v2 =	vmax.f32 v2, v3  }
0xf3: {  	v2 =	vmul.f32 $1.442695020e+00, v2;
	_ =	sdelay $0x1  }
0xf4: {  	(erf) = vpow2.f32 v2;
	_ =	sdelay $0x5  }
.Ltmp3:
0xf5: {  	(pc) =	sbr.rel @p2 .LBB2_9-.Ltmp3, $4  }
0xf6: {  	_ = 	snop  }
0xf7: {  	v1 =	vunpack.i.l.bf16.f32 v1  }
0xf8: {  	v2 =	vpop (erf)  }
0xf9: {  	s12 =	sadd.s32 $0x20, s12;
	v1 =	vmul.f32 v2, v1;
	[tilespmem:s6+$0x10] =	vst.msk $0x1, v2  }
0xfa: {  	_ = 	snop  }
0xfb: {  	s4 =	sadd.s32 $0x27B0, s4;
	[tilespmem:s24+$0x0] =	vst v1  }
0xfc: {  	[spmem:s3] =	stream.indirect.scatter.add.f32 [tilespmem:s20], [sflag:$0xB], $0x20, s4, s15, $0xb8;
	[tilespmem:$0xEC40] =	vst v63  }
0xfd: {  	s6 =	simm.s32 @!p1 $0x50;
	s7 =	simm.s32 @!p1 $0x5820;
	s4 =	sadd.s32 @!p1 $0x1E0, s11  }
0xfe: {  	[tilespmem:s7], [sflag:$0x3] =	stream.indirect.gather @!p1 [hbm4b:s1+s6], $0x10, s4, s6, $0xb8;
	[tilespmem:$0xEC40] =	vst v63  }
0xff: {  	s4 =	sadd.s32 @!p1 $0x28F0, s11;
	s7 =	simm.s32 @!p1 $0x6C20  }
0x100: {  	[tilespmem:s7], [sflag:$0x7] =	stream.indirect.gather @!p1 [hbm4b:s5+s6], $0x10, s4, s6, $0xb8;
	[tilespmem:$0xEC40] =	vst v63  }
0x101: {  	_ =	swait.ge [sflag:s21], $0x500  }
0x102: {  	[sflag:s21] =	ssyncset.done $0x0  }
0x103: {  	[sflag:s21] =	ssyncadd.s32 $0xFFFFFB00  }
0x104: {  	_ =	swait.ge [sflag:s22], $0x500  }
0x105: {  	[sflag:s22] =	ssyncset.done $0x0  }
0x106: {  	s4 =	simm.s32 @!p0 $0xC;
	[sflag:s22] =	ssyncadd.s32 $0xFFFFFB00  }
0x107: {  	_ =	swait.ge @!p0 [sflag:s4], $0xA00  }
0x108: {  	[sflag:s4] =	ssyncset.done @!p0 $0x0  }
0x109: {  	[sflag:s4] =	ssyncadd.s32 @!p0 $0xFFFFF600;
	s4 =	simm.s32 $0x5D30  }
0x10a: {  	s24 =	simm.s32 $0x7130;
	v1 =	vld [tilespmem:s4+$0xFFFFFFF0]  }
0x10b: {  	v2 =	vld [tilespmem:s24+$0xFFFFFFF0];
	_ =	sdelay $0x4  }
0x10c: {  	v3 =	vunpack.i.u.bf16.f32 v1;
	v2 =	vunpack.i.l.bf16.f32 v2  }
0x10d: {  	v2 =	vadd.f32 v2, v3;
	_ =	sdelay $0x1  }
0x10e: {  	v3 =	vmul.f32 $2.000000030e-01, v2;
	_ =	sdelay $0x1  }
0x10f: {  	v2 =	vmax.f32 v2, v3  }
0x110: {  	v2 =	vmul.f32 $1.442695020e+00, v2;
	_ =	sdelay $0x1  }
0x111: {  	(erf) = vpow2.f32 v2;
	_ =	sdelay $0x8  }
0x112: {  	v1 =	vunpack.i.l.bf16.f32 v1;
	v2 =	vpop (erf)  }
0x113: {  	s6 =	simm.s32 $0x9440;
	v1 =	vmul.f32 v2, v1  }
0x114: {  	[tilespmem:s6+$0xFFFFFFF0] =	vst.msk $0x1, v2  }
0x115: {  	[tilespmem:s6+$0xFFFFFFE0] =	vst v1  }
0x116: {  	v1 =	vld [tilespmem:s4+$0x0]  }
0x117: {  	v2 =	vld [tilespmem:s24+$0x0];
	_ =	sdelay $0x4  }
0x118: {  	v3 =	vunpack.i.u.bf16.f32 v1;
	v2 =	vunpack.i.l.bf16.f32 v2  }
0x119: {  	v2 =	vadd.f32 v2, v3;
	_ =	sdelay $0x1  }
0x11a: {  	v3 =	vmul.f32 $2.000000030e-01, v2;
	_ =	sdelay $0x1  }
0x11b: {  	v2 =	vmax.f32 v2, v3  }
0x11c: {  	v2 =	vmul.f32 $1.442695020e+00, v2;
	_ =	sdelay $0x1  }
0x11d: {  	(erf) = vpow2.f32 v2;
	_ =	sdelay $0x8  }
0x11e: {  	v1 =	vunpack.i.l.bf16.f32 v1;
	v2 =	vpop (erf)  }
0x11f: {  	s12 =	simm.s32 $0x7150;
	s11 =	simm.s32 $0x9440;
	s7 =	simm.s32 $0x0;
	v1 =	vmul.f32 v2, v1;
	[tilespmem:s6+$0x10] =	vst.msk $0x1, v2  }
.LBB2_11:
0x120: {  	s7 =	sadd.s32 $0x2, s7;
	s4 =	sadd.s32 $0x20, s4;
	s6 =	sadd.s32 $0x40, s6  }
0x121: {  	p0 =	slt.u32 s7, $0x4E;
	[tilespmem:s11+$0x0] =	vst v1;
	s11 =	smov.u32 s6  }
0x122: {  	v1 =	vld [tilespmem:s4+$0xFFFFFFF0]  }
0x123: {  	v2 =	vld [tilespmem:s12+$0xFFFFFFF0];
	_ =	sdelay $0x4  }
0x124: {  	v3 =	vunpack.i.u.bf16.f32 v1;
	v2 =	vunpack.i.l.bf16.f32 v2  }
0x125: {  	v2 =	vadd.f32 v2, v3;
	_ =	sdelay $0x1  }
0x126: {  	v3 =	vmul.f32 $2.000000030e-01, v2;
	_ =	sdelay $0x1  }
0x127: {  	v2 =	vmax.f32 v2, v3  }
0x128: {  	v2 =	vmul.f32 $1.442695020e+00, v2;
	_ =	sdelay $0x1  }
0x129: {  	(erf) = vpow2.f32 v2;
	_ =	sdelay $0x8  }
0x12a: {  	v1 =	vunpack.i.l.bf16.f32 v1;
	v2 =	vpop (erf)  }
0x12b: {  	v1 =	vmul.f32 v2, v1;
	[tilespmem:s6+$0xFFFFFFF0] =	vst.msk $0x1, v2;
	_ =	sdelay $0x1  }
0x12c: {  	[tilespmem:s6+$0xFFFFFFE0] =	vst v1  }
0x12d: {  	v1 =	vld [tilespmem:s4+$0x0]  }
0x12e: {  	v2 =	vld [tilespmem:s12+$0x0];
	_ =	sdelay $0x3  }
0x12f: {  	v3 =	vunpack.i.u.bf16.f32 v1  }
0x130: {  	v2 =	vunpack.i.l.bf16.f32 v2  }
0x131: {  	v2 =	vadd.f32 v2, v3;
	_ =	sdelay $0x1  }
0x132: {  	v3 =	vmul.f32 $2.000000030e-01, v2;
	_ =	sdelay $0x1  }
0x133: {  	v2 =	vmax.f32 v2, v3  }
0x134: {  	v2 =	vmul.f32 $1.442695020e+00, v2;
	_ =	sdelay $0x1  }
0x135: {  	(erf) = vpow2.f32 v2;
	_ =	sdelay $0x5  }
.Ltmp4:
0x136: {  	(pc) =	sbr.rel @p0 .LBB2_11-.Ltmp4, $4  }
0x137: {  	_ = 	snop  }
0x138: {  	v1 =	vunpack.i.l.bf16.f32 v1  }
0x139: {  	v2 =	vpop (erf)  }
0x13a: {  	s12 =	sadd.s32 $0x20, s12;
	v1 =	vmul.f32 v2, v1;
	[tilespmem:s6+$0x10] =	vst.msk $0x1, v2  }
0x13b: {  	s9 =	sadd.s32 $0x1, s9  }
0x13c: {  	s4 =	smul.u32 $0x140, s10;
	p0 =	sne.s32 s9, $0x1F  }
.Ltmp5:
0x13d: {  	_ = 	snop;
	(pc) =	sbr.rel @p0 .LBB2_4-.Ltmp5, $4  }
0x13e: {  	_ = 	snop  }
0x13f: {  	s4 =	sshra.s32 s4, $0x2  }
0x140: {  	[tilespmem:s11+$0x0] =	vst v1;
	s4 =	sadd.s32 $0x2710, s4  }
0x141: {  	[spmem:s3] =	stream.indirect.scatter.add.f32 [tilespmem:s23], [sflag:$0xC], $0x20, s4, s15, $0xb8;
	[tilespmem:$0xEC40] =	vst v63  }
0x142: {  	_ =	swait.ge [sflag:s28], $0x500  }
0x143: {  	[sflag:s28] =	ssyncset.done $0x0  }
0x144: {  	[sflag:s28] =	ssyncadd.s32 $0xFFFFFB00  }
0x145: {  	_ =	swait.ge [sflag:s29], $0x500  }
0x146: {  	[sflag:s29] =	ssyncset.done $0x0  }
0x147: {  	s11 =	simm.s32 $0x9;
	[sflag:s29] =	ssyncadd.s32 $0xFFFFFB00  }
0x148: {  	_ =	swait.ge [sflag:s11], $0xA00  }
0x149: {  	[sflag:s11] =	ssyncset.done $0x0  }
0x14a: {  	s4 =	simm.s32 $0x4E30;
	[sflag:s11] =	ssyncadd.s32 $0xFFFFF600  }
0x14b: {  	s7 =	simm.s32 $0x6230;
	v1 =	vld [tilespmem:s4+$0xFFFFFFF0]  }
0x14c: {  	v2 =	vld [tilespmem:s7+$0xFFFFFFF0];
	_ =	sdelay $0x4  }
0x14d: {  	v3 =	vunpack.i.u.bf16.f32 v1;
	v2 =	vunpack.i.l.bf16.f32 v2  }
0x14e: {  	v2 =	vadd.f32 v2, v3;
	_ =	sdelay $0x1  }
0x14f: {  	v3 =	vmul.f32 $2.000000030e-01, v2;
	_ =	sdelay $0x1  }
0x150: {  	v2 =	vmax.f32 v2, v3  }
0x151: {  	v2 =	vmul.f32 $1.442695020e+00, v2;
	_ =	sdelay $0x1  }
0x152: {  	(erf) = vpow2.f32 v2;
	_ =	sdelay $0x8  }
0x153: {  	v1 =	vunpack.i.l.bf16.f32 v1;
	v2 =	vpop (erf)  }
0x154: {  	s6 =	simm.s32 $0x7640;
	v1 =	vmul.f32 v2, v1  }
0x155: {  	[tilespmem:s6+$0xFFFFFFF0] =	vst.msk $0x1, v2  }
0x156: {  	[tilespmem:s6+$0xFFFFFFE0] =	vst v1  }
0x157: {  	v1 =	vld [tilespmem:s4+$0x0]  }
0x158: {  	v2 =	vld [tilespmem:s7+$0x0];
	_ =	sdelay $0x4  }
0x159: {  	v3 =	vunpack.i.u.bf16.f32 v1;
	v2 =	vunpack.i.l.bf16.f32 v2  }
0x15a: {  	v2 =	vadd.f32 v2, v3;
	_ =	sdelay $0x1  }
0x15b: {  	v3 =	vmul.f32 $2.000000030e-01, v2;
	_ =	sdelay $0x1  }
0x15c: {  	v2 =	vmax.f32 v2, v3  }
0x15d: {  	v2 =	vmul.f32 $1.442695020e+00, v2;
	_ =	sdelay $0x1  }
0x15e: {  	(erf) = vpow2.f32 v2;
	_ =	sdelay $0x8  }
0x15f: {  	v1 =	vunpack.i.l.bf16.f32 v1;
	v2 =	vpop (erf)  }
0x160: {  	s9 =	simm.s32 $0x6250;
	s10 =	simm.s32 $0x7640;
	s7 =	simm.s32 $0x0;
	v1 =	vmul.f32 v2, v1;
	[tilespmem:s6+$0x10] =	vst.msk $0x1, v2  }
.LBB2_14:
0x161: {  	s7 =	sadd.s32 $0x2, s7;
	s4 =	sadd.s32 $0x20, s4;
	s6 =	sadd.s32 $0x40, s6  }
0x162: {  	p0 =	slt.u32 s7, $0x4E;
	[tilespmem:s10+$0x0] =	vst v1;
	s10 =	smov.u32 s6  }
0x163: {  	v1 =	vld [tilespmem:s4+$0xFFFFFFF0]  }
0x164: {  	v2 =	vld [tilespmem:s9+$0xFFFFFFF0];
	_ =	sdelay $0x4  }
0x165: {  	v3 =	vunpack.i.u.bf16.f32 v1;
	v2 =	vunpack.i.l.bf16.f32 v2  }
0x166: {  	v2 =	vadd.f32 v2, v3;
	_ =	sdelay $0x1  }
0x167: {  	v3 =	vmul.f32 $2.000000030e-01, v2;
	_ =	sdelay $0x1  }
0x168: {  	v2 =	vmax.f32 v2, v3  }
0x169: {  	v2 =	vmul.f32 $1.442695020e+00, v2;
	_ =	sdelay $0x1  }
0x16a: {  	(erf) = vpow2.f32 v2;
	_ =	sdelay $0x8  }
0x16b: {  	v1 =	vunpack.i.l.bf16.f32 v1;
	v2 =	vpop (erf)  }
0x16c: {  	v1 =	vmul.f32 v2, v1;
	[tilespmem:s6+$0xFFFFFFF0] =	vst.msk $0x1, v2;
	_ =	sdelay $0x1  }
0x16d: {  	[tilespmem:s6+$0xFFFFFFE0] =	vst v1  }
0x16e: {  	v1 =	vld [tilespmem:s4+$0x0]  }
0x16f: {  	v2 =	vld [tilespmem:s9+$0x0];
	_ =	sdelay $0x3  }
0x170: {  	v3 =	vunpack.i.u.bf16.f32 v1  }
0x171: {  	v2 =	vunpack.i.l.bf16.f32 v2  }
0x172: {  	v2 =	vadd.f32 v2, v3;
	_ =	sdelay $0x1  }
0x173: {  	v3 =	vmul.f32 $2.000000030e-01, v2;
	_ =	sdelay $0x1  }
0x174: {  	v2 =	vmax.f32 v2, v3  }
0x175: {  	v2 =	vmul.f32 $1.442695020e+00, v2;
	_ =	sdelay $0x1  }
0x176: {  	(erf) = vpow2.f32 v2;
	_ =	sdelay $0x5  }
.Ltmp6:
0x177: {  	(pc) =	sbr.rel @p0 .LBB2_14-.Ltmp6, $4  }
0x178: {  	_ = 	snop  }
0x179: {  	v1 =	vunpack.i.l.bf16.f32 v1  }
0x17a: {  	v2 =	vpop (erf)  }
0x17b: {  	s9 =	sadd.s32 $0x20, s9;
	v1 =	vmul.f32 v2, v1;
	[tilespmem:s6+$0x10] =	vst.msk $0x1, v2  }
0x17c: {  	_ = 	snop  }
0x17d: {  	s4 =	simm.s32 $0x4DD0;
	s9 =	simm.s32 $0xA;
	[tilespmem:s10+$0x0] =	vst v1  }
0x17e: {  	[spmem:s3] =	stream.indirect.scatter.add.f32 [tilespmem:s30], [sflag:$0x9], $0x20, s4, s15, $0xb8;
	[tilespmem:$0xEC40] =	vst v63  }
0x17f: {  	_ =	swait.ge [sflag:s9], $0xA00  }
0x180: {  	[sflag:s9] =	ssyncset.done $0x0  }
0x181: {  	s10 =	simm.s32 $0xB;
	[sflag:s9] =	ssyncadd.s32 $0xFFFFF600  }
0x182: {  	_ =	swait.ge [sflag:s10], $0xA00  }
0x183: {  	[sflag:s10] =	ssyncset.done $0x0  }
0x184: {  	s12 =	simm.s32 $0xC;
	[sflag:s10] =	ssyncadd.s32 $0xFFFFF600  }
0x185: {  	_ =	swait.ge [sflag:s12], $0xA00  }
0x186: {  	[sflag:s12] =	ssyncset.done $0x0  }
0x187: {  	[sflag:s12] =	ssyncadd.s32 $0xFFFFF600  }
0x188: {  	_ =	swait.ge [sflag:s11], $0xA00  }
0x189: {  	[sflag:s11] =	ssyncset.done $0x0  }
0x18a: {  	[sflag:s11] =	ssyncadd.s32 $0xFFFFF600  }
0x18b: {  	[bflag:$0x0] =	sbarrier.arrive $0xFFFF  }
0x18c: {  	s7 =	rddreg [dreg:$0x5]  }
0x18d: {  	s14 =	rddreg [dreg:$0x8]  }
0x18e: {  	s6 =	rddreg [dreg:$0xa]  }
0x18f: {  	[hbm:s14], [sflag:s7] =	dma.local [spmem:s6], $0x9C4  }
0x190: {  	_ =	swait.ge [sflag:s13], $0x9C4  }
0x191: {  	s8 =	sadd.s32 $0x1, s8;
	s24 =	rddreg [dreg:$0x9]  }
0x192: {  	p0 =	sne.s32 s8, s24  }
.Ltmp7:
0x193: {  	_ = 	snop;
	(pc) =	sbr.rel @p0 .LBB2_1-.Ltmp7, $3  }
0x194: {  	_ =	sdelay $0x1  }
0x195: {  	[sflag:s13] =	ssyncset.done $0x0  }
0x196: {  	s10 =	simm.s32 $0x2710;
	[sflag:s13] =	ssyncadd.s32 $0xFFFFF63C  }
0x197: {  	_ =	sfence.sel $0x180000  }
0x198: {  	[bflag:$0x0] =	sbarrier.arrive $0xFFFF  }
0x199: {  	_ =	strace $0x9000004A  }
0x19a: {  	s0 =	stileid.u32;
	[bflag:$0x2] =	sbarrier.arrive $0xFFFF  }
0x19b: {  	p0 =	sne.s32 s0, $0x0;
	s0 =	rddreg [dreg:$0x3]  }
0x19c: {  	s0 =	sadd.s32 @!p0 $0x100000, s0  }
0x19d: {  	[sflag:s0] =	ssyncadd.tile.s32 @!p0 $0x1;
	_ =	shalt  }
.Lfunc_end2:
_tile_overlayer_lowered:
.L_overlay_start_2:
0x19e: {  	(tag) =	ssettag $0x2  }
0x19f: {  	s0 =	rddreg [dreg:$0x0];
	s2 =	stileid.u32  }
0x1a0: {  	s1 =	rddreg [dreg:$0x1];
	p0 =	sne.s32 s2, $0x0  }
0x1a1: {  	s3 =	rddreg [dreg:$0x2];
	[bflag:$0x3] =	sbarrier.arrive $0xFFFF;
	s2 =	simm.s32 @!p0 $0x1C0D  }
0x1a2: {  	[timem:s3], [sflag:s2] =	dma.local @!p0 [hbm:s0], s1  }
0x1a3: {  	s0 =	simm.s32 @!p0 $0xD  }
0x1a4: {  	_ =	swait.ge @!p0 [sflag:s0], s1  }
0x1a5: {  	s1 =	ssub.s32 @!p0 $0x0, s1;
	[sflag:s0] =	ssyncset.done @!p0 $0x0  }
0x1a6: {  	[sflag:s0] =	ssyncadd.s32 @!p0 s1  }
0x1a7: {  	[bflag:$0x3] =	sbarrier.arrive $0xFFFF  }
0x1a8: {  	_ =	shalt  }

// kernel: kernel.7.cloned.1.call-start
scs
__scs_entry_jumppad:
0x0: {  	(pc) =	sbr.rel $0x88, $3  }
0x1: {  	(tag) =	ssettag $0x0;
	lr =	simm.s32 $0x1  }
0x2: {  	[smem:$0x3F96] =	sst lr;
	_ =	strace $0xD0000000  }
0x3: {  	_ = 	snop  }
0x4: {  	_ = 	snop  }
0x5: {  	_ = 	snop  }
0x6: {  	_ = 	snop  }
0x7: {  	_ = 	snop  }
__scs_overlays_trampoline_lowered:
0x8: {  	[smem:$0x3FA5] =	sst s0  }
0x9: {  	[smem:$0x3FA6] =	sst s1  }
0xa: {  	[smem:$0x3FA7] =	sst s2  }
0xb: {  	[smem:$0x3FA8] =	sst s3  }
0xc: {  	[smem:$0x3FA9] =	sst s4  }
0xd: {  	[smem:$0x3FAA] =	sst s5  }
0xe: {  	[smem:$0x3FAB] =	sst s6  }
0xf: {  	[smem:$0x3FAC] =	sst s7  }
0x10: {  	[smem:$0x3FAD] =	sst s8  }
0x11: {  	[smem:$0x3FAE] =	sst s9;
	s0 =	simm.s32 @!p0 $0x0  }
0x12: {  	s1 =	sld [smem:$0x3F94];
	s0 =	simm.s32 @p0 $0x1  }
0x13: {  	[smem:$0x3FAF] =	sst s0;
	s0 =	simm.s32 @!p1 $0x0  }
0x14: {  	s2 =	sld [smem:$0x3F93];
	s0 =	simm.s32 @p1 $0x1  }
0x15: {  	[smem:$0x3FB0] =	sst s0;
	s0 =	simm.s32 @!p2 $0x0  }
0x16: {  	s3 =	sld [smem:$0x3FDB];
	s0 =	simm.s32 @p2 $0x1  }
0x17: {  	s4 =	simm.s32 $0x1BF5;
	[smem:$0x3FB2] =	sst s0  }
0x18: {  	s0 =	sld [smem:$0x3F95];
	_ =	swait.ge [sflag:s4], $0x0  }
0x19: {  	s7 =	sld [smem:$0x3F96]  }
0x1a: {  	s8 =	sadd.s32 $0xFFFFE003, lr  }
0x1b: {  	s9 =	sadd.s32 $0xFFFFFEF7, lr;
	s5 =	simm.s32 $0xFFFFFFFF;
	p2 =	slt.u32 s8, $0xFFFFF086  }
0x1c: {  	p1 =	slt.u32 s9, $0xF7A;
	s5 =	simm.s32 @!p2 $0x0  }
0x1d: {  	s5 =	simm.s32 @p1 $0x1;
	p0 =	seq.s32 s7, s2  }
0x1e: {  	s7 =	smul.u32 @!p0 $0xF7A, s2;
	p2 =	seq.s32 @!p0 s5, $0x0  }
0x1f: {  	s9 =	smul.u32 $0xF7A, s1;
	s8 =	simm.s32 @!p0 $0x1BF5;
	p2 =	por !p2, p0  }
0x20: {  	[sflag:s8] =	ssyncset.s32 @!p0 $0xFFFFF086;
	s6 =	sadd.s32 @!p0 s3, s7;
	s7 =	simm.s32 @!p0 $0x108  }
0x21: {  	s3 =	sadd.s32 s3, s9;
	s6 =	sadd.s32 @!p0 $0x88, s6;
	s7 =	simm.s32 @p2 $0x1082  }
0x22: {  	[simem:s7], [sflag:s8] =	dma.local @!p0 [hbm:s6], $0xF7A  }
0x23: {  	s9 =	sor.u32 $0xD0000000, s2;
	s6 =	simm.s32 $0x108;
	_ =	swait.ge @!p0 [sflag:s8], $0x0  }
0x24: {  	s3 =	sadd.s32 $0x88, s3;
	s6 =	simm.s32 @!p1 $0x1082;
	[sflag:s4] =	ssyncset.s32 $0xFFFFF086  }
0x25: {  	[simem:s6], [sflag:s4] =	dma.local [hbm:s3], $0xF7A  }
0x26: {  	[smem:$0x3F96] =	sst s1;
	(tag) =	ssettag s2;
	_ =	strace s9  }
0x27: {  	s1 =	sld [smem:$0x3FA6]  }
0x28: {  	s2 =	sld [smem:$0x3FA7]  }
0x29: {  	s4 =	sld [smem:$0x3FA9]  }
0x2a: {  	p0 =	seq.s32 s5, $0x0;
	s5 =	sld [smem:$0x3FAA]  }
0x2b: {  	s6 =	sld [smem:$0x3FAB]  }
0x2c: {  	s7 =	sld [smem:$0x3FAC]  }
0x2d: {  	s3 =	simm.s32 $0x108;
	s8 =	sld [smem:$0x3FAD]  }
0x2e: {  	s3 =	simm.s32 @!p0 $0x1082;
	s9 =	sld [smem:$0x3FAE]  }
0x2f: {  	lr =	sadd.s32 s0, s3;
	s0 =	sld [smem:$0x3FA5]  }
0x30: {  	s3 =	sld [smem:$0x3FA8]  }
0x31: {  	[smem:$0x3FB1] =	sst s10  }
0x32: {  	s10 =	sld [smem:$0x3FAF];
	_ =	sdelay $0x3  }
0x33: {  	p0 =	seq.s32 s10, $0x1;
	s10 =	sld [smem:$0x3FB1];
	_ =	sdelay $0x3  }
0x34: {  	[smem:$0x3FB1] =	sst s10  }
0x35: {  	s10 =	sld [smem:$0x3FB0];
	_ =	sdelay $0x3  }
0x36: {  	p1 =	seq.s32 s10, $0x1;
	s10 =	sld [smem:$0x3FB1];
	_ =	sdelay $0x3  }
0x37: {  	[smem:$0x3FB1] =	sst s10  }
0x38: {  	s10 =	sld [smem:$0x3FB2]  }
0x39: {  	_ = 	snop;
	(pc) =	sbr.ind lr, $3  }
0x3a: {  	_ = 	snop  }
0x3b: {  	_ = 	snop  }
0x3c: {  	p2 =	seq.s32 s10, $0x1;
	s10 =	sld [smem:$0x3FB1]  }
0x3d: {  	_ =	shalt  }
0x3e: {  	_ =	shalt  }
0x3f: {  	_ =	shalt  }
0x40: {  	_ =	shalt  }
0x41: {  	_ =	shalt  }
0x42: {  	_ =	shalt  }
0x43: {  	_ =	shalt  }
0x44: {  	_ =	shalt  }
0x45: {  	_ =	shalt  }
0x46: {  	_ =	shalt  }
0x47: {  	_ =	shalt  }
0x48: {  	_ =	shalt  }
0x49: {  	_ =	shalt  }
0x4a: {  	_ =	shalt  }
0x4b: {  	_ =	shalt  }
0x4c: {  	_ =	shalt  }
0x4d: {  	_ =	shalt  }
0x4e: {  	_ =	shalt  }
0x4f: {  	_ =	shalt  }
0x50: {  	_ =	shalt  }
0x51: {  	_ =	shalt  }
0x52: {  	_ =	shalt  }
0x53: {  	_ =	shalt  }
0x54: {  	_ =	shalt  }
0x55: {  	_ =	shalt  }
0x56: {  	_ =	shalt  }
0x57: {  	_ =	shalt  }
0x58: {  	_ =	shalt  }
0x59: {  	_ =	shalt  }
0x5a: {  	_ =	shalt  }
0x5b: {  	_ =	shalt  }
0x5c: {  	_ =	shalt  }
0x5d: {  	_ =	shalt  }
0x5e: {  	_ =	shalt  }
0x5f: {  	_ =	shalt  }
0x60: {  	_ =	shalt  }
0x61: {  	_ =	shalt  }
0x62: {  	_ =	shalt  }
0x63: {  	_ =	shalt  }
0x64: {  	_ =	shalt  }
0x65: {  	_ =	shalt  }
0x66: {  	_ =	shalt  }
0x67: {  	_ =	shalt  }
0x68: {  	_ =	shalt  }
0x69: {  	_ =	shalt  }
0x6a: {  	_ =	shalt  }
0x6b: {  	_ =	shalt  }
0x6c: {  	_ =	shalt  }
0x6d: {  	_ =	shalt  }
0x6e: {  	_ =	shalt  }
0x6f: {  	_ =	shalt  }
0x70: {  	_ =	shalt  }
0x71: {  	_ =	shalt  }
0x72: {  	_ =	shalt  }
0x73: {  	_ =	shalt  }
0x74: {  	_ =	shalt  }
0x75: {  	_ =	shalt  }
0x76: {  	_ =	shalt  }
0x77: {  	_ =	shalt  }
0x78: {  	_ =	shalt  }
0x79: {  	_ =	shalt  }
0x7a: {  	_ =	shalt  }
0x7b: {  	_ =	shalt  }
0x7c: {  	_ =	shalt  }
0x7d: {  	_ =	shalt  }
0x7e: {  	_ =	shalt  }
0x7f: {  	_ =	shalt  }
0x80: {  	_ =	shalt  }
0x81: {  	_ =	shalt  }
0x82: {  	_ =	shalt  }
0x83: {  	_ =	shalt  }
0x84: {  	_ =	shalt  }
0x85: {  	_ =	shalt  }
0x86: {  	_ =	shalt  }
0x87: {  	_ =	shalt  }
.Lfunc_end0:
.L_simem_size_0:
called_computation_lowered:
.L_overlay_start_0:
0x88: {  	s2 =	sld [smem:$0x3FD9]  }
0x89: {  	s3 =	sld [smem:$0x3FFE];
	_ =	sdelay $0x1  }
0x8a: {  	s1 =	srdreg.scid  }
0x8b: {  	s0 =	sand.u32 $0x1, s1  }
0x8c: {  	s16 =	sshll.u32 s0, $0xA;
	s2 =	sadd.s32 s3, s2  }
0x8d: {  	s2 =	sadd.s32 s2, s16  }
0x8e: {  	[smem:$0x3FBD] =	sst s2  }
0x8f: {  	_ = 	snop  }
0x90: {  	(tm) =	ssettm $0x1  }
0x91: {  	s17 =	sld [smem:$0x3FFB];
	_ =	sdelay $0x3  }
0x92: {  	_ =	strace s17  }
0x93: {  	s2 =	sld [smem:$0x3FFC];
	_ =	sdelay $0x3  }
0x94: {  	_ =	strace s2  }
0x95: {  	s2 =	sld [smem:$0x3FFD];
	_ =	sdelay $0x3  }
0x96: {  	_ =	strace s2  }
0x97: {  	_ =	strace $0x8FFFFFFF  }
0x98: {  	s18 =	sld [smem:$0x3FDB];
	_ =	sdelay $0x1  }
0x99: {  	s19 =	simm.s32 $_scs_section_size  }
0x9a: {  	s4 =	simm.s32 $_size__tile_overlayer_lowered;
	s5 =	simm.s32 $_tile_overlayer_lowered  }
0x9b: {  	s22 =	simm.s32 $0x1BFF;
	s21 =	sshll.u32 s5, $0x1;
	s2 =	sadd.s32 s19, s18  }
0x9c: {  	s6 =	simm.s32 $0x0;
	s20 =	sshll.u32 s4, $0x1;
	s4 =	sadd.s32 s21, s2  }
0x9d: {  	[timem:s6], [sflag:s22] =	dma.local [hbm:s4], s20  }
0x9e: {  	_ =	swait.ge [sflag:s22], s20  }
0x9f: {  	s3 =	ssub.s32 $0x0, s20;
	[sflag:s22] =	ssyncset.done $0x0  }
0xa0: {  	[sflag:s22] =	ssyncadd.s32 s3;
	_ =	sdelay $0x1  }
0xa1: {  	s23 =	simm.s32 $0x1B8B  }
0xa2: {  	_ =	swait.ge [sflag:s23], $0x1  }
0xa3: {  	[sflag:s23] =	ssyncset.done $0x0  }
0xa4: {  	s25 =	simm.s32 $0x1B8E;
	s24 =	sld [smem:$0x3FFE];
	[sflag:s23] =	ssyncadd.s32 $0xFFFFFFFF  }
0xa5: {  	s26 =	simm.s32 $execute0_lowered;
	[smem:$0x3FD2] =	sst s25  }
0xa6: {  	s4 =	sshll.u32 s26, $0x1;
	_ =	strace $0x80000046;
	[dreg:$0x1] =	wrdreg $0xFFFFFFFF  }
0xa7: {  	s28 =	simm.s32 $_size_execute0_lowered;
	s2 =	sadd.s32 s2, s4;
	[dreg:$0x0] =	wrdreg $0x0  }
0xa8: {  	s4 =	sshll.u32 s28, $0x1;
	[dreg:$0x2] =	wrdreg s2  }
0xa9: {  	[dreg:$0x3] =	wrdreg s4  }
0xaa: {  	[dreg:$0x4] =	wrdreg $0xC0  }
0xab: {  	_ =	task [dreg:s6], $0x5FFFF  }
0xac: {  	[dreg:$0x1] =	wrdreg $0xFFFFFFFF  }
0xad: {  	[dreg:$0x0] =	wrdreg $0x60  }
0xae: {  	[dreg:$0x2] =	wrdreg s24  }
0xaf: {  	[dreg:$0x3] =	wrdreg $0xFAA00  }
0xb0: {  	[dreg:$0x4] =	wrdreg $0x9  }
0xb1: {  	_ =	task.clear_ibuf [dreg:s6], $0x5FFFF;
	_ =	strace $0x90000046  }
0xb2: {  	s29 =	simm.s32 $0x9;
	_ =	strace $0x80000048  }
0xb3: {  	_ =	swait.ge [sflag:s29], $0x1  }
0xb4: {  	[sflag:s29] =	ssyncadd.s32 $0xFFFFFFFF  }
0xb5: {  	_ =	strace $0x90000048  }
0xb6: {  	_ =	sfence  }
0xb7: {  	s30 =	sld [smem:$0x0];
	_ =	sdelay $0x2  }
0xb8: {  	s31 =	sshll.u32 s1, $0xD;
	s1 =	sshrl.u32 s1, $0x2  }
0xb9: {  	s3 =	sand.u32 $0x4000, s31;
	s1 =	sadd.s32 s1, s30  }
0xba: {  	s0 =	sor.u32 s3, s0;
	s1 =	sshll.u32 s1, $0x11  }
0xbb: {  	s0 =	sor.u32 s1, s0  }
0xbc: {  	s0 =	sadd.s32 $0x8F2B, s0  }
0xbd: {  	[sflag:s0] =	ssyncadd.remote.s32 $0x1  }
0xbe: {  	_ =	sfence.sel $0xFFFF  }
0xbf: {  	[dreg:$0x0] =	wrdreg $0xFFFFFFFF;
	(pc) =	sbr.abs _section_cstart, $3  }
0xc0: {  	[dreg:$0x1] =	wrdreg $0xFFFFFFFF  }
0xc1: {  	_ =	task.clear_ibuf [dreg:s6], $0x2FFFF;
	_ =	strace $0x9FFFFFFF  }
0xc2: {  	(tm) =	ssettm $0x7FFFFFFF  }
0xc3: {  	_ =	shalt  }
tec
execute0_lowered:
.L_overlay_start_1:
0x0: {  	(tag) =	ssettag $0x1  }
0x1: {  	s0 =	srdreg.scid  }
0x2: {  	s1 =	rddreg [dreg:$0x0];
	s10 =	stileid.u32  }
0x3: {  	s2 =	rddreg [dreg:$0x1];
	s4 =	simm.s32 $0x0;
	s13 =	simm.s32 $0xA  }
0x4: {  	s15 =	simm.s32 $0x50;
	s16 =	simm.s32 $0x4E20;
	s17 =	simm.s32 $0x8A20  }
0x5: {  	s18 =	simm.s32 $0x6220;
	s20 =	simm.s32 $0x9420;
	s21 =	simm.s32 $0x7620  }
0x6: {  	s22 =	simm.s32 $0x9E20;
	s23 =	simm.s32 $0x1;
	s24 =	simm.s32 $0x4  }
0x7: {  	s28 =	simm.s32 $0x5;
	s29 =	simm.s32 $0xC3A0;
	s30 =	simm.s32 $0x3  }
0x8: {  	s31 =	simm.s32 $0x6;
	s19 =	simm.s32 $0x8;
	s0 =	sand.u32 $0x1, s0  }
0x9: {  	[smem:$0x7FF] =	sst s4;
	s6 =	smul.u32 $0xD6D8, s10;
	s4 =	sadd.s32 $0x1800, s1  }
0xa: {  	s5 =	sadd.s32 $0x15200, s1;
	s25 =	sshll.u32 s10, $0x6;
	s3 =	sshll.u32 s0, $0x4  }
0xb: {  	_ =	strace $0x80000047;
	s7 =	smul.u32 $0xD6D80, s0;
	s0 =	ssub.s32 $0x2, s0  }
0xc: {  	s3 =	sor.u32 s10, s3;
	s8 =	sshrl.u32 s6, $0x3;
	s9 =	sshrl.u32 s0, $0x1  }
0xd: {  	s3 =	smul.u32 $0x4E2, s3;
	s7 =	sadd.s32 s6, s7;
	s8 =	sadd.s32 s8, s1  }
0xe: {  	s0 =	ssub.s32 s0, s9;
	s7 =	sshrl.u32 s7, $0x3;
	s8 =	sadd.s32 $0x32C00, s8  }
0xf: {  	s0 =	smax.u32 s0, $0x1;
	s3 =	sadd.s32 s3, s1;
	[dreg:$0x3] =	wrdreg s8  }
0x10: {  	s1 =	sadd.s32 s7, s1;
	s7 =	sor.u32 $0x1C0A, s25;
	[dreg:$0x8] =	wrdreg s0  }
0x11: {  	s14 =	simm.s32 $0x0;
	s26 =	sadd.s32 $0x28E00, s3;
	[dreg:$0x4] =	wrdreg s7  }
0x12: {  	s6 =	sadd.s32 s6, s2;
	s3 =	sadd.s32 $0x1F000, s3;
	[dreg:$0x5] =	wrdreg s26  }
0x13: {  	s8 =	simm.s32 $0x2710;
	s1 =	sadd.s32 $0x4DA00, s1;
	[dreg:$0x6] =	wrdreg s3  }
0x14: {  	vm0 =	vcmask $0x2320;
	vm1 =	vcmask $0x300;
	s25 =	simm.s32 $0xA820;
	[dreg:$0x7] =	wrdreg s1;
	s3 =	sshrl.u32 s6, $0x3  }
0x15: {  	v0 =	vimm.f32 $0.0e+00;
	vm0 =	vmor vm1, vm0;
	s26 =	simm.s32 $0x2;
	s1 =	simm.s32 $0xDF20;
	[dreg:$0x9] =	wrdreg s3  }
.LBB2_1:
0x16: {  	s0 =	rddreg [dreg:$0x3]  }
0x17: {  	[spmem:s3], [sflag:s7] =	dma.local [hbm:s0], $0x1ADB  }
0x18: {  	_ =	swait.ge [sflag:s13], $0x1ADB  }
0x19: {  	[sflag:s13] =	ssyncset.done $0x0  }
0x1a: {  	s10 =	simm.s32 $0x0;
	s11 =	rddreg [dreg:$0x5];
	[sflag:s13] =	ssyncadd.s32 $0xFFFFE525  }
0x1b: {  	[tilespmem:s10], [sflag:$0xA] =	stream.linear.gather [hbm4b:s11+s10], $0x2710, $0x38;
	[tilespmem:$0x1D178] =	vst v63  }
0x1c: {  	_ =	swait.ge [sflag:s13], $0x2710  }
0x1d: {  	[sflag:s13] =	ssyncset.done $0x0  }
0x1e: {  	s12 =	rddreg [dreg:$0x6];
	[sflag:s13] =	ssyncadd.s32 $0xFFFFD8F0  }
0x1f: {  	[tilespmem:s8], [sflag:$0xA] =	stream.linear.gather [hbm4b:s12+s10], $0x2710, $0x38;
	[tilespmem:$0x1D178] =	vst v63  }
0x20: {  	_ =	swait.ge [sflag:s13], $0x2710  }
0x21: {  	[sflag:s13] =	ssyncset.done $0x0  }
0x22: {  	s0 =	simm.s32 $0x280;
	s3 =	simm.s32 $0x48;
	[sflag:s13] =	ssyncadd.s32 $0xFFFFD8F0  }
.LBB2_2:
0x23: {  	p0 =	sne.s32 s0, $0x6DC0;
	[tilespmem:s3+$0xDF20] =	vst v0;
	s6 =	smov.u32 s0;
	s0 =	sadd.s32 $0x160, s0  }
.Ltmp0:
0x24: {  	[tilespmem:s3+$0xA820] =	vst v0;
	(pc) =	sbr.rel @p0 .LBB2_2-.Ltmp0, $2  }
0x25: {  	[tilespmem:s3+$0xC3A0] =	vst v0;
	_ =	sdelay $0x2  }
0x26: {  	s3 =	sshra.s32 s6, $0x2  }
0x27: {  	[tilespmem:s3+$0xDF20] =	vst v0  }
0x28: {  	[tilespmem:s3+$0xA820] =	vst v0  }
0x29: {  	[tilespmem:s3+$0xC3A0] =	vst v0  }
0x2a: {  	s6 =	simm.s32 $0x0;
	[bflag:$0x0] =	sbarrier.arrive $0xFFFF  }
0x2b: {  	[tilespmem:s16], [sflag:$0x1] =	stream.indirect.gather [hbm4b:s4+s15], $0x40, s6, s15, $0xb8;
	[tilespmem:$0x1D178] =	vst v63  }
0x2c: {  	_ = 	snop  }
0x2d: {  	[tilespmem:s17], [sflag:$0x4] =	stream.indirect.gather [hbm4b:s5+s15], $0x20, s8, s15, $0xb8;
	[tilespmem:$0x1D178] =	vst v63  }
0x2e: {  	_ = 	snop  }
0x2f: {  	[tilespmem:s18], [sflag:$0x2] =	stream.indirect.gather [hbm4b:s4+s15], $0x40, s15, s15, $0xb8;
	[tilespmem:$0x1D178] =	vst v63  }
0x30: {  	s0 =	simm.s32 $0x2760  }
0x31: {  	[tilespmem:s20], [sflag:$0x5] =	stream.indirect.gather [hbm4b:s5+s15], $0x20, s0, s15, $0xb8;
	[tilespmem:$0x1D178] =	vst v63  }
.LBB2_4:
0x32: {  	s0 =	smul.u32 $0x3, s6;
	_ =	sdelay $0x1  }
0x33: {  	s8 =	sadd.s32 $0x2, s0  }
0x34: {  	s0 =	smul.u32 $0x50, s8;
	_ =	sdelay $0x1  }
0x35: {  	[tilespmem:s21], [sflag:$0x3] =	stream.indirect.gather [hbm4b:s4+s15], $0x40, s0, s15, $0xb8;
	[tilespmem:$0x1D178] =	vst v63  }
0x36: {  	s0 =	sadd.s32 $0x2710, s0  }
0x37: {  	[tilespmem:s22], [sflag:$0x6] =	stream.indirect.gather [hbm4b:s5+s15], $0x20, s0, s15, $0xb8;
	[tilespmem:$0x1D178] =	vst v63  }
0x38: {  	_ =	swait.ge [sflag:s23], $0x1400  }
0x39: {  	[sflag:s23] =	ssyncset.done $0x0  }
0x3a: {  	[sflag:s23] =	ssyncadd.s32 $0xFFFFEC00  }
0x3b: {  	_ =	swait.ge [sflag:s24], $0xA00  }
0x3c: {  	p0 =	seq.s32 s6, $0x0;
	[sflag:s24] =	ssyncset.done $0x0  }
0x3d: {  	s0 =	simm.s32 @!p0 $0x7;
	[sflag:s24] =	ssyncadd.s32 $0xFFFFF600  }
0x3e: {  	_ =	swait.ge @!p0 [sflag:s0], $0x1B80  }
0x3f: {  	[sflag:s0] =	ssyncset.done @!p0 $0x0  }
0x40: {  	s9 =	simm.s32 $0x8A40;
	[sflag:s0] =	ssyncadd.s32 @!p0 $0xFFFFE480  }
0x41: {  	s12 =	simm.s32 $0x4E60;
	v1 =	vld [tilespmem:s9+$0xFFFFFFE0]  }
0x42: {  	v2 =	vld [tilespmem:s12+$0xFFFFFFE0];
	_ =	sdelay $0x2  }
0x43: {  	v3 =	vld [tilespmem:s9+$0xFFFFFFF0]  }
0x44: {  	v4 =	vld [tilespmem:s12+$0xFFFFFFF0]  }
0x45: {  	v5 =	vunpack.i.l.bf16.f32 v2;
	v6 =	vunpack.i.l.bf16.f32 v1  }
0x46: {  	v5 =	vadd.f32 v6, v5  }
0x47: {  	v1 =	vunpack.i.u.bf16.f32 v1;
	v2 =	vunpack.i.u.bf16.f32 v2  }
0x48: {  	v1 =	vadd.f32 v1, v2;
	v2 =	vmul.f32 $2.000000030e-01, v5  }
0x49: {  	v49 =	vunpack.i.l.bf16.f32 v3;
	v7 =	vunpack.i.l.bf16.f32 v4  }
0x4a: {  	v50 =	vadd.f32 v49, v7;
	v8 =	vmul.f32 $2.000000030e-01, v1;
	v2 =	vmax.f32 v5, v2  }
0x4b: {  	v4 =	vunpack.i.u.bf16.f32 v4;
	v3 =	vunpack.i.u.bf16.f32 v3;
	v2 =	vmul.f32 $1.442695020e+00, v2  }
0x4c: {  	v3 =	vadd.f32 v3, v4;
	v51 =	vmul.f32 $2.000000030e-01, v50;
	v1 =	vmax.f32 v1, v8  }
0x4d: {  	v1 =	vmul.f32 $1.442695020e+00, v1;
	(erf) = vpow2.f32 v2  }
0x4e: {  	v4 =	vmax.f32 v50, v51;
	v2 =	vmul.f32 $2.000000030e-01, v3  }
0x4f: {  	v4 =	vmul.f32 $1.442695020e+00, v4;
	(erf) = vpow2.f32 v1  }
0x50: {  	v1 =	vmax.f32 v3, v2  }
0x51: {  	v2 =	vld [tilespmem:s12+$0xFFFFFFC0];
	(erf) = vpow2.f32 v4;
	v1 =	vmul.f32 $1.442695020e+00, v1;
	_ =	sdelay $0x1  }
0x52: {  	(erf) = vpow2.f32 v1  }
0x53: {  	v1 =	vld [tilespmem:s12+$0xFFFFFFD0];
	_ =	sdelay $0x1  }
0x54: {  	v3 =	vunpack.i.l.bf16.f32 v2;
	v52 =	vpop (erf)  }
0x55: {  	v3 =	vmul.f32 v52, v3  }
0x56: {  	s11 =	simm.s32 $0xA878;
	v2 =	vunpack.i.u.bf16.f32 v2;
	v53 =	vpop (erf)  }
0x57: {  	v2 =	vmul.f32 v53, v2;
	[tilespmem:s11+$0xFFFFFFA8] =	vst v3;
	v3 =	vunpack.i.l.bf16.f32 v1  }
0x58: {  	v54 =	vpop (erf);
	[tilespmem:s11+$0xFFFFFFE8] =	vst.msk vm0, v52  }
0x59: {  	[tilespmem:s11+$0xFFFFFFB8] =	vst v2;
	v2 =	vmul.f32 v54, v3  }
0x5a: {  	v1 =	vunpack.i.u.bf16.f32 v1;
	[tilespmem:s11+$0xFFFFFFEA] =	vst.msk vm0, v53;
	v3 =	vpop (erf)  }
0x5b: {  	[tilespmem:s11+$0xFFFFFFC8] =	vst v2;
	v1 =	vmul.f32 v3, v1  }
0x5c: {  	[tilespmem:s11+$0xFFFFFFEC] =	vst.msk vm0, v54  }
0x5d: {  	[tilespmem:s11+$0xFFFFFFD8] =	vst v1  }
0x5e: {  	[tilespmem:s11+$0xFFFFFFEE] =	vst.msk vm0, v3  }
0x5f: {  	v1 =	vld [tilespmem:s12+$0x20]  }
0x60: {  	v2 =	vld [tilespmem:s9+$0x0];
	_ =	sdelay $0x2  }
0x61: {  	v3 =	vld [tilespmem:s9+$0x10]  }
0x62: {  	v4 =	vld [tilespmem:s12+$0x30]  }
0x63: {  	v55 =	vunpack.i.l.bf16.f32 v1;
	v56 =	vunpack.i.l.bf16.f32 v2  }
0x64: {  	v5 =	vadd.f32 v56, v55  }
0x65: {  	v1 =	vunpack.i.u.bf16.f32 v1;
	v2 =	vunpack.i.u.bf16.f32 v2  }
0x66: {  	v1 =	vadd.f32 v2, v1;
	v2 =	vmul.f32 $2.000000030e-01, v5  }
0x67: {  	v57 =	vunpack.i.l.bf16.f32 v3;
	v58 =	vunpack.i.l.bf16.f32 v4  }
0x68: {  	v6 =	vadd.f32 v57, v58;
	v59 =	vmul.f32 $2.000000030e-01, v1;
	v2 =	vmax.f32 v5, v2  }
0x69: {  	v4 =	vunpack.i.u.bf16.f32 v4;
	v3 =	vunpack.i.u.bf16.f32 v3;
	v2 =	vmul.f32 $1.442695020e+00, v2  }
0x6a: {  	v3 =	vadd.f32 v3, v4;
	v60 =	vmul.f32 $2.000000030e-01, v6;
	v1 =	vmax.f32 v1, v59  }
0x6b: {  	v1 =	vmul.f32 $1.442695020e+00, v1;
	(erf) = vpow2.f32 v2  }
0x6c: {  	v4 =	vmax.f32 v6, v60;
	v2 =	vmul.f32 $2.000000030e-01, v3  }
0x6d: {  	v4 =	vmul.f32 $1.442695020e+00, v4;
	(erf) = vpow2.f32 v1  }
0x6e: {  	v1 =	vmax.f32 v3, v2  }
0x6f: {  	v2 =	vld [tilespmem:s12+$0x0];
	(erf) = vpow2.f32 v4;
	v1 =	vmul.f32 $1.442695020e+00, v1;
	_ =	sdelay $0x1  }
0x70: {  	(erf) = vpow2.f32 v1;
	_ =	sdelay $0x1  }
0x71: {  	v1 =	vld [tilespmem:s12+$0x10]  }
0x72: {  	v3 =	vunpack.i.l.bf16.f32 v2;
	v61 =	vpop (erf)  }
0x73: {  	v3 =	vmul.f32 v61, v3  }
0x74: {  	v2 =	vunpack.i.u.bf16.f32 v2;
	v62 =	vpop (erf)  }
0x75: {  	v2 =	vmul.f32 v62, v2;
	[tilespmem:s11+$0x0] =	vst v3  }
0x76: {  	v63 =	vpop (erf);
	v3 =	vunpack.i.l.bf16.f32 v1;
	[tilespmem:s11+$0x40] =	vst.msk vm0, v61  }
0x77: {  	v3 =	vmul.f32 v63, v3;
	[tilespmem:s11+$0x10] =	vst v2  }
0x78: {  	v2 =	vunpack.i.u.bf16.f32 v1;
	v1 =	vpop (erf);
	[tilespmem:s11+$0x42] =	vst.msk vm0, v62  }
0x79: {  	v2 =	vmul.f32 v1, v2;
	[tilespmem:s11+$0x20] =	vst v3  }
0x7a: {  	s3 =	simm.s32 $0x0;
	s7 =	simm.s32 $0x4EE0;
	s10 =	simm.s32 $0xA878;
	[tilespmem:s11+$0x44] =	vst.msk vm0, v63  }
.LBB2_5:
0x7b: {  	s3 =	sadd.s32 $0x2, s3;
	[tilespmem:s11+$0x30] =	vst v2;
	s10 =	sadd.s32 $0xB0, s10;
	s9 =	sadd.s32 $0x40, s9  }
0x7c: {  	p1 =	slt.u32 s3, $0x4E;
	[tilespmem:s11+$0x46] =	vst.msk vm0, v1;
	s11 =	smov.u32 s10  }
0x7d: {  	v1 =	vld [tilespmem:s9+$0xFFFFFFE0]  }
0x7e: {  	v2 =	vld [tilespmem:s7+$0xFFFFFFE0];
	_ =	sdelay $0x2  }
0x7f: {  	v3 =	vld [tilespmem:s9+$0xFFFFFFF0]  }
0x80: {  	v4 =	vunpack.i.u.bf16.f32 v1;
	v5 =	vld [tilespmem:s7+$0xFFFFFFF0]  }
0x81: {  	v1 =	vunpack.i.l.bf16.f32 v1;
	v6 =	vunpack.i.u.bf16.f32 v2;
	v2 =	vunpack.i.l.bf16.f32 v2  }
0x82: {  	v1 =	vadd.f32 v1, v2;
	v2 =	vadd.f32 v4, v6;
	_ =	sdelay $0x1  }
0x83: {  	v4 =	vunpack.i.l.bf16.f32 v3;
	v6 =	vmul.f32 $2.000000030e-01, v1;
	v7 =	vmul.f32 $2.000000030e-01, v2  }
0x84: {  	v3 =	vunpack.i.u.bf16.f32 v3;
	v8 =	vunpack.i.u.bf16.f32 v5;
	v5 =	vunpack.i.l.bf16.f32 v5  }
0x85: {  	v1 =	vmax.f32 v1, v6;
	v2 =	vmax.f32 v2, v7;
	v4 =	vadd.f32 v4, v5  }
0x86: {  	v3 =	vadd.f32 v3, v8;
	v1 =	vmul.f32 $1.442695020e+00, v1;
	v2 =	vmul.f32 $1.442695020e+00, v2  }
0x87: {  	v5 =	vmul.f32 $2.000000030e-01, v4  }
0x88: {  	v6 =	vmul.f32 $2.000000030e-01, v3;
	(erf) = vpow2.f32 v1  }
0x89: {  	v1 =	vmax.f32 v4, v5  }
0x8a: {  	v3 =	vmax.f32 v3, v6;
	v1 =	vmul.f32 $1.442695020e+00, v1;
	(erf) = vpow2.f32 v2;
	_ =	sdelay $0x1  }
0x8b: {  	v3 =	vmul.f32 $1.442695020e+00, v3;
	v2 =	vld [tilespmem:s7+$0xFFFFFFC0];
	(erf) = vpow2.f32 v1;
	_ =	sdelay $0x1  }
0x8c: {  	(erf) = vpow2.f32 v3;
	_ =	sdelay $0x1  }
0x8d: {  	v1 =	vld [tilespmem:s7+$0xFFFFFFD0]  }
0x8e: {  	v3 =	vunpack.i.l.bf16.f32 v2;
	v4 =	vpop (erf)  }
0x8f: {  	v3 =	vmul.f32 v4, v3  }
0x90: {  	v2 =	vunpack.i.u.bf16.f32 v2;
	v5 =	vpop (erf)  }
0x91: {  	[tilespmem:s10+$0xFFFFFFA8] =	vst v3;
	v2 =	vmul.f32 v5, v2  }
0x92: {  	v6 =	vunpack.i.l.bf16.f32 v1;
	[tilespmem:s10+$0xFFFFFFE8] =	vst.msk vm0, v4;
	v4 =	vpop (erf)  }
0x93: {  	[tilespmem:s10+$0xFFFFFFB8] =	vst v2;
	v2 =	vmul.f32 v4, v6  }
0x94: {  	v1 =	vunpack.i.u.bf16.f32 v1;
	[tilespmem:s10+$0xFFFFFFEA] =	vst.msk vm0, v5;
	v3 =	vpop (erf)  }
0x95: {  	[tilespmem:s10+$0xFFFFFFC8] =	vst v2;
	v1 =	vmul.f32 v3, v1  }
0x96: {  	[tilespmem:s10+$0xFFFFFFEC] =	vst.msk vm0, v4  }
0x97: {  	[tilespmem:s10+$0xFFFFFFD8] =	vst v1  }
0x98: {  	[tilespmem:s10+$0xFFFFFFEE] =	vst.msk vm0, v3  }
0x99: {  	v1 =	vld [tilespmem:s7+$0x20]  }
0x9a: {  	v2 =	vld [tilespmem:s9+$0x0];
	_ =	sdelay $0x1  }
0x9b: {  	v3 =	vld [tilespmem:s9+$0x10]  }
0x9c: {  	v4 =	vld [tilespmem:s7+$0x30]  }
0x9d: {  	v5 =	vunpack.i.l.bf16.f32 v1  }
0x9e: {  	v1 =	vunpack.i.u.bf16.f32 v1;
	v6 =	vunpack.i.u.bf16.f32 v2;
	v2 =	vunpack.i.l.bf16.f32 v2  }
0x9f: {  	v2 =	vadd.f32 v2, v5;
	v1 =	vadd.f32 v6, v1  }
0xa0: {  	v5 =	vunpack.i.l.bf16.f32 v3  }
0xa1: {  	v6 =	vunpack.i.l.bf16.f32 v4;
	v7 =	vmul.f32 $2.000000030e-01, v2;
	v8 =	vmul.f32 $2.000000030e-01, v1  }
0xa2: {  	v3 =	vunpack.i.u.bf16.f32 v3;
	v4 =	vunpack.i.u.bf16.f32 v4;
	v5 =	vadd.f32 v5, v6  }
0xa3: {  	v3 =	vadd.f32 v3, v4;
	v2 =	vmax.f32 v2, v7;
	v1 =	vmax.f32 v1, v8  }
0xa4: {  	v2 =	vmul.f32 $1.442695020e+00, v2;
	v4 =	vmul.f32 $2.000000030e-01, v5  }
0xa5: {  	v1 =	vmul.f32 $1.442695020e+00, v1;
	v6 =	vmul.f32 $2.000000030e-01, v3  }
0xa6: {  	v4 =	vmax.f32 v5, v4;
	(erf) = vpow2.f32 v2  }
0xa7: {  	v3 =	vmax.f32 v3, v6;
	v2 =	vmul.f32 $1.442695020e+00, v4;
	(erf) = vpow2.f32 v1  }
0xa8: {  	v1 =	vmul.f32 $1.442695020e+00, v3  }
0xa9: {  	v3 =	vld [tilespmem:s7+$0x0];
	(erf) = vpow2.f32 v2;
	_ =	sdelay $0x1  }
0xaa: {  	(erf) = vpow2.f32 v1;
	_ =	sdelay $0x1  }
0xab: {  	v1 =	vld [tilespmem:s7+$0x10]  }
0xac: {  	v2 =	vunpack.i.l.bf16.f32 v3  }
0xad: {  	v4 =	vpop (erf)  }
0xae: {  	v3 =	vunpack.i.u.bf16.f32 v3;
	v2 =	vmul.f32 v4, v2;
	v5 =	vpop (erf)  }
0xaf: {  	v3 =	vmul.f32 v5, v3  }
0xb0: {  	v6 =	vunpack.i.l.bf16.f32 v1;
	[tilespmem:s10+$0x0] =	vst v2;
	v7 =	vpop (erf)  }
.Ltmp1:
0xb1: {  	[tilespmem:s10+$0x40] =	vst.msk vm0, v4;
	v4 =	vmul.f32 v7, v6;
	(pc) =	sbr.rel @p1 .LBB2_5-.Ltmp1, $4  }
0xb2: {  	v2 =	vunpack.i.u.bf16.f32 v1;
	[tilespmem:s10+$0x10] =	vst v3;
	v1 =	vpop (erf)  }
0xb3: {  	[tilespmem:s10+$0x42] =	vst.msk vm0, v5;
	v2 =	vmul.f32 v1, v2  }
0xb4: {  	[tilespmem:s10+$0x20] =	vst v4  }
0xb5: {  	s7 =	sadd.s32 $0x80, s7;
	[tilespmem:s10+$0x44] =	vst.msk vm0, v7  }
0xb6: {  	s0 =	smul.u32 $0x3C0, s6;
	_ =	sdelay $0x1  }
0xb7: {  	[tilespmem:s11+$0x30] =	vst v2;
	s10 =	sshra.s32 s0, $0x2  }
0xb8: {  	s9 =	smul.u32 $0xF0, s6;
	[tilespmem:s11+$0x46] =	vst.msk vm0, v1;
	s0 =	sadd.s32 $0x2710, s10  }
0xb9: {  	[spmem:s2] =	stream.indirect.scatter.add.f32 [tilespmem:s25], [sflag:$0x7], $0x58, s0, s15, $0xb8;
	[tilespmem:$0x1D178] =	vst v63  }
0xba: {  	s7 =	sadd.s32 $0xF0, s9  }
0xbb: {  	[tilespmem:s16], [sflag:$0x1] =	stream.indirect.gather [hbm4b:s4+s15], $0x40, s7, s15, $0xb8;
	[tilespmem:$0x1D178] =	vst v63  }
0xbc: {  	s11 =	sadd.s32 $0x2800, s9  }
0xbd: {  	[tilespmem:s17], [sflag:$0x4] =	stream.indirect.gather [hbm4b:s5+s15], $0x20, s11, s15, $0xb8;
	[tilespmem:$0x1D178] =	vst v63  }
0xbe: {  	_ =	swait.ge [sflag:s26], $0x1400  }
0xbf: {  	[sflag:s26] =	ssyncset.done $0x0  }
0xc0: {  	[sflag:s26] =	ssyncadd.s32 $0xFFFFEC00  }
0xc1: {  	_ =	swait.ge [sflag:s28], $0xA00  }
0xc2: {  	[sflag:s28] =	ssyncset.done $0x0  }
0xc3: {  	s0 =	simm.s32 @!p0 $0x8;
	[sflag:s28] =	ssyncadd.s32 $0xFFFFF600  }
0xc4: {  	_ =	swait.ge @!p0 [sflag:s0], $0x1B80  }
0xc5: {  	[sflag:s0] =	ssyncset.done @!p0 $0x0  }
0xc6: {  	s11 =	simm.s32 $0x9440;
	[sflag:s0] =	ssyncadd.s32 @!p0 $0xFFFFE480  }
0xc7: {  	s12 =	simm.s32 $0x6260;
	v1 =	vld [tilespmem:s11+$0xFFFFFFE0]  }
0xc8: {  	v2 =	vld [tilespmem:s12+$0xFFFFFFE0];
	_ =	sdelay $0x2  }
0xc9: {  	v3 =	vld [tilespmem:s11+$0xFFFFFFF0]  }
0xca: {  	v4 =	vld [tilespmem:s12+$0xFFFFFFF0]  }
0xcb: {  	v5 =	vunpack.i.l.bf16.f32 v2;
	v6 =	vunpack.i.l.bf16.f32 v1  }
0xcc: {  	v5 =	vadd.f32 v6, v5  }
0xcd: {  	v1 =	vunpack.i.u.bf16.f32 v1;
	v2 =	vunpack.i.u.bf16.f32 v2  }
0xce: {  	v1 =	vadd.f32 v1, v2;
	v2 =	vmul.f32 $2.000000030e-01, v5  }
0xcf: {  	v49 =	vunpack.i.l.bf16.f32 v3;
	v7 =	vunpack.i.l.bf16.f32 v4  }
0xd0: {  	v50 =	vadd.f32 v49, v7;
	v8 =	vmul.f32 $2.000000030e-01, v1;
	v2 =	vmax.f32 v5, v2  }
0xd1: {  	v4 =	vunpack.i.u.bf16.f32 v4;
	v3 =	vunpack.i.u.bf16.f32 v3;
	v2 =	vmul.f32 $1.442695020e+00, v2  }
0xd2: {  	v3 =	vadd.f32 v3, v4;
	v51 =	vmul.f32 $2.000000030e-01, v50;
	v1 =	vmax.f32 v1, v8  }
0xd3: {  	v1 =	vmul.f32 $1.442695020e+00, v1;
	(erf) = vpow2.f32 v2  }
0xd4: {  	v4 =	vmax.f32 v50, v51;
	v2 =	vmul.f32 $2.000000030e-01, v3  }
0xd5: {  	v4 =	vmul.f32 $1.442695020e+00, v4;
	(erf) = vpow2.f32 v1  }
0xd6: {  	v1 =	vmax.f32 v3, v2  }
0xd7: {  	v2 =	vld [tilespmem:s12+$0xFFFFFFC0];
	(erf) = vpow2.f32 v4;
	v1 =	vmul.f32 $1.442695020e+00, v1;
	_ =	sdelay $0x1  }
0xd8: {  	(erf) = vpow2.f32 v1  }
0xd9: {  	v1 =	vld [tilespmem:s12+$0xFFFFFFD0];
	_ =	sdelay $0x1  }
0xda: {  	v3 =	vunpack.i.l.bf16.f32 v2;
	v52 =	vpop (erf)  }
0xdb: {  	v3 =	vmul.f32 v52, v3  }
0xdc: {  	s3 =	simm.s32 $0xC3F8;
	v2 =	vunpack.i.u.bf16.f32 v2;
	v53 =	vpop (erf)  }
0xdd: {  	v2 =	vmul.f32 v53, v2;
	[tilespmem:s3+$0xFFFFFFA8] =	vst v3;
	v3 =	vunpack.i.l.bf16.f32 v1  }
0xde: {  	v54 =	vpop (erf);
	[tilespmem:s3+$0xFFFFFFE8] =	vst.msk vm0, v52  }
0xdf: {  	[tilespmem:s3+$0xFFFFFFB8] =	vst v2;
	v2 =	vmul.f32 v54, v3  }
0xe0: {  	v1 =	vunpack.i.u.bf16.f32 v1;
	[tilespmem:s3+$0xFFFFFFEA] =	vst.msk vm0, v53;
	v3 =	vpop (erf)  }
0xe1: {  	[tilespmem:s3+$0xFFFFFFC8] =	vst v2;
	v1 =	vmul.f32 v3, v1  }
0xe2: {  	[tilespmem:s3+$0xFFFFFFEC] =	vst.msk vm0, v54  }
0xe3: {  	[tilespmem:s3+$0xFFFFFFD8] =	vst v1  }
0xe4: {  	[tilespmem:s3+$0xFFFFFFEE] =	vst.msk vm0, v3  }
0xe5: {  	v1 =	vld [tilespmem:s12+$0x20]  }
0xe6: {  	v2 =	vld [tilespmem:s11+$0x0];
	_ =	sdelay $0x2  }
0xe7: {  	v3 =	vld [tilespmem:s11+$0x10]  }
0xe8: {  	v4 =	vld [tilespmem:s12+$0x30]  }
0xe9: {  	v55 =	vunpack.i.l.bf16.f32 v1;
	v56 =	vunpack.i.l.bf16.f32 v2  }
0xea: {  	v5 =	vadd.f32 v56, v55  }
0xeb: {  	v1 =	vunpack.i.u.bf16.f32 v1;
	v2 =	vunpack.i.u.bf16.f32 v2  }
0xec: {  	v1 =	vadd.f32 v2, v1;
	v2 =	vmul.f32 $2.000000030e-01, v5  }
0xed: {  	v57 =	vunpack.i.l.bf16.f32 v3;
	v58 =	vunpack.i.l.bf16.f32 v4  }
0xee: {  	v6 =	vadd.f32 v57, v58;
	v59 =	vmul.f32 $2.000000030e-01, v1;
	v2 =	vmax.f32 v5, v2  }
0xef: {  	v4 =	vunpack.i.u.bf16.f32 v4;
	v3 =	vunpack.i.u.bf16.f32 v3;
	v2 =	vmul.f32 $1.442695020e+00, v2  }
0xf0: {  	v3 =	vadd.f32 v3, v4;
	v60 =	vmul.f32 $2.000000030e-01, v6;
	v1 =	vmax.f32 v1, v59  }
0xf1: {  	v1 =	vmul.f32 $1.442695020e+00, v1;
	(erf) = vpow2.f32 v2  }
0xf2: {  	v4 =	vmax.f32 v6, v60;
	v2 =	vmul.f32 $2.000000030e-01, v3  }
0xf3: {  	v4 =	vmul.f32 $1.442695020e+00, v4;
	(erf) = vpow2.f32 v1  }
0xf4: {  	v1 =	vmax.f32 v3, v2  }
0xf5: {  	v2 =	vld [tilespmem:s12+$0x0];
	(erf) = vpow2.f32 v4;
	v1 =	vmul.f32 $1.442695020e+00, v1;
	_ =	sdelay $0x1  }
0xf6: {  	(erf) = vpow2.f32 v1;
	_ =	sdelay $0x1  }
0xf7: {  	v1 =	vld [tilespmem:s12+$0x10]  }
0xf8: {  	v3 =	vunpack.i.l.bf16.f32 v2;
	v61 =	vpop (erf)  }
0xf9: {  	v3 =	vmul.f32 v61, v3  }
0xfa: {  	v2 =	vunpack.i.u.bf16.f32 v2;
	v62 =	vpop (erf)  }
0xfb: {  	v2 =	vmul.f32 v62, v2;
	[tilespmem:s3+$0x0] =	vst v3  }
0xfc: {  	v63 =	vpop (erf);
	v3 =	vunpack.i.l.bf16.f32 v1;
	[tilespmem:s3+$0x40] =	vst.msk vm0, v61  }
0xfd: {  	v3 =	vmul.f32 v63, v3;
	[tilespmem:s3+$0x10] =	vst v2  }
0xfe: {  	v2 =	vunpack.i.u.bf16.f32 v1;
	v1 =	vpop (erf);
	[tilespmem:s3+$0x42] =	vst.msk vm0, v62  }
0xff: {  	v2 =	vmul.f32 v1, v2;
	[tilespmem:s3+$0x20] =	vst v3  }
0x100: {  	s7 =	simm.s32 $0x0;
	s0 =	simm.s32 $0xC3F8;
	s12 =	simm.s32 $0x62E0;
	[tilespmem:s3+$0x44] =	vst.msk vm0, v63  }
.LBB2_7:
0x101: {  	s7 =	sadd.s32 $0x2, s7;
	[tilespmem:s3+$0x30] =	vst v2;
	s0 =	sadd.s32 $0xB0, s0;
	s11 =	sadd.s32 $0x40, s11  }
0x102: {  	p1 =	slt.u32 s7, $0x4E;
	[tilespmem:s3+$0x46] =	vst.msk vm0, v1;
	s3 =	smov.u32 s0  }
0x103: {  	v1 =	vld [tilespmem:s11+$0xFFFFFFE0]  }
0x104: {  	v2 =	vld [tilespmem:s12+$0xFFFFFFE0];
	_ =	sdelay $0x2  }
0x105: {  	v3 =	vld [tilespmem:s11+$0xFFFFFFF0]  }
0x106: {  	v4 =	vunpack.i.u.bf16.f32 v1;
	v5 =	vld [tilespmem:s12+$0xFFFFFFF0]  }
0x107: {  	v1 =	vunpack.i.l.bf16.f32 v1;
	v6 =	vunpack.i.u.bf16.f32 v2;
	v2 =	vunpack.i.l.bf16.f32 v2  }
0x108: {  	v1 =	vadd.f32 v1, v2;
	v2 =	vadd.f32 v4, v6;
	_ =	sdelay $0x1  }
0x109: {  	v4 =	vunpack.i.l.bf16.f32 v3;
	v6 =	vmul.f32 $2.000000030e-01, v1;
	v7 =	vmul.f32 $2.000000030e-01, v2  }
0x10a: {  	v3 =	vunpack.i.u.bf16.f32 v3;
	v8 =	vunpack.i.u.bf16.f32 v5;
	v5 =	vunpack.i.l.bf16.f32 v5  }
0x10b: {  	v1 =	vmax.f32 v1, v6;
	v2 =	vmax.f32 v2, v7;
	v4 =	vadd.f32 v4, v5  }
0x10c: {  	v3 =	vadd.f32 v3, v8;
	v1 =	vmul.f32 $1.442695020e+00, v1;
	v2 =	vmul.f32 $1.442695020e+00, v2  }
0x10d: {  	v5 =	vmul.f32 $2.000000030e-01, v4  }
0x10e: {  	v6 =	vmul.f32 $2.000000030e-01, v3;
	(erf) = vpow2.f32 v1  }
0x10f: {  	v1 =	vmax.f32 v4, v5  }
0x110: {  	v3 =	vmax.f32 v3, v6;
	v1 =	vmul.f32 $1.442695020e+00, v1;
	(erf) = vpow2.f32 v2;
	_ =	sdelay $0x1  }
0x111: {  	v3 =	vmul.f32 $1.442695020e+00, v3;
	v2 =	vld [tilespmem:s12+$0xFFFFFFC0];
	(erf) = vpow2.f32 v1;
	_ =	sdelay $0x1  }
0x112: {  	(erf) = vpow2.f32 v3;
	_ =	sdelay $0x1  }
0x113: {  	v1 =	vld [tilespmem:s12+$0xFFFFFFD0]  }
0x114: {  	v3 =	vunpack.i.l.bf16.f32 v2;
	v4 =	vpop (erf)  }
0x115: {  	v3 =	vmul.f32 v4, v3  }
0x116: {  	v2 =	vunpack.i.u.bf16.f32 v2;
	v5 =	vpop (erf)  }
0x117: {  	[tilespmem:s0+$0xFFFFFFA8] =	vst v3;
	v2 =	vmul.f32 v5, v2  }
0x118: {  	v6 =	vunpack.i.l.bf16.f32 v1;
	[tilespmem:s0+$0xFFFFFFE8] =	vst.msk vm0, v4;
	v4 =	vpop (erf)  }
0x119: {  	[tilespmem:s0+$0xFFFFFFB8] =	vst v2;
	v2 =	vmul.f32 v4, v6  }
0x11a: {  	v1 =	vunpack.i.u.bf16.f32 v1;
	[tilespmem:s0+$0xFFFFFFEA] =	vst.msk vm0, v5;
	v3 =	vpop (erf)  }
0x11b: {  	[tilespmem:s0+$0xFFFFFFC8] =	vst v2;
	v1 =	vmul.f32 v3, v1  }
0x11c: {  	[tilespmem:s0+$0xFFFFFFEC] =	vst.msk vm0, v4  }
0x11d: {  	[tilespmem:s0+$0xFFFFFFD8] =	vst v1  }
0x11e: {  	[tilespmem:s0+$0xFFFFFFEE] =	vst.msk vm0, v3  }
0x11f: {  	v1 =	vld [tilespmem:s12+$0x20]  }
0x120: {  	v2 =	vld [tilespmem:s11+$0x0];
	_ =	sdelay $0x1  }
0x121: {  	v3 =	vld [tilespmem:s11+$0x10]  }
0x122: {  	v4 =	vld [tilespmem:s12+$0x30]  }
0x123: {  	v5 =	vunpack.i.l.bf16.f32 v1  }
0x124: {  	v1 =	vunpack.i.u.bf16.f32 v1;
	v6 =	vunpack.i.u.bf16.f32 v2;
	v2 =	vunpack.i.l.bf16.f32 v2  }
0x125: {  	v2 =	vadd.f32 v2, v5;
	v1 =	vadd.f32 v6, v1  }
0x126: {  	v5 =	vunpack.i.l.bf16.f32 v3  }
0x127: {  	v6 =	vunpack.i.l.bf16.f32 v4;
	v7 =	vmul.f32 $2.000000030e-01, v2;
	v8 =	vmul.f32 $2.000000030e-01, v1  }
0x128: {  	v3 =	vunpack.i.u.bf16.f32 v3;
	v4 =	vunpack.i.u.bf16.f32 v4;
	v5 =	vadd.f32 v5, v6  }
0x129: {  	v3 =	vadd.f32 v3, v4;
	v2 =	vmax.f32 v2, v7;
	v1 =	vmax.f32 v1, v8  }
0x12a: {  	v2 =	vmul.f32 $1.442695020e+00, v2;
	v4 =	vmul.f32 $2.000000030e-01, v5  }
0x12b: {  	v1 =	vmul.f32 $1.442695020e+00, v1;
	v6 =	vmul.f32 $2.000000030e-01, v3  }
0x12c: {  	v4 =	vmax.f32 v5, v4;
	(erf) = vpow2.f32 v2  }
0x12d: {  	v3 =	vmax.f32 v3, v6;
	v2 =	vmul.f32 $1.442695020e+00, v4;
	(erf) = vpow2.f32 v1  }
0x12e: {  	v1 =	vmul.f32 $1.442695020e+00, v3  }
0x12f: {  	v3 =	vld [tilespmem:s12+$0x0];
	(erf) = vpow2.f32 v2;
	_ =	sdelay $0x1  }
0x130: {  	(erf) = vpow2.f32 v1;
	_ =	sdelay $0x1  }
0x131: {  	v1 =	vld [tilespmem:s12+$0x10]  }
0x132: {  	v2 =	vunpack.i.l.bf16.f32 v3  }
0x133: {  	v4 =	vpop (erf)  }
0x134: {  	v3 =	vunpack.i.u.bf16.f32 v3;
	v2 =	vmul.f32 v4, v2;
	v5 =	vpop (erf)  }
0x135: {  	v3 =	vmul.f32 v5, v3  }
0x136: {  	v6 =	vunpack.i.l.bf16.f32 v1;
	[tilespmem:s0+$0x0] =	vst v2;
	v7 =	vpop (erf)  }
.Ltmp2:
0x137: {  	[tilespmem:s0+$0x40] =	vst.msk vm0, v4;
	v4 =	vmul.f32 v7, v6;
	(pc) =	sbr.rel @p1 .LBB2_7-.Ltmp2, $4  }
0x138: {  	v2 =	vunpack.i.u.bf16.f32 v1;
	[tilespmem:s0+$0x10] =	vst v3;
	v1 =	vpop (erf)  }
0x139: {  	[tilespmem:s0+$0x42] =	vst.msk vm0, v5;
	v2 =	vmul.f32 v1, v2  }
0x13a: {  	[tilespmem:s0+$0x20] =	vst v4  }
0x13b: {  	s12 =	sadd.s32 $0x80, s12;
	[tilespmem:s0+$0x44] =	vst.msk vm0, v7  }
0x13c: {  	[tilespmem:s3+$0x30] =	vst v2  }
0x13d: {  	s0 =	sadd.s32 $0x2760, s10;
	[tilespmem:s3+$0x46] =	vst.msk vm0, v1  }
0x13e: {  	[spmem:s2] =	stream.indirect.scatter.add.f32 [tilespmem:s29], [sflag:$0x8], $0x58, s0, s15, $0xb8;
	[tilespmem:$0x1D178] =	vst v63  }
0x13f: {  	s10 =	sadd.s32 $0x140, s9  }
0x140: {  	[tilespmem:s18], [sflag:$0x2] =	stream.indirect.gather [hbm4b:s4+s15], $0x40, s10, s15, $0xb8;
	[tilespmem:$0x1D178] =	vst v63  }
0x141: {  	s11 =	sadd.s32 $0x2850, s9  }
0x142: {  	[tilespmem:s20], [sflag:$0x5] =	stream.indirect.gather [hbm4b:s5+s15], $0x20, s11, s15, $0xb8;
	[tilespmem:$0x1D178] =	vst v63  }
0x143: {  	_ =	swait.ge [sflag:s30], $0x1400  }
0x144: {  	[sflag:s30] =	ssyncset.done $0x0  }
0x145: {  	[sflag:s30] =	ssyncadd.s32 $0xFFFFEC00  }
0x146: {  	_ =	swait.ge [sflag:s31], $0xA00  }
0x147: {  	[sflag:s31] =	ssyncset.done $0x0  }
0x148: {  	s0 =	simm.s32 @!p0 $0x9;
	[sflag:s31] =	ssyncadd.s32 $0xFFFFF600  }
0x149: {  	_ =	swait.ge @!p0 [sflag:s0], $0x1B80  }
0x14a: {  	[sflag:s0] =	ssyncset.done @!p0 $0x0  }
0x14b: {  	s9 =	simm.s32 $0x9E40;
	[sflag:s0] =	ssyncadd.s32 @!p0 $0xFFFFE480  }
0x14c: {  	s12 =	simm.s32 $0x7660;
	v1 =	vld [tilespmem:s9+$0xFFFFFFE0]  }
0x14d: {  	v2 =	vld [tilespmem:s12+$0xFFFFFFE0];
	_ =	sdelay $0x2  }
0x14e: {  	v3 =	vld [tilespmem:s9+$0xFFFFFFF0]  }
0x14f: {  	v4 =	vld [tilespmem:s12+$0xFFFFFFF0]  }
0x150: {  	v5 =	vunpack.i.l.bf16.f32 v2;
	v6 =	vunpack.i.l.bf16.f32 v1  }
0x151: {  	v5 =	vadd.f32 v6, v5  }
0x152: {  	v1 =	vunpack.i.u.bf16.f32 v1;
	v2 =	vunpack.i.u.bf16.f32 v2  }
0x153: {  	v1 =	vadd.f32 v1, v2;
	v2 =	vmul.f32 $2.000000030e-01, v5  }
0x154: {  	v49 =	vunpack.i.l.bf16.f32 v3;
	v7 =	vunpack.i.l.bf16.f32 v4  }
0x155: {  	v50 =	vadd.f32 v49, v7;
	v8 =	vmul.f32 $2.000000030e-01, v1;
	v2 =	vmax.f32 v5, v2  }
0x156: {  	v4 =	vunpack.i.u.bf16.f32 v4;
	v3 =	vunpack.i.u.bf16.f32 v3;
	v2 =	vmul.f32 $1.442695020e+00, v2  }
0x157: {  	v3 =	vadd.f32 v3, v4;
	v51 =	vmul.f32 $2.000000030e-01, v50;
	v1 =	vmax.f32 v1, v8  }
0x158: {  	v1 =	vmul.f32 $1.442695020e+00, v1;
	(erf) = vpow2.f32 v2  }
0x159: {  	v4 =	vmax.f32 v50, v51;
	v2 =	vmul.f32 $2.000000030e-01, v3  }
0x15a: {  	v4 =	vmul.f32 $1.442695020e+00, v4;
	(erf) = vpow2.f32 v1  }
0x15b: {  	v1 =	vmax.f32 v3, v2  }
0x15c: {  	v2 =	vld [tilespmem:s12+$0xFFFFFFC0];
	(erf) = vpow2.f32 v4;
	v1 =	vmul.f32 $1.442695020e+00, v1;
	_ =	sdelay $0x1  }
0x15d: {  	(erf) = vpow2.f32 v1  }
0x15e: {  	v1 =	vld [tilespmem:s12+$0xFFFFFFD0];
	_ =	sdelay $0x1  }
0x15f: {  	v3 =	vunpack.i.l.bf16.f32 v2;
	v52 =	vpop (erf)  }
0x160: {  	v3 =	vmul.f32 v52, v3  }
0x161: {  	s10 =	simm.s32 $0xDF78;
	v2 =	vunpack.i.u.bf16.f32 v2;
	v53 =	vpop (erf)  }
0x162: {  	v2 =	vmul.f32 v53, v2;
	[tilespmem:s10+$0xFFFFFFA8] =	vst v3;
	v3 =	vunpack.i.l.bf16.f32 v1  }
0x163: {  	v54 =	vpop (erf);
	[tilespmem:s10+$0xFFFFFFE8] =	vst.msk vm0, v52  }
0x164: {  	[tilespmem:s10+$0xFFFFFFB8] =	vst v2;
	v2 =	vmul.f32 v54, v3  }
0x165: {  	v1 =	vunpack.i.u.bf16.f32 v1;
	[tilespmem:s10+$0xFFFFFFEA] =	vst.msk vm0, v53;
	v3 =	vpop (erf)  }
0x166: {  	[tilespmem:s10+$0xFFFFFFC8] =	vst v2;
	v1 =	vmul.f32 v3, v1  }
0x167: {  	[tilespmem:s10+$0xFFFFFFEC] =	vst.msk vm0, v54  }
0x168: {  	[tilespmem:s10+$0xFFFFFFD8] =	vst v1  }
0x169: {  	[tilespmem:s10+$0xFFFFFFEE] =	vst.msk vm0, v3  }
0x16a: {  	v1 =	vld [tilespmem:s12+$0x20]  }
0x16b: {  	v2 =	vld [tilespmem:s9+$0x0];
	_ =	sdelay $0x2  }
0x16c: {  	v3 =	vld [tilespmem:s9+$0x10]  }
0x16d: {  	v4 =	vld [tilespmem:s12+$0x30]  }
0x16e: {  	v55 =	vunpack.i.l.bf16.f32 v1;
	v56 =	vunpack.i.l.bf16.f32 v2  }
0x16f: {  	v5 =	vadd.f32 v56, v55  }
0x170: {  	v1 =	vunpack.i.u.bf16.f32 v1;
	v2 =	vunpack.i.u.bf16.f32 v2  }
0x171: {  	v1 =	vadd.f32 v2, v1;
	v2 =	vmul.f32 $2.000000030e-01, v5  }
0x172: {  	v57 =	vunpack.i.l.bf16.f32 v3;
	v58 =	vunpack.i.l.bf16.f32 v4  }
0x173: {  	v6 =	vadd.f32 v57, v58;
	v59 =	vmul.f32 $2.000000030e-01, v1;
	v2 =	vmax.f32 v5, v2  }
0x174: {  	v4 =	vunpack.i.u.bf16.f32 v4;
	v3 =	vunpack.i.u.bf16.f32 v3;
	v2 =	vmul.f32 $1.442695020e+00, v2  }
0x175: {  	v3 =	vadd.f32 v3, v4;
	v60 =	vmul.f32 $2.000000030e-01, v6;
	v1 =	vmax.f32 v1, v59  }
0x176: {  	v1 =	vmul.f32 $1.442695020e+00, v1;
	(erf) = vpow2.f32 v2  }
0x177: {  	v4 =	vmax.f32 v6, v60;
	v2 =	vmul.f32 $2.000000030e-01, v3  }
0x178: {  	v4 =	vmul.f32 $1.442695020e+00, v4;
	(erf) = vpow2.f32 v1  }
0x179: {  	v1 =	vmax.f32 v3, v2  }
0x17a: {  	v2 =	vld [tilespmem:s12+$0x0];
	(erf) = vpow2.f32 v4;
	v1 =	vmul.f32 $1.442695020e+00, v1;
	_ =	sdelay $0x1  }
0x17b: {  	(erf) = vpow2.f32 v1;
	_ =	sdelay $0x1  }
0x17c: {  	v1 =	vld [tilespmem:s12+$0x10]  }
0x17d: {  	v3 =	vunpack.i.l.bf16.f32 v2;
	v61 =	vpop (erf)  }
0x17e: {  	v3 =	vmul.f32 v61, v3  }
0x17f: {  	v2 =	vunpack.i.u.bf16.f32 v2;
	v62 =	vpop (erf)  }
0x180: {  	v2 =	vmul.f32 v62, v2;
	[tilespmem:s10+$0x0] =	vst v3  }
0x181: {  	v63 =	vpop (erf);
	v3 =	vunpack.i.l.bf16.f32 v1;
	[tilespmem:s10+$0x40] =	vst.msk vm0, v61  }
0x182: {  	v3 =	vmul.f32 v63, v3;
	[tilespmem:s10+$0x10] =	vst v2  }
0x183: {  	v2 =	vunpack.i.u.bf16.f32 v1;
	v1 =	vpop (erf);
	[tilespmem:s10+$0x42] =	vst.msk vm0, v62  }
0x184: {  	v2 =	vmul.f32 v1, v2;
	[tilespmem:s10+$0x20] =	vst v3  }
0x185: {  	s7 =	simm.s32 $0x76E0;
	s3 =	simm.s32 $0x0;
	s0 =	simm.s32 $0xDF78;
	[tilespmem:s10+$0x44] =	vst.msk vm0, v63  }
.LBB2_9:
0x186: {  	s3 =	sadd.s32 $0x2, s3;
	[tilespmem:s10+$0x30] =	vst v2;
	s0 =	sadd.s32 $0xB0, s0;
	s9 =	sadd.s32 $0x40, s9  }
0x187: {  	p0 =	slt.u32 s3, $0x4E;
	[tilespmem:s10+$0x46] =	vst.msk vm0, v1;
	s10 =	smov.u32 s0  }
0x188: {  	v1 =	vld [tilespmem:s9+$0xFFFFFFE0]  }
0x189: {  	v2 =	vld [tilespmem:s7+$0xFFFFFFE0];
	_ =	sdelay $0x2  }
0x18a: {  	v3 =	vld [tilespmem:s9+$0xFFFFFFF0]  }
0x18b: {  	v4 =	vunpack.i.u.bf16.f32 v1;
	v5 =	vld [tilespmem:s7+$0xFFFFFFF0]  }
0x18c: {  	v1 =	vunpack.i.l.bf16.f32 v1;
	v6 =	vunpack.i.u.bf16.f32 v2;
	v2 =	vunpack.i.l.bf16.f32 v2  }
0x18d: {  	v1 =	vadd.f32 v1, v2;
	v2 =	vadd.f32 v4, v6;
	_ =	sdelay $0x1  }
0x18e: {  	v4 =	vunpack.i.l.bf16.f32 v3;
	v6 =	vmul.f32 $2.000000030e-01, v1;
	v7 =	vmul.f32 $2.000000030e-01, v2  }
0x18f: {  	v3 =	vunpack.i.u.bf16.f32 v3;
	v8 =	vunpack.i.u.bf16.f32 v5;
	v5 =	vunpack.i.l.bf16.f32 v5  }
0x190: {  	v1 =	vmax.f32 v1, v6;
	v2 =	vmax.f32 v2, v7;
	v4 =	vadd.f32 v4, v5  }
0x191: {  	v3 =	vadd.f32 v3, v8;
	v1 =	vmul.f32 $1.442695020e+00, v1;
	v2 =	vmul.f32 $1.442695020e+00, v2  }
0x192: {  	v5 =	vmul.f32 $2.000000030e-01, v4  }
0x193: {  	v6 =	vmul.f32 $2.000000030e-01, v3;
	(erf) = vpow2.f32 v1  }
0x194: {  	v1 =	vmax.f32 v4, v5  }
0x195: {  	v3 =	vmax.f32 v3, v6;
	v1 =	vmul.f32 $1.442695020e+00, v1;
	(erf) = vpow2.f32 v2;
	_ =	sdelay $0x1  }
0x196: {  	v3 =	vmul.f32 $1.442695020e+00, v3;
	v2 =	vld [tilespmem:s7+$0xFFFFFFC0];
	(erf) = vpow2.f32 v1;
	_ =	sdelay $0x1  }
0x197: {  	(erf) = vpow2.f32 v3;
	_ =	sdelay $0x1  }
0x198: {  	v1 =	vld [tilespmem:s7+$0xFFFFFFD0]  }
0x199: {  	v3 =	vunpack.i.l.bf16.f32 v2;
	v4 =	vpop (erf)  }
0x19a: {  	v3 =	vmul.f32 v4, v3  }
0x19b: {  	v2 =	vunpack.i.u.bf16.f32 v2;
	v5 =	vpop (erf)  }
0x19c: {  	[tilespmem:s0+$0xFFFFFFA8] =	vst v3;
	v2 =	vmul.f32 v5, v2  }
0x19d: {  	v6 =	vunpack.i.l.bf16.f32 v1;
	[tilespmem:s0+$0xFFFFFFE8] =	vst.msk vm0, v4;
	v4 =	vpop (erf)  }
0x19e: {  	[tilespmem:s0+$0xFFFFFFB8] =	vst v2;
	v2 =	vmul.f32 v4, v6  }
0x19f: {  	v1 =	vunpack.i.u.bf16.f32 v1;
	[tilespmem:s0+$0xFFFFFFEA] =	vst.msk vm0, v5;
	v3 =	vpop (erf)  }
0x1a0: {  	[tilespmem:s0+$0xFFFFFFC8] =	vst v2;
	v1 =	vmul.f32 v3, v1  }
0x1a1: {  	[tilespmem:s0+$0xFFFFFFEC] =	vst.msk vm0, v4  }
0x1a2: {  	[tilespmem:s0+$0xFFFFFFD8] =	vst v1  }
0x1a3: {  	[tilespmem:s0+$0xFFFFFFEE] =	vst.msk vm0, v3  }
0x1a4: {  	v1 =	vld [tilespmem:s7+$0x20]  }
0x1a5: {  	v2 =	vld [tilespmem:s9+$0x0];
	_ =	sdelay $0x1  }
0x1a6: {  	v3 =	vld [tilespmem:s9+$0x10]  }
0x1a7: {  	v4 =	vld [tilespmem:s7+$0x30]  }
0x1a8: {  	v5 =	vunpack.i.l.bf16.f32 v1  }
0x1a9: {  	v1 =	vunpack.i.u.bf16.f32 v1;
	v6 =	vunpack.i.u.bf16.f32 v2;
	v2 =	vunpack.i.l.bf16.f32 v2  }
0x1aa: {  	v2 =	vadd.f32 v2, v5;
	v1 =	vadd.f32 v6, v1  }
0x1ab: {  	v5 =	vunpack.i.l.bf16.f32 v3  }
0x1ac: {  	v6 =	vunpack.i.l.bf16.f32 v4;
	v7 =	vmul.f32 $2.000000030e-01, v2;
	v8 =	vmul.f32 $2.000000030e-01, v1  }
0x1ad: {  	v3 =	vunpack.i.u.bf16.f32 v3;
	v4 =	vunpack.i.u.bf16.f32 v4;
	v5 =	vadd.f32 v5, v6  }
0x1ae: {  	v3 =	vadd.f32 v3, v4;
	v2 =	vmax.f32 v2, v7;
	v1 =	vmax.f32 v1, v8  }
0x1af: {  	v2 =	vmul.f32 $1.442695020e+00, v2;
	v4 =	vmul.f32 $2.000000030e-01, v5  }
0x1b0: {  	v1 =	vmul.f32 $1.442695020e+00, v1;
	v6 =	vmul.f32 $2.000000030e-01, v3  }
0x1b1: {  	v4 =	vmax.f32 v5, v4;
	(erf) = vpow2.f32 v2  }
0x1b2: {  	v3 =	vmax.f32 v3, v6;
	v2 =	vmul.f32 $1.442695020e+00, v4;
	(erf) = vpow2.f32 v1  }
0x1b3: {  	v1 =	vmul.f32 $1.442695020e+00, v3  }
0x1b4: {  	v3 =	vld [tilespmem:s7+$0x0];
	(erf) = vpow2.f32 v2;
	_ =	sdelay $0x1  }
0x1b5: {  	(erf) = vpow2.f32 v1;
	_ =	sdelay $0x1  }
0x1b6: {  	v1 =	vld [tilespmem:s7+$0x10]  }
0x1b7: {  	v2 =	vunpack.i.l.bf16.f32 v3  }
0x1b8: {  	v4 =	vpop (erf)  }
0x1b9: {  	v3 =	vunpack.i.u.bf16.f32 v3;
	v2 =	vmul.f32 v4, v2;
	v5 =	vpop (erf)  }
0x1ba: {  	v3 =	vmul.f32 v5, v3  }
0x1bb: {  	v6 =	vunpack.i.l.bf16.f32 v1;
	[tilespmem:s0+$0x0] =	vst v2;
	v7 =	vpop (erf)  }
.Ltmp3:
0x1bc: {  	[tilespmem:s0+$0x40] =	vst.msk vm0, v4;
	v4 =	vmul.f32 v7, v6;
	(pc) =	sbr.rel @p0 .LBB2_9-.Ltmp3, $4  }
0x1bd: {  	v2 =	vunpack.i.u.bf16.f32 v1;
	[tilespmem:s0+$0x10] =	vst v3;
	v1 =	vpop (erf)  }
0x1be: {  	[tilespmem:s0+$0x42] =	vst.msk vm0, v5;
	v2 =	vmul.f32 v1, v2  }
0x1bf: {  	[tilespmem:s0+$0x20] =	vst v4  }
0x1c0: {  	s7 =	sadd.s32 $0x80, s7;
	[tilespmem:s0+$0x44] =	vst.msk vm0, v7  }
0x1c1: {  	s6 =	sadd.s32 $0x1, s6  }
0x1c2: {  	s0 =	smul.u32 $0x140, s8;
	p0 =	sne.s32 s6, $0x29  }
.Ltmp4:
0x1c3: {  	_ = 	snop;
	(pc) =	sbr.rel @p0 .LBB2_4-.Ltmp4, $4  }
0x1c4: {  	_ = 	snop  }
0x1c5: {  	[tilespmem:s10+$0x30] =	vst v2;
	s0 =	sshra.s32 s0, $0x2  }
0x1c6: {  	[tilespmem:s10+$0x46] =	vst.msk vm0, v1;
	s0 =	sadd.s32 $0x2710, s0  }
0x1c7: {  	[spmem:s2] =	stream.indirect.scatter.add.f32 [tilespmem:s1], [sflag:$0x9], $0x58, s0, s15, $0xb8;
	[tilespmem:$0x1D178] =	vst v63  }
0x1c8: {  	_ =	swait.ge [sflag:s23], $0x1400  }
0x1c9: {  	[sflag:s23] =	ssyncset.done $0x0  }
0x1ca: {  	[sflag:s23] =	ssyncadd.s32 $0xFFFFEC00  }
0x1cb: {  	_ =	swait.ge [sflag:s24], $0xA00  }
0x1cc: {  	[sflag:s24] =	ssyncset.done $0x0  }
0x1cd: {  	s9 =	simm.s32 $0x7;
	[sflag:s24] =	ssyncadd.s32 $0xFFFFF600  }
0x1ce: {  	_ =	swait.ge [sflag:s9], $0x1B80  }
0x1cf: {  	[sflag:s9] =	ssyncset.done $0x0  }
0x1d0: {  	s6 =	simm.s32 $0x8A40;
	[sflag:s9] =	ssyncadd.s32 $0xFFFFE480  }
0x1d1: {  	s0 =	simm.s32 $0x4E60;
	v1 =	vld [tilespmem:s6+$0xFFFFFFE0]  }
0x1d2: {  	v2 =	vld [tilespmem:s0+$0xFFFFFFE0];
	_ =	sdelay $0x2  }
0x1d3: {  	v3 =	vld [tilespmem:s6+$0xFFFFFFF0]  }
0x1d4: {  	v4 =	vld [tilespmem:s0+$0xFFFFFFF0]  }
0x1d5: {  	v5 =	vunpack.i.l.bf16.f32 v2;
	v6 =	vunpack.i.l.bf16.f32 v1  }
0x1d6: {  	v5 =	vadd.f32 v6, v5  }
0x1d7: {  	v1 =	vunpack.i.u.bf16.f32 v1;
	v2 =	vunpack.i.u.bf16.f32 v2  }
0x1d8: {  	v1 =	vadd.f32 v1, v2;
	v2 =	vmul.f32 $2.000000030e-01, v5  }
0x1d9: {  	v49 =	vunpack.i.l.bf16.f32 v3;
	v7 =	vunpack.i.l.bf16.f32 v4  }
0x1da: {  	v50 =	vadd.f32 v49, v7;
	v8 =	vmul.f32 $2.000000030e-01, v1;
	v2 =	vmax.f32 v5, v2  }
0x1db: {  	v4 =	vunpack.i.u.bf16.f32 v4;
	v3 =	vunpack.i.u.bf16.f32 v3;
	v2 =	vmul.f32 $1.442695020e+00, v2  }
0x1dc: {  	v3 =	vadd.f32 v3, v4;
	v51 =	vmul.f32 $2.000000030e-01, v50;
	v1 =	vmax.f32 v1, v8  }
0x1dd: {  	v1 =	vmul.f32 $1.442695020e+00, v1;
	(erf) = vpow2.f32 v2  }
0x1de: {  	v4 =	vmax.f32 v50, v51;
	v2 =	vmul.f32 $2.000000030e-01, v3  }
0x1df: {  	v4 =	vmul.f32 $1.442695020e+00, v4;
	(erf) = vpow2.f32 v1  }
0x1e0: {  	v1 =	vmax.f32 v3, v2  }
0x1e1: {  	v2 =	vld [tilespmem:s0+$0xFFFFFFC0];
	(erf) = vpow2.f32 v4;
	v1 =	vmul.f32 $1.442695020e+00, v1;
	_ =	sdelay $0x1  }
0x1e2: {  	(erf) = vpow2.f32 v1  }
0x1e3: {  	v1 =	vld [tilespmem:s0+$0xFFFFFFD0];
	_ =	sdelay $0x1  }
0x1e4: {  	v3 =	vunpack.i.l.bf16.f32 v2;
	v52 =	vpop (erf)  }
0x1e5: {  	v3 =	vmul.f32 v52, v3  }
0x1e6: {  	s3 =	simm.s32 $0xA878;
	v2 =	vunpack.i.u.bf16.f32 v2;
	v53 =	vpop (erf)  }
0x1e7: {  	v2 =	vmul.f32 v53, v2;
	[tilespmem:s3+$0xFFFFFFA8] =	vst v3;
	v3 =	vunpack.i.l.bf16.f32 v1  }
0x1e8: {  	v54 =	vpop (erf);
	[tilespmem:s3+$0xFFFFFFE8] =	vst.msk vm0, v52  }
0x1e9: {  	[tilespmem:s3+$0xFFFFFFB8] =	vst v2;
	v2 =	vmul.f32 v54, v3  }
0x1ea: {  	v1 =	vunpack.i.u.bf16.f32 v1;
	[tilespmem:s3+$0xFFFFFFEA] =	vst.msk vm0, v53;
	v3 =	vpop (erf)  }
0x1eb: {  	[tilespmem:s3+$0xFFFFFFC8] =	vst v2;
	v1 =	vmul.f32 v3, v1  }
0x1ec: {  	[tilespmem:s3+$0xFFFFFFEC] =	vst.msk vm0, v54  }
0x1ed: {  	[tilespmem:s3+$0xFFFFFFD8] =	vst v1  }
0x1ee: {  	[tilespmem:s3+$0xFFFFFFEE] =	vst.msk vm0, v3  }
0x1ef: {  	v1 =	vld [tilespmem:s0+$0x20]  }
0x1f0: {  	v2 =	vld [tilespmem:s6+$0x0];
	_ =	sdelay $0x2  }
0x1f1: {  	v3 =	vld [tilespmem:s6+$0x10]  }
0x1f2: {  	v4 =	vld [tilespmem:s0+$0x30]  }
0x1f3: {  	v55 =	vunpack.i.l.bf16.f32 v1;
	v56 =	vunpack.i.l.bf16.f32 v2  }
0x1f4: {  	v5 =	vadd.f32 v56, v55  }
0x1f5: {  	v1 =	vunpack.i.u.bf16.f32 v1;
	v2 =	vunpack.i.u.bf16.f32 v2  }
0x1f6: {  	v1 =	vadd.f32 v2, v1;
	v2 =	vmul.f32 $2.000000030e-01, v5  }
0x1f7: {  	v57 =	vunpack.i.l.bf16.f32 v3;
	v58 =	vunpack.i.l.bf16.f32 v4  }
0x1f8: {  	v6 =	vadd.f32 v57, v58;
	v59 =	vmul.f32 $2.000000030e-01, v1;
	v2 =	vmax.f32 v5, v2  }
0x1f9: {  	v4 =	vunpack.i.u.bf16.f32 v4;
	v3 =	vunpack.i.u.bf16.f32 v3;
	v2 =	vmul.f32 $1.442695020e+00, v2  }
0x1fa: {  	v3 =	vadd.f32 v3, v4;
	v60 =	vmul.f32 $2.000000030e-01, v6;
	v1 =	vmax.f32 v1, v59  }
0x1fb: {  	v1 =	vmul.f32 $1.442695020e+00, v1;
	(erf) = vpow2.f32 v2  }
0x1fc: {  	v4 =	vmax.f32 v6, v60;
	v2 =	vmul.f32 $2.000000030e-01, v3  }
0x1fd: {  	v4 =	vmul.f32 $1.442695020e+00, v4;
	(erf) = vpow2.f32 v1  }
0x1fe: {  	v1 =	vmax.f32 v3, v2  }
0x1ff: {  	v2 =	vld [tilespmem:s0+$0x0];
	(erf) = vpow2.f32 v4;
	v1 =	vmul.f32 $1.442695020e+00, v1;
	_ =	sdelay $0x1  }
0x200: {  	(erf) = vpow2.f32 v1;
	_ =	sdelay $0x1  }
0x201: {  	v1 =	vld [tilespmem:s0+$0x10]  }
0x202: {  	v3 =	vunpack.i.l.bf16.f32 v2;
	v61 =	vpop (erf)  }
0x203: {  	v3 =	vmul.f32 v61, v3  }
0x204: {  	v2 =	vunpack.i.u.bf16.f32 v2;
	v62 =	vpop (erf)  }
0x205: {  	v2 =	vmul.f32 v62, v2;
	[tilespmem:s3+$0x0] =	vst v3  }
0x206: {  	v63 =	vpop (erf);
	v3 =	vunpack.i.l.bf16.f32 v1;
	[tilespmem:s3+$0x40] =	vst.msk vm0, v61  }
0x207: {  	v3 =	vmul.f32 v63, v3;
	[tilespmem:s3+$0x10] =	vst v2  }
0x208: {  	v2 =	vunpack.i.u.bf16.f32 v1;
	v1 =	vpop (erf);
	[tilespmem:s3+$0x42] =	vst.msk vm0, v62  }
0x209: {  	v2 =	vmul.f32 v1, v2;
	[tilespmem:s3+$0x20] =	vst v3  }
0x20a: {  	s7 =	simm.s32 $0x0;
	s8 =	simm.s32 $0x4EE0;
	s0 =	simm.s32 $0xA878;
	[tilespmem:s3+$0x44] =	vst.msk vm0, v63  }
.LBB2_12:
0x20b: {  	s7 =	sadd.s32 $0x2, s7;
	[tilespmem:s3+$0x30] =	vst v2;
	s0 =	sadd.s32 $0xB0, s0;
	s6 =	sadd.s32 $0x40, s6  }
0x20c: {  	p0 =	slt.u32 s7, $0x4E;
	[tilespmem:s3+$0x46] =	vst.msk vm0, v1;
	s3 =	smov.u32 s0  }
0x20d: {  	v1 =	vld [tilespmem:s6+$0xFFFFFFE0]  }
0x20e: {  	v2 =	vld [tilespmem:s8+$0xFFFFFFE0];
	_ =	sdelay $0x2  }
0x20f: {  	v3 =	vld [tilespmem:s6+$0xFFFFFFF0]  }
0x210: {  	v4 =	vunpack.i.u.bf16.f32 v1;
	v5 =	vld [tilespmem:s8+$0xFFFFFFF0]  }
0x211: {  	v1 =	vunpack.i.l.bf16.f32 v1;
	v6 =	vunpack.i.u.bf16.f32 v2;
	v2 =	vunpack.i.l.bf16.f32 v2  }
0x212: {  	v1 =	vadd.f32 v1, v2;
	v2 =	vadd.f32 v4, v6;
	_ =	sdelay $0x1  }
0x213: {  	v4 =	vunpack.i.l.bf16.f32 v3;
	v6 =	vmul.f32 $2.000000030e-01, v1;
	v7 =	vmul.f32 $2.000000030e-01, v2  }
0x214: {  	v3 =	vunpack.i.u.bf16.f32 v3;
	v8 =	vunpack.i.u.bf16.f32 v5;
	v5 =	vunpack.i.l.bf16.f32 v5  }
0x215: {  	v1 =	vmax.f32 v1, v6;
	v2 =	vmax.f32 v2, v7;
	v4 =	vadd.f32 v4, v5  }
0x216: {  	v3 =	vadd.f32 v3, v8;
	v1 =	vmul.f32 $1.442695020e+00, v1;
	v2 =	vmul.f32 $1.442695020e+00, v2  }
0x217: {  	v5 =	vmul.f32 $2.000000030e-01, v4  }
0x218: {  	v6 =	vmul.f32 $2.000000030e-01, v3;
	(erf) = vpow2.f32 v1  }
0x219: {  	v1 =	vmax.f32 v4, v5  }
0x21a: {  	v3 =	vmax.f32 v3, v6;
	v1 =	vmul.f32 $1.442695020e+00, v1;
	(erf) = vpow2.f32 v2;
	_ =	sdelay $0x1  }
0x21b: {  	v3 =	vmul.f32 $1.442695020e+00, v3;
	v2 =	vld [tilespmem:s8+$0xFFFFFFC0];
	(erf) = vpow2.f32 v1;
	_ =	sdelay $0x1  }
0x21c: {  	(erf) = vpow2.f32 v3;
	_ =	sdelay $0x1  }
0x21d: {  	v1 =	vld [tilespmem:s8+$0xFFFFFFD0]  }
0x21e: {  	v3 =	vunpack.i.l.bf16.f32 v2;
	v4 =	vpop (erf)  }
0x21f: {  	v3 =	vmul.f32 v4, v3  }
0x220: {  	v2 =	vunpack.i.u.bf16.f32 v2;
	v5 =	vpop (erf)  }
0x221: {  	[tilespmem:s0+$0xFFFFFFA8] =	vst v3;
	v2 =	vmul.f32 v5, v2  }
0x222: {  	v6 =	vunpack.i.l.bf16.f32 v1;
	[tilespmem:s0+$0xFFFFFFE8] =	vst.msk vm0, v4;
	v4 =	vpop (erf)  }
0x223: {  	[tilespmem:s0+$0xFFFFFFB8] =	vst v2;
	v2 =	vmul.f32 v4, v6  }
0x224: {  	v1 =	vunpack.i.u.bf16.f32 v1;
	[tilespmem:s0+$0xFFFFFFEA] =	vst.msk vm0, v5;
	v3 =	vpop (erf)  }
0x225: {  	[tilespmem:s0+$0xFFFFFFC8] =	vst v2;
	v1 =	vmul.f32 v3, v1  }
0x226: {  	[tilespmem:s0+$0xFFFFFFEC] =	vst.msk vm0, v4  }
0x227: {  	[tilespmem:s0+$0xFFFFFFD8] =	vst v1  }
0x228: {  	[tilespmem:s0+$0xFFFFFFEE] =	vst.msk vm0, v3  }
0x229: {  	v1 =	vld [tilespmem:s8+$0x20]  }
0x22a: {  	v2 =	vld [tilespmem:s6+$0x0];
	_ =	sdelay $0x1  }
0x22b: {  	v3 =	vld [tilespmem:s6+$0x10]  }
0x22c: {  	v4 =	vld [tilespmem:s8+$0x30]  }
0x22d: {  	v5 =	vunpack.i.l.bf16.f32 v1  }
0x22e: {  	v1 =	vunpack.i.u.bf16.f32 v1;
	v6 =	vunpack.i.u.bf16.f32 v2;
	v2 =	vunpack.i.l.bf16.f32 v2  }
0x22f: {  	v2 =	vadd.f32 v2, v5;
	v1 =	vadd.f32 v6, v1  }
0x230: {  	v5 =	vunpack.i.l.bf16.f32 v3  }
0x231: {  	v6 =	vunpack.i.l.bf16.f32 v4;
	v7 =	vmul.f32 $2.000000030e-01, v2;
	v8 =	vmul.f32 $2.000000030e-01, v1  }
0x232: {  	v3 =	vunpack.i.u.bf16.f32 v3;
	v4 =	vunpack.i.u.bf16.f32 v4;
	v5 =	vadd.f32 v5, v6  }
0x233: {  	v3 =	vadd.f32 v3, v4;
	v2 =	vmax.f32 v2, v7;
	v1 =	vmax.f32 v1, v8  }
0x234: {  	v2 =	vmul.f32 $1.442695020e+00, v2;
	v4 =	vmul.f32 $2.000000030e-01, v5  }
0x235: {  	v1 =	vmul.f32 $1.442695020e+00, v1;
	v6 =	vmul.f32 $2.000000030e-01, v3  }
0x236: {  	v4 =	vmax.f32 v5, v4;
	(erf) = vpow2.f32 v2  }
0x237: {  	v3 =	vmax.f32 v3, v6;
	v2 =	vmul.f32 $1.442695020e+00, v4;
	(erf) = vpow2.f32 v1  }
0x238: {  	v1 =	vmul.f32 $1.442695020e+00, v3  }
0x239: {  	v3 =	vld [tilespmem:s8+$0x0];
	(erf) = vpow2.f32 v2;
	_ =	sdelay $0x1  }
0x23a: {  	(erf) = vpow2.f32 v1;
	_ =	sdelay $0x1  }
0x23b: {  	v1 =	vld [tilespmem:s8+$0x10]  }
0x23c: {  	v2 =	vunpack.i.l.bf16.f32 v3  }
0x23d: {  	v4 =	vpop (erf)  }
0x23e: {  	v3 =	vunpack.i.u.bf16.f32 v3;
	v2 =	vmul.f32 v4, v2;
	v5 =	vpop (erf)  }
0x23f: {  	v3 =	vmul.f32 v5, v3  }
0x240: {  	v6 =	vunpack.i.l.bf16.f32 v1;
	[tilespmem:s0+$0x0] =	vst v2;
	v7 =	vpop (erf)  }
.Ltmp5:
0x241: {  	[tilespmem:s0+$0x40] =	vst.msk vm0, v4;
	v4 =	vmul.f32 v7, v6;
	(pc) =	sbr.rel @p0 .LBB2_12-.Ltmp5, $4  }
0x242: {  	v2 =	vunpack.i.u.bf16.f32 v1;
	[tilespmem:s0+$0x10] =	vst v3;
	v1 =	vpop (erf)  }
0x243: {  	[tilespmem:s0+$0x42] =	vst.msk vm0, v5;
	v2 =	vmul.f32 v1, v2  }
0x244: {  	[tilespmem:s0+$0x20] =	vst v4  }
0x245: {  	s8 =	sadd.s32 $0x80, s8;
	[tilespmem:s0+$0x44] =	vst.msk vm0, v7  }
0x246: {  	[tilespmem:s3+$0x30] =	vst v2  }
0x247: {  	s0 =	simm.s32 $0x4D80;
	[tilespmem:s3+$0x46] =	vst.msk vm0, v1  }
0x248: {  	[spmem:s2] =	stream.indirect.scatter.add.f32 [tilespmem:s25], [sflag:$0x7], $0x58, s0, s15, $0xb8;
	[tilespmem:$0x1D178] =	vst v63  }
0x249: {  	_ =	swait.ge [sflag:s26], $0x1400  }
0x24a: {  	[sflag:s26] =	ssyncset.done $0x0  }
0x24b: {  	[sflag:s26] =	ssyncadd.s32 $0xFFFFEC00  }
0x24c: {  	_ =	swait.ge [sflag:s28], $0xA00  }
0x24d: {  	[sflag:s28] =	ssyncset.done $0x0  }
0x24e: {  	[sflag:s28] =	ssyncadd.s32 $0xFFFFF600  }
0x24f: {  	_ =	swait.ge [sflag:s19], $0x1B80  }
0x250: {  	[sflag:s19] =	ssyncset.done $0x0  }
0x251: {  	s6 =	simm.s32 $0x9440;
	[sflag:s19] =	ssyncadd.s32 $0xFFFFE480  }
0x252: {  	s12 =	simm.s32 $0x6260;
	v1 =	vld [tilespmem:s6+$0xFFFFFFE0]  }
0x253: {  	v2 =	vld [tilespmem:s12+$0xFFFFFFE0];
	_ =	sdelay $0x2  }
0x254: {  	v3 =	vld [tilespmem:s6+$0xFFFFFFF0]  }
0x255: {  	v4 =	vld [tilespmem:s12+$0xFFFFFFF0]  }
0x256: {  	v5 =	vunpack.i.l.bf16.f32 v2;
	v6 =	vunpack.i.l.bf16.f32 v1  }
0x257: {  	v5 =	vadd.f32 v6, v5  }
0x258: {  	v1 =	vunpack.i.u.bf16.f32 v1;
	v2 =	vunpack.i.u.bf16.f32 v2  }
0x259: {  	v1 =	vadd.f32 v1, v2;
	v2 =	vmul.f32 $2.000000030e-01, v5  }
0x25a: {  	v49 =	vunpack.i.l.bf16.f32 v3;
	v7 =	vunpack.i.l.bf16.f32 v4  }
0x25b: {  	v50 =	vadd.f32 v49, v7;
	v8 =	vmul.f32 $2.000000030e-01, v1;
	v2 =	vmax.f32 v5, v2  }
0x25c: {  	v4 =	vunpack.i.u.bf16.f32 v4;
	v3 =	vunpack.i.u.bf16.f32 v3;
	v2 =	vmul.f32 $1.442695020e+00, v2  }
0x25d: {  	v3 =	vadd.f32 v3, v4;
	v51 =	vmul.f32 $2.000000030e-01, v50;
	v1 =	vmax.f32 v1, v8  }
0x25e: {  	v1 =	vmul.f32 $1.442695020e+00, v1;
	(erf) = vpow2.f32 v2  }
0x25f: {  	v4 =	vmax.f32 v50, v51;
	v2 =	vmul.f32 $2.000000030e-01, v3  }
0x260: {  	v4 =	vmul.f32 $1.442695020e+00, v4;
	(erf) = vpow2.f32 v1  }
0x261: {  	v1 =	vmax.f32 v3, v2  }
0x262: {  	v2 =	vld [tilespmem:s12+$0xFFFFFFC0];
	(erf) = vpow2.f32 v4;
	v1 =	vmul.f32 $1.442695020e+00, v1;
	_ =	sdelay $0x1  }
0x263: {  	(erf) = vpow2.f32 v1  }
0x264: {  	v1 =	vld [tilespmem:s12+$0xFFFFFFD0];
	_ =	sdelay $0x1  }
0x265: {  	v3 =	vunpack.i.l.bf16.f32 v2;
	v52 =	vpop (erf)  }
0x266: {  	v3 =	vmul.f32 v52, v3  }
0x267: {  	s3 =	simm.s32 $0xC3F8;
	v2 =	vunpack.i.u.bf16.f32 v2;
	v53 =	vpop (erf)  }
0x268: {  	v2 =	vmul.f32 v53, v2;
	[tilespmem:s3+$0xFFFFFFA8] =	vst v3;
	v3 =	vunpack.i.l.bf16.f32 v1  }
0x269: {  	v54 =	vpop (erf);
	[tilespmem:s3+$0xFFFFFFE8] =	vst.msk vm0, v52  }
0x26a: {  	[tilespmem:s3+$0xFFFFFFB8] =	vst v2;
	v2 =	vmul.f32 v54, v3  }
0x26b: {  	v1 =	vunpack.i.u.bf16.f32 v1;
	[tilespmem:s3+$0xFFFFFFEA] =	vst.msk vm0, v53;
	v3 =	vpop (erf)  }
0x26c: {  	[tilespmem:s3+$0xFFFFFFC8] =	vst v2;
	v1 =	vmul.f32 v3, v1  }
0x26d: {  	[tilespmem:s3+$0xFFFFFFEC] =	vst.msk vm0, v54  }
0x26e: {  	[tilespmem:s3+$0xFFFFFFD8] =	vst v1  }
0x26f: {  	[tilespmem:s3+$0xFFFFFFEE] =	vst.msk vm0, v3  }
0x270: {  	v1 =	vld [tilespmem:s12+$0x20]  }
0x271: {  	v2 =	vld [tilespmem:s6+$0x0];
	_ =	sdelay $0x2  }
0x272: {  	v3 =	vld [tilespmem:s6+$0x10]  }
0x273: {  	v4 =	vld [tilespmem:s12+$0x30]  }
0x274: {  	v55 =	vunpack.i.l.bf16.f32 v1;
	v56 =	vunpack.i.l.bf16.f32 v2  }
0x275: {  	v5 =	vadd.f32 v56, v55  }
0x276: {  	v1 =	vunpack.i.u.bf16.f32 v1;
	v2 =	vunpack.i.u.bf16.f32 v2  }
0x277: {  	v1 =	vadd.f32 v2, v1;
	v2 =	vmul.f32 $2.000000030e-01, v5  }
0x278: {  	v57 =	vunpack.i.l.bf16.f32 v3;
	v58 =	vunpack.i.l.bf16.f32 v4  }
0x279: {  	v6 =	vadd.f32 v57, v58;
	v59 =	vmul.f32 $2.000000030e-01, v1;
	v2 =	vmax.f32 v5, v2  }
0x27a: {  	v4 =	vunpack.i.u.bf16.f32 v4;
	v3 =	vunpack.i.u.bf16.f32 v3;
	v2 =	vmul.f32 $1.442695020e+00, v2  }
0x27b: {  	v3 =	vadd.f32 v3, v4;
	v60 =	vmul.f32 $2.000000030e-01, v6;
	v1 =	vmax.f32 v1, v59  }
0x27c: {  	v1 =	vmul.f32 $1.442695020e+00, v1;
	(erf) = vpow2.f32 v2  }
0x27d: {  	v4 =	vmax.f32 v6, v60;
	v2 =	vmul.f32 $2.000000030e-01, v3  }
0x27e: {  	v4 =	vmul.f32 $1.442695020e+00, v4;
	(erf) = vpow2.f32 v1  }
0x27f: {  	v1 =	vmax.f32 v3, v2  }
0x280: {  	v2 =	vld [tilespmem:s12+$0x0];
	(erf) = vpow2.f32 v4;
	v1 =	vmul.f32 $1.442695020e+00, v1;
	_ =	sdelay $0x1  }
0x281: {  	(erf) = vpow2.f32 v1;
	_ =	sdelay $0x1  }
0x282: {  	v1 =	vld [tilespmem:s12+$0x10]  }
0x283: {  	v3 =	vunpack.i.l.bf16.f32 v2;
	v61 =	vpop (erf)  }
0x284: {  	v3 =	vmul.f32 v61, v3  }
0x285: {  	v2 =	vunpack.i.u.bf16.f32 v2;
	v62 =	vpop (erf)  }
0x286: {  	v2 =	vmul.f32 v62, v2;
	[tilespmem:s3+$0x0] =	vst v3  }
0x287: {  	v63 =	vpop (erf);
	v3 =	vunpack.i.l.bf16.f32 v1;
	[tilespmem:s3+$0x40] =	vst.msk vm0, v61  }
0x288: {  	v3 =	vmul.f32 v63, v3;
	[tilespmem:s3+$0x10] =	vst v2  }
0x289: {  	v2 =	vunpack.i.u.bf16.f32 v1;
	v1 =	vpop (erf);
	[tilespmem:s3+$0x42] =	vst.msk vm0, v62  }
0x28a: {  	v2 =	vmul.f32 v1, v2;
	[tilespmem:s3+$0x20] =	vst v3  }
0x28b: {  	s7 =	simm.s32 $0x0;
	s8 =	simm.s32 $0x62E0;
	s0 =	simm.s32 $0xC3F8;
	[tilespmem:s3+$0x44] =	vst.msk vm0, v63  }
.LBB2_14:
0x28c: {  	s7 =	sadd.s32 $0x2, s7;
	[tilespmem:s3+$0x30] =	vst v2;
	s0 =	sadd.s32 $0xB0, s0;
	s6 =	sadd.s32 $0x40, s6  }
0x28d: {  	p0 =	slt.u32 s7, $0x4E;
	[tilespmem:s3+$0x46] =	vst.msk vm0, v1;
	s3 =	smov.u32 s0  }
0x28e: {  	v1 =	vld [tilespmem:s6+$0xFFFFFFE0]  }
0x28f: {  	v2 =	vld [tilespmem:s8+$0xFFFFFFE0];
	_ =	sdelay $0x2  }
0x290: {  	v3 =	vld [tilespmem:s6+$0xFFFFFFF0]  }
0x291: {  	v4 =	vunpack.i.u.bf16.f32 v1;
	v5 =	vld [tilespmem:s8+$0xFFFFFFF0]  }
0x292: {  	v1 =	vunpack.i.l.bf16.f32 v1;
	v6 =	vunpack.i.u.bf16.f32 v2;
	v2 =	vunpack.i.l.bf16.f32 v2  }
0x293: {  	v1 =	vadd.f32 v1, v2;
	v2 =	vadd.f32 v4, v6;
	_ =	sdelay $0x1  }
0x294: {  	v4 =	vunpack.i.l.bf16.f32 v3;
	v6 =	vmul.f32 $2.000000030e-01, v1;
	v7 =	vmul.f32 $2.000000030e-01, v2  }
0x295: {  	v3 =	vunpack.i.u.bf16.f32 v3;
	v8 =	vunpack.i.u.bf16.f32 v5;
	v5 =	vunpack.i.l.bf16.f32 v5  }
0x296: {  	v1 =	vmax.f32 v1, v6;
	v2 =	vmax.f32 v2, v7;
	v4 =	vadd.f32 v4, v5  }
0x297: {  	v3 =	vadd.f32 v3, v8;
	v1 =	vmul.f32 $1.442695020e+00, v1;
	v2 =	vmul.f32 $1.442695020e+00, v2  }
0x298: {  	v5 =	vmul.f32 $2.000000030e-01, v4  }
0x299: {  	v6 =	vmul.f32 $2.000000030e-01, v3;
	(erf) = vpow2.f32 v1  }
0x29a: {  	v1 =	vmax.f32 v4, v5  }
0x29b: {  	v3 =	vmax.f32 v3, v6;
	v1 =	vmul.f32 $1.442695020e+00, v1;
	(erf) = vpow2.f32 v2;
	_ =	sdelay $0x1  }
0x29c: {  	v3 =	vmul.f32 $1.442695020e+00, v3;
	v2 =	vld [tilespmem:s8+$0xFFFFFFC0];
	(erf) = vpow2.f32 v1;
	_ =	sdelay $0x1  }
0x29d: {  	(erf) = vpow2.f32 v3;
	_ =	sdelay $0x1  }
0x29e: {  	v1 =	vld [tilespmem:s8+$0xFFFFFFD0]  }
0x29f: {  	v3 =	vunpack.i.l.bf16.f32 v2;
	v4 =	vpop (erf)  }
0x2a0: {  	v3 =	vmul.f32 v4, v3  }
0x2a1: {  	v2 =	vunpack.i.u.bf16.f32 v2;
	v5 =	vpop (erf)  }
0x2a2: {  	[tilespmem:s0+$0xFFFFFFA8] =	vst v3;
	v2 =	vmul.f32 v5, v2  }
0x2a3: {  	v6 =	vunpack.i.l.bf16.f32 v1;
	[tilespmem:s0+$0xFFFFFFE8] =	vst.msk vm0, v4;
	v4 =	vpop (erf)  }
0x2a4: {  	[tilespmem:s0+$0xFFFFFFB8] =	vst v2;
	v2 =	vmul.f32 v4, v6  }
0x2a5: {  	v1 =	vunpack.i.u.bf16.f32 v1;
	[tilespmem:s0+$0xFFFFFFEA] =	vst.msk vm0, v5;
	v3 =	vpop (erf)  }
0x2a6: {  	[tilespmem:s0+$0xFFFFFFC8] =	vst v2;
	v1 =	vmul.f32 v3, v1  }
0x2a7: {  	[tilespmem:s0+$0xFFFFFFEC] =	vst.msk vm0, v4  }
0x2a8: {  	[tilespmem:s0+$0xFFFFFFD8] =	vst v1  }
0x2a9: {  	[tilespmem:s0+$0xFFFFFFEE] =	vst.msk vm0, v3  }
0x2aa: {  	v1 =	vld [tilespmem:s8+$0x20]  }
0x2ab: {  	v2 =	vld [tilespmem:s6+$0x0];
	_ =	sdelay $0x1  }
0x2ac: {  	v3 =	vld [tilespmem:s6+$0x10]  }
0x2ad: {  	v4 =	vld [tilespmem:s8+$0x30]  }
0x2ae: {  	v5 =	vunpack.i.l.bf16.f32 v1  }
0x2af: {  	v1 =	vunpack.i.u.bf16.f32 v1;
	v6 =	vunpack.i.u.bf16.f32 v2;
	v2 =	vunpack.i.l.bf16.f32 v2  }
0x2b0: {  	v2 =	vadd.f32 v2, v5;
	v1 =	vadd.f32 v6, v1  }
0x2b1: {  	v5 =	vunpack.i.l.bf16.f32 v3  }
0x2b2: {  	v6 =	vunpack.i.l.bf16.f32 v4;
	v7 =	vmul.f32 $2.000000030e-01, v2;
	v8 =	vmul.f32 $2.000000030e-01, v1  }
0x2b3: {  	v3 =	vunpack.i.u.bf16.f32 v3;
	v4 =	vunpack.i.u.bf16.f32 v4;
	v5 =	vadd.f32 v5, v6  }
0x2b4: {  	v3 =	vadd.f32 v3, v4;
	v2 =	vmax.f32 v2, v7;
	v1 =	vmax.f32 v1, v8  }
0x2b5: {  	v2 =	vmul.f32 $1.442695020e+00, v2;
	v4 =	vmul.f32 $2.000000030e-01, v5  }
0x2b6: {  	v1 =	vmul.f32 $1.442695020e+00, v1;
	v6 =	vmul.f32 $2.000000030e-01, v3  }
0x2b7: {  	v4 =	vmax.f32 v5, v4;
	(erf) = vpow2.f32 v2  }
0x2b8: {  	v3 =	vmax.f32 v3, v6;
	v2 =	vmul.f32 $1.442695020e+00, v4;
	(erf) = vpow2.f32 v1  }
0x2b9: {  	v1 =	vmul.f32 $1.442695020e+00, v3  }
0x2ba: {  	v3 =	vld [tilespmem:s8+$0x0];
	(erf) = vpow2.f32 v2;
	_ =	sdelay $0x1  }
0x2bb: {  	(erf) = vpow2.f32 v1;
	_ =	sdelay $0x1  }
0x2bc: {  	v1 =	vld [tilespmem:s8+$0x10]  }
0x2bd: {  	v2 =	vunpack.i.l.bf16.f32 v3  }
0x2be: {  	v4 =	vpop (erf)  }
0x2bf: {  	v3 =	vunpack.i.u.bf16.f32 v3;
	v2 =	vmul.f32 v4, v2;
	v5 =	vpop (erf)  }
0x2c0: {  	v3 =	vmul.f32 v5, v3  }
0x2c1: {  	v6 =	vunpack.i.l.bf16.f32 v1;
	[tilespmem:s0+$0x0] =	vst v2;
	v7 =	vpop (erf)  }
.Ltmp6:
0x2c2: {  	[tilespmem:s0+$0x40] =	vst.msk vm0, v4;
	v4 =	vmul.f32 v7, v6;
	(pc) =	sbr.rel @p0 .LBB2_14-.Ltmp6, $4  }
0x2c3: {  	v2 =	vunpack.i.u.bf16.f32 v1;
	[tilespmem:s0+$0x10] =	vst v3;
	v1 =	vpop (erf)  }
0x2c4: {  	[tilespmem:s0+$0x42] =	vst.msk vm0, v5;
	v2 =	vmul.f32 v1, v2  }
0x2c5: {  	[tilespmem:s0+$0x20] =	vst v4  }
0x2c6: {  	s8 =	sadd.s32 $0x80, s8;
	[tilespmem:s0+$0x44] =	vst.msk vm0, v7  }
0x2c7: {  	[tilespmem:s3+$0x30] =	vst v2  }
0x2c8: {  	s0 =	simm.s32 $0x4DD0;
	s10 =	simm.s32 $0x9;
	[tilespmem:s3+$0x46] =	vst.msk vm0, v1  }
0x2c9: {  	[spmem:s2] =	stream.indirect.scatter.add.f32 [tilespmem:s29], [sflag:$0x8], $0x58, s0, s15, $0xb8;
	[tilespmem:$0x1D178] =	vst v63  }
0x2ca: {  	_ =	swait.ge [sflag:s10], $0x1B80  }
0x2cb: {  	[sflag:s10] =	ssyncset.done $0x0  }
0x2cc: {  	[sflag:s10] =	ssyncadd.s32 $0xFFFFE480  }
0x2cd: {  	_ =	swait.ge [sflag:s9], $0x1B80  }
0x2ce: {  	[sflag:s9] =	ssyncset.done $0x0  }
0x2cf: {  	[sflag:s9] =	ssyncadd.s32 $0xFFFFE480  }
0x2d0: {  	_ =	swait.ge [sflag:s19], $0x1B80  }
0x2d1: {  	[sflag:s19] =	ssyncset.done $0x0  }
0x2d2: {  	[sflag:s19] =	ssyncadd.s32 $0xFFFFE480  }
0x2d3: {  	[bflag:$0x0] =	sbarrier.arrive $0xFFFF  }
0x2d4: {  	s7 =	rddreg [dreg:$0x4]  }
0x2d5: {  	s11 =	rddreg [dreg:$0x7]  }
0x2d6: {  	s3 =	rddreg [dreg:$0x9]  }
0x2d7: {  	[hbm:s11], [sflag:s7] =	dma.local [spmem:s3], $0x1ADB  }
0x2d8: {  	_ =	swait.ge [sflag:s13], $0x1ADB  }
0x2d9: {  	s14 =	sadd.s32 $0x1, s14;
	s12 =	rddreg [dreg:$0x8]  }
0x2da: {  	p0 =	sne.s32 s14, s12  }
.Ltmp7:
0x2db: {  	_ = 	snop;
	(pc) =	sbr.rel @p0 .LBB2_1-.Ltmp7, $3  }
0x2dc: {  	_ =	sdelay $0x1  }
0x2dd: {  	[sflag:s13] =	ssyncset.done $0x0  }
0x2de: {  	s8 =	simm.s32 $0x2710;
	[sflag:s13] =	ssyncadd.s32 $0xFFFFE525  }
0x2df: {  	_ =	sfence.sel $0x180000  }
0x2e0: {  	[bflag:$0x0] =	sbarrier.arrive $0xFFFF  }
0x2e1: {  	_ =	strace $0x90000047  }
0x2e2: {  	s0 =	stileid.u32;
	[bflag:$0x2] =	sbarrier.arrive $0xFFFF  }
0x2e3: {  	p0 =	sne.s32 s0, $0x0;
	s0 =	rddreg [dreg:$0x2]  }
0x2e4: {  	s0 =	sadd.s32 @!p0 $0x100000, s0  }
0x2e5: {  	[sflag:s0] =	ssyncadd.tile.s32 @!p0 $0x1;
	_ =	shalt  }
.Lfunc_end2:
_tile_overlayer_lowered:
.L_overlay_start_2:
0x2e6: {  	(tag) =	ssettag $0x2  }
0x2e7: {  	s0 =	rddreg [dreg:$0x0];
	s2 =	stileid.u32  }
0x2e8: {  	s1 =	rddreg [dreg:$0x1];
	p0 =	sne.s32 s2, $0x0  }
0x2e9: {  	s3 =	rddreg [dreg:$0x2];
	[bflag:$0x3] =	sbarrier.arrive $0xFFFF;
	s2 =	simm.s32 @!p0 $0x1C0A  }
0x2ea: {  	[timem:s3], [sflag:s2] =	dma.local @!p0 [hbm:s0], s1  }
0x2eb: {  	s0 =	simm.s32 @!p0 $0xA  }
0x2ec: {  	_ =	swait.ge @!p0 [sflag:s0], s1  }
0x2ed: {  	s1 =	ssub.s32 @!p0 $0x0, s1;
	[sflag:s0] =	ssyncset.done @!p0 $0x0  }
0x2ee: {  	[sflag:s0] =	ssyncadd.s32 @!p0 s1  }
0x2ef: {  	[bflag:$0x3] =	sbarrier.arrive $0xFFFF  }
0x2f0: {  	_ =	shalt  }

</sc_bundles>
